<compile_context>
chip_gen: v7x
topology: tpu7x:2x2x1
jax: 0.10.2.dev20260603
libtpu: 0.0.44.dev20260713+nightly
codegen_flags: <defaults>
</compile_context>

<pallas_src>
import functools

import jax
import jax.numpy as jnp
from jax import lax
from jax.experimental import pallas as pl
from jax.experimental.pallas import tpu as pltpu
from jax.experimental.pallas import tpu_sc as plsc

_N = 10000
_E = 320000
_D = 128
_DE = 16
_ALPHA = 0.5

_NC = 2
_NS = 16
_NW = _NC * _NS
_CH = 128
_NCHUNK = _E // _CH
_MSTEADY = _NCHUNK // _NW
_NWEXTRA = _NCHUNK - _MSTEADY * _NW
_NP = 10240
_RPS = _NP // _NS
_E8 = _E // 8
_CH8 = _CH // 8

_F32 = jnp.float32
_HIGH = lax.Precision.HIGHEST

_EB = 25
_EBS = _E8 // _EB
_NBS = _N // _EB



def _proj1_body(e_ref, wbd_ref, b_ref, x_ref, wsd_ref, t_ref, ps_ref, pd_ref):
    t_ref[...] = jnp.dot(e_ref[...], wbd_ref[...], precision=_HIGH,
                         preferred_element_type=_F32) + b_ref[...]
    p = jnp.dot(x_ref[...], wsd_ref[...], precision=_HIGH,
                preferred_element_type=_F32)
    ps_ref[...] = p[:, :_DE]
    pd_ref[...] = p[:, _DE:]


def _proj1(e128, w_bd, b128, x, w_sd):
    return pl.pallas_call(
        _proj1_body,
        grid=(_EB,),
        in_specs=[
            pl.BlockSpec((_EBS, 128), lambda i: (i, 0)),
            pl.BlockSpec((128, 128), lambda i: (0, 0)),
            pl.BlockSpec((1, 128), lambda i: (0, 0)),
            pl.BlockSpec((_NBS, _D), lambda i: (i, 0)),
            pl.BlockSpec((_D, 2 * _DE), lambda i: (0, 0)),
        ],
        out_specs=[
            pl.BlockSpec((_EBS, 128), lambda i: (i, 0)),
            pl.BlockSpec((_NBS, _DE), lambda i: (i, 0)),
            pl.BlockSpec((_NBS, _DE), lambda i: (i, 0)),
        ],
        out_shape=[
            jax.ShapeDtypeStruct((_E8, 128), _F32),
            jax.ShapeDtypeStruct((_N, _DE), _F32),
            jax.ShapeDtypeStruct((_N, _DE), _F32),
        ],
    )(e128, w_bd, b128, x, w_sd)


def _upd2_body(e_ref, wbd_ref, b_ref, x_ref, agg_ref, wnx_ref, wna_ref,
               bn_ref, wsd_ref, t_ref, xo_ref, ps_ref, pd_ref):
    t_ref[...] = jnp.dot(e_ref[...], wbd_ref[...], precision=_HIGH,
                         preferred_element_type=_F32) + b_ref[...]
    agg = agg_ref[0] + agg_ref[1]
    d = (jnp.dot(x_ref[...], wnx_ref[...], precision=_HIGH,
                 preferred_element_type=_F32)
         + jnp.dot(agg, wna_ref[...], precision=_HIGH,
                   preferred_element_type=_F32)
         + bn_ref[...])
    xn = _ALPHA * x_ref[...] + (1.0 - _ALPHA) * jnp.maximum(d, 0.0)
    xo_ref[...] = xn
    p = jnp.dot(xn, wsd_ref[...], precision=_HIGH,
                preferred_element_type=_F32)
    ps_ref[...] = p[:, :_DE]
    pd_ref[...] = p[:, _DE:]


def _upd2(e128, w_bd, b128, x, aggp, wn_x, wn_a, b_n, w_sd):
    return pl.pallas_call(
        _upd2_body,
        grid=(_EB,),
        in_specs=[
            pl.BlockSpec((_EBS, 128), lambda i: (i, 0)),
            pl.BlockSpec((128, 128), lambda i: (0, 0)),
            pl.BlockSpec((1, 128), lambda i: (0, 0)),
            pl.BlockSpec((_NBS, _D), lambda i: (i, 0)),
            pl.BlockSpec((_NC, _NBS, _DE), lambda i: (0, i, 0)),
            pl.BlockSpec((_D, _D), lambda i: (0, 0)),
            pl.BlockSpec((_DE, _D), lambda i: (0, 0)),
            pl.BlockSpec((1, _D), lambda i: (0, 0)),
            pl.BlockSpec((_D, 2 * _DE), lambda i: (0, 0)),
        ],
        out_specs=[
            pl.BlockSpec((_EBS, 128), lambda i: (i, 0)),
            pl.BlockSpec((_NBS, _D), lambda i: (i, 0)),
            pl.BlockSpec((_NBS, _DE), lambda i: (i, 0)),
            pl.BlockSpec((_NBS, _DE), lambda i: (i, 0)),
        ],
        out_shape=[
            jax.ShapeDtypeStruct((_E8, 128), _F32),
            jax.ShapeDtypeStruct((_N, _D), _F32),
            jax.ShapeDtypeStruct((_N, _DE), _F32),
            jax.ShapeDtypeStruct((_N, _DE), _F32),
        ],
    )(e128, w_bd, b128, x, aggp, wn_x, wn_a, b_n.reshape(1, _D), w_sd)


def _nodeupd_body(x_ref, agg_ref, wnx_ref, wna_ref, bn_ref, xo_ref):
    agg = agg_ref[0] + agg_ref[1]
    d = (jnp.dot(x_ref[...], wnx_ref[...], precision=_HIGH,
                 preferred_element_type=_F32)
         + jnp.dot(agg, wna_ref[...], precision=_HIGH,
                   preferred_element_type=_F32)
         + bn_ref[...])
    xo_ref[...] = _ALPHA * x_ref[...] + (1.0 - _ALPHA) * jnp.maximum(d, 0.0)


def _nodeupd(x, aggp, wn_x, wn_a, b_n, bn_blocks=10):
    bn = _N // bn_blocks
    return pl.pallas_call(
        _nodeupd_body,
        grid=(bn_blocks,),
        in_specs=[
            pl.BlockSpec((bn, _D), lambda i: (i, 0)),
            pl.BlockSpec((_NC, bn, _DE), lambda i: (0, i, 0)),
            pl.BlockSpec((_D, _D), lambda i: (0, 0)),
            pl.BlockSpec((_DE, _D), lambda i: (0, 0)),
            pl.BlockSpec((1, _D), lambda i: (0, 0)),
        ],
        out_specs=pl.BlockSpec((bn, _D), lambda i: (i, 0)),
        out_shape=jax.ShapeDtypeStruct((_N, _D), _F32),
    )(x, aggp, wn_x, wn_a, b_n.reshape(1, _D))



_NBUF = 2


def _sc_edge_body(ps_hbm, pd_hbm, t_hbm, src_hbm, dst_hbm,
                  enew_hbm, aggp_hbm,
                  idxr, src_v, dst_v, ps_b, pd_b, t_b, eo_b, zb, agg_sh,
                  sem_ga, sem_gb, sem_wa, sem_wb):
    cid = lax.axis_index("c")
    sid = lax.axis_index("s")
    wid = sid * _NC + cid

    def _zrow(i, _):
        zb[i] = jnp.zeros((16,), _F32)
        return 0
    lax.fori_loop(0, _RPS, _zrow, 0)
    pltpu.sync_copy(zb, agg_sh.at[pl.ds(sid * _RPS, _RPS)])
    plsc.subcore_barrier()

    for b in range(5):
        idxr[pl.ds(16 * b, 16)] = jnp.minimum(
            lax.iota(jnp.int32, 16) * _NW + (512 * b) + wid, _NCHUNK - 1)
    cpi = (pltpu.async_copy(src_hbm.at[idxr], src_v, sem_ga),
           pltpu.async_copy(dst_hbm.at[idxr], dst_v, sem_ga))
    for cp in cpi:
        cp.wait()

    sem_w = (sem_wa, sem_wb)

    def _fire(m, p, sem):
        c = wid + _NW * m
        return (
            pltpu.async_copy(ps_hbm.at[src_v.at[m]], ps_b.at[p], sem),
            pltpu.async_copy(pd_hbm.at[dst_v.at[m]], pd_b.at[p], sem),
            pltpu.async_copy(t_hbm.at[pl.ds(c * _CH8, _CH8)], t_b.at[p], sem),
        )

    def _drain_w(p):
        pltpu.make_async_copy(
            enew_hbm.at[pl.ds(0, _CH)], eo_b.at[p], sem_w[p]).wait()

    def _consume(m, p, cps):
        c = wid + _NW * m
        for cp in cps:
            cp.wait()

        @pl.when(m >= _NBUF)
        def _():
            _drain_w(p)

        def _row(rr, _):
            for a in range(8):
                r = rr * 8 + a
                eo_b[p, r] = jnp.maximum(
                    ps_b[p, r] + pd_b[p, r]
                    + t_b[p, rr, pl.ds(a * _DE, _DE)], 0.0)
            return 0
        lax.fori_loop(0, _CH8, _row, 0)
        pltpu.sync_copy(eo_b.at[p], agg_sh.at[dst_v.at[m]], add=True)
        pltpu.async_copy(eo_b.at[p], enew_hbm.at[pl.ds(c * _CH, _CH)],
                         sem_w[p])

    cps0 = _fire(0, 0, sem_ga)

    def _round(i, _):
        m0 = 2 * i
        cps1 = _fire(m0 + 1, 1, sem_gb)
        _consume(m0, 0, cps0)
        _fire(m0 + 2, 0, sem_ga)
        _consume(m0 + 1, 1, cps1)
        return 0
    lax.fori_loop(0, _MSTEADY // 2, _round, 0)
    for cp in cps0:
        cp.wait()

    @pl.when(wid < _NWEXTRA)
    def _():
        _consume(_MSTEADY, 0, ())
    _drain_w(0)
    _drain_w(1)

    plsc.subcore_barrier()
    pltpu.sync_copy(agg_sh.at[pl.ds(sid * _RPS, _RPS)],
                    aggp_hbm.at[cid, pl.ds(sid * _RPS, _RPS)])


@functools.cache
def _sc_edge():
  return pl.kernel(
    _sc_edge_body,
    out_type=[
        jax.ShapeDtypeStruct((_E, _DE), _F32),
        jax.ShapeDtypeStruct((_NC, _NP, _DE), _F32),
    ],
    mesh=plsc.VectorSubcoreMesh(core_axis_name="c", subcore_axis_name="s",
                                num_cores=_NC, num_subcores=_NS),
    compiler_params=pltpu.CompilerParams(use_tc_tiling_on_sc=False),
    scratch_types=[
        pltpu.VMEM((_MSTEADY + 2,), jnp.int32),
        pltpu.VMEM((_MSTEADY + 2, _CH), jnp.int32),
        pltpu.VMEM((_MSTEADY + 2, _CH), jnp.int32),
        pltpu.VMEM((_NBUF, _CH, _DE), _F32),
        pltpu.VMEM((_NBUF, _CH, _DE), _F32),
        pltpu.VMEM((_NBUF, _CH8, 128), _F32),
        pltpu.VMEM((_NBUF, _CH, _DE), _F32),
        pltpu.VMEM((_RPS, _DE), _F32),
        pltpu.VMEM_SHARED((_NP, _DE), _F32),
        pltpu.SemaphoreType.DMA,
        pltpu.SemaphoreType.DMA,
        pltpu.SemaphoreType.DMA,
        pltpu.SemaphoreType.DMA,
    ],
  )



def kernel(x, edge_index, edge_attr, W_e1, b_e1, W_n1, b_n1,
           W_e2, b_e2, W_n2, b_n2):
    src = edge_index[0].reshape(_NCHUNK, _CH)
    dst = edge_index[1].reshape(_NCHUNK, _CH)

    wsd1 = jnp.concatenate([W_e1[:_D], W_e1[_D:2 * _D]], axis=1)
    we1 = W_e1[2 * _D:]
    wsd2 = jnp.concatenate([W_e2[:_D], W_e2[_D:2 * _D]], axis=1)
    we2 = W_e2[2 * _D:]
    wn1_x, wn1_a = W_n1[:_D], W_n1[_D:]
    wn2_x, wn2_a = W_n2[:_D], W_n2[_D:]

    eye8 = jnp.eye(8, dtype=_F32)
    bd1 = jnp.kron(eye8, we1)
    bd2 = jnp.kron(eye8, we2)
    b1_128 = jnp.tile(b_e1.reshape(1, _DE), (1, 8))
    b2_128 = jnp.tile(b_e2.reshape(1, _DE), (1, 8))

    t1, ps1, pd1 = _proj1(edge_attr.reshape(_E8, 128), bd1, b1_128, x, wsd1)
    e1, aggp1 = _sc_edge()(ps1, pd1, t1, src, dst)

    t2, x1, ps2, pd2 = _upd2(e1.reshape(_E8, 128), bd2, b2_128, x, aggp1,
                             wn1_x, wn1_a, b_n1, wsd2)
    e2, aggp2 = _sc_edge()(ps2, pd2, t2, src, dst)
    x2 = _nodeupd(x1, aggp2, wn2_x, wn2_a, b_n2)

    return (x2, e2, (edge_attr, e1, e2))

# --- scband reference (transcript-rebuilt; emitter-appended) ---
"""Pipeline reference for scband-skip1-residual-network-31112743092302 (READ-ONLY COPY).

The authoritative reference and input builder live on the scoring server;
editing this copy changes nothing except your own understanding.
"""

import jax, jax.numpy as jnp
import numpy as np

N = 10000
E = 320000
D = 128
DE = 16
ALPHA = 0.5


def setup_inputs(seed: int = 0) -> dict:
    key = jax.random.key(seed)
    ks = jax.random.split(key, 12)
    x = jax.random.normal(ks[0], (N, D), dtype=jnp.float32)
    edge_index = jax.random.randint(ks[1], (2, E), 0, N, dtype=jnp.int32)
    edge_attr = jax.random.normal(ks[2], (E, DE), dtype=jnp.float32)
    d_ein = 2 * D + DE  # 272
    d_nin = D + DE      # 144
    W_e1 = jax.random.normal(ks[3], (d_ein, DE), dtype=jnp.float32) / np.sqrt(d_ein)
    b_e1 = jnp.zeros((DE,), dtype=jnp.float32)
    W_n1 = jax.random.normal(ks[4], (d_nin, D), dtype=jnp.float32) / np.sqrt(d_nin)
    b_n1 = jnp.zeros((D,), dtype=jnp.float32)
    W_e2 = jax.random.normal(ks[5], (d_ein, DE), dtype=jnp.float32) / np.sqrt(d_ein)
    b_e2 = jnp.zeros((DE,), dtype=jnp.float32)
    W_n2 = jax.random.normal(ks[6], (d_nin, D), dtype=jnp.float32) / np.sqrt(d_nin)
    b_n2 = jnp.zeros((D,), dtype=jnp.float32)
    return {"x": x, "edge_index": edge_index, "edge_attr": edge_attr,
            "W_e1": W_e1, "b_e1": b_e1, "W_n1": W_n1, "b_n1": b_n1,
            "W_e2": W_e2, "b_e2": b_e2, "W_n2": W_n2, "b_n2": b_n2}


def _in_layer(x, e, src, dst, We, be, Wn, bn):
    # interaction-network style layer: returns (delta_x, new_edge_attr)
    xs = jnp.take(x, src, axis=0)
    xd = jnp.take(x, dst, axis=0)
    m = jnp.concatenate([xs, xd, e], axis=1)
    e_new = jax.nn.relu(m @ We + be)
    agg = jax.ops.segment_sum(e_new, dst, num_segments=N)
    delta_x = jnp.concatenate([x, agg], axis=1) @ Wn + bn
    return delta_x, e_new


def reference(x, edge_index, edge_attr, W_e1, b_e1, W_n1, b_n1, W_e2, b_e2, W_n2, b_n2):
    src = edge_index[0]
    dst = edge_index[1]
    edge_attrs = [edge_attr]
    # layer 1 with skip-1 convex residual
    delta_x, edge_attr = _in_layer(x, edge_attr, src, dst, W_e1, b_e1, W_n1, b_n1)
    x = ALPHA * x + (1.0 - ALPHA) * jax.nn.relu(delta_x)
    edge_attrs.append(edge_attr)
    # layer 2
    delta_x, edge_attr = _in_layer(x, edge_attr, src, dst, W_e2, b_e2, W_n2, b_n2)
    x = ALPHA * x + (1.0 - ALPHA) * jax.nn.relu(delta_x)
    edge_attrs.append(edge_attr)
    return (x, edge_attr, tuple(edge_attrs))

if __name__ == "__main__":
    import jax
    _d = setup_inputs()
    print(jax.jit(kernel)(*tuple(_d.values())))

</pallas_src>

<mosaic_0001>
#map = affine_map<(d0, d1) -> (0, 0)>
#map1 = affine_map<(d0, d1) -> (0, 0, 0)>
module attributes {stable_mosaic.version = 14 : i64} {
  func.func @_sc_edge_body(%arg0: i32, %arg1: i32, %arg2: memref<10000x16xf32, #tpu.memory_space<hbm>>, %arg3: memref<10000x16xf32, #tpu.memory_space<hbm>>, %arg4: memref<40000x128xf32, #tpu.memory_space<hbm>>, %arg5: memref<2500x128xi32, #tpu.memory_space<hbm>>, %arg6: memref<2500x128xi32, #tpu.memory_space<hbm>>, %arg7: memref<320000x16xf32, #tpu.memory_space<hbm>>, %arg8: memref<2x10240x16xf32, #tpu.memory_space<hbm>>, %arg9: memref<80xi32, #tpu.memory_space<vmem>>, %arg10: memref<80x128xi32, #tpu.memory_space<vmem>>, %arg11: memref<80x128xi32, #tpu.memory_space<vmem>>, %arg12: memref<2x128x16xf32, #tpu.memory_space<vmem>>, %arg13: memref<2x128x16xf32, #tpu.memory_space<vmem>>, %arg14: memref<2x16x128xf32, #tpu.memory_space<vmem>>, %arg15: memref<2x128x16xf32, #tpu.memory_space<vmem>>, %arg16: memref<640x16xf32, #tpu.memory_space<vmem>>, %arg17: memref<10240x16xf32, #tpu.memory_space<vmem_shared>>, %arg18: memref<!tpu.dma_semaphore, #tpu.memory_space<semaphore_mem>>, %arg19: memref<!tpu.dma_semaphore, #tpu.memory_space<semaphore_mem>>, %arg20: memref<!tpu.dma_semaphore, #tpu.memory_space<semaphore_mem>>, %arg21: memref<!tpu.dma_semaphore, #tpu.memory_space<semaphore_mem>>) attributes {dimension_semantics = [#tpu.dimension_semantics<core_parallel>, #tpu.dimension_semantics<subcore_parallel>], iteration_bounds = array<i64: 2, 16>, scalar_prefetch = 0 : i64, scratch_operands = 13 : i64, tpu.core_type = #tpu.core_type<sc_vector_subcore>, window_params = [{transform_indices = #map}, {transform_indices = #map}, {transform_indices = #map}, {transform_indices = #map}, {transform_indices = #map}, {transform_indices = #map}, {transform_indices = #map1}]} {
    %mul3A = arith.constant 2 : i32
    %mul3A_0 = arith.muli %arg1, %mul3A : i32
    %add3A = arith.addi %mul3A_0, %arg0 : i32
    %scan3A = arith.constant 0 : i32
    %scan3A_1 = arith.constant 0 : i32
    %scan3A_2 = arith.constant 640 : i32
    %scan3A_3 = arith.addi %scan3A_1, %scan3A_2 : i32
    %scan3A_4 = arith.constant 1 : i32
    %scan3A_5 = scf.for %scan3A_223 = %scan3A_1 to %scan3A_3 step %scan3A_4 iter_args(%scan3A_224 = %scan3A) -> (i32)  : i32 {
      %broadcast_in_dim3A = arith.constant 0.000000e+00 : f32
      %broadcast_in_dim3A_225 = vector.broadcast %broadcast_in_dim3A : f32 to vector<16xf32>
      %swap3A_226 = arith.index_cast %scan3A_223 : i32 to index
      %swap3A_227 = arith.constant 0 : index
      %swap3A_228 = tpu.vector_load %arg16[%swap3A_226, %swap3A_227] {strides = array<i32>} : memref<640x16xf32, #tpu.memory_space<vmem>>, vector<1x16xf32>,
      %swap3A_229 = vector.shape_cast %swap3A_228 : vector<1x16xf32> to vector<16xf32>
      %swap3A_230 = vector.shape_cast %broadcast_in_dim3A_225 : vector<16xf32> to vector<1x16xf32>
      tpu.vector_store %arg16[%swap3A_226, %swap3A_227], %swap3A_230 {strides = array<i32>} : memref<640x16xf32, #tpu.memory_space<vmem>>, vector<1x16xf32>,
      %scan3A_231 = arith.constant 0 : i32
      scf.yield %scan3A_231 : i32
    }
    %scan3A_6 = arith.constant 640 : i32
    %mul3A_7 = arith.constant 640 : i32
    %mul3A_8 = arith.muli %arg1, %mul3A_7 : i32
    "tpu.region"() ({
      %run_scoped3A = tpu.sem_alloc : memref<!tpu.dma_semaphore, #tpu.memory_space<semaphore_mem>>
      %dma_start3A_223 = arith.constant 0 : i32
      %dma_start3A_224 = tpu.memref_slice %arg17[%mul3A_8, %dma_start3A_223] : memref<10240x16xf32, #tpu.memory_space<vmem_shared>> -> memref<640x16xf32, #tpu.memory_space<vmem_shared>>
      %dma_start3A_225 = arith.constant 0 : i32
      %dma_start3A_226 = tpu.memref_slice %arg17[%mul3A_8, %dma_start3A_225] : memref<10240x16xf32, #tpu.memory_space<vmem_shared>> -> memref<640x16xf32, #tpu.memory_space<vmem_shared>>
      tpu.enqueue_dma source(%arg16 : memref<640x16xf32, #tpu.memory_space<vmem>>) target(%dma_start3A_226 : memref<640x16xf32, #tpu.memory_space<vmem_shared>>) target_semaphore(%run_scoped3A : memref<!tpu.dma_semaphore, #tpu.memory_space<semaphore_mem>>)
      %dma_wait3A_227 = arith.constant 0 : i32
      %dma_wait3A_228 = tpu.memref_slice %arg17[%mul3A_8, %dma_wait3A_227] : memref<10240x16xf32, #tpu.memory_space<vmem_shared>> -> memref<640x16xf32, #tpu.memory_space<vmem_shared>>
      %dma_wait3A_229 = arith.constant 0 : i32
      %dma_wait3A_230 = tpu.memref_slice %arg17[%mul3A_8, %dma_wait3A_229] : memref<10240x16xf32, #tpu.memory_space<vmem_shared>> -> memref<640x16xf32, #tpu.memory_space<vmem_shared>>
      tpu.wait_dma2 semaphore(%run_scoped3A : memref<!tpu.dma_semaphore, #tpu.memory_space<semaphore_mem>>) src(%arg16 : memref<640x16xf32, #tpu.memory_space<vmem>>) dst(%dma_wait3A_230 : memref<640x16xf32, #tpu.memory_space<vmem_shared>>)
      tpu.yield
    }) : () -> ()
    %barrier3A = arith.constant 0 : index
    tpu.barrier barrier_id(%barrier3A)
    %iota3A = tpu.iota {dimensions = array<i32: 0>} : vector<16xi32>
    %mul3A_9 = arith.constant 32 : i32
    %mul3A_10 = vector.broadcast %mul3A_9 : i32 to vector<16xi32>
    %mul3A_11 = arith.muli %iota3A, %mul3A_10 : vector<16xi32>
    %add3A_12 = arith.constant 0 : i32
    %add3A_13 = vector.broadcast %add3A_12 : i32 to vector<16xi32>
    %add3A_14 = arith.addi %mul3A_11, %add3A_13 : vector<16xi32>
    %add3A_15 = vector.broadcast %add3A : i32 to vector<16xi32>
    %add3A_16 = arith.addi %add3A_14, %add3A_15 : vector<16xi32>
    %min3A = arith.constant 2499 : i32
    %min3A_17 = vector.broadcast %min3A : i32 to vector<16xi32>
    %min3A_18 = arith.minsi %add3A_16, %min3A_17 : vector<16xi32>
    %swap3A = arith.constant 0 : index
    %swap3A_19 = tpu.vector_load %arg9[%swap3A] {strides = array<i32>} : memref<80xi32, #tpu.memory_space<vmem>>, vector<16xi32>,
    %swap3A_20 = vector.shape_cast %swap3A_19 : vector<16xi32> to vector<16xi32>
    %swap3A_21 = vector.shape_cast %min3A_18 : vector<16xi32> to vector<16xi32>
    tpu.vector_store %arg9[%swap3A], %swap3A_21 {strides = array<i32>} : memref<80xi32, #tpu.memory_space<vmem>>, vector<16xi32>,
    %iota3A_22 = tpu.iota {dimensions = array<i32: 0>} : vector<16xi32>
    %mul3A_23 = arith.constant 32 : i32
    %mul3A_24 = vector.broadcast %mul3A_23 : i32 to vector<16xi32>
    %mul3A_25 = arith.muli %iota3A_22, %mul3A_24 : vector<16xi32>
    %add3A_26 = arith.constant 512 : i32
    %add3A_27 = vector.broadcast %add3A_26 : i32 to vector<16xi32>
    %add3A_28 = arith.addi %mul3A_25, %add3A_27 : vector<16xi32>
    %add3A_29 = vector.broadcast %add3A : i32 to vector<16xi32>
    %add3A_30 = arith.addi %add3A_28, %add3A_29 : vector<16xi32>
    %min3A_31 = arith.constant 2499 : i32
    %min3A_32 = vector.broadcast %min3A_31 : i32 to vector<16xi32>
    %min3A_33 = arith.minsi %add3A_30, %min3A_32 : vector<16xi32>
    %swap3A_34 = arith.constant 16 : index
    %swap3A_35 = tpu.vector_load %arg9[%swap3A_34] {strides = array<i32>} : memref<80xi32, #tpu.memory_space<vmem>>, vector<16xi32>,
    %swap3A_36 = vector.shape_cast %swap3A_35 : vector<16xi32> to vector<16xi32>
    %swap3A_37 = vector.shape_cast %min3A_33 : vector<16xi32> to vector<16xi32>
    tpu.vector_store %arg9[%swap3A_34], %swap3A_37 {strides = array<i32>} : memref<80xi32, #tpu.memory_space<vmem>>, vector<16xi32>,
    %iota3A_38 = tpu.iota {dimensions = array<i32: 0>} : vector<16xi32>
    %mul3A_39 = arith.constant 32 : i32
    %mul3A_40 = vector.broadcast %mul3A_39 : i32 to vector<16xi32>
    %mul3A_41 = arith.muli %iota3A_38, %mul3A_40 : vector<16xi32>
    %add3A_42 = arith.constant 1024 : i32
    %add3A_43 = vector.broadcast %add3A_42 : i32 to vector<16xi32>
    %add3A_44 = arith.addi %mul3A_41, %add3A_43 : vector<16xi32>
    %add3A_45 = vector.broadcast %add3A : i32 to vector<16xi32>
    %add3A_46 = arith.addi %add3A_44, %add3A_45 : vector<16xi32>
    %min3A_47 = arith.constant 2499 : i32
    %min3A_48 = vector.broadcast %min3A_47 : i32 to vector<16xi32>
    %min3A_49 = arith.minsi %add3A_46, %min3A_48 : vector<16xi32>
    %swap3A_50 = arith.constant 32 : index
    %swap3A_51 = tpu.vector_load %arg9[%swap3A_50] {strides = array<i32>} : memref<80xi32, #tpu.memory_space<vmem>>, vector<16xi32>,
    %swap3A_52 = vector.shape_cast %swap3A_51 : vector<16xi32> to vector<16xi32>
    %swap3A_53 = vector.shape_cast %min3A_49 : vector<16xi32> to vector<16xi32>
    tpu.vector_store %arg9[%swap3A_50], %swap3A_53 {strides = array<i32>} : memref<80xi32, #tpu.memory_space<vmem>>, vector<16xi32>,
    %iota3A_54 = tpu.iota {dimensions = array<i32: 0>} : vector<16xi32>
    %mul3A_55 = arith.constant 32 : i32
    %mul3A_56 = vector.broadcast %mul3A_55 : i32 to vector<16xi32>
    %mul3A_57 = arith.muli %iota3A_54, %mul3A_56 : vector<16xi32>
    %add3A_58 = arith.constant 1536 : i32
    %add3A_59 = vector.broadcast %add3A_58 : i32 to vector<16xi32>
    %add3A_60 = arith.addi %mul3A_57, %add3A_59 : vector<16xi32>
    %add3A_61 = vector.broadcast %add3A : i32 to vector<16xi32>
    %add3A_62 = arith.addi %add3A_60, %add3A_61 : vector<16xi32>
    %min3A_63 = arith.constant 2499 : i32
    %min3A_64 = vector.broadcast %min3A_63 : i32 to vector<16xi32>
    %min3A_65 = arith.minsi %add3A_62, %min3A_64 : vector<16xi32>
    %swap3A_66 = arith.constant 48 : index
    %swap3A_67 = tpu.vector_load %arg9[%swap3A_66] {strides = array<i32>} : memref<80xi32, #tpu.memory_space<vmem>>, vector<16xi32>,
    %swap3A_68 = vector.shape_cast %swap3A_67 : vector<16xi32> to vector<16xi32>
    %swap3A_69 = vector.shape_cast %min3A_65 : vector<16xi32> to vector<16xi32>
    tpu.vector_store %arg9[%swap3A_66], %swap3A_69 {strides = array<i32>} : memref<80xi32, #tpu.memory_space<vmem>>, vector<16xi32>,
    %iota3A_70 = tpu.iota {dimensions = array<i32: 0>} : vector<16xi32>
    %mul3A_71 = arith.constant 32 : i32
    %mul3A_72 = vector.broadcast %mul3A_71 : i32 to vector<16xi32>
    %mul3A_73 = arith.muli %iota3A_70, %mul3A_72 : vector<16xi32>
    %add3A_74 = arith.constant 2048 : i32
    %add3A_75 = vector.broadcast %add3A_74 : i32 to vector<16xi32>
    %add3A_76 = arith.addi %mul3A_73, %add3A_75 : vector<16xi32>
    %add3A_77 = vector.broadcast %add3A : i32 to vector<16xi32>
    %add3A_78 = arith.addi %add3A_76, %add3A_77 : vector<16xi32>
    %min3A_79 = arith.constant 2499 : i32
    %min3A_80 = vector.broadcast %min3A_79 : i32 to vector<16xi32>
    %min3A_81 = arith.minsi %add3A_78, %min3A_80 : vector<16xi32>
    %swap3A_82 = arith.constant 64 : index
    %swap3A_83 = tpu.vector_load %arg9[%swap3A_82] {strides = array<i32>} : memref<80xi32, #tpu.memory_space<vmem>>, vector<16xi32>,
    %swap3A_84 = vector.shape_cast %swap3A_83 : vector<16xi32> to vector<16xi32>
    %swap3A_85 = vector.shape_cast %min3A_81 : vector<16xi32> to vector<16xi32>
    tpu.vector_store %arg9[%swap3A_82], %swap3A_85 {strides = array<i32>} : memref<80xi32, #tpu.memory_space<vmem>>, vector<16xi32>,
    %dma_start3A = arith.constant 0 : i32
    %dma_start3A_86 = arith.constant 0 : i32
    %dma_start3A_87 = tpu.memref_slice %arg5[%dma_start3A, %dma_start3A_86] : memref<2500x128xi32, #tpu.memory_space<hbm>> -> memref<2500x128xi32, #tpu.memory_space<hbm>>
    tpu.enqueue_indirect_dma source(%dma_start3A_87 : memref<2500x128xi32, #tpu.memory_space<hbm>>) target(%arg10 : memref<80x128xi32, #tpu.memory_space<vmem>>) offsets(%arg9 : memref<80xi32, #tpu.memory_space<vmem>>) semaphore(%arg18 : memref<!tpu.dma_semaphore, #tpu.memory_space<semaphore_mem>>)
    %dma_start3A_88 = arith.constant 0 : i32
    %dma_start3A_89 = arith.constant 0 : i32
    %dma_start3A_90 = tpu.memref_slice %arg6[%dma_start3A_88, %dma_start3A_89] : memref<2500x128xi32, #tpu.memory_space<hbm>> -> memref<2500x128xi32, #tpu.memory_space<hbm>>
    tpu.enqueue_indirect_dma source(%dma_start3A_90 : memref<2500x128xi32, #tpu.memory_space<hbm>>) target(%arg11 : memref<80x128xi32, #tpu.memory_space<vmem>>) offsets(%arg9 : memref<80xi32, #tpu.memory_space<vmem>>) semaphore(%arg18 : memref<!tpu.dma_semaphore, #tpu.memory_space<semaphore_mem>>)
    %dma_wait3A = arith.constant 0 : i32
    %dma_wait3A_91 = arith.constant 0 : i32
    %dma_wait3A_92 = tpu.memref_slice %arg5[%dma_wait3A, %dma_wait3A_91] : memref<2500x128xi32, #tpu.memory_space<hbm>> -> memref<2500x128xi32, #tpu.memory_space<hbm>>
    tpu.wait_indirect_dma semaphore(%arg18 : memref<!tpu.dma_semaphore, #tpu.memory_space<semaphore_mem>>) src(%dma_wait3A_92 : memref<2500x128xi32, #tpu.memory_space<hbm>>) dst(%arg10 : memref<80x128xi32, #tpu.memory_space<vmem>>)
    %dma_wait3A_93 = arith.constant 0 : i32
    %dma_wait3A_94 = arith.constant 0 : i32
    %dma_wait3A_95 = tpu.memref_slice %arg6[%dma_wait3A_93, %dma_wait3A_94] : memref<2500x128xi32, #tpu.memory_space<hbm>> -> memref<2500x128xi32, #tpu.memory_space<hbm>>
    tpu.wait_indirect_dma semaphore(%arg18 : memref<!tpu.dma_semaphore, #tpu.memory_space<semaphore_mem>>) src(%dma_wait3A_95 : memref<2500x128xi32, #tpu.memory_space<hbm>>) dst(%arg11 : memref<80x128xi32, #tpu.memory_space<vmem>>)
    %add3A_96 = arith.constant 0 : i32
    %add3A_97 = arith.addi %add3A, %add3A_96 : i32
    %dma_start3A_98 = arith.constant 0 : i32
    %dma_start3A_99 = arith.constant 0 : i32
    %dma_start3A_100 = arith.constant 0 : i32
    %dma_start3A_101 = arith.constant 0 : i32
    %dma_start3A_102 = tpu.memref_slice %arg12[%dma_start3A_99, %dma_start3A_100, %dma_start3A_101] : memref<2x128x16xf32, #tpu.memory_space<vmem>> -> memref<1x128x16xf32, #tpu.memory_space<vmem>>
    %dma_start3A_103 = tpu.memref_squeeze %dma_start3A_102 : memref<1x128x16xf32, #tpu.memory_space<vmem>> -> memref<128x16xf32, #tpu.memory_space<vmem>>
    %dma_start3A_104 = arith.constant 0 : i32
    %dma_start3A_105 = tpu.memref_slice %arg10[%dma_start3A_98, %dma_start3A_104] : memref<80x128xi32, #tpu.memory_space<vmem>> -> memref<1x128xi32, #tpu.memory_space<vmem>>
    %dma_start3A_106 = tpu.memref_squeeze %dma_start3A_105 : memref<1x128xi32, #tpu.memory_space<vmem>> -> memref<128xi32, #tpu.memory_space<vmem>>
    %dma_start3A_107 = arith.constant 0 : i32
    %dma_start3A_108 = arith.constant 0 : i32
    %dma_start3A_109 = tpu.memref_slice %arg2[%dma_start3A_107, %dma_start3A_108] : memref<10000x16xf32, #tpu.memory_space<hbm>> -> memref<10000x16xf32, #tpu.memory_space<hbm>>
    tpu.enqueue_indirect_dma source(%dma_start3A_109 : memref<10000x16xf32, #tpu.memory_space<hbm>>) target(%dma_start3A_103 : memref<128x16xf32, #tpu.memory_space<vmem>>) offsets(%dma_start3A_106 : memref<128xi32, #tpu.memory_space<vmem>>) semaphore(%arg18 : memref<!tpu.dma_semaphore, #tpu.memory_space<semaphore_mem>>)
    %dma_start3A_110 = arith.constant 0 : i32
    %dma_start3A_111 = arith.constant 0 : i32
    %dma_start3A_112 = arith.constant 0 : i32
    %dma_start3A_113 = arith.constant 0 : i32
    %dma_start3A_114 = tpu.memref_slice %arg13[%dma_start3A_111, %dma_start3A_112, %dma_start3A_113] : memref<2x128x16xf32, #tpu.memory_space<vmem>> -> memref<1x128x16xf32, #tpu.memory_space<vmem>>
    %dma_start3A_115 = tpu.memref_squeeze %dma_start3A_114 : memref<1x128x16xf32, #tpu.memory_space<vmem>> -> memref<128x16xf32, #tpu.memory_space<vmem>>
    %dma_start3A_116 = arith.constant 0 : i32
    %dma_start3A_117 = tpu.memref_slice %arg11[%dma_start3A_110, %dma_start3A_116] : memref<80x128xi32, #tpu.memory_space<vmem>> -> memref<1x128xi32, #tpu.memory_space<vmem>>
    %dma_start3A_118 = tpu.memref_squeeze %dma_start3A_117 : memref<1x128xi32, #tpu.memory_space<vmem>> -> memref<128xi32, #tpu.memory_space<vmem>>
    %dma_start3A_119 = arith.constant 0 : i32
    %dma_start3A_120 = arith.constant 0 : i32
    %dma_start3A_121 = tpu.memref_slice %arg3[%dma_start3A_119, %dma_start3A_120] : memref<10000x16xf32, #tpu.memory_space<hbm>> -> memref<10000x16xf32, #tpu.memory_space<hbm>>
    tpu.enqueue_indirect_dma source(%dma_start3A_121 : memref<10000x16xf32, #tpu.memory_space<hbm>>) target(%dma_start3A_115 : memref<128x16xf32, #tpu.memory_space<vmem>>) offsets(%dma_start3A_118 : memref<128xi32, #tpu.memory_space<vmem>>) semaphore(%arg18 : memref<!tpu.dma_semaphore, #tpu.memory_space<semaphore_mem>>)
    %mul3A_122 = arith.constant 16 : i32
    %mul3A_123 = arith.muli %add3A_97, %mul3A_122 : i32
    %dma_start3A_124 = arith.constant 0 : i32
    %dma_start3A_125 = arith.constant 0 : i32
    %dma_start3A_126 = arith.constant 0 : i32
    %dma_start3A_127 = tpu.memref_slice %arg14[%dma_start3A_124, %dma_start3A_125, %dma_start3A_126] : memref<2x16x128xf32, #tpu.memory_space<vmem>> -> memref<1x16x128xf32, #tpu.memory_space<vmem>>
    %dma_start3A_128 = tpu.memref_squeeze %dma_start3A_127 : memref<1x16x128xf32, #tpu.memory_space<vmem>> -> memref<16x128xf32, #tpu.memory_space<vmem>>
    %dma_start3A_129 = arith.constant 0 : i32
    %dma_start3A_130 = tpu.memref_slice %arg4[%mul3A_123, %dma_start3A_129] : memref<40000x128xf32, #tpu.memory_space<hbm>> -> memref<16x128xf32, #tpu.memory_space<hbm>>
    %dma_start3A_131 = arith.constant 0 : i32
    %dma_start3A_132 = arith.constant 0 : i32
    %dma_start3A_133 = tpu.memref_slice %arg14[%dma_start3A_124, %dma_start3A_131, %dma_start3A_132] : memref<2x16x128xf32, #tpu.memory_space<vmem>> -> memref<1x16x128xf32, #tpu.memory_space<vmem>>
    %dma_start3A_134 = tpu.memref_squeeze %dma_start3A_133 : memref<1x16x128xf32, #tpu.memory_space<vmem>> -> memref<16x128xf32, #tpu.memory_space<vmem>>
    %dma_start3A_135 = arith.constant 0 : i32
    %dma_start3A_136 = tpu.memref_slice %arg4[%mul3A_123, %dma_start3A_135] : memref<40000x128xf32, #tpu.memory_space<hbm>> -> memref<16x128xf32, #tpu.memory_space<hbm>>
    tpu.enqueue_dma source(%dma_start3A_136 : memref<16x128xf32, #tpu.memory_space<hbm>>) target(%dma_start3A_134 : memref<16x128xf32, #tpu.memory_space<vmem>>) target_semaphore(%arg18 : memref<!tpu.dma_semaphore, #tpu.memory_space<semaphore_mem>>)
    %scan3A_137 = arith.constant 0 : i32
    %scan3A_138 = arith.constant 0 : i32
    %scan3A_139 = arith.constant 0 : i32
    %scan3A_140 = arith.constant 0 : i32
    %scan3A_141 = arith.constant 0 : i32
    %scan3A_142 = arith.constant 0 : i32
    %scan3A_143 = arith.constant 0 : i32
    %scan3A_144 = arith.constant 39 : i32
    %scan3A_145 = arith.addi %scan3A_143, %scan3A_144 : i32
    %scan3A_146 = arith.constant 1 : i32
    %scan3A_147 = scf.for %scan3A_223 = %scan3A_143 to %scan3A_145 step %scan3A_146 iter_args(%scan3A_224 = %scan3A_142) -> (i32)  : i32 {
      %mul3A_225 = arith.constant 2 : i32
      %mul3A_226 = arith.muli %mul3A_225, %scan3A_223 : i32
      %add3A_227 = arith.constant 1 : i32
      %add3A_228 = arith.addi %mul3A_226, %add3A_227 : i32
      %mul3A_229 = arith.constant 32 : i32
      %mul3A_230 = arith.muli %mul3A_229, %add3A_228 : i32
      %add3A_231 = arith.addi %add3A, %mul3A_230 : i32
      %dma_start3A_232 = arith.constant 1 : i32
      %dma_start3A_233 = arith.constant 0 : i32
      %dma_start3A_234 = arith.constant 0 : i32
      %dma_start3A_235 = tpu.memref_slice %arg12[%dma_start3A_232, %dma_start3A_233, %dma_start3A_234] : memref<2x128x16xf32, #tpu.memory_space<vmem>> -> memref<1x128x16xf32, #tpu.memory_space<vmem>>
      %dma_start3A_236 = tpu.memref_squeeze %dma_start3A_235 : memref<1x128x16xf32, #tpu.memory_space<vmem>> -> memref<128x16xf32, #tpu.memory_space<vmem>>
      %dma_start3A_237 = arith.constant 0 : i32
      %dma_start3A_238 = tpu.memref_slice %arg10[%add3A_228, %dma_start3A_237] : memref<80x128xi32, #tpu.memory_space<vmem>> -> memref<1x128xi32, #tpu.memory_space<vmem>>
      %dma_start3A_239 = tpu.memref_squeeze %dma_start3A_238 : memref<1x128xi32, #tpu.memory_space<vmem>> -> memref<128xi32, #tpu.memory_space<vmem>>
      %dma_start3A_240 = arith.constant 0 : i32
      %dma_start3A_241 = arith.constant 0 : i32
      %dma_start3A_242 = tpu.memref_slice %arg2[%dma_start3A_240, %dma_start3A_241] : memref<10000x16xf32, #tpu.memory_space<hbm>> -> memref<10000x16xf32, #tpu.memory_space<hbm>>
      tpu.enqueue_indirect_dma source(%dma_start3A_242 : memref<10000x16xf32, #tpu.memory_space<hbm>>) target(%dma_start3A_236 : memref<128x16xf32, #tpu.memory_space<vmem>>) offsets(%dma_start3A_239 : memref<128xi32, #tpu.memory_space<vmem>>) semaphore(%arg19 : memref<!tpu.dma_semaphore, #tpu.memory_space<semaphore_mem>>)
      %dma_start3A_243 = arith.constant 1 : i32
      %dma_start3A_244 = arith.constant 0 : i32
      %dma_start3A_245 = arith.constant 0 : i32
      %dma_start3A_246 = tpu.memref_slice %arg13[%dma_start3A_243, %dma_start3A_244, %dma_start3A_245] : memref<2x128x16xf32, #tpu.memory_space<vmem>> -> memref<1x128x16xf32, #tpu.memory_space<vmem>>
      %dma_start3A_247 = tpu.memref_squeeze %dma_start3A_246 : memref<1x128x16xf32, #tpu.memory_space<vmem>> -> memref<128x16xf32, #tpu.memory_space<vmem>>
      %dma_start3A_248 = arith.constant 0 : i32
      %dma_start3A_249 = tpu.memref_slice %arg11[%add3A_228, %dma_start3A_248] : memref<80x128xi32, #tpu.memory_space<vmem>> -> memref<1x128xi32, #tpu.memory_space<vmem>>
      %dma_start3A_250 = tpu.memref_squeeze %dma_start3A_249 : memref<1x128xi32, #tpu.memory_space<vmem>> -> memref<128xi32, #tpu.memory_space<vmem>>
      %dma_start3A_251 = arith.constant 0 : i32
      %dma_start3A_252 = arith.constant 0 : i32
      %dma_start3A_253 = tpu.memref_slice %arg3[%dma_start3A_251, %dma_start3A_252] : memref<10000x16xf32, #tpu.memory_space<hbm>> -> memref<10000x16xf32, #tpu.memory_space<hbm>>
      tpu.enqueue_indirect_dma source(%dma_start3A_253 : memref<10000x16xf32, #tpu.memory_space<hbm>>) target(%dma_start3A_247 : memref<128x16xf32, #tpu.memory_space<vmem>>) offsets(%dma_start3A_250 : memref<128xi32, #tpu.memory_space<vmem>>) semaphore(%arg19 : memref<!tpu.dma_semaphore, #tpu.memory_space<semaphore_mem>>)
      %mul3A_254 = arith.constant 16 : i32
      %mul3A_255 = arith.muli %add3A_231, %mul3A_254 : i32
      %dma_start3A_256 = arith.constant 1 : i32
      %dma_start3A_257 = arith.constant 0 : i32
      %dma_start3A_258 = arith.constant 0 : i32
      %dma_start3A_259 = tpu.memref_slice %arg14[%dma_start3A_256, %dma_start3A_257, %dma_start3A_258] : memref<2x16x128xf32, #tpu.memory_space<vmem>> -> memref<1x16x128xf32, #tpu.memory_space<vmem>>
      %dma_start3A_260 = tpu.memref_squeeze %dma_start3A_259 : memref<1x16x128xf32, #tpu.memory_space<vmem>> -> memref<16x128xf32, #tpu.memory_space<vmem>>
      %dma_start3A_261 = arith.constant 0 : i32
      %dma_start3A_262 = tpu.memref_slice %arg4[%mul3A_255, %dma_start3A_261] : memref<40000x128xf32, #tpu.memory_space<hbm>> -> memref<16x128xf32, #tpu.memory_space<hbm>>
      %dma_start3A_263 = arith.constant 0 : i32
      %dma_start3A_264 = arith.constant 0 : i32
      %dma_start3A_265 = tpu.memref_slice %arg14[%dma_start3A_256, %dma_start3A_263, %dma_start3A_264] : memref<2x16x128xf32, #tpu.memory_space<vmem>> -> memref<1x16x128xf32, #tpu.memory_space<vmem>>
      %dma_start3A_266 = tpu.memref_squeeze %dma_start3A_265 : memref<1x16x128xf32, #tpu.memory_space<vmem>> -> memref<16x128xf32, #tpu.memory_space<vmem>>
      %dma_start3A_267 = arith.constant 0 : i32
      %dma_start3A_268 = tpu.memref_slice %arg4[%mul3A_255, %dma_start3A_267] : memref<40000x128xf32, #tpu.memory_space<hbm>> -> memref<16x128xf32, #tpu.memory_space<hbm>>
      tpu.enqueue_dma source(%dma_start3A_268 : memref<16x128xf32, #tpu.memory_space<hbm>>) target(%dma_start3A_266 : memref<16x128xf32, #tpu.memory_space<vmem>>) target_semaphore(%arg19 : memref<!tpu.dma_semaphore, #tpu.memory_space<semaphore_mem>>)
      %mul3A_269 = arith.constant 32 : i32
      %mul3A_270 = arith.muli %mul3A_269, %mul3A_226 : i32
      %add3A_271 = arith.addi %add3A, %mul3A_270 : i32
      %dma_wait3A_272 = arith.constant 0 : i32
      %dma_wait3A_273 = arith.constant 0 : i32
      %dma_wait3A_274 = tpu.memref_slice %arg12[%scan3A_138, %dma_wait3A_272, %dma_wait3A_273] : memref<2x128x16xf32, #tpu.memory_space<vmem>> -> memref<1x128x16xf32, #tpu.memory_space<vmem>>
      %dma_wait3A_275 = tpu.memref_squeeze %dma_wait3A_274 : memref<1x128x16xf32, #tpu.memory_space<vmem>> -> memref<128x16xf32, #tpu.memory_space<vmem>>
      %dma_wait3A_276 = arith.constant 0 : i32
      %dma_wait3A_277 = tpu.memref_slice %arg10[%scan3A_137, %dma_wait3A_276] : memref<80x128xi32, #tpu.memory_space<vmem>> -> memref<1x128xi32, #tpu.memory_space<vmem>>
      %dma_wait3A_278 = tpu.memref_squeeze %dma_wait3A_277 : memref<1x128xi32, #tpu.memory_space<vmem>> -> memref<128xi32, #tpu.memory_space<vmem>>
      %dma_wait3A_279 = arith.constant 0 : i32
      %dma_wait3A_280 = arith.constant 0 : i32
      %dma_wait3A_281 = tpu.memref_slice %arg2[%dma_wait3A_279, %dma_wait3A_280] : memref<10000x16xf32, #tpu.memory_space<hbm>> -> memref<10000x16xf32, #tpu.memory_space<hbm>>
      tpu.wait_indirect_dma semaphore(%arg18 : memref<!tpu.dma_semaphore, #tpu.memory_space<semaphore_mem>>) src(%dma_wait3A_281 : memref<10000x16xf32, #tpu.memory_space<hbm>>) dst(%dma_wait3A_275 : memref<128x16xf32, #tpu.memory_space<vmem>>)
      %dma_wait3A_282 = arith.constant 0 : i32
      %dma_wait3A_283 = arith.constant 0 : i32
      %dma_wait3A_284 = tpu.memref_slice %arg13[%scan3A_140, %dma_wait3A_282, %dma_wait3A_283] : memref<2x128x16xf32, #tpu.memory_space<vmem>> -> memref<1x128x16xf32, #tpu.memory_space<vmem>>
      %dma_wait3A_285 = tpu.memref_squeeze %dma_wait3A_284 : memref<1x128x16xf32, #tpu.memory_space<vmem>> -> memref<128x16xf32, #tpu.memory_space<vmem>>
      %dma_wait3A_286 = arith.constant 0 : i32
      %dma_wait3A_287 = tpu.memref_slice %arg11[%scan3A_139, %dma_wait3A_286] : memref<80x128xi32, #tpu.memory_space<vmem>> -> memref<1x128xi32, #tpu.memory_space<vmem>>
      %dma_wait3A_288 = tpu.memref_squeeze %dma_wait3A_287 : memref<1x128xi32, #tpu.memory_space<vmem>> -> memref<128xi32, #tpu.memory_space<vmem>>
      %dma_wait3A_289 = arith.constant 0 : i32
      %dma_wait3A_290 = arith.constant 0 : i32
      %dma_wait3A_291 = tpu.memref_slice %arg3[%dma_wait3A_289, %dma_wait3A_290] : memref<10000x16xf32, #tpu.memory_space<hbm>> -> memref<10000x16xf32, #tpu.memory_space<hbm>>
      tpu.wait_indirect_dma semaphore(%arg18 : memref<!tpu.dma_semaphore, #tpu.memory_space<semaphore_mem>>) src(%dma_wait3A_291 : memref<10000x16xf32, #tpu.memory_space<hbm>>) dst(%dma_wait3A_285 : memref<128x16xf32, #tpu.memory_space<vmem>>)
      %dma_wait3A_292 = arith.constant 0 : i32
      %dma_wait3A_293 = arith.constant 0 : i32
      %dma_wait3A_294 = tpu.memref_slice %arg14[%scan3A_141, %dma_wait3A_292, %dma_wait3A_293] : memref<2x16x128xf32, #tpu.memory_space<vmem>> -> memref<1x16x128xf32, #tpu.memory_space<vmem>>
      %dma_wait3A_295 = tpu.memref_squeeze %dma_wait3A_294 : memref<1x16x128xf32, #tpu.memory_space<vmem>> -> memref<16x128xf32, #tpu.memory_space<vmem>>
      %dma_wait3A_296 = arith.constant 0 : i32
      %dma_wait3A_297 = tpu.memref_slice %arg4[%mul3A_123, %dma_wait3A_296] : memref<40000x128xf32, #tpu.memory_space<hbm>> -> memref<16x128xf32, #tpu.memory_space<hbm>>
      %dma_wait3A_298 = arith.constant 0 : i32
      %dma_wait3A_299 = arith.constant 0 : i32
      %dma_wait3A_300 = tpu.memref_slice %arg14[%scan3A_141, %dma_wait3A_298, %dma_wait3A_299] : memref<2x16x128xf32, #tpu.memory_space<vmem>> -> memref<1x16x128xf32, #tpu.memory_space<vmem>>
      %dma_wait3A_301 = tpu.memref_squeeze %dma_wait3A_300 : memref<1x16x128xf32, #tpu.memory_space<vmem>> -> memref<16x128xf32, #tpu.memory_space<vmem>>
      %dma_wait3A_302 = arith.constant 0 : i32
      %dma_wait3A_303 = tpu.memref_slice %arg4[%mul3A_123, %dma_wait3A_302] : memref<40000x128xf32, #tpu.memory_space<hbm>> -> memref<16x128xf32, #tpu.memory_space<hbm>>
      tpu.wait_dma2 semaphore(%arg18 : memref<!tpu.dma_semaphore, #tpu.memory_space<semaphore_mem>>) src(%dma_wait3A_303 : memref<16x128xf32, #tpu.memory_space<hbm>>) dst(%dma_wait3A_301 : memref<16x128xf32, #tpu.memory_space<vmem>>)
      %ge3A = arith.constant 2 : i32
      %ge3A_304 = arith.cmpi sge, %mul3A_226, %ge3A : i32
      %convert_element_type3A_305 = arith.extui %ge3A_304 : i1 to i32
      %cond3A_306 = arith.constant 0 : i32
      %cond3A_307 = arith.cmpi ne, %convert_element_type3A_305, %cond3A_306 : i32
      scf.if %cond3A_307 {
        %dma_wait3A_441 = arith.constant 0 : i32
        %dma_wait3A_442 = arith.constant 0 : i32
        %dma_wait3A_443 = arith.constant 0 : i32
        %dma_wait3A_444 = tpu.memref_slice %arg15[%dma_wait3A_441, %dma_wait3A_442, %dma_wait3A_443] : memref<2x128x16xf32, #tpu.memory_space<vmem>> -> memref<1x128x16xf32, #tpu.memory_space<vmem>>
        %dma_wait3A_445 = tpu.memref_squeeze %dma_wait3A_444 : memref<1x128x16xf32, #tpu.memory_space<vmem>> -> memref<128x16xf32, #tpu.memory_space<vmem>>
        %dma_wait3A_446 = arith.constant 0 : i32
        %dma_wait3A_447 = arith.constant 0 : i32
        %dma_wait3A_448 = tpu.memref_slice %arg7[%dma_wait3A_446, %dma_wait3A_447] : memref<320000x16xf32, #tpu.memory_space<hbm>> -> memref<128x16xf32, #tpu.memory_space<hbm>>
        %dma_wait3A_449 = arith.constant 0 : i32
        %dma_wait3A_450 = arith.constant 0 : i32
        %dma_wait3A_451 = tpu.memref_slice %arg15[%dma_wait3A_441, %dma_wait3A_449, %dma_wait3A_450] : memref<2x128x16xf32, #tpu.memory_space<vmem>> -> memref<1x128x16xf32, #tpu.memory_space<vmem>>
        %dma_wait3A_452 = tpu.memref_squeeze %dma_wait3A_451 : memref<1x128x16xf32, #tpu.memory_space<vmem>> -> memref<128x16xf32, #tpu.memory_space<vmem>>
        %dma_wait3A_453 = arith.constant 0 : i32
        %dma_wait3A_454 = arith.constant 0 : i32
        %dma_wait3A_455 = tpu.memref_slice %arg7[%dma_wait3A_453, %dma_wait3A_454] : memref<320000x16xf32, #tpu.memory_space<hbm>> -> memref<128x16xf32, #tpu.memory_space<hbm>>
        tpu.wait_dma2 semaphore(%arg20 : memref<!tpu.dma_semaphore, #tpu.memory_space<semaphore_mem>>) src(%dma_wait3A_455 : memref<128x16xf32, #tpu.memory_space<hbm>>) dst(%dma_wait3A_452 : memref<128x16xf32, #tpu.memory_space<vmem>>)
      } else {
      }
      %scan3A_308 = arith.constant 0 : i32
      %scan3A_309 = arith.constant 0 : i32
      %scan3A_310 = arith.constant 16 : i32
      %scan3A_311 = arith.addi %scan3A_309, %scan3A_310 : i32
      %scan3A_312 = arith.constant 1 : i32
      %scan3A_313 = scf.for %scan3A_441 = %scan3A_309 to %scan3A_311 step %scan3A_312 iter_args(%scan3A_442 = %scan3A_308) -> (i32)  : i32 {
        %mul3A_443 = arith.constant 8 : i32
        %mul3A_444 = arith.muli %scan3A_441, %mul3A_443 : i32
        %add3A_445 = arith.constant 0 : i32
        %add3A_446 = arith.addi %mul3A_444, %add3A_445 : i32
        %get3A = arith.constant 0 : i32
        %get3A_447 = arith.index_cast %get3A : i32 to index
        %get3A_448 = arith.index_cast %add3A_446 : i32 to index
        %get3A_449 = arith.constant 0 : index
        %get3A_450 = tpu.vector_load %arg12[%get3A_447, %get3A_448, %get3A_449] {strides = array<i32>} : memref<2x128x16xf32, #tpu.memory_space<vmem>>, vector<1x1x16xf32>,
        %get3A_451 = vector.shape_cast %get3A_450 : vector<1x1x16xf32> to vector<16xf32>
        %get3A_452 = arith.constant 0 : i32
        %get3A_453 = arith.index_cast %get3A_452 : i32 to index
        %get3A_454 = arith.index_cast %add3A_446 : i32 to index
        %get3A_455 = arith.constant 0 : index
        %get3A_456 = tpu.vector_load %arg13[%get3A_453, %get3A_454, %get3A_455] {strides = array<i32>} : memref<2x128x16xf32, #tpu.memory_space<vmem>>, vector<1x1x16xf32>,
        %get3A_457 = vector.shape_cast %get3A_456 : vector<1x1x16xf32> to vector<16xf32>
        %add3A_458 = arith.addf %get3A_451, %get3A_457 : vector<16xf32>
        %get3A_459 = arith.constant 0 : i32
        %get3A_460 = arith.index_cast %get3A_459 : i32 to index
        %get3A_461 = arith.index_cast %scan3A_441 : i32 to index
        %get3A_462 = arith.constant 0 : index
        %get3A_463 = tpu.vector_load %arg14[%get3A_460, %get3A_461, %get3A_462] {strides = array<i32>} : memref<2x16x128xf32, #tpu.memory_space<vmem>>, vector<1x1x16xf32>,
        %get3A_464 = vector.shape_cast %get3A_463 : vector<1x1x16xf32> to vector<16xf32>
        %add3A_465 = arith.addf %add3A_458, %get3A_464 : vector<16xf32>
        %max3A = arith.constant 0.000000e+00 : f32
        %max3A_466 = vector.broadcast %max3A : f32 to vector<16xf32>
        %max3A_467 = arith.maximumf %add3A_465, %max3A_466 : vector<16xf32>
        %swap3A_468 = arith.constant 0 : i32
        %swap3A_469 = arith.index_cast %swap3A_468 : i32 to index
        %swap3A_470 = arith.index_cast %add3A_446 : i32 to index
        %swap3A_471 = arith.constant 0 : index
        %swap3A_472 = tpu.vector_load %arg15[%swap3A_469, %swap3A_470, %swap3A_471] {strides = array<i32>} : memref<2x128x16xf32, #tpu.memory_space<vmem>>, vector<1x1x16xf32>,
        %swap3A_473 = vector.shape_cast %swap3A_472 : vector<1x1x16xf32> to vector<16xf32>
        %swap3A_474 = vector.shape_cast %max3A_467 : vector<16xf32> to vector<1x1x16xf32>
        tpu.vector_store %arg15[%swap3A_469, %swap3A_470, %swap3A_471], %swap3A_474 {strides = array<i32>} : memref<2x128x16xf32, #tpu.memory_space<vmem>>, vector<1x1x16xf32>,
        %mul3A_475 = arith.constant 8 : i32
        %mul3A_476 = arith.muli %scan3A_441, %mul3A_475 : i32
        %add3A_477 = arith.constant 1 : i32
        %add3A_478 = arith.addi %mul3A_476, %add3A_477 : i32
        %get3A_479 = arith.constant 0 : i32
        %get3A_480 = arith.index_cast %get3A_479 : i32 to index
        %get3A_481 = arith.index_cast %add3A_478 : i32 to index
        %get3A_482 = arith.constant 0 : index
        %get3A_483 = tpu.vector_load %arg12[%get3A_480, %get3A_481, %get3A_482] {strides = array<i32>} : memref<2x128x16xf32, #tpu.memory_space<vmem>>, vector<1x1x16xf32>,
        %get3A_484 = vector.shape_cast %get3A_483 : vector<1x1x16xf32> to vector<16xf32>
        %get3A_485 = arith.constant 0 : i32
        %get3A_486 = arith.index_cast %get3A_485 : i32 to index
        %get3A_487 = arith.index_cast %add3A_478 : i32 to index
        %get3A_488 = arith.constant 0 : index
        %get3A_489 = tpu.vector_load %arg13[%get3A_486, %get3A_487, %get3A_488] {strides = array<i32>} : memref<2x128x16xf32, #tpu.memory_space<vmem>>, vector<1x1x16xf32>,
        %get3A_490 = vector.shape_cast %get3A_489 : vector<1x1x16xf32> to vector<16xf32>
        %add3A_491 = arith.addf %get3A_484, %get3A_490 : vector<16xf32>
        %get3A_492 = arith.constant 0 : i32
        %get3A_493 = arith.index_cast %get3A_492 : i32 to index
        %get3A_494 = arith.index_cast %scan3A_441 : i32 to index
        %get3A_495 = arith.constant 16 : index
        %get3A_496 = tpu.vector_load %arg14[%get3A_493, %get3A_494, %get3A_495] {strides = array<i32>} : memref<2x16x128xf32, #tpu.memory_space<vmem>>, vector<1x1x16xf32>,
        %get3A_497 = vector.shape_cast %get3A_496 : vector<1x1x16xf32> to vector<16xf32>
        %add3A_498 = arith.addf %add3A_491, %get3A_497 : vector<16xf32>
        %max3A_499 = arith.constant 0.000000e+00 : f32
        %max3A_500 = vector.broadcast %max3A_499 : f32 to vector<16xf32>
        %max3A_501 = arith.maximumf %add3A_498, %max3A_500 : vector<16xf32>
        %swap3A_502 = arith.constant 0 : i32
        %swap3A_503 = arith.index_cast %swap3A_502 : i32 to index
        %swap3A_504 = arith.index_cast %add3A_478 : i32 to index
        %swap3A_505 = arith.constant 0 : index
        %swap3A_506 = tpu.vector_load %arg15[%swap3A_503, %swap3A_504, %swap3A_505] {strides = array<i32>} : memref<2x128x16xf32, #tpu.memory_space<vmem>>, vector<1x1x16xf32>,
        %swap3A_507 = vector.shape_cast %swap3A_506 : vector<1x1x16xf32> to vector<16xf32>
        %swap3A_508 = vector.shape_cast %max3A_501 : vector<16xf32> to vector<1x1x16xf32>
        tpu.vector_store %arg15[%swap3A_503, %swap3A_504, %swap3A_505], %swap3A_508 {strides = array<i32>} : memref<2x128x16xf32, #tpu.memory_space<vmem>>, vector<1x1x16xf32>,
        %mul3A_509 = arith.constant 8 : i32
        %mul3A_510 = arith.muli %scan3A_441, %mul3A_509 : i32
        %add3A_511 = arith.constant 2 : i32
        %add3A_512 = arith.addi %mul3A_510, %add3A_511 : i32
        %get3A_513 = arith.constant 0 : i32
        %get3A_514 = arith.index_cast %get3A_513 : i32 to index
        %get3A_515 = arith.index_cast %add3A_512 : i32 to index
        %get3A_516 = arith.constant 0 : index
        %get3A_517 = tpu.vector_load %arg12[%get3A_514, %get3A_515, %get3A_516] {strides = array<i32>} : memref<2x128x16xf32, #tpu.memory_space<vmem>>, vector<1x1x16xf32>,
        %get3A_518 = vector.shape_cast %get3A_517 : vector<1x1x16xf32> to vector<16xf32>
        %get3A_519 = arith.constant 0 : i32
        %get3A_520 = arith.index_cast %get3A_519 : i32 to index
        %get3A_521 = arith.index_cast %add3A_512 : i32 to index
        %get3A_522 = arith.constant 0 : index
        %get3A_523 = tpu.vector_load %arg13[%get3A_520, %get3A_521, %get3A_522] {strides = array<i32>} : memref<2x128x16xf32, #tpu.memory_space<vmem>>, vector<1x1x16xf32>,
        %get3A_524 = vector.shape_cast %get3A_523 : vector<1x1x16xf32> to vector<16xf32>
        %add3A_525 = arith.addf %get3A_518, %get3A_524 : vector<16xf32>
        %get3A_526 = arith.constant 0 : i32
        %get3A_527 = arith.index_cast %get3A_526 : i32 to index
        %get3A_528 = arith.index_cast %scan3A_441 : i32 to index
        %get3A_529 = arith.constant 32 : index
        %get3A_530 = tpu.vector_load %arg14[%get3A_527, %get3A_528, %get3A_529] {strides = array<i32>} : memref<2x16x128xf32, #tpu.memory_space<vmem>>, vector<1x1x16xf32>,
        %get3A_531 = vector.shape_cast %get3A_530 : vector<1x1x16xf32> to vector<16xf32>
        %add3A_532 = arith.addf %add3A_525, %get3A_531 : vector<16xf32>
        %max3A_533 = arith.constant 0.000000e+00 : f32
        %max3A_534 = vector.broadcast %max3A_533 : f32 to vector<16xf32>
        %max3A_535 = arith.maximumf %add3A_532, %max3A_534 : vector<16xf32>
        %swap3A_536 = arith.constant 0 : i32
        %swap3A_537 = arith.index_cast %swap3A_536 : i32 to index
        %swap3A_538 = arith.index_cast %add3A_512 : i32 to index
        %swap3A_539 = arith.constant 0 : index
        %swap3A_540 = tpu.vector_load %arg15[%swap3A_537, %swap3A_538, %swap3A_539] {strides = array<i32>} : memref<2x128x16xf32, #tpu.memory_space<vmem>>, vector<1x1x16xf32>,
        %swap3A_541 = vector.shape_cast %swap3A_540 : vector<1x1x16xf32> to vector<16xf32>
        %swap3A_542 = vector.shape_cast %max3A_535 : vector<16xf32> to vector<1x1x16xf32>
        tpu.vector_store %arg15[%swap3A_537, %swap3A_538, %swap3A_539], %swap3A_542 {strides = array<i32>} : memref<2x128x16xf32, #tpu.memory_space<vmem>>, vector<1x1x16xf32>,
        %mul3A_543 = arith.constant 8 : i32
        %mul3A_544 = arith.muli %scan3A_441, %mul3A_543 : i32
        %add3A_545 = arith.constant 3 : i32
        %add3A_546 = arith.addi %mul3A_544, %add3A_545 : i32
        %get3A_547 = arith.constant 0 : i32
        %get3A_548 = arith.index_cast %get3A_547 : i32 to index
        %get3A_549 = arith.index_cast %add3A_546 : i32 to index
        %get3A_550 = arith.constant 0 : index
        %get3A_551 = tpu.vector_load %arg12[%get3A_548, %get3A_549, %get3A_550] {strides = array<i32>} : memref<2x128x16xf32, #tpu.memory_space<vmem>>, vector<1x1x16xf32>,
        %get3A_552 = vector.shape_cast %get3A_551 : vector<1x1x16xf32> to vector<16xf32>
        %get3A_553 = arith.constant 0 : i32
        %get3A_554 = arith.index_cast %get3A_553 : i32 to index
        %get3A_555 = arith.index_cast %add3A_546 : i32 to index
        %get3A_556 = arith.constant 0 : index
        %get3A_557 = tpu.vector_load %arg13[%get3A_554, %get3A_555, %get3A_556] {strides = array<i32>} : memref<2x128x16xf32, #tpu.memory_space<vmem>>, vector<1x1x16xf32>,
        %get3A_558 = vector.shape_cast %get3A_557 : vector<1x1x16xf32> to vector<16xf32>
        %add3A_559 = arith.addf %get3A_552, %get3A_558 : vector<16xf32>
        %get3A_560 = arith.constant 0 : i32
        %get3A_561 = arith.index_cast %get3A_560 : i32 to index
        %get3A_562 = arith.index_cast %scan3A_441 : i32 to index
        %get3A_563 = arith.constant 48 : index
        %get3A_564 = tpu.vector_load %arg14[%get3A_561, %get3A_562, %get3A_563] {strides = array<i32>} : memref<2x16x128xf32, #tpu.memory_space<vmem>>, vector<1x1x16xf32>,
        %get3A_565 = vector.shape_cast %get3A_564 : vector<1x1x16xf32> to vector<16xf32>
        %add3A_566 = arith.addf %add3A_559, %get3A_565 : vector<16xf32>
        %max3A_567 = arith.constant 0.000000e+00 : f32
        %max3A_568 = vector.broadcast %max3A_567 : f32 to vector<16xf32>
        %max3A_569 = arith.maximumf %add3A_566, %max3A_568 : vector<16xf32>
        %swap3A_570 = arith.constant 0 : i32
        %swap3A_571 = arith.index_cast %swap3A_570 : i32 to index
        %swap3A_572 = arith.index_cast %add3A_546 : i32 to index
        %swap3A_573 = arith.constant 0 : index
        %swap3A_574 = tpu.vector_load %arg15[%swap3A_571, %swap3A_572, %swap3A_573] {strides = array<i32>} : memref<2x128x16xf32, #tpu.memory_space<vmem>>, vector<1x1x16xf32>,
        %swap3A_575 = vector.shape_cast %swap3A_574 : vector<1x1x16xf32> to vector<16xf32>
        %swap3A_576 = vector.shape_cast %max3A_569 : vector<16xf32> to vector<1x1x16xf32>
        tpu.vector_store %arg15[%swap3A_571, %swap3A_572, %swap3A_573], %swap3A_576 {strides = array<i32>} : memref<2x128x16xf32, #tpu.memory_space<vmem>>, vector<1x1x16xf32>,
        %mul3A_577 = arith.constant 8 : i32
        %mul3A_578 = arith.muli %scan3A_441, %mul3A_577 : i32
        %add3A_579 = arith.constant 4 : i32
        %add3A_580 = arith.addi %mul3A_578, %add3A_579 : i32
        %get3A_581 = arith.constant 0 : i32
        %get3A_582 = arith.index_cast %get3A_581 : i32 to index
        %get3A_583 = arith.index_cast %add3A_580 : i32 to index
        %get3A_584 = arith.constant 0 : index
        %get3A_585 = tpu.vector_load %arg12[%get3A_582, %get3A_583, %get3A_584] {strides = array<i32>} : memref<2x128x16xf32, #tpu.memory_space<vmem>>, vector<1x1x16xf32>,
        %get3A_586 = vector.shape_cast %get3A_585 : vector<1x1x16xf32> to vector<16xf32>
        %get3A_587 = arith.constant 0 : i32
        %get3A_588 = arith.index_cast %get3A_587 : i32 to index
        %get3A_589 = arith.index_cast %add3A_580 : i32 to index
        %get3A_590 = arith.constant 0 : index
        %get3A_591 = tpu.vector_load %arg13[%get3A_588, %get3A_589, %get3A_590] {strides = array<i32>} : memref<2x128x16xf32, #tpu.memory_space<vmem>>, vector<1x1x16xf32>,
        %get3A_592 = vector.shape_cast %get3A_591 : vector<1x1x16xf32> to vector<16xf32>
        %add3A_593 = arith.addf %get3A_586, %get3A_592 : vector<16xf32>
        %get3A_594 = arith.constant 0 : i32
        %get3A_595 = arith.index_cast %get3A_594 : i32 to index
        %get3A_596 = arith.index_cast %scan3A_441 : i32 to index
        %get3A_597 = arith.constant 64 : index
        %get3A_598 = tpu.vector_load %arg14[%get3A_595, %get3A_596, %get3A_597] {strides = array<i32>} : memref<2x16x128xf32, #tpu.memory_space<vmem>>, vector<1x1x16xf32>,
        %get3A_599 = vector.shape_cast %get3A_598 : vector<1x1x16xf32> to vector<16xf32>
        %add3A_600 = arith.addf %add3A_593, %get3A_599 : vector<16xf32>
        %max3A_601 = arith.constant 0.000000e+00 : f32
        %max3A_602 = vector.broadcast %max3A_601 : f32 to vector<16xf32>
        %max3A_603 = arith.maximumf %add3A_600, %max3A_602 : vector<16xf32>
        %swap3A_604 = arith.constant 0 : i32
        %swap3A_605 = arith.index_cast %swap3A_604 : i32 to index
        %swap3A_606 = arith.index_cast %add3A_580 : i32 to index
        %swap3A_607 = arith.constant 0 : index
        %swap3A_608 = tpu.vector_load %arg15[%swap3A_605, %swap3A_606, %swap3A_607] {strides = array<i32>} : memref<2x128x16xf32, #tpu.memory_space<vmem>>, vector<1x1x16xf32>,
        %swap3A_609 = vector.shape_cast %swap3A_608 : vector<1x1x16xf32> to vector<16xf32>
        %swap3A_610 = vector.shape_cast %max3A_603 : vector<16xf32> to vector<1x1x16xf32>
        tpu.vector_store %arg15[%swap3A_605, %swap3A_606, %swap3A_607], %swap3A_610 {strides = array<i32>} : memref<2x128x16xf32, #tpu.memory_space<vmem>>, vector<1x1x16xf32>,
        %mul3A_611 = arith.constant 8 : i32
        %mul3A_612 = arith.muli %scan3A_441, %mul3A_611 : i32
        %add3A_613 = arith.constant 5 : i32
        %add3A_614 = arith.addi %mul3A_612, %add3A_613 : i32
        %get3A_615 = arith.constant 0 : i32
        %get3A_616 = arith.index_cast %get3A_615 : i32 to index
        %get3A_617 = arith.index_cast %add3A_614 : i32 to index
        %get3A_618 = arith.constant 0 : index
        %get3A_619 = tpu.vector_load %arg12[%get3A_616, %get3A_617, %get3A_618] {strides = array<i32>} : memref<2x128x16xf32, #tpu.memory_space<vmem>>, vector<1x1x16xf32>,
        %get3A_620 = vector.shape_cast %get3A_619 : vector<1x1x16xf32> to vector<16xf32>
        %get3A_621 = arith.constant 0 : i32
        %get3A_622 = arith.index_cast %get3A_621 : i32 to index
        %get3A_623 = arith.index_cast %add3A_614 : i32 to index
        %get3A_624 = arith.constant 0 : index
        %get3A_625 = tpu.vector_load %arg13[%get3A_622, %get3A_623, %get3A_624] {strides = array<i32>} : memref<2x128x16xf32, #tpu.memory_space<vmem>>, vector<1x1x16xf32>,
        %get3A_626 = vector.shape_cast %get3A_625 : vector<1x1x16xf32> to vector<16xf32>
        %add3A_627 = arith.addf %get3A_620, %get3A_626 : vector<16xf32>
        %get3A_628 = arith.constant 0 : i32
        %get3A_629 = arith.index_cast %get3A_628 : i32 to index
        %get3A_630 = arith.index_cast %scan3A_441 : i32 to index
        %get3A_631 = arith.constant 80 : index
        %get3A_632 = tpu.vector_load %arg14[%get3A_629, %get3A_630, %get3A_631] {strides = array<i32>} : memref<2x16x128xf32, #tpu.memory_space<vmem>>, vector<1x1x16xf32>,
        %get3A_633 = vector.shape_cast %get3A_632 : vector<1x1x16xf32> to vector<16xf32>
        %add3A_634 = arith.addf %add3A_627, %get3A_633 : vector<16xf32>
        %max3A_635 = arith.constant 0.000000e+00 : f32
        %max3A_636 = vector.broadcast %max3A_635 : f32 to vector<16xf32>
        %max3A_637 = arith.maximumf %add3A_634, %max3A_636 : vector<16xf32>
        %swap3A_638 = arith.constant 0 : i32
        %swap3A_639 = arith.index_cast %swap3A_638 : i32 to index
        %swap3A_640 = arith.index_cast %add3A_614 : i32 to index
        %swap3A_641 = arith.constant 0 : index
        %swap3A_642 = tpu.vector_load %arg15[%swap3A_639, %swap3A_640, %swap3A_641] {strides = array<i32>} : memref<2x128x16xf32, #tpu.memory_space<vmem>>, vector<1x1x16xf32>,
        %swap3A_643 = vector.shape_cast %swap3A_642 : vector<1x1x16xf32> to vector<16xf32>
        %swap3A_644 = vector.shape_cast %max3A_637 : vector<16xf32> to vector<1x1x16xf32>
        tpu.vector_store %arg15[%swap3A_639, %swap3A_640, %swap3A_641], %swap3A_644 {strides = array<i32>} : memref<2x128x16xf32, #tpu.memory_space<vmem>>, vector<1x1x16xf32>,
        %mul3A_645 = arith.constant 8 : i32
        %mul3A_646 = arith.muli %scan3A_441, %mul3A_645 : i32
        %add3A_647 = arith.constant 6 : i32
        %add3A_648 = arith.addi %mul3A_646, %add3A_647 : i32
        %get3A_649 = arith.constant 0 : i32
        %get3A_650 = arith.index_cast %get3A_649 : i32 to index
        %get3A_651 = arith.index_cast %add3A_648 : i32 to index
        %get3A_652 = arith.constant 0 : index
        %get3A_653 = tpu.vector_load %arg12[%get3A_650, %get3A_651, %get3A_652] {strides = array<i32>} : memref<2x128x16xf32, #tpu.memory_space<vmem>>, vector<1x1x16xf32>,
        %get3A_654 = vector.shape_cast %get3A_653 : vector<1x1x16xf32> to vector<16xf32>
        %get3A_655 = arith.constant 0 : i32
        %get3A_656 = arith.index_cast %get3A_655 : i32 to index
        %get3A_657 = arith.index_cast %add3A_648 : i32 to index
        %get3A_658 = arith.constant 0 : index
        %get3A_659 = tpu.vector_load %arg13[%get3A_656, %get3A_657, %get3A_658] {strides = array<i32>} : memref<2x128x16xf32, #tpu.memory_space<vmem>>, vector<1x1x16xf32>,
        %get3A_660 = vector.shape_cast %get3A_659 : vector<1x1x16xf32> to vector<16xf32>
        %add3A_661 = arith.addf %get3A_654, %get3A_660 : vector<16xf32>
        %get3A_662 = arith.constant 0 : i32
        %get3A_663 = arith.index_cast %get3A_662 : i32 to index
        %get3A_664 = arith.index_cast %scan3A_441 : i32 to index
        %get3A_665 = arith.constant 96 : index
        %get3A_666 = tpu.vector_load %arg14[%get3A_663, %get3A_664, %get3A_665] {strides = array<i32>} : memref<2x16x128xf32, #tpu.memory_space<vmem>>, vector<1x1x16xf32>,
        %get3A_667 = vector.shape_cast %get3A_666 : vector<1x1x16xf32> to vector<16xf32>
        %add3A_668 = arith.addf %add3A_661, %get3A_667 : vector<16xf32>
        %max3A_669 = arith.constant 0.000000e+00 : f32
        %max3A_670 = vector.broadcast %max3A_669 : f32 to vector<16xf32>
        %max3A_671 = arith.maximumf %add3A_668, %max3A_670 : vector<16xf32>
        %swap3A_672 = arith.constant 0 : i32
        %swap3A_673 = arith.index_cast %swap3A_672 : i32 to index
        %swap3A_674 = arith.index_cast %add3A_648 : i32 to index
        %swap3A_675 = arith.constant 0 : index
        %swap3A_676 = tpu.vector_load %arg15[%swap3A_673, %swap3A_674, %swap3A_675] {strides = array<i32>} : memref<2x128x16xf32, #tpu.memory_space<vmem>>, vector<1x1x16xf32>,
        %swap3A_677 = vector.shape_cast %swap3A_676 : vector<1x1x16xf32> to vector<16xf32>
        %swap3A_678 = vector.shape_cast %max3A_671 : vector<16xf32> to vector<1x1x16xf32>
        tpu.vector_store %arg15[%swap3A_673, %swap3A_674, %swap3A_675], %swap3A_678 {strides = array<i32>} : memref<2x128x16xf32, #tpu.memory_space<vmem>>, vector<1x1x16xf32>,
        %mul3A_679 = arith.constant 8 : i32
        %mul3A_680 = arith.muli %scan3A_441, %mul3A_679 : i32
        %add3A_681 = arith.constant 7 : i32
        %add3A_682 = arith.addi %mul3A_680, %add3A_681 : i32
        %get3A_683 = arith.constant 0 : i32
        %get3A_684 = arith.index_cast %get3A_683 : i32 to index
        %get3A_685 = arith.index_cast %add3A_682 : i32 to index
        %get3A_686 = arith.constant 0 : index
        %get3A_687 = tpu.vector_load %arg12[%get3A_684, %get3A_685, %get3A_686] {strides = array<i32>} : memref<2x128x16xf32, #tpu.memory_space<vmem>>, vector<1x1x16xf32>,
        %get3A_688 = vector.shape_cast %get3A_687 : vector<1x1x16xf32> to vector<16xf32>
        %get3A_689 = arith.constant 0 : i32
        %get3A_690 = arith.index_cast %get3A_689 : i32 to index
        %get3A_691 = arith.index_cast %add3A_682 : i32 to index
        %get3A_692 = arith.constant 0 : index
        %get3A_693 = tpu.vector_load %arg13[%get3A_690, %get3A_691, %get3A_692] {strides = array<i32>} : memref<2x128x16xf32, #tpu.memory_space<vmem>>, vector<1x1x16xf32>,
        %get3A_694 = vector.shape_cast %get3A_693 : vector<1x1x16xf32> to vector<16xf32>
        %add3A_695 = arith.addf %get3A_688, %get3A_694 : vector<16xf32>
        %get3A_696 = arith.constant 0 : i32
        %get3A_697 = arith.index_cast %get3A_696 : i32 to index
        %get3A_698 = arith.index_cast %scan3A_441 : i32 to index
        %get3A_699 = arith.constant 112 : index
        %get3A_700 = tpu.vector_load %arg14[%get3A_697, %get3A_698, %get3A_699] {strides = array<i32>} : memref<2x16x128xf32, #tpu.memory_space<vmem>>, vector<1x1x16xf32>,
        %get3A_701 = vector.shape_cast %get3A_700 : vector<1x1x16xf32> to vector<16xf32>
        %add3A_702 = arith.addf %add3A_695, %get3A_701 : vector<16xf32>
        %max3A_703 = arith.constant 0.000000e+00 : f32
        %max3A_704 = vector.broadcast %max3A_703 : f32 to vector<16xf32>
        %max3A_705 = arith.maximumf %add3A_702, %max3A_704 : vector<16xf32>
        %swap3A_706 = arith.constant 0 : i32
        %swap3A_707 = arith.index_cast %swap3A_706 : i32 to index
        %swap3A_708 = arith.index_cast %add3A_682 : i32 to index
        %swap3A_709 = arith.constant 0 : index
        %swap3A_710 = tpu.vector_load %arg15[%swap3A_707, %swap3A_708, %swap3A_709] {strides = array<i32>} : memref<2x128x16xf32, #tpu.memory_space<vmem>>, vector<1x1x16xf32>,
        %swap3A_711 = vector.shape_cast %swap3A_710 : vector<1x1x16xf32> to vector<16xf32>
        %swap3A_712 = vector.shape_cast %max3A_705 : vector<16xf32> to vector<1x1x16xf32>
        tpu.vector_store %arg15[%swap3A_707, %swap3A_708, %swap3A_709], %swap3A_712 {strides = array<i32>} : memref<2x128x16xf32, #tpu.memory_space<vmem>>, vector<1x1x16xf32>,
        %scan3A_713 = arith.constant 0 : i32
        scf.yield %scan3A_713 : i32
      }
      %scan3A_314 = arith.constant 16 : i32
      %run_scoped3A = arith.constant 0 : i32
      "tpu.region"() ({
        %run_scoped3A_441 = tpu.sem_alloc : memref<!tpu.dma_semaphore, #tpu.memory_space<semaphore_mem>>
        %dma_start3A_442 = arith.constant 0 : i32
        %dma_start3A_443 = arith.constant 0 : i32
        %dma_start3A_444 = tpu.memref_slice %arg15[%run_scoped3A, %dma_start3A_442, %dma_start3A_443] : memref<2x128x16xf32, #tpu.memory_space<vmem>> -> memref<1x128x16xf32, #tpu.memory_space<vmem>>
        %dma_start3A_445 = tpu.memref_squeeze %dma_start3A_444 : memref<1x128x16xf32, #tpu.memory_space<vmem>> -> memref<128x16xf32, #tpu.memory_space<vmem>>
        %dma_start3A_446 = arith.constant 0 : i32
        %dma_start3A_447 = tpu.memref_slice %arg11[%mul3A_226, %dma_start3A_446] : memref<80x128xi32, #tpu.memory_space<vmem>> -> memref<1x128xi32, #tpu.memory_space<vmem>>
        %dma_start3A_448 = tpu.memref_squeeze %dma_start3A_447 : memref<1x128xi32, #tpu.memory_space<vmem>> -> memref<128xi32, #tpu.memory_space<vmem>>
        %dma_start3A_449 = arith.constant 0 : i32
        %dma_start3A_450 = arith.constant 0 : i32
        %dma_start3A_451 = tpu.memref_slice %arg17[%dma_start3A_449, %dma_start3A_450] : memref<10240x16xf32, #tpu.memory_space<vmem_shared>> -> memref<10240x16xf32, #tpu.memory_space<vmem_shared>>
        tpu.enqueue_indirect_dma source(%dma_start3A_445 : memref<128x16xf32, #tpu.memory_space<vmem>>) target(%dma_start3A_451 : memref<10240x16xf32, #tpu.memory_space<vmem_shared>>) offsets(%dma_start3A_448 : memref<128xi32, #tpu.memory_space<vmem>>) semaphore(%run_scoped3A_441 : memref<!tpu.dma_semaphore, #tpu.memory_space<semaphore_mem>>) {add = true}
        %dma_wait3A_452 = arith.constant 0 : i32
        %dma_wait3A_453 = arith.constant 0 : i32
        %dma_wait3A_454 = tpu.memref_slice %arg15[%run_scoped3A, %dma_wait3A_452, %dma_wait3A_453] : memref<2x128x16xf32, #tpu.memory_space<vmem>> -> memref<1x128x16xf32, #tpu.memory_space<vmem>>
        %dma_wait3A_455 = tpu.memref_squeeze %dma_wait3A_454 : memref<1x128x16xf32, #tpu.memory_space<vmem>> -> memref<128x16xf32, #tpu.memory_space<vmem>>
        %dma_wait3A_456 = arith.constant 0 : i32
        %dma_wait3A_457 = tpu.memref_slice %arg11[%mul3A_226, %dma_wait3A_456] : memref<80x128xi32, #tpu.memory_space<vmem>> -> memref<1x128xi32, #tpu.memory_space<vmem>>
        %dma_wait3A_458 = tpu.memref_squeeze %dma_wait3A_457 : memref<1x128xi32, #tpu.memory_space<vmem>> -> memref<128xi32, #tpu.memory_space<vmem>>
        %dma_wait3A_459 = arith.constant 0 : i32
        %dma_wait3A_460 = arith.constant 0 : i32
        %dma_wait3A_461 = tpu.memref_slice %arg17[%dma_wait3A_459, %dma_wait3A_460] : memref<10240x16xf32, #tpu.memory_space<vmem_shared>> -> memref<10240x16xf32, #tpu.memory_space<vmem_shared>>
        tpu.wait_indirect_dma semaphore(%run_scoped3A_441 : memref<!tpu.dma_semaphore, #tpu.memory_space<semaphore_mem>>) src(%dma_wait3A_455 : memref<128x16xf32, #tpu.memory_space<vmem>>) dst(%dma_wait3A_461 : memref<10240x16xf32, #tpu.memory_space<vmem_shared>>)
        tpu.yield
      }) : () -> ()
      %mul3A_315 = arith.constant 128 : i32
      %mul3A_316 = arith.muli %add3A_271, %mul3A_315 : i32
      %dma_start3A_317 = arith.constant 0 : i32
      %dma_start3A_318 = arith.constant 0 : i32
      %dma_start3A_319 = arith.constant 0 : i32
      %dma_start3A_320 = tpu.memref_slice %arg15[%dma_start3A_317, %dma_start3A_318, %dma_start3A_319] : memref<2x128x16xf32, #tpu.memory_space<vmem>> -> memref<1x128x16xf32, #tpu.memory_space<vmem>>
      %dma_start3A_321 = tpu.memref_squeeze %dma_start3A_320 : memref<1x128x16xf32, #tpu.memory_space<vmem>> -> memref<128x16xf32, #tpu.memory_space<vmem>>
      %dma_start3A_322 = arith.constant 0 : i32
      %dma_start3A_323 = tpu.memref_slice %arg7[%mul3A_316, %dma_start3A_322] : memref<320000x16xf32, #tpu.memory_space<hbm>> -> memref<128x16xf32, #tpu.memory_space<hbm>>
      %dma_start3A_324 = arith.constant 0 : i32
      %dma_start3A_325 = tpu.memref_slice %arg7[%mul3A_316, %dma_start3A_324] : memref<320000x16xf32, #tpu.memory_space<hbm>> -> memref<128x16xf32, #tpu.memory_space<hbm>>
      %dma_start3A_326 = arith.constant 0 : i32
      %dma_start3A_327 = arith.constant 0 : i32
      %dma_start3A_328 = tpu.memref_slice %arg15[%dma_start3A_317, %dma_start3A_326, %dma_start3A_327] : memref<2x128x16xf32, #tpu.memory_space<vmem>> -> memref<1x128x16xf32, #tpu.memory_space<vmem>>
      %dma_start3A_329 = tpu.memref_squeeze %dma_start3A_328 : memref<1x128x16xf32, #tpu.memory_space<vmem>> -> memref<128x16xf32, #tpu.memory_space<vmem>>
      tpu.enqueue_dma source(%dma_start3A_329 : memref<128x16xf32, #tpu.memory_space<vmem>>) target(%dma_start3A_325 : memref<128x16xf32, #tpu.memory_space<hbm>>) target_semaphore(%arg20 : memref<!tpu.dma_semaphore, #tpu.memory_space<semaphore_mem>>)
      %add3A_330 = arith.constant 2 : i32
      %add3A_331 = arith.addi %mul3A_226, %add3A_330 : i32
      %mul3A_332 = arith.constant 32 : i32
      %mul3A_333 = arith.muli %mul3A_332, %add3A_331 : i32
      %add3A_334 = arith.addi %add3A, %mul3A_333 : i32
      %dma_start3A_335 = arith.constant 0 : i32
      %dma_start3A_336 = arith.constant 0 : i32
      %dma_start3A_337 = arith.constant 0 : i32
      %dma_start3A_338 = tpu.memref_slice %arg12[%dma_start3A_335, %dma_start3A_336, %dma_start3A_337] : memref<2x128x16xf32, #tpu.memory_space<vmem>> -> memref<1x128x16xf32, #tpu.memory_space<vmem>>
      %dma_start3A_339 = tpu.memref_squeeze %dma_start3A_338 : memref<1x128x16xf32, #tpu.memory_space<vmem>> -> memref<128x16xf32, #tpu.memory_space<vmem>>
      %dma_start3A_340 = arith.constant 0 : i32
      %dma_start3A_341 = tpu.memref_slice %arg10[%add3A_331, %dma_start3A_340] : memref<80x128xi32, #tpu.memory_space<vmem>> -> memref<1x128xi32, #tpu.memory_space<vmem>>
      %dma_start3A_342 = tpu.memref_squeeze %dma_start3A_341 : memref<1x128xi32, #tpu.memory_space<vmem>> -> memref<128xi32, #tpu.memory_space<vmem>>
      %dma_start3A_343 = arith.constant 0 : i32
      %dma_start3A_344 = arith.constant 0 : i32
      %dma_start3A_345 = tpu.memref_slice %arg2[%dma_start3A_343, %dma_start3A_344] : memref<10000x16xf32, #tpu.memory_space<hbm>> -> memref<10000x16xf32, #tpu.memory_space<hbm>>
      tpu.enqueue_indirect_dma source(%dma_start3A_345 : memref<10000x16xf32, #tpu.memory_space<hbm>>) target(%dma_start3A_339 : memref<128x16xf32, #tpu.memory_space<vmem>>) offsets(%dma_start3A_342 : memref<128xi32, #tpu.memory_space<vmem>>) semaphore(%arg18 : memref<!tpu.dma_semaphore, #tpu.memory_space<semaphore_mem>>)
      %dma_start3A_346 = arith.constant 0 : i32
      %dma_start3A_347 = arith.constant 0 : i32
      %dma_start3A_348 = arith.constant 0 : i32
      %dma_start3A_349 = tpu.memref_slice %arg13[%dma_start3A_346, %dma_start3A_347, %dma_start3A_348] : memref<2x128x16xf32, #tpu.memory_space<vmem>> -> memref<1x128x16xf32, #tpu.memory_space<vmem>>
      %dma_start3A_350 = tpu.memref_squeeze %dma_start3A_349 : memref<1x128x16xf32, #tpu.memory_space<vmem>> -> memref<128x16xf32, #tpu.memory_space<vmem>>
      %dma_start3A_351 = arith.constant 0 : i32
      %dma_start3A_352 = tpu.memref_slice %arg11[%add3A_331, %dma_start3A_351] : memref<80x128xi32, #tpu.memory_space<vmem>> -> memref<1x128xi32, #tpu.memory_space<vmem>>
      %dma_start3A_353 = tpu.memref_squeeze %dma_start3A_352 : memref<1x128xi32, #tpu.memory_space<vmem>> -> memref<128xi32, #tpu.memory_space<vmem>>
      %dma_start3A_354 = arith.constant 0 : i32
      %dma_start3A_355 = arith.constant 0 : i32
      %dma_start3A_356 = tpu.memref_slice %arg3[%dma_start3A_354, %dma_start3A_355] : memref<10000x16xf32, #tpu.memory_space<hbm>> -> memref<10000x16xf32, #tpu.memory_space<hbm>>
      tpu.enqueue_indirect_dma source(%dma_start3A_356 : memref<10000x16xf32, #tpu.memory_space<hbm>>) target(%dma_start3A_350 : memref<128x16xf32, #tpu.memory_space<vmem>>) offsets(%dma_start3A_353 : memref<128xi32, #tpu.memory_space<vmem>>) semaphore(%arg18 : memref<!tpu.dma_semaphore, #tpu.memory_space<semaphore_mem>>)
      %mul3A_357 = arith.constant 16 : i32
      %mul3A_358 = arith.muli %add3A_334, %mul3A_357 : i32
      %dma_start3A_359 = arith.constant 0 : i32
      %dma_start3A_360 = arith.constant 0 : i32
      %dma_start3A_361 = arith.constant 0 : i32
      %dma_start3A_362 = tpu.memref_slice %arg14[%dma_start3A_359, %dma_start3A_360, %dma_start3A_361] : memref<2x16x128xf32, #tpu.memory_space<vmem>> -> memref<1x16x128xf32, #tpu.memory_space<vmem>>
      %dma_start3A_363 = tpu.memref_squeeze %dma_start3A_362 : memref<1x16x128xf32, #tpu.memory_space<vmem>> -> memref<16x128xf32, #tpu.memory_space<vmem>>
      %dma_start3A_364 = arith.constant 0 : i32
      %dma_start3A_365 = tpu.memref_slice %arg4[%mul3A_358, %dma_start3A_364] : memref<40000x128xf32, #tpu.memory_space<hbm>> -> memref<16x128xf32, #tpu.memory_space<hbm>>
      %dma_start3A_366 = arith.constant 0 : i32
      %dma_start3A_367 = arith.constant 0 : i32
      %dma_start3A_368 = tpu.memref_slice %arg14[%dma_start3A_359, %dma_start3A_366, %dma_start3A_367] : memref<2x16x128xf32, #tpu.memory_space<vmem>> -> memref<1x16x128xf32, #tpu.memory_space<vmem>>
      %dma_start3A_369 = tpu.memref_squeeze %dma_start3A_368 : memref<1x16x128xf32, #tpu.memory_space<vmem>> -> memref<16x128xf32, #tpu.memory_space<vmem>>
      %dma_start3A_370 = arith.constant 0 : i32
      %dma_start3A_371 = tpu.memref_slice %arg4[%mul3A_358, %dma_start3A_370] : memref<40000x128xf32, #tpu.memory_space<hbm>> -> memref<16x128xf32, #tpu.memory_space<hbm>>
      tpu.enqueue_dma source(%dma_start3A_371 : memref<16x128xf32, #tpu.memory_space<hbm>>) target(%dma_start3A_369 : memref<16x128xf32, #tpu.memory_space<vmem>>) target_semaphore(%arg18 : memref<!tpu.dma_semaphore, #tpu.memory_space<semaphore_mem>>)
      %add3A_372 = arith.constant 1 : i32
      %add3A_373 = arith.addi %mul3A_226, %add3A_372 : i32
      %mul3A_374 = arith.constant 32 : i32
      %mul3A_375 = arith.muli %mul3A_374, %add3A_373 : i32
      %add3A_376 = arith.addi %add3A, %mul3A_375 : i32
      %dma_wait3A_377 = arith.constant 1 : i32
      %dma_wait3A_378 = arith.constant 0 : i32
      %dma_wait3A_379 = arith.constant 0 : i32
      %dma_wait3A_380 = tpu.memref_slice %arg12[%dma_wait3A_377, %dma_wait3A_378, %dma_wait3A_379] : memref<2x128x16xf32, #tpu.memory_space<vmem>> -> memref<1x128x16xf32, #tpu.memory_space<vmem>>
      %dma_wait3A_381 = tpu.memref_squeeze %dma_wait3A_380 : memref<1x128x16xf32, #tpu.memory_space<vmem>> -> memref<128x16xf32, #tpu.memory_space<vmem>>
      %dma_wait3A_382 = arith.constant 0 : i32
      %dma_wait3A_383 = tpu.memref_slice %arg10[%add3A_228, %dma_wait3A_382] : memref<80x128xi32, #tpu.memory_space<vmem>> -> memref<1x128xi32, #tpu.memory_space<vmem>>
      %dma_wait3A_384 = tpu.memref_squeeze %dma_wait3A_383 : memref<1x128xi32, #tpu.memory_space<vmem>> -> memref<128xi32, #tpu.memory_space<vmem>>
      %dma_wait3A_385 = arith.constant 0 : i32
      %dma_wait3A_386 = arith.constant 0 : i32
      %dma_wait3A_387 = tpu.memref_slice %arg2[%dma_wait3A_385, %dma_wait3A_386] : memref<10000x16xf32, #tpu.memory_space<hbm>> -> memref<10000x16xf32, #tpu.memory_space<hbm>>
      tpu.wait_indirect_dma semaphore(%arg19 : memref<!tpu.dma_semaphore, #tpu.memory_space<semaphore_mem>>) src(%dma_wait3A_387 : memref<10000x16xf32, #tpu.memory_space<hbm>>) dst(%dma_wait3A_381 : memref<128x16xf32, #tpu.memory_space<vmem>>)
      %dma_wait3A_388 = arith.constant 1 : i32
      %dma_wait3A_389 = arith.constant 0 : i32
      %dma_wait3A_390 = arith.constant 0 : i32
      %dma_wait3A_391 = tpu.memref_slice %arg13[%dma_wait3A_388, %dma_wait3A_389, %dma_wait3A_390] : memref<2x128x16xf32, #tpu.memory_space<vmem>> -> memref<1x128x16xf32, #tpu.memory_space<vmem>>
      %dma_wait3A_392 = tpu.memref_squeeze %dma_wait3A_391 : memref<1x128x16xf32, #tpu.memory_space<vmem>> -> memref<128x16xf32, #tpu.memory_space<vmem>>
      %dma_wait3A_393 = arith.constant 0 : i32
      %dma_wait3A_394 = tpu.memref_slice %arg11[%add3A_228, %dma_wait3A_393] : memref<80x128xi32, #tpu.memory_space<vmem>> -> memref<1x128xi32, #tpu.memory_space<vmem>>
      %dma_wait3A_395 = tpu.memref_squeeze %dma_wait3A_394 : memref<1x128xi32, #tpu.memory_space<vmem>> -> memref<128xi32, #tpu.memory_space<vmem>>
      %dma_wait3A_396 = arith.constant 0 : i32
      %dma_wait3A_397 = arith.constant 0 : i32
      %dma_wait3A_398 = tpu.memref_slice %arg3[%dma_wait3A_396, %dma_wait3A_397] : memref<10000x16xf32, #tpu.memory_space<hbm>> -> memref<10000x16xf32, #tpu.memory_space<hbm>>
      tpu.wait_indirect_dma semaphore(%arg19 : memref<!tpu.dma_semaphore, #tpu.memory_space<semaphore_mem>>) src(%dma_wait3A_398 : memref<10000x16xf32, #tpu.memory_space<hbm>>) dst(%dma_wait3A_392 : memref<128x16xf32, #tpu.memory_space<vmem>>)
      %dma_wait3A_399 = arith.constant 1 : i32
      %dma_wait3A_400 = arith.constant 0 : i32
      %dma_wait3A_401 = arith.constant 0 : i32
      %dma_wait3A_402 = tpu.memref_slice %arg14[%dma_wait3A_399, %dma_wait3A_400, %dma_wait3A_401] : memref<2x16x128xf32, #tpu.memory_space<vmem>> -> memref<1x16x128xf32, #tpu.memory_space<vmem>>
      %dma_wait3A_403 = tpu.memref_squeeze %dma_wait3A_402 : memref<1x16x128xf32, #tpu.memory_space<vmem>> -> memref<16x128xf32, #tpu.memory_space<vmem>>
      %dma_wait3A_404 = arith.constant 0 : i32
      %dma_wait3A_405 = tpu.memref_slice %arg4[%mul3A_255, %dma_wait3A_404] : memref<40000x128xf32, #tpu.memory_space<hbm>> -> memref<16x128xf32, #tpu.memory_space<hbm>>
      %dma_wait3A_406 = arith.constant 0 : i32
      %dma_wait3A_407 = arith.constant 0 : i32
      %dma_wait3A_408 = tpu.memref_slice %arg14[%dma_wait3A_399, %dma_wait3A_406, %dma_wait3A_407] : memref<2x16x128xf32, #tpu.memory_space<vmem>> -> memref<1x16x128xf32, #tpu.memory_space<vmem>>
      %dma_wait3A_409 = tpu.memref_squeeze %dma_wait3A_408 : memref<1x16x128xf32, #tpu.memory_space<vmem>> -> memref<16x128xf32, #tpu.memory_space<vmem>>
      %dma_wait3A_410 = arith.constant 0 : i32
      %dma_wait3A_411 = tpu.memref_slice %arg4[%mul3A_255, %dma_wait3A_410] : memref<40000x128xf32, #tpu.memory_space<hbm>> -> memref<16x128xf32, #tpu.memory_space<hbm>>
      tpu.wait_dma2 semaphore(%arg19 : memref<!tpu.dma_semaphore, #tpu.memory_space<semaphore_mem>>) src(%dma_wait3A_411 : memref<16x128xf32, #tpu.memory_space<hbm>>) dst(%dma_wait3A_409 : memref<16x128xf32, #tpu.memory_space<vmem>>)
      %ge3A_412 = arith.constant 2 : i32
      %ge3A_413 = arith.cmpi sge, %add3A_373, %ge3A_412 : i32
      %convert_element_type3A_414 = arith.extui %ge3A_413 : i1 to i32
      %cond3A_415 = arith.constant 0 : i32
      %cond3A_416 = arith.cmpi ne, %convert_element_type3A_414, %cond3A_415 : i32
      scf.if %cond3A_416 {
        %dma_wait3A_441 = arith.constant 1 : i32
        %dma_wait3A_442 = arith.constant 0 : i32
        %dma_wait3A_443 = arith.constant 0 : i32
        %dma_wait3A_444 = tpu.memref_slice %arg15[%dma_wait3A_441, %dma_wait3A_442, %dma_wait3A_443] : memref<2x128x16xf32, #tpu.memory_space<vmem>> -> memref<1x128x16xf32, #tpu.memory_space<vmem>>
        %dma_wait3A_445 = tpu.memref_squeeze %dma_wait3A_444 : memref<1x128x16xf32, #tpu.memory_space<vmem>> -> memref<128x16xf32, #tpu.memory_space<vmem>>
        %dma_wait3A_446 = arith.constant 0 : i32
        %dma_wait3A_447 = arith.constant 0 : i32
        %dma_wait3A_448 = tpu.memref_slice %arg7[%dma_wait3A_446, %dma_wait3A_447] : memref<320000x16xf32, #tpu.memory_space<hbm>> -> memref<128x16xf32, #tpu.memory_space<hbm>>
        %dma_wait3A_449 = arith.constant 0 : i32
        %dma_wait3A_450 = arith.constant 0 : i32
        %dma_wait3A_451 = tpu.memref_slice %arg15[%dma_wait3A_441, %dma_wait3A_449, %dma_wait3A_450] : memref<2x128x16xf32, #tpu.memory_space<vmem>> -> memref<1x128x16xf32, #tpu.memory_space<vmem>>
        %dma_wait3A_452 = tpu.memref_squeeze %dma_wait3A_451 : memref<1x128x16xf32, #tpu.memory_space<vmem>> -> memref<128x16xf32, #tpu.memory_space<vmem>>
        %dma_wait3A_453 = arith.constant 0 : i32
        %dma_wait3A_454 = arith.constant 0 : i32
        %dma_wait3A_455 = tpu.memref_slice %arg7[%dma_wait3A_453, %dma_wait3A_454] : memref<320000x16xf32, #tpu.memory_space<hbm>> -> memref<128x16xf32, #tpu.memory_space<hbm>>
        tpu.wait_dma2 semaphore(%arg21 : memref<!tpu.dma_semaphore, #tpu.memory_space<semaphore_mem>>) src(%dma_wait3A_455 : memref<128x16xf32, #tpu.memory_space<hbm>>) dst(%dma_wait3A_452 : memref<128x16xf32, #tpu.memory_space<vmem>>)
      } else {
      }
      %scan3A_417 = arith.constant 0 : i32
      %scan3A_418 = arith.constant 0 : i32
      %scan3A_419 = arith.constant 16 : i32
      %scan3A_420 = arith.addi %scan3A_418, %scan3A_419 : i32
      %scan3A_421 = arith.constant 1 : i32
      %scan3A_422 = scf.for %scan3A_441 = %scan3A_418 to %scan3A_420 step %scan3A_421 iter_args(%scan3A_442 = %scan3A_417) -> (i32)  : i32 {
        %mul3A_443 = arith.constant 8 : i32
        %mul3A_444 = arith.muli %scan3A_441, %mul3A_443 : i32
        %add3A_445 = arith.constant 0 : i32
        %add3A_446 = arith.addi %mul3A_444, %add3A_445 : i32
        %get3A = arith.constant 1 : i32
        %get3A_447 = arith.index_cast %get3A : i32 to index
        %get3A_448 = arith.index_cast %add3A_446 : i32 to index
        %get3A_449 = arith.constant 0 : index
        %get3A_450 = tpu.vector_load %arg12[%get3A_447, %get3A_448, %get3A_449] {strides = array<i32>} : memref<2x128x16xf32, #tpu.memory_space<vmem>>, vector<1x1x16xf32>,
        %get3A_451 = vector.shape_cast %get3A_450 : vector<1x1x16xf32> to vector<16xf32>
        %get3A_452 = arith.constant 1 : i32
        %get3A_453 = arith.index_cast %get3A_452 : i32 to index
        %get3A_454 = arith.index_cast %add3A_446 : i32 to index
        %get3A_455 = arith.constant 0 : index
        %get3A_456 = tpu.vector_load %arg13[%get3A_453, %get3A_454, %get3A_455] {strides = array<i32>} : memref<2x128x16xf32, #tpu.memory_space<vmem>>, vector<1x1x16xf32>,
        %get3A_457 = vector.shape_cast %get3A_456 : vector<1x1x16xf32> to vector<16xf32>
        %add3A_458 = arith.addf %get3A_451, %get3A_457 : vector<16xf32>
        %get3A_459 = arith.constant 1 : i32
        %get3A_460 = arith.index_cast %get3A_459 : i32 to index
        %get3A_461 = arith.index_cast %scan3A_441 : i32 to index
        %get3A_462 = arith.constant 0 : index
        %get3A_463 = tpu.vector_load %arg14[%get3A_460, %get3A_461, %get3A_462] {strides = array<i32>} : memref<2x16x128xf32, #tpu.memory_space<vmem>>, vector<1x1x16xf32>,
        %get3A_464 = vector.shape_cast %get3A_463 : vector<1x1x16xf32> to vector<16xf32>
        %add3A_465 = arith.addf %add3A_458, %get3A_464 : vector<16xf32>
        %max3A = arith.constant 0.000000e+00 : f32
        %max3A_466 = vector.broadcast %max3A : f32 to vector<16xf32>
        %max3A_467 = arith.maximumf %add3A_465, %max3A_466 : vector<16xf32>
        %swap3A_468 = arith.constant 1 : i32
        %swap3A_469 = arith.index_cast %swap3A_468 : i32 to index
        %swap3A_470 = arith.index_cast %add3A_446 : i32 to index
        %swap3A_471 = arith.constant 0 : index
        %swap3A_472 = tpu.vector_load %arg15[%swap3A_469, %swap3A_470, %swap3A_471] {strides = array<i32>} : memref<2x128x16xf32, #tpu.memory_space<vmem>>, vector<1x1x16xf32>,
        %swap3A_473 = vector.shape_cast %swap3A_472 : vector<1x1x16xf32> to vector<16xf32>
        %swap3A_474 = vector.shape_cast %max3A_467 : vector<16xf32> to vector<1x1x16xf32>
        tpu.vector_store %arg15[%swap3A_469, %swap3A_470, %swap3A_471], %swap3A_474 {strides = array<i32>} : memref<2x128x16xf32, #tpu.memory_space<vmem>>, vector<1x1x16xf32>,
        %mul3A_475 = arith.constant 8 : i32
        %mul3A_476 = arith.muli %scan3A_441, %mul3A_475 : i32
        %add3A_477 = arith.constant 1 : i32
        %add3A_478 = arith.addi %mul3A_476, %add3A_477 : i32
        %get3A_479 = arith.constant 1 : i32
        %get3A_480 = arith.index_cast %get3A_479 : i32 to index
        %get3A_481 = arith.index_cast %add3A_478 : i32 to index
        %get3A_482 = arith.constant 0 : index
        %get3A_483 = tpu.vector_load %arg12[%get3A_480, %get3A_481, %get3A_482] {strides = array<i32>} : memref<2x128x16xf32, #tpu.memory_space<vmem>>, vector<1x1x16xf32>,
        %get3A_484 = vector.shape_cast %get3A_483 : vector<1x1x16xf32> to vector<16xf32>
        %get3A_485 = arith.constant 1 : i32
        %get3A_486 = arith.index_cast %get3A_485 : i32 to index
        %get3A_487 = arith.index_cast %add3A_478 : i32 to index
        %get3A_488 = arith.constant 0 : index
        %get3A_489 = tpu.vector_load %arg13[%get3A_486, %get3A_487, %get3A_488] {strides = array<i32>} : memref<2x128x16xf32, #tpu.memory_space<vmem>>, vector<1x1x16xf32>,
        %get3A_490 = vector.shape_cast %get3A_489 : vector<1x1x16xf32> to vector<16xf32>
        %add3A_491 = arith.addf %get3A_484, %get3A_490 : vector<16xf32>
        %get3A_492 = arith.constant 1 : i32
        %get3A_493 = arith.index_cast %get3A_492 : i32 to index
        %get3A_494 = arith.index_cast %scan3A_441 : i32 to index
        %get3A_495 = arith.constant 16 : index
        %get3A_496 = tpu.vector_load %arg14[%get3A_493, %get3A_494, %get3A_495] {strides = array<i32>} : memref<2x16x128xf32, #tpu.memory_space<vmem>>, vector<1x1x16xf32>,
        %get3A_497 = vector.shape_cast %get3A_496 : vector<1x1x16xf32> to vector<16xf32>
        %add3A_498 = arith.addf %add3A_491, %get3A_497 : vector<16xf32>
        %max3A_499 = arith.constant 0.000000e+00 : f32
        %max3A_500 = vector.broadcast %max3A_499 : f32 to vector<16xf32>
        %max3A_501 = arith.maximumf %add3A_498, %max3A_500 : vector<16xf32>
        %swap3A_502 = arith.constant 1 : i32
        %swap3A_503 = arith.index_cast %swap3A_502 : i32 to index
        %swap3A_504 = arith.index_cast %add3A_478 : i32 to index
        %swap3A_505 = arith.constant 0 : index
        %swap3A_506 = tpu.vector_load %arg15[%swap3A_503, %swap3A_504, %swap3A_505] {strides = array<i32>} : memref<2x128x16xf32, #tpu.memory_space<vmem>>, vector<1x1x16xf32>,
        %swap3A_507 = vector.shape_cast %swap3A_506 : vector<1x1x16xf32> to vector<16xf32>
        %swap3A_508 = vector.shape_cast %max3A_501 : vector<16xf32> to vector<1x1x16xf32>
        tpu.vector_store %arg15[%swap3A_503, %swap3A_504, %swap3A_505], %swap3A_508 {strides = array<i32>} : memref<2x128x16xf32, #tpu.memory_space<vmem>>, vector<1x1x16xf32>,
        %mul3A_509 = arith.constant 8 : i32
        %mul3A_510 = arith.muli %scan3A_441, %mul3A_509 : i32
        %add3A_511 = arith.constant 2 : i32
        %add3A_512 = arith.addi %mul3A_510, %add3A_511 : i32
        %get3A_513 = arith.constant 1 : i32
        %get3A_514 = arith.index_cast %get3A_513 : i32 to index
        %get3A_515 = arith.index_cast %add3A_512 : i32 to index
        %get3A_516 = arith.constant 0 : index
        %get3A_517 = tpu.vector_load %arg12[%get3A_514, %get3A_515, %get3A_516] {strides = array<i32>} : memref<2x128x16xf32, #tpu.memory_space<vmem>>, vector<1x1x16xf32>,
        %get3A_518 = vector.shape_cast %get3A_517 : vector<1x1x16xf32> to vector<16xf32>
        %get3A_519 = arith.constant 1 : i32
        %get3A_520 = arith.index_cast %get3A_519 : i32 to index
        %get3A_521 = arith.index_cast %add3A_512 : i32 to index
        %get3A_522 = arith.constant 0 : index
        %get3A_523 = tpu.vector_load %arg13[%get3A_520, %get3A_521, %get3A_522] {strides = array<i32>} : memref<2x128x16xf32, #tpu.memory_space<vmem>>, vector<1x1x16xf32>,
        %get3A_524 = vector.shape_cast %get3A_523 : vector<1x1x16xf32> to vector<16xf32>
        %add3A_525 = arith.addf %get3A_518, %get3A_524 : vector<16xf32>
        %get3A_526 = arith.constant 1 : i32
        %get3A_527 = arith.index_cast %get3A_526 : i32 to index
        %get3A_528 = arith.index_cast %scan3A_441 : i32 to index
        %get3A_529 = arith.constant 32 : index
        %get3A_530 = tpu.vector_load %arg14[%get3A_527, %get3A_528, %get3A_529] {strides = array<i32>} : memref<2x16x128xf32, #tpu.memory_space<vmem>>, vector<1x1x16xf32>,
        %get3A_531 = vector.shape_cast %get3A_530 : vector<1x1x16xf32> to vector<16xf32>
        %add3A_532 = arith.addf %add3A_525, %get3A_531 : vector<16xf32>
        %max3A_533 = arith.constant 0.000000e+00 : f32
        %max3A_534 = vector.broadcast %max3A_533 : f32 to vector<16xf32>
        %max3A_535 = arith.maximumf %add3A_532, %max3A_534 : vector<16xf32>
        %swap3A_536 = arith.constant 1 : i32
        %swap3A_537 = arith.index_cast %swap3A_536 : i32 to index
        %swap3A_538 = arith.index_cast %add3A_512 : i32 to index
        %swap3A_539 = arith.constant 0 : index
        %swap3A_540 = tpu.vector_load %arg15[%swap3A_537, %swap3A_538, %swap3A_539] {strides = array<i32>} : memref<2x128x16xf32, #tpu.memory_space<vmem>>, vector<1x1x16xf32>,
        %swap3A_541 = vector.shape_cast %swap3A_540 : vector<1x1x16xf32> to vector<16xf32>
        %swap3A_542 = vector.shape_cast %max3A_535 : vector<16xf32> to vector<1x1x16xf32>
        tpu.vector_store %arg15[%swap3A_537, %swap3A_538, %swap3A_539], %swap3A_542 {strides = array<i32>} : memref<2x128x16xf32, #tpu.memory_space<vmem>>, vector<1x1x16xf32>,
        %mul3A_543 = arith.constant 8 : i32
        %mul3A_544 = arith.muli %scan3A_441, %mul3A_543 : i32
        %add3A_545 = arith.constant 3 : i32
        %add3A_546 = arith.addi %mul3A_544, %add3A_545 : i32
        %get3A_547 = arith.constant 1 : i32
        %get3A_548 = arith.index_cast %get3A_547 : i32 to index
        %get3A_549 = arith.index_cast %add3A_546 : i32 to index
        %get3A_550 = arith.constant 0 : index
        %get3A_551 = tpu.vector_load %arg12[%get3A_548, %get3A_549, %get3A_550] {strides = array<i32>} : memref<2x128x16xf32, #tpu.memory_space<vmem>>, vector<1x1x16xf32>,
        %get3A_552 = vector.shape_cast %get3A_551 : vector<1x1x16xf32> to vector<16xf32>
        %get3A_553 = arith.constant 1 : i32
        %get3A_554 = arith.index_cast %get3A_553 : i32 to index
        %get3A_555 = arith.index_cast %add3A_546 : i32 to index
        %get3A_556 = arith.constant 0 : index
        %get3A_557 = tpu.vector_load %arg13[%get3A_554, %get3A_555, %get3A_556] {strides = array<i32>} : memref<2x128x16xf32, #tpu.memory_space<vmem>>, vector<1x1x16xf32>,
        %get3A_558 = vector.shape_cast %get3A_557 : vector<1x1x16xf32> to vector<16xf32>
        %add3A_559 = arith.addf %get3A_552, %get3A_558 : vector<16xf32>
        %get3A_560 = arith.constant 1 : i32
        %get3A_561 = arith.index_cast %get3A_560 : i32 to index
        %get3A_562 = arith.index_cast %scan3A_441 : i32 to index
        %get3A_563 = arith.constant 48 : index
        %get3A_564 = tpu.vector_load %arg14[%get3A_561, %get3A_562, %get3A_563] {strides = array<i32>} : memref<2x16x128xf32, #tpu.memory_space<vmem>>, vector<1x1x16xf32>,
        %get3A_565 = vector.shape_cast %get3A_564 : vector<1x1x16xf32> to vector<16xf32>
        %add3A_566 = arith.addf %add3A_559, %get3A_565 : vector<16xf32>
        %max3A_567 = arith.constant 0.000000e+00 : f32
        %max3A_568 = vector.broadcast %max3A_567 : f32 to vector<16xf32>
        %max3A_569 = arith.maximumf %add3A_566, %max3A_568 : vector<16xf32>
        %swap3A_570 = arith.constant 1 : i32
        %swap3A_571 = arith.index_cast %swap3A_570 : i32 to index
        %swap3A_572 = arith.index_cast %add3A_546 : i32 to index
        %swap3A_573 = arith.constant 0 : index
        %swap3A_574 = tpu.vector_load %arg15[%swap3A_571, %swap3A_572, %swap3A_573] {strides = array<i32>} : memref<2x128x16xf32, #tpu.memory_space<vmem>>, vector<1x1x16xf32>,
        %swap3A_575 = vector.shape_cast %swap3A_574 : vector<1x1x16xf32> to vector<16xf32>
        %swap3A_576 = vector.shape_cast %max3A_569 : vector<16xf32> to vector<1x1x16xf32>
        tpu.vector_store %arg15[%swap3A_571, %swap3A_572, %swap3A_573], %swap3A_576 {strides = array<i32>} : memref<2x128x16xf32, #tpu.memory_space<vmem>>, vector<1x1x16xf32>,
        %mul3A_577 = arith.constant 8 : i32
        %mul3A_578 = arith.muli %scan3A_441, %mul3A_577 : i32
        %add3A_579 = arith.constant 4 : i32
        %add3A_580 = arith.addi %mul3A_578, %add3A_579 : i32
        %get3A_581 = arith.constant 1 : i32
        %get3A_582 = arith.index_cast %get3A_581 : i32 to index
        %get3A_583 = arith.index_cast %add3A_580 : i32 to index
        %get3A_584 = arith.constant 0 : index
        %get3A_585 = tpu.vector_load %arg12[%get3A_582, %get3A_583, %get3A_584] {strides = array<i32>} : memref<2x128x16xf32, #tpu.memory_space<vmem>>, vector<1x1x16xf32>,
        %get3A_586 = vector.shape_cast %get3A_585 : vector<1x1x16xf32> to vector<16xf32>
        %get3A_587 = arith.constant 1 : i32
        %get3A_588 = arith.index_cast %get3A_587 : i32 to index
        %get3A_589 = arith.index_cast %add3A_580 : i32 to index
        %get3A_590 = arith.constant 0 : index
        %get3A_591 = tpu.vector_load %arg13[%get3A_588, %get3A_589, %get3A_590] {strides = array<i32>} : memref<2x128x16xf32, #tpu.memory_space<vmem>>, vector<1x1x16xf32>,
        %get3A_592 = vector.shape_cast %get3A_591 : vector<1x1x16xf32> to vector<16xf32>
        %add3A_593 = arith.addf %get3A_586, %get3A_592 : vector<16xf32>
        %get3A_594 = arith.constant 1 : i32
        %get3A_595 = arith.index_cast %get3A_594 : i32 to index
        %get3A_596 = arith.index_cast %scan3A_441 : i32 to index
        %get3A_597 = arith.constant 64 : index
        %get3A_598 = tpu.vector_load %arg14[%get3A_595, %get3A_596, %get3A_597] {strides = array<i32>} : memref<2x16x128xf32, #tpu.memory_space<vmem>>, vector<1x1x16xf32>,
        %get3A_599 = vector.shape_cast %get3A_598 : vector<1x1x16xf32> to vector<16xf32>
        %add3A_600 = arith.addf %add3A_593, %get3A_599 : vector<16xf32>
        %max3A_601 = arith.constant 0.000000e+00 : f32
        %max3A_602 = vector.broadcast %max3A_601 : f32 to vector<16xf32>
        %max3A_603 = arith.maximumf %add3A_600, %max3A_602 : vector<16xf32>
        %swap3A_604 = arith.constant 1 : i32
        %swap3A_605 = arith.index_cast %swap3A_604 : i32 to index
        %swap3A_606 = arith.index_cast %add3A_580 : i32 to index
        %swap3A_607 = arith.constant 0 : index
        %swap3A_608 = tpu.vector_load %arg15[%swap3A_605, %swap3A_606, %swap3A_607] {strides = array<i32>} : memref<2x128x16xf32, #tpu.memory_space<vmem>>, vector<1x1x16xf32>,
        %swap3A_609 = vector.shape_cast %swap3A_608 : vector<1x1x16xf32> to vector<16xf32>
        %swap3A_610 = vector.shape_cast %max3A_603 : vector<16xf32> to vector<1x1x16xf32>
        tpu.vector_store %arg15[%swap3A_605, %swap3A_606, %swap3A_607], %swap3A_610 {strides = array<i32>} : memref<2x128x16xf32, #tpu.memory_space<vmem>>, vector<1x1x16xf32>,
        %mul3A_611 = arith.constant 8 : i32
        %mul3A_612 = arith.muli %scan3A_441, %mul3A_611 : i32
        %add3A_613 = arith.constant 5 : i32
        %add3A_614 = arith.addi %mul3A_612, %add3A_613 : i32
        %get3A_615 = arith.constant 1 : i32
        %get3A_616 = arith.index_cast %get3A_615 : i32 to index
        %get3A_617 = arith.index_cast %add3A_614 : i32 to index
        %get3A_618 = arith.constant 0 : index
        %get3A_619 = tpu.vector_load %arg12[%get3A_616, %get3A_617, %get3A_618] {strides = array<i32>} : memref<2x128x16xf32, #tpu.memory_space<vmem>>, vector<1x1x16xf32>,
        %get3A_620 = vector.shape_cast %get3A_619 : vector<1x1x16xf32> to vector<16xf32>
        %get3A_621 = arith.constant 1 : i32
        %get3A_622 = arith.index_cast %get3A_621 : i32 to index
        %get3A_623 = arith.index_cast %add3A_614 : i32 to index
        %get3A_624 = arith.constant 0 : index
        %get3A_625 = tpu.vector_load %arg13[%get3A_622, %get3A_623, %get3A_624] {strides = array<i32>} : memref<2x128x16xf32, #tpu.memory_space<vmem>>, vector<1x1x16xf32>,
        %get3A_626 = vector.shape_cast %get3A_625 : vector<1x1x16xf32> to vector<16xf32>
        %add3A_627 = arith.addf %get3A_620, %get3A_626 : vector<16xf32>
        %get3A_628 = arith.constant 1 : i32
        %get3A_629 = arith.index_cast %get3A_628 : i32 to index
        %get3A_630 = arith.index_cast %scan3A_441 : i32 to index
        %get3A_631 = arith.constant 80 : index
        %get3A_632 = tpu.vector_load %arg14[%get3A_629, %get3A_630, %get3A_631] {strides = array<i32>} : memref<2x16x128xf32, #tpu.memory_space<vmem>>, vector<1x1x16xf32>,
        %get3A_633 = vector.shape_cast %get3A_632 : vector<1x1x16xf32> to vector<16xf32>
        %add3A_634 = arith.addf %add3A_627, %get3A_633 : vector<16xf32>
        %max3A_635 = arith.constant 0.000000e+00 : f32
        %max3A_636 = vector.broadcast %max3A_635 : f32 to vector<16xf32>
        %max3A_637 = arith.maximumf %add3A_634, %max3A_636 : vector<16xf32>
        %swap3A_638 = arith.constant 1 : i32
        %swap3A_639 = arith.index_cast %swap3A_638 : i32 to index
        %swap3A_640 = arith.index_cast %add3A_614 : i32 to index
        %swap3A_641 = arith.constant 0 : index
        %swap3A_642 = tpu.vector_load %arg15[%swap3A_639, %swap3A_640, %swap3A_641] {strides = array<i32>} : memref<2x128x16xf32, #tpu.memory_space<vmem>>, vector<1x1x16xf32>,
        %swap3A_643 = vector.shape_cast %swap3A_642 : vector<1x1x16xf32> to vector<16xf32>
        %swap3A_644 = vector.shape_cast %max3A_637 : vector<16xf32> to vector<1x1x16xf32>
        tpu.vector_store %arg15[%swap3A_639, %swap3A_640, %swap3A_641], %swap3A_644 {strides = array<i32>} : memref<2x128x16xf32, #tpu.memory_space<vmem>>, vector<1x1x16xf32>,
        %mul3A_645 = arith.constant 8 : i32
        %mul3A_646 = arith.muli %scan3A_441, %mul3A_645 : i32
        %add3A_647 = arith.constant 6 : i32
        %add3A_648 = arith.addi %mul3A_646, %add3A_647 : i32
        %get3A_649 = arith.constant 1 : i32
        %get3A_650 = arith.index_cast %get3A_649 : i32 to index
        %get3A_651 = arith.index_cast %add3A_648 : i32 to index
        %get3A_652 = arith.constant 0 : index
        %get3A_653 = tpu.vector_load %arg12[%get3A_650, %get3A_651, %get3A_652] {strides = array<i32>} : memref<2x128x16xf32, #tpu.memory_space<vmem>>, vector<1x1x16xf32>,
        %get3A_654 = vector.shape_cast %get3A_653 : vector<1x1x16xf32> to vector<16xf32>
        %get3A_655 = arith.constant 1 : i32
        %get3A_656 = arith.index_cast %get3A_655 : i32 to index
        %get3A_657 = arith.index_cast %add3A_648 : i32 to index
        %get3A_658 = arith.constant 0 : index
        %get3A_659 = tpu.vector_load %arg13[%get3A_656, %get3A_657, %get3A_658] {strides = array<i32>} : memref<2x128x16xf32, #tpu.memory_space<vmem>>, vector<1x1x16xf32>,
        %get3A_660 = vector.shape_cast %get3A_659 : vector<1x1x16xf32> to vector<16xf32>
        %add3A_661 = arith.addf %get3A_654, %get3A_660 : vector<16xf32>
        %get3A_662 = arith.constant 1 : i32
        %get3A_663 = arith.index_cast %get3A_662 : i32 to index
        %get3A_664 = arith.index_cast %scan3A_441 : i32 to index
        %get3A_665 = arith.constant 96 : index
        %get3A_666 = tpu.vector_load %arg14[%get3A_663, %get3A_664, %get3A_665] {strides = array<i32>} : memref<2x16x128xf32, #tpu.memory_space<vmem>>, vector<1x1x16xf32>,
        %get3A_667 = vector.shape_cast %get3A_666 : vector<1x1x16xf32> to vector<16xf32>
        %add3A_668 = arith.addf %add3A_661, %get3A_667 : vector<16xf32>
        %max3A_669 = arith.constant 0.000000e+00 : f32
        %max3A_670 = vector.broadcast %max3A_669 : f32 to vector<16xf32>
        %max3A_671 = arith.maximumf %add3A_668, %max3A_670 : vector<16xf32>
        %swap3A_672 = arith.constant 1 : i32
        %swap3A_673 = arith.index_cast %swap3A_672 : i32 to index
        %swap3A_674 = arith.index_cast %add3A_648 : i32 to index
        %swap3A_675 = arith.constant 0 : index
        %swap3A_676 = tpu.vector_load %arg15[%swap3A_673, %swap3A_674, %swap3A_675] {strides = array<i32>} : memref<2x128x16xf32, #tpu.memory_space<vmem>>, vector<1x1x16xf32>,
        %swap3A_677 = vector.shape_cast %swap3A_676 : vector<1x1x16xf32> to vector<16xf32>
        %swap3A_678 = vector.shape_cast %max3A_671 : vector<16xf32> to vector<1x1x16xf32>
        tpu.vector_store %arg15[%swap3A_673, %swap3A_674, %swap3A_675], %swap3A_678 {strides = array<i32>} : memref<2x128x16xf32, #tpu.memory_space<vmem>>, vector<1x1x16xf32>,
        %mul3A_679 = arith.constant 8 : i32
        %mul3A_680 = arith.muli %scan3A_441, %mul3A_679 : i32
        %add3A_681 = arith.constant 7 : i32
        %add3A_682 = arith.addi %mul3A_680, %add3A_681 : i32
        %get3A_683 = arith.constant 1 : i32
        %get3A_684 = arith.index_cast %get3A_683 : i32 to index
        %get3A_685 = arith.index_cast %add3A_682 : i32 to index
        %get3A_686 = arith.constant 0 : index
        %get3A_687 = tpu.vector_load %arg12[%get3A_684, %get3A_685, %get3A_686] {strides = array<i32>} : memref<2x128x16xf32, #tpu.memory_space<vmem>>, vector<1x1x16xf32>,
        %get3A_688 = vector.shape_cast %get3A_687 : vector<1x1x16xf32> to vector<16xf32>
        %get3A_689 = arith.constant 1 : i32
        %get3A_690 = arith.index_cast %get3A_689 : i32 to index
        %get3A_691 = arith.index_cast %add3A_682 : i32 to index
        %get3A_692 = arith.constant 0 : index
        %get3A_693 = tpu.vector_load %arg13[%get3A_690, %get3A_691, %get3A_692] {strides = array<i32>} : memref<2x128x16xf32, #tpu.memory_space<vmem>>, vector<1x1x16xf32>,
        %get3A_694 = vector.shape_cast %get3A_693 : vector<1x1x16xf32> to vector<16xf32>
        %add3A_695 = arith.addf %get3A_688, %get3A_694 : vector<16xf32>
        %get3A_696 = arith.constant 1 : i32
        %get3A_697 = arith.index_cast %get3A_696 : i32 to index
        %get3A_698 = arith.index_cast %scan3A_441 : i32 to index
        %get3A_699 = arith.constant 112 : index
        %get3A_700 = tpu.vector_load %arg14[%get3A_697, %get3A_698, %get3A_699] {strides = array<i32>} : memref<2x16x128xf32, #tpu.memory_space<vmem>>, vector<1x1x16xf32>,
        %get3A_701 = vector.shape_cast %get3A_700 : vector<1x1x16xf32> to vector<16xf32>
        %add3A_702 = arith.addf %add3A_695, %get3A_701 : vector<16xf32>
        %max3A_703 = arith.constant 0.000000e+00 : f32
        %max3A_704 = vector.broadcast %max3A_703 : f32 to vector<16xf32>
        %max3A_705 = arith.maximumf %add3A_702, %max3A_704 : vector<16xf32>
        %swap3A_706 = arith.constant 1 : i32
        %swap3A_707 = arith.index_cast %swap3A_706 : i32 to index
        %swap3A_708 = arith.index_cast %add3A_682 : i32 to index
        %swap3A_709 = arith.constant 0 : index
        %swap3A_710 = tpu.vector_load %arg15[%swap3A_707, %swap3A_708, %swap3A_709] {strides = array<i32>} : memref<2x128x16xf32, #tpu.memory_space<vmem>>, vector<1x1x16xf32>,
        %swap3A_711 = vector.shape_cast %swap3A_710 : vector<1x1x16xf32> to vector<16xf32>
        %swap3A_712 = vector.shape_cast %max3A_705 : vector<16xf32> to vector<1x1x16xf32>
        tpu.vector_store %arg15[%swap3A_707, %swap3A_708, %swap3A_709], %swap3A_712 {strides = array<i32>} : memref<2x128x16xf32, #tpu.memory_space<vmem>>, vector<1x1x16xf32>,
        %scan3A_713 = arith.constant 0 : i32
        scf.yield %scan3A_713 : i32
      }
      %scan3A_423 = arith.constant 16 : i32
      %run_scoped3A_424 = arith.constant 1 : i32
      "tpu.region"() ({
        %run_scoped3A_441 = tpu.sem_alloc : memref<!tpu.dma_semaphore, #tpu.memory_space<semaphore_mem>>
        %dma_start3A_442 = arith.constant 0 : i32
        %dma_start3A_443 = arith.constant 0 : i32
        %dma_start3A_444 = tpu.memref_slice %arg15[%run_scoped3A_424, %dma_start3A_442, %dma_start3A_443] : memref<2x128x16xf32, #tpu.memory_space<vmem>> -> memref<1x128x16xf32, #tpu.memory_space<vmem>>
        %dma_start3A_445 = tpu.memref_squeeze %dma_start3A_444 : memref<1x128x16xf32, #tpu.memory_space<vmem>> -> memref<128x16xf32, #tpu.memory_space<vmem>>
        %dma_start3A_446 = arith.constant 0 : i32
        %dma_start3A_447 = tpu.memref_slice %arg11[%add3A_373, %dma_start3A_446] : memref<80x128xi32, #tpu.memory_space<vmem>> -> memref<1x128xi32, #tpu.memory_space<vmem>>
        %dma_start3A_448 = tpu.memref_squeeze %dma_start3A_447 : memref<1x128xi32, #tpu.memory_space<vmem>> -> memref<128xi32, #tpu.memory_space<vmem>>
        %dma_start3A_449 = arith.constant 0 : i32
        %dma_start3A_450 = arith.constant 0 : i32
        %dma_start3A_451 = tpu.memref_slice %arg17[%dma_start3A_449, %dma_start3A_450] : memref<10240x16xf32, #tpu.memory_space<vmem_shared>> -> memref<10240x16xf32, #tpu.memory_space<vmem_shared>>
        tpu.enqueue_indirect_dma source(%dma_start3A_445 : memref<128x16xf32, #tpu.memory_space<vmem>>) target(%dma_start3A_451 : memref<10240x16xf32, #tpu.memory_space<vmem_shared>>) offsets(%dma_start3A_448 : memref<128xi32, #tpu.memory_space<vmem>>) semaphore(%run_scoped3A_441 : memref<!tpu.dma_semaphore, #tpu.memory_space<semaphore_mem>>) {add = true}
        %dma_wait3A_452 = arith.constant 0 : i32
        %dma_wait3A_453 = arith.constant 0 : i32
        %dma_wait3A_454 = tpu.memref_slice %arg15[%run_scoped3A_424, %dma_wait3A_452, %dma_wait3A_453] : memref<2x128x16xf32, #tpu.memory_space<vmem>> -> memref<1x128x16xf32, #tpu.memory_space<vmem>>
        %dma_wait3A_455 = tpu.memref_squeeze %dma_wait3A_454 : memref<1x128x16xf32, #tpu.memory_space<vmem>> -> memref<128x16xf32, #tpu.memory_space<vmem>>
        %dma_wait3A_456 = arith.constant 0 : i32
        %dma_wait3A_457 = tpu.memref_slice %arg11[%add3A_373, %dma_wait3A_456] : memref<80x128xi32, #tpu.memory_space<vmem>> -> memref<1x128xi32, #tpu.memory_space<vmem>>
        %dma_wait3A_458 = tpu.memref_squeeze %dma_wait3A_457 : memref<1x128xi32, #tpu.memory_space<vmem>> -> memref<128xi32, #tpu.memory_space<vmem>>
        %dma_wait3A_459 = arith.constant 0 : i32
        %dma_wait3A_460 = arith.constant 0 : i32
        %dma_wait3A_461 = tpu.memref_slice %arg17[%dma_wait3A_459, %dma_wait3A_460] : memref<10240x16xf32, #tpu.memory_space<vmem_shared>> -> memref<10240x16xf32, #tpu.memory_space<vmem_shared>>
        tpu.wait_indirect_dma semaphore(%run_scoped3A_441 : memref<!tpu.dma_semaphore, #tpu.memory_space<semaphore_mem>>) src(%dma_wait3A_455 : memref<128x16xf32, #tpu.memory_space<vmem>>) dst(%dma_wait3A_461 : memref<10240x16xf32, #tpu.memory_space<vmem_shared>>)
        tpu.yield
      }) : () -> ()
      %mul3A_425 = arith.constant 128 : i32
      %mul3A_426 = arith.muli %add3A_376, %mul3A_425 : i32
      %dma_start3A_427 = arith.constant 1 : i32
      %dma_start3A_428 = arith.constant 0 : i32
      %dma_start3A_429 = arith.constant 0 : i32
      %dma_start3A_430 = tpu.memref_slice %arg15[%dma_start3A_427, %dma_start3A_428, %dma_start3A_429] : memref<2x128x16xf32, #tpu.memory_space<vmem>> -> memref<1x128x16xf32, #tpu.memory_space<vmem>>
      %dma_start3A_431 = tpu.memref_squeeze %dma_start3A_430 : memref<1x128x16xf32, #tpu.memory_space<vmem>> -> memref<128x16xf32, #tpu.memory_space<vmem>>
      %dma_start3A_432 = arith.constant 0 : i32
      %dma_start3A_433 = tpu.memref_slice %arg7[%mul3A_426, %dma_start3A_432] : memref<320000x16xf32, #tpu.memory_space<hbm>> -> memref<128x16xf32, #tpu.memory_space<hbm>>
      %dma_start3A_434 = arith.constant 0 : i32
      %dma_start3A_435 = tpu.memref_slice %arg7[%mul3A_426, %dma_start3A_434] : memref<320000x16xf32, #tpu.memory_space<hbm>> -> memref<128x16xf32, #tpu.memory_space<hbm>>
      %dma_start3A_436 = arith.constant 0 : i32
      %dma_start3A_437 = arith.constant 0 : i32
      %dma_start3A_438 = tpu.memref_slice %arg15[%dma_start3A_427, %dma_start3A_436, %dma_start3A_437] : memref<2x128x16xf32, #tpu.memory_space<vmem>> -> memref<1x128x16xf32, #tpu.memory_space<vmem>>
      %dma_start3A_439 = tpu.memref_squeeze %dma_start3A_438 : memref<1x128x16xf32, #tpu.memory_space<vmem>> -> memref<128x16xf32, #tpu.memory_space<vmem>>
      tpu.enqueue_dma source(%dma_start3A_439 : memref<128x16xf32, #tpu.memory_space<vmem>>) target(%dma_start3A_435 : memref<128x16xf32, #tpu.memory_space<hbm>>) target_semaphore(%arg21 : memref<!tpu.dma_semaphore, #tpu.memory_space<semaphore_mem>>)
      %scan3A_440 = arith.constant 0 : i32
      scf.yield %scan3A_440 : i32
    }
    %scan3A_148 = arith.constant 39 : i32
    %dma_wait3A_149 = arith.constant 0 : i32
    %dma_wait3A_150 = arith.constant 0 : i32
    %dma_wait3A_151 = arith.constant 0 : i32
    %dma_wait3A_152 = arith.constant 0 : i32
    %dma_wait3A_153 = tpu.memref_slice %arg12[%dma_wait3A_150, %dma_wait3A_151, %dma_wait3A_152] : memref<2x128x16xf32, #tpu.memory_space<vmem>> -> memref<1x128x16xf32, #tpu.memory_space<vmem>>
    %dma_wait3A_154 = tpu.memref_squeeze %dma_wait3A_153 : memref<1x128x16xf32, #tpu.memory_space<vmem>> -> memref<128x16xf32, #tpu.memory_space<vmem>>
    %dma_wait3A_155 = arith.constant 0 : i32
    %dma_wait3A_156 = tpu.memref_slice %arg10[%dma_wait3A_149, %dma_wait3A_155] : memref<80x128xi32, #tpu.memory_space<vmem>> -> memref<1x128xi32, #tpu.memory_space<vmem>>
    %dma_wait3A_157 = tpu.memref_squeeze %dma_wait3A_156 : memref<1x128xi32, #tpu.memory_space<vmem>> -> memref<128xi32, #tpu.memory_space<vmem>>
    %dma_wait3A_158 = arith.constant 0 : i32
    %dma_wait3A_159 = arith.constant 0 : i32
    %dma_wait3A_160 = tpu.memref_slice %arg2[%dma_wait3A_158, %dma_wait3A_159] : memref<10000x16xf32, #tpu.memory_space<hbm>> -> memref<10000x16xf32, #tpu.memory_space<hbm>>
    tpu.wait_indirect_dma semaphore(%arg18 : memref<!tpu.dma_semaphore, #tpu.memory_space<semaphore_mem>>) src(%dma_wait3A_160 : memref<10000x16xf32, #tpu.memory_space<hbm>>) dst(%dma_wait3A_154 : memref<128x16xf32, #tpu.memory_space<vmem>>)
    %dma_wait3A_161 = arith.constant 0 : i32
    %dma_wait3A_162 = arith.constant 0 : i32
    %dma_wait3A_163 = arith.constant 0 : i32
    %dma_wait3A_164 = arith.constant 0 : i32
    %dma_wait3A_165 = tpu.memref_slice %arg13[%dma_wait3A_162, %dma_wait3A_163, %dma_wait3A_164] : memref<2x128x16xf32, #tpu.memory_space<vmem>> -> memref<1x128x16xf32, #tpu.memory_space<vmem>>
    %dma_wait3A_166 = tpu.memref_squeeze %dma_wait3A_165 : memref<1x128x16xf32, #tpu.memory_space<vmem>> -> memref<128x16xf32, #tpu.memory_space<vmem>>
    %dma_wait3A_167 = arith.constant 0 : i32
    %dma_wait3A_168 = tpu.memref_slice %arg11[%dma_wait3A_161, %dma_wait3A_167] : memref<80x128xi32, #tpu.memory_space<vmem>> -> memref<1x128xi32, #tpu.memory_space<vmem>>
    %dma_wait3A_169 = tpu.memref_squeeze %dma_wait3A_168 : memref<1x128xi32, #tpu.memory_space<vmem>> -> memref<128xi32, #tpu.memory_space<vmem>>
    %dma_wait3A_170 = arith.constant 0 : i32
    %dma_wait3A_171 = arith.constant 0 : i32
    %dma_wait3A_172 = tpu.memref_slice %arg3[%dma_wait3A_170, %dma_wait3A_171] : memref<10000x16xf32, #tpu.memory_space<hbm>> -> memref<10000x16xf32, #tpu.memory_space<hbm>>
    tpu.wait_indirect_dma semaphore(%arg18 : memref<!tpu.dma_semaphore, #tpu.memory_space<semaphore_mem>>) src(%dma_wait3A_172 : memref<10000x16xf32, #tpu.memory_space<hbm>>) dst(%dma_wait3A_166 : memref<128x16xf32, #tpu.memory_space<vmem>>)
    %dma_wait3A_173 = arith.constant 0 : i32
    %dma_wait3A_174 = arith.constant 0 : i32
    %dma_wait3A_175 = arith.constant 0 : i32
    %dma_wait3A_176 = tpu.memref_slice %arg14[%dma_wait3A_173, %dma_wait3A_174, %dma_wait3A_175] : memref<2x16x128xf32, #tpu.memory_space<vmem>> -> memref<1x16x128xf32, #tpu.memory_space<vmem>>
    %dma_wait3A_177 = tpu.memref_squeeze %dma_wait3A_176 : memref<1x16x128xf32, #tpu.memory_space<vmem>> -> memref<16x128xf32, #tpu.memory_space<vmem>>
    %dma_wait3A_178 = arith.constant 0 : i32
    %dma_wait3A_179 = tpu.memref_slice %arg4[%mul3A_123, %dma_wait3A_178] : memref<40000x128xf32, #tpu.memory_space<hbm>> -> memref<16x128xf32, #tpu.memory_space<hbm>>
    %dma_wait3A_180 = arith.constant 0 : i32
    %dma_wait3A_181 = arith.constant 0 : i32
    %dma_wait3A_182 = tpu.memref_slice %arg14[%dma_wait3A_173, %dma_wait3A_180, %dma_wait3A_181] : memref<2x16x128xf32, #tpu.memory_space<vmem>> -> memref<1x16x128xf32, #tpu.memory_space<vmem>>
    %dma_wait3A_183 = tpu.memref_squeeze %dma_wait3A_182 : memref<1x16x128xf32, #tpu.memory_space<vmem>> -> memref<16x128xf32, #tpu.memory_space<vmem>>
    %dma_wait3A_184 = arith.constant 0 : i32
    %dma_wait3A_185 = tpu.memref_slice %arg4[%mul3A_123, %dma_wait3A_184] : memref<40000x128xf32, #tpu.memory_space<hbm>> -> memref<16x128xf32, #tpu.memory_space<hbm>>
    tpu.wait_dma2 semaphore(%arg18 : memref<!tpu.dma_semaphore, #tpu.memory_space<semaphore_mem>>) src(%dma_wait3A_185 : memref<16x128xf32, #tpu.memory_space<hbm>>) dst(%dma_wait3A_183 : memref<16x128xf32, #tpu.memory_space<vmem>>)
    %lt3A = arith.constant 4 : i32
    %lt3A_186 = arith.cmpi slt, %add3A, %lt3A : i32
    %convert_element_type3A = arith.extui %lt3A_186 : i1 to i32
    %cond3A = arith.constant 0 : i32
    %cond3A_187 = arith.cmpi ne, %convert_element_type3A, %cond3A : i32
    scf.if %cond3A_187 {
      %add3A_223 = arith.constant 2496 : i32
      %add3A_224 = arith.addi %add3A, %add3A_223 : i32
      %dma_wait3A_225 = arith.constant 0 : i32
      %dma_wait3A_226 = arith.constant 0 : i32
      %dma_wait3A_227 = arith.constant 0 : i32
      %dma_wait3A_228 = tpu.memref_slice %arg15[%dma_wait3A_225, %dma_wait3A_226, %dma_wait3A_227] : memref<2x128x16xf32, #tpu.memory_space<vmem>> -> memref<1x128x16xf32, #tpu.memory_space<vmem>>
      %dma_wait3A_229 = tpu.memref_squeeze %dma_wait3A_228 : memref<1x128x16xf32, #tpu.memory_space<vmem>> -> memref<128x16xf32, #tpu.memory_space<vmem>>
      %dma_wait3A_230 = arith.constant 0 : i32
      %dma_wait3A_231 = arith.constant 0 : i32
      %dma_wait3A_232 = tpu.memref_slice %arg7[%dma_wait3A_230, %dma_wait3A_231] : memref<320000x16xf32, #tpu.memory_space<hbm>> -> memref<128x16xf32, #tpu.memory_space<hbm>>
      %dma_wait3A_233 = arith.constant 0 : i32
      %dma_wait3A_234 = arith.constant 0 : i32
      %dma_wait3A_235 = tpu.memref_slice %arg15[%dma_wait3A_225, %dma_wait3A_233, %dma_wait3A_234] : memref<2x128x16xf32, #tpu.memory_space<vmem>> -> memref<1x128x16xf32, #tpu.memory_space<vmem>>
      %dma_wait3A_236 = tpu.memref_squeeze %dma_wait3A_235 : memref<1x128x16xf32, #tpu.memory_space<vmem>> -> memref<128x16xf32, #tpu.memory_space<vmem>>
      %dma_wait3A_237 = arith.constant 0 : i32
      %dma_wait3A_238 = arith.constant 0 : i32
      %dma_wait3A_239 = tpu.memref_slice %arg7[%dma_wait3A_237, %dma_wait3A_238] : memref<320000x16xf32, #tpu.memory_space<hbm>> -> memref<128x16xf32, #tpu.memory_space<hbm>>
      tpu.wait_dma2 semaphore(%arg20 : memref<!tpu.dma_semaphore, #tpu.memory_space<semaphore_mem>>) src(%dma_wait3A_239 : memref<128x16xf32, #tpu.memory_space<hbm>>) dst(%dma_wait3A_236 : memref<128x16xf32, #tpu.memory_space<vmem>>)
      %scan3A_240 = arith.constant 0 : i32
      %scan3A_241 = arith.constant 0 : i32
      %scan3A_242 = arith.constant 16 : i32
      %scan3A_243 = arith.addi %scan3A_241, %scan3A_242 : i32
      %scan3A_244 = arith.constant 1 : i32
      %scan3A_245 = scf.for %scan3A_263 = %scan3A_241 to %scan3A_243 step %scan3A_244 iter_args(%scan3A_264 = %scan3A_240) -> (i32)  : i32 {
        %mul3A_265 = arith.constant 8 : i32
        %mul3A_266 = arith.muli %scan3A_263, %mul3A_265 : i32
        %add3A_267 = arith.constant 0 : i32
        %add3A_268 = arith.addi %mul3A_266, %add3A_267 : i32
        %get3A = arith.constant 0 : i32
        %get3A_269 = arith.index_cast %get3A : i32 to index
        %get3A_270 = arith.index_cast %add3A_268 : i32 to index
        %get3A_271 = arith.constant 0 : index
        %get3A_272 = tpu.vector_load %arg12[%get3A_269, %get3A_270, %get3A_271] {strides = array<i32>} : memref<2x128x16xf32, #tpu.memory_space<vmem>>, vector<1x1x16xf32>,
        %get3A_273 = vector.shape_cast %get3A_272 : vector<1x1x16xf32> to vector<16xf32>
        %get3A_274 = arith.constant 0 : i32
        %get3A_275 = arith.index_cast %get3A_274 : i32 to index
        %get3A_276 = arith.index_cast %add3A_268 : i32 to index
        %get3A_277 = arith.constant 0 : index
        %get3A_278 = tpu.vector_load %arg13[%get3A_275, %get3A_276, %get3A_277] {strides = array<i32>} : memref<2x128x16xf32, #tpu.memory_space<vmem>>, vector<1x1x16xf32>,
        %get3A_279 = vector.shape_cast %get3A_278 : vector<1x1x16xf32> to vector<16xf32>
        %add3A_280 = arith.addf %get3A_273, %get3A_279 : vector<16xf32>
        %get3A_281 = arith.constant 0 : i32
        %get3A_282 = arith.index_cast %get3A_281 : i32 to index
        %get3A_283 = arith.index_cast %scan3A_263 : i32 to index
        %get3A_284 = arith.constant 0 : index
        %get3A_285 = tpu.vector_load %arg14[%get3A_282, %get3A_283, %get3A_284] {strides = array<i32>} : memref<2x16x128xf32, #tpu.memory_space<vmem>>, vector<1x1x16xf32>,
        %get3A_286 = vector.shape_cast %get3A_285 : vector<1x1x16xf32> to vector<16xf32>
        %add3A_287 = arith.addf %add3A_280, %get3A_286 : vector<16xf32>
        %max3A = arith.constant 0.000000e+00 : f32
        %max3A_288 = vector.broadcast %max3A : f32 to vector<16xf32>
        %max3A_289 = arith.maximumf %add3A_287, %max3A_288 : vector<16xf32>
        %swap3A_290 = arith.constant 0 : i32
        %swap3A_291 = arith.index_cast %swap3A_290 : i32 to index
        %swap3A_292 = arith.index_cast %add3A_268 : i32 to index
        %swap3A_293 = arith.constant 0 : index
        %swap3A_294 = tpu.vector_load %arg15[%swap3A_291, %swap3A_292, %swap3A_293] {strides = array<i32>} : memref<2x128x16xf32, #tpu.memory_space<vmem>>, vector<1x1x16xf32>,
        %swap3A_295 = vector.shape_cast %swap3A_294 : vector<1x1x16xf32> to vector<16xf32>
        %swap3A_296 = vector.shape_cast %max3A_289 : vector<16xf32> to vector<1x1x16xf32>
        tpu.vector_store %arg15[%swap3A_291, %swap3A_292, %swap3A_293], %swap3A_296 {strides = array<i32>} : memref<2x128x16xf32, #tpu.memory_space<vmem>>, vector<1x1x16xf32>,
        %mul3A_297 = arith.constant 8 : i32
        %mul3A_298 = arith.muli %scan3A_263, %mul3A_297 : i32
        %add3A_299 = arith.constant 1 : i32
        %add3A_300 = arith.addi %mul3A_298, %add3A_299 : i32
        %get3A_301 = arith.constant 0 : i32
        %get3A_302 = arith.index_cast %get3A_301 : i32 to index
        %get3A_303 = arith.index_cast %add3A_300 : i32 to index
        %get3A_304 = arith.constant 0 : index
        %get3A_305 = tpu.vector_load %arg12[%get3A_302, %get3A_303, %get3A_304] {strides = array<i32>} : memref<2x128x16xf32, #tpu.memory_space<vmem>>, vector<1x1x16xf32>,
        %get3A_306 = vector.shape_cast %get3A_305 : vector<1x1x16xf32> to vector<16xf32>
        %get3A_307 = arith.constant 0 : i32
        %get3A_308 = arith.index_cast %get3A_307 : i32 to index
        %get3A_309 = arith.index_cast %add3A_300 : i32 to index
        %get3A_310 = arith.constant 0 : index
        %get3A_311 = tpu.vector_load %arg13[%get3A_308, %get3A_309, %get3A_310] {strides = array<i32>} : memref<2x128x16xf32, #tpu.memory_space<vmem>>, vector<1x1x16xf32>,
        %get3A_312 = vector.shape_cast %get3A_311 : vector<1x1x16xf32> to vector<16xf32>
        %add3A_313 = arith.addf %get3A_306, %get3A_312 : vector<16xf32>
        %get3A_314 = arith.constant 0 : i32
        %get3A_315 = arith.index_cast %get3A_314 : i32 to index
        %get3A_316 = arith.index_cast %scan3A_263 : i32 to index
        %get3A_317 = arith.constant 16 : index
        %get3A_318 = tpu.vector_load %arg14[%get3A_315, %get3A_316, %get3A_317] {strides = array<i32>} : memref<2x16x128xf32, #tpu.memory_space<vmem>>, vector<1x1x16xf32>,
        %get3A_319 = vector.shape_cast %get3A_318 : vector<1x1x16xf32> to vector<16xf32>
        %add3A_320 = arith.addf %add3A_313, %get3A_319 : vector<16xf32>
        %max3A_321 = arith.constant 0.000000e+00 : f32
        %max3A_322 = vector.broadcast %max3A_321 : f32 to vector<16xf32>
        %max3A_323 = arith.maximumf %add3A_320, %max3A_322 : vector<16xf32>
        %swap3A_324 = arith.constant 0 : i32
        %swap3A_325 = arith.index_cast %swap3A_324 : i32 to index
        %swap3A_326 = arith.index_cast %add3A_300 : i32 to index
        %swap3A_327 = arith.constant 0 : index
        %swap3A_328 = tpu.vector_load %arg15[%swap3A_325, %swap3A_326, %swap3A_327] {strides = array<i32>} : memref<2x128x16xf32, #tpu.memory_space<vmem>>, vector<1x1x16xf32>,
        %swap3A_329 = vector.shape_cast %swap3A_328 : vector<1x1x16xf32> to vector<16xf32>
        %swap3A_330 = vector.shape_cast %max3A_323 : vector<16xf32> to vector<1x1x16xf32>
        tpu.vector_store %arg15[%swap3A_325, %swap3A_326, %swap3A_327], %swap3A_330 {strides = array<i32>} : memref<2x128x16xf32, #tpu.memory_space<vmem>>, vector<1x1x16xf32>,
        %mul3A_331 = arith.constant 8 : i32
        %mul3A_332 = arith.muli %scan3A_263, %mul3A_331 : i32
        %add3A_333 = arith.constant 2 : i32
        %add3A_334 = arith.addi %mul3A_332, %add3A_333 : i32
        %get3A_335 = arith.constant 0 : i32
        %get3A_336 = arith.index_cast %get3A_335 : i32 to index
        %get3A_337 = arith.index_cast %add3A_334 : i32 to index
        %get3A_338 = arith.constant 0 : index
        %get3A_339 = tpu.vector_load %arg12[%get3A_336, %get3A_337, %get3A_338] {strides = array<i32>} : memref<2x128x16xf32, #tpu.memory_space<vmem>>, vector<1x1x16xf32>,
        %get3A_340 = vector.shape_cast %get3A_339 : vector<1x1x16xf32> to vector<16xf32>
        %get3A_341 = arith.constant 0 : i32
        %get3A_342 = arith.index_cast %get3A_341 : i32 to index
        %get3A_343 = arith.index_cast %add3A_334 : i32 to index
        %get3A_344 = arith.constant 0 : index
        %get3A_345 = tpu.vector_load %arg13[%get3A_342, %get3A_343, %get3A_344] {strides = array<i32>} : memref<2x128x16xf32, #tpu.memory_space<vmem>>, vector<1x1x16xf32>,
        %get3A_346 = vector.shape_cast %get3A_345 : vector<1x1x16xf32> to vector<16xf32>
        %add3A_347 = arith.addf %get3A_340, %get3A_346 : vector<16xf32>
        %get3A_348 = arith.constant 0 : i32
        %get3A_349 = arith.index_cast %get3A_348 : i32 to index
        %get3A_350 = arith.index_cast %scan3A_263 : i32 to index
        %get3A_351 = arith.constant 32 : index
        %get3A_352 = tpu.vector_load %arg14[%get3A_349, %get3A_350, %get3A_351] {strides = array<i32>} : memref<2x16x128xf32, #tpu.memory_space<vmem>>, vector<1x1x16xf32>,
        %get3A_353 = vector.shape_cast %get3A_352 : vector<1x1x16xf32> to vector<16xf32>
        %add3A_354 = arith.addf %add3A_347, %get3A_353 : vector<16xf32>
        %max3A_355 = arith.constant 0.000000e+00 : f32
        %max3A_356 = vector.broadcast %max3A_355 : f32 to vector<16xf32>
        %max3A_357 = arith.maximumf %add3A_354, %max3A_356 : vector<16xf32>
        %swap3A_358 = arith.constant 0 : i32
        %swap3A_359 = arith.index_cast %swap3A_358 : i32 to index
        %swap3A_360 = arith.index_cast %add3A_334 : i32 to index
        %swap3A_361 = arith.constant 0 : index
        %swap3A_362 = tpu.vector_load %arg15[%swap3A_359, %swap3A_360, %swap3A_361] {strides = array<i32>} : memref<2x128x16xf32, #tpu.memory_space<vmem>>, vector<1x1x16xf32>,
        %swap3A_363 = vector.shape_cast %swap3A_362 : vector<1x1x16xf32> to vector<16xf32>
        %swap3A_364 = vector.shape_cast %max3A_357 : vector<16xf32> to vector<1x1x16xf32>
        tpu.vector_store %arg15[%swap3A_359, %swap3A_360, %swap3A_361], %swap3A_364 {strides = array<i32>} : memref<2x128x16xf32, #tpu.memory_space<vmem>>, vector<1x1x16xf32>,
        %mul3A_365 = arith.constant 8 : i32
        %mul3A_366 = arith.muli %scan3A_263, %mul3A_365 : i32
        %add3A_367 = arith.constant 3 : i32
        %add3A_368 = arith.addi %mul3A_366, %add3A_367 : i32
        %get3A_369 = arith.constant 0 : i32
        %get3A_370 = arith.index_cast %get3A_369 : i32 to index
        %get3A_371 = arith.index_cast %add3A_368 : i32 to index
        %get3A_372 = arith.constant 0 : index
        %get3A_373 = tpu.vector_load %arg12[%get3A_370, %get3A_371, %get3A_372] {strides = array<i32>} : memref<2x128x16xf32, #tpu.memory_space<vmem>>, vector<1x1x16xf32>,
        %get3A_374 = vector.shape_cast %get3A_373 : vector<1x1x16xf32> to vector<16xf32>
        %get3A_375 = arith.constant 0 : i32
        %get3A_376 = arith.index_cast %get3A_375 : i32 to index
        %get3A_377 = arith.index_cast %add3A_368 : i32 to index
        %get3A_378 = arith.constant 0 : index
        %get3A_379 = tpu.vector_load %arg13[%get3A_376, %get3A_377, %get3A_378] {strides = array<i32>} : memref<2x128x16xf32, #tpu.memory_space<vmem>>, vector<1x1x16xf32>,
        %get3A_380 = vector.shape_cast %get3A_379 : vector<1x1x16xf32> to vector<16xf32>
        %add3A_381 = arith.addf %get3A_374, %get3A_380 : vector<16xf32>
        %get3A_382 = arith.constant 0 : i32
        %get3A_383 = arith.index_cast %get3A_382 : i32 to index
        %get3A_384 = arith.index_cast %scan3A_263 : i32 to index
        %get3A_385 = arith.constant 48 : index
        %get3A_386 = tpu.vector_load %arg14[%get3A_383, %get3A_384, %get3A_385] {strides = array<i32>} : memref<2x16x128xf32, #tpu.memory_space<vmem>>, vector<1x1x16xf32>,
        %get3A_387 = vector.shape_cast %get3A_386 : vector<1x1x16xf32> to vector<16xf32>
        %add3A_388 = arith.addf %add3A_381, %get3A_387 : vector<16xf32>
        %max3A_389 = arith.constant 0.000000e+00 : f32
        %max3A_390 = vector.broadcast %max3A_389 : f32 to vector<16xf32>
        %max3A_391 = arith.maximumf %add3A_388, %max3A_390 : vector<16xf32>
        %swap3A_392 = arith.constant 0 : i32
        %swap3A_393 = arith.index_cast %swap3A_392 : i32 to index
        %swap3A_394 = arith.index_cast %add3A_368 : i32 to index
        %swap3A_395 = arith.constant 0 : index
        %swap3A_396 = tpu.vector_load %arg15[%swap3A_393, %swap3A_394, %swap3A_395] {strides = array<i32>} : memref<2x128x16xf32, #tpu.memory_space<vmem>>, vector<1x1x16xf32>,
        %swap3A_397 = vector.shape_cast %swap3A_396 : vector<1x1x16xf32> to vector<16xf32>
        %swap3A_398 = vector.shape_cast %max3A_391 : vector<16xf32> to vector<1x1x16xf32>
        tpu.vector_store %arg15[%swap3A_393, %swap3A_394, %swap3A_395], %swap3A_398 {strides = array<i32>} : memref<2x128x16xf32, #tpu.memory_space<vmem>>, vector<1x1x16xf32>,
        %mul3A_399 = arith.constant 8 : i32
        %mul3A_400 = arith.muli %scan3A_263, %mul3A_399 : i32
        %add3A_401 = arith.constant 4 : i32
        %add3A_402 = arith.addi %mul3A_400, %add3A_401 : i32
        %get3A_403 = arith.constant 0 : i32
        %get3A_404 = arith.index_cast %get3A_403 : i32 to index
        %get3A_405 = arith.index_cast %add3A_402 : i32 to index
        %get3A_406 = arith.constant 0 : index
        %get3A_407 = tpu.vector_load %arg12[%get3A_404, %get3A_405, %get3A_406] {strides = array<i32>} : memref<2x128x16xf32, #tpu.memory_space<vmem>>, vector<1x1x16xf32>,
        %get3A_408 = vector.shape_cast %get3A_407 : vector<1x1x16xf32> to vector<16xf32>
        %get3A_409 = arith.constant 0 : i32
        %get3A_410 = arith.index_cast %get3A_409 : i32 to index
        %get3A_411 = arith.index_cast %add3A_402 : i32 to index
        %get3A_412 = arith.constant 0 : index
        %get3A_413 = tpu.vector_load %arg13[%get3A_410, %get3A_411, %get3A_412] {strides = array<i32>} : memref<2x128x16xf32, #tpu.memory_space<vmem>>, vector<1x1x16xf32>,
        %get3A_414 = vector.shape_cast %get3A_413 : vector<1x1x16xf32> to vector<16xf32>
        %add3A_415 = arith.addf %get3A_408, %get3A_414 : vector<16xf32>
        %get3A_416 = arith.constant 0 : i32
        %get3A_417 = arith.index_cast %get3A_416 : i32 to index
        %get3A_418 = arith.index_cast %scan3A_263 : i32 to index
        %get3A_419 = arith.constant 64 : index
        %get3A_420 = tpu.vector_load %arg14[%get3A_417, %get3A_418, %get3A_419] {strides = array<i32>} : memref<2x16x128xf32, #tpu.memory_space<vmem>>, vector<1x1x16xf32>,
        %get3A_421 = vector.shape_cast %get3A_420 : vector<1x1x16xf32> to vector<16xf32>
        %add3A_422 = arith.addf %add3A_415, %get3A_421 : vector<16xf32>
        %max3A_423 = arith.constant 0.000000e+00 : f32
        %max3A_424 = vector.broadcast %max3A_423 : f32 to vector<16xf32>
        %max3A_425 = arith.maximumf %add3A_422, %max3A_424 : vector<16xf32>
        %swap3A_426 = arith.constant 0 : i32
        %swap3A_427 = arith.index_cast %swap3A_426 : i32 to index
        %swap3A_428 = arith.index_cast %add3A_402 : i32 to index
        %swap3A_429 = arith.constant 0 : index
        %swap3A_430 = tpu.vector_load %arg15[%swap3A_427, %swap3A_428, %swap3A_429] {strides = array<i32>} : memref<2x128x16xf32, #tpu.memory_space<vmem>>, vector<1x1x16xf32>,
        %swap3A_431 = vector.shape_cast %swap3A_430 : vector<1x1x16xf32> to vector<16xf32>
        %swap3A_432 = vector.shape_cast %max3A_425 : vector<16xf32> to vector<1x1x16xf32>
        tpu.vector_store %arg15[%swap3A_427, %swap3A_428, %swap3A_429], %swap3A_432 {strides = array<i32>} : memref<2x128x16xf32, #tpu.memory_space<vmem>>, vector<1x1x16xf32>,
        %mul3A_433 = arith.constant 8 : i32
        %mul3A_434 = arith.muli %scan3A_263, %mul3A_433 : i32
        %add3A_435 = arith.constant 5 : i32
        %add3A_436 = arith.addi %mul3A_434, %add3A_435 : i32
        %get3A_437 = arith.constant 0 : i32
        %get3A_438 = arith.index_cast %get3A_437 : i32 to index
        %get3A_439 = arith.index_cast %add3A_436 : i32 to index
        %get3A_440 = arith.constant 0 : index
        %get3A_441 = tpu.vector_load %arg12[%get3A_438, %get3A_439, %get3A_440] {strides = array<i32>} : memref<2x128x16xf32, #tpu.memory_space<vmem>>, vector<1x1x16xf32>,
        %get3A_442 = vector.shape_cast %get3A_441 : vector<1x1x16xf32> to vector<16xf32>
        %get3A_443 = arith.constant 0 : i32
        %get3A_444 = arith.index_cast %get3A_443 : i32 to index
        %get3A_445 = arith.index_cast %add3A_436 : i32 to index
        %get3A_446 = arith.constant 0 : index
        %get3A_447 = tpu.vector_load %arg13[%get3A_444, %get3A_445, %get3A_446] {strides = array<i32>} : memref<2x128x16xf32, #tpu.memory_space<vmem>>, vector<1x1x16xf32>,
        %get3A_448 = vector.shape_cast %get3A_447 : vector<1x1x16xf32> to vector<16xf32>
        %add3A_449 = arith.addf %get3A_442, %get3A_448 : vector<16xf32>
        %get3A_450 = arith.constant 0 : i32
        %get3A_451 = arith.index_cast %get3A_450 : i32 to index
        %get3A_452 = arith.index_cast %scan3A_263 : i32 to index
        %get3A_453 = arith.constant 80 : index
        %get3A_454 = tpu.vector_load %arg14[%get3A_451, %get3A_452, %get3A_453] {strides = array<i32>} : memref<2x16x128xf32, #tpu.memory_space<vmem>>, vector<1x1x16xf32>,
        %get3A_455 = vector.shape_cast %get3A_454 : vector<1x1x16xf32> to vector<16xf32>
        %add3A_456 = arith.addf %add3A_449, %get3A_455 : vector<16xf32>
        %max3A_457 = arith.constant 0.000000e+00 : f32
        %max3A_458 = vector.broadcast %max3A_457 : f32 to vector<16xf32>
        %max3A_459 = arith.maximumf %add3A_456, %max3A_458 : vector<16xf32>
        %swap3A_460 = arith.constant 0 : i32
        %swap3A_461 = arith.index_cast %swap3A_460 : i32 to index
        %swap3A_462 = arith.index_cast %add3A_436 : i32 to index
        %swap3A_463 = arith.constant 0 : index
        %swap3A_464 = tpu.vector_load %arg15[%swap3A_461, %swap3A_462, %swap3A_463] {strides = array<i32>} : memref<2x128x16xf32, #tpu.memory_space<vmem>>, vector<1x1x16xf32>,
        %swap3A_465 = vector.shape_cast %swap3A_464 : vector<1x1x16xf32> to vector<16xf32>
        %swap3A_466 = vector.shape_cast %max3A_459 : vector<16xf32> to vector<1x1x16xf32>
        tpu.vector_store %arg15[%swap3A_461, %swap3A_462, %swap3A_463], %swap3A_466 {strides = array<i32>} : memref<2x128x16xf32, #tpu.memory_space<vmem>>, vector<1x1x16xf32>,
        %mul3A_467 = arith.constant 8 : i32
        %mul3A_468 = arith.muli %scan3A_263, %mul3A_467 : i32
        %add3A_469 = arith.constant 6 : i32
        %add3A_470 = arith.addi %mul3A_468, %add3A_469 : i32
        %get3A_471 = arith.constant 0 : i32
        %get3A_472 = arith.index_cast %get3A_471 : i32 to index
        %get3A_473 = arith.index_cast %add3A_470 : i32 to index
        %get3A_474 = arith.constant 0 : index
        %get3A_475 = tpu.vector_load %arg12[%get3A_472, %get3A_473, %get3A_474] {strides = array<i32>} : memref<2x128x16xf32, #tpu.memory_space<vmem>>, vector<1x1x16xf32>,
        %get3A_476 = vector.shape_cast %get3A_475 : vector<1x1x16xf32> to vector<16xf32>
        %get3A_477 = arith.constant 0 : i32
        %get3A_478 = arith.index_cast %get3A_477 : i32 to index
        %get3A_479 = arith.index_cast %add3A_470 : i32 to index
        %get3A_480 = arith.constant 0 : index
        %get3A_481 = tpu.vector_load %arg13[%get3A_478, %get3A_479, %get3A_480] {strides = array<i32>} : memref<2x128x16xf32, #tpu.memory_space<vmem>>, vector<1x1x16xf32>,
        %get3A_482 = vector.shape_cast %get3A_481 : vector<1x1x16xf32> to vector<16xf32>
        %add3A_483 = arith.addf %get3A_476, %get3A_482 : vector<16xf32>
        %get3A_484 = arith.constant 0 : i32
        %get3A_485 = arith.index_cast %get3A_484 : i32 to index
        %get3A_486 = arith.index_cast %scan3A_263 : i32 to index
        %get3A_487 = arith.constant 96 : index
        %get3A_488 = tpu.vector_load %arg14[%get3A_485, %get3A_486, %get3A_487] {strides = array<i32>} : memref<2x16x128xf32, #tpu.memory_space<vmem>>, vector<1x1x16xf32>,
        %get3A_489 = vector.shape_cast %get3A_488 : vector<1x1x16xf32> to vector<16xf32>
        %add3A_490 = arith.addf %add3A_483, %get3A_489 : vector<16xf32>
        %max3A_491 = arith.constant 0.000000e+00 : f32
        %max3A_492 = vector.broadcast %max3A_491 : f32 to vector<16xf32>
        %max3A_493 = arith.maximumf %add3A_490, %max3A_492 : vector<16xf32>
        %swap3A_494 = arith.constant 0 : i32
        %swap3A_495 = arith.index_cast %swap3A_494 : i32 to index
        %swap3A_496 = arith.index_cast %add3A_470 : i32 to index
        %swap3A_497 = arith.constant 0 : index
        %swap3A_498 = tpu.vector_load %arg15[%swap3A_495, %swap3A_496, %swap3A_497] {strides = array<i32>} : memref<2x128x16xf32, #tpu.memory_space<vmem>>, vector<1x1x16xf32>,
        %swap3A_499 = vector.shape_cast %swap3A_498 : vector<1x1x16xf32> to vector<16xf32>
        %swap3A_500 = vector.shape_cast %max3A_493 : vector<16xf32> to vector<1x1x16xf32>
        tpu.vector_store %arg15[%swap3A_495, %swap3A_496, %swap3A_497], %swap3A_500 {strides = array<i32>} : memref<2x128x16xf32, #tpu.memory_space<vmem>>, vector<1x1x16xf32>,
        %mul3A_501 = arith.constant 8 : i32
        %mul3A_502 = arith.muli %scan3A_263, %mul3A_501 : i32
        %add3A_503 = arith.constant 7 : i32
        %add3A_504 = arith.addi %mul3A_502, %add3A_503 : i32
        %get3A_505 = arith.constant 0 : i32
        %get3A_506 = arith.index_cast %get3A_505 : i32 to index
        %get3A_507 = arith.index_cast %add3A_504 : i32 to index
        %get3A_508 = arith.constant 0 : index
        %get3A_509 = tpu.vector_load %arg12[%get3A_506, %get3A_507, %get3A_508] {strides = array<i32>} : memref<2x128x16xf32, #tpu.memory_space<vmem>>, vector<1x1x16xf32>,
        %get3A_510 = vector.shape_cast %get3A_509 : vector<1x1x16xf32> to vector<16xf32>
        %get3A_511 = arith.constant 0 : i32
        %get3A_512 = arith.index_cast %get3A_511 : i32 to index
        %get3A_513 = arith.index_cast %add3A_504 : i32 to index
        %get3A_514 = arith.constant 0 : index
        %get3A_515 = tpu.vector_load %arg13[%get3A_512, %get3A_513, %get3A_514] {strides = array<i32>} : memref<2x128x16xf32, #tpu.memory_space<vmem>>, vector<1x1x16xf32>,
        %get3A_516 = vector.shape_cast %get3A_515 : vector<1x1x16xf32> to vector<16xf32>
        %add3A_517 = arith.addf %get3A_510, %get3A_516 : vector<16xf32>
        %get3A_518 = arith.constant 0 : i32
        %get3A_519 = arith.index_cast %get3A_518 : i32 to index
        %get3A_520 = arith.index_cast %scan3A_263 : i32 to index
        %get3A_521 = arith.constant 112 : index
        %get3A_522 = tpu.vector_load %arg14[%get3A_519, %get3A_520, %get3A_521] {strides = array<i32>} : memref<2x16x128xf32, #tpu.memory_space<vmem>>, vector<1x1x16xf32>,
        %get3A_523 = vector.shape_cast %get3A_522 : vector<1x1x16xf32> to vector<16xf32>
        %add3A_524 = arith.addf %add3A_517, %get3A_523 : vector<16xf32>
        %max3A_525 = arith.constant 0.000000e+00 : f32
        %max3A_526 = vector.broadcast %max3A_525 : f32 to vector<16xf32>
        %max3A_527 = arith.maximumf %add3A_524, %max3A_526 : vector<16xf32>
        %swap3A_528 = arith.constant 0 : i32
        %swap3A_529 = arith.index_cast %swap3A_528 : i32 to index
        %swap3A_530 = arith.index_cast %add3A_504 : i32 to index
        %swap3A_531 = arith.constant 0 : index
        %swap3A_532 = tpu.vector_load %arg15[%swap3A_529, %swap3A_530, %swap3A_531] {strides = array<i32>} : memref<2x128x16xf32, #tpu.memory_space<vmem>>, vector<1x1x16xf32>,
        %swap3A_533 = vector.shape_cast %swap3A_532 : vector<1x1x16xf32> to vector<16xf32>
        %swap3A_534 = vector.shape_cast %max3A_527 : vector<16xf32> to vector<1x1x16xf32>
        tpu.vector_store %arg15[%swap3A_529, %swap3A_530, %swap3A_531], %swap3A_534 {strides = array<i32>} : memref<2x128x16xf32, #tpu.memory_space<vmem>>, vector<1x1x16xf32>,
        %scan3A_535 = arith.constant 0 : i32
        scf.yield %scan3A_535 : i32
      }
      %scan3A_246 = arith.constant 16 : i32
      %run_scoped3A = arith.constant 0 : i32
      %run_scoped3A_247 = arith.constant 78 : i32
      "tpu.region"() ({
        %run_scoped3A_263 = tpu.sem_alloc : memref<!tpu.dma_semaphore, #tpu.memory_space<semaphore_mem>>
        %dma_start3A_264 = arith.constant 0 : i32
        %dma_start3A_265 = arith.constant 0 : i32
        %dma_start3A_266 = tpu.memref_slice %arg15[%run_scoped3A, %dma_start3A_264, %dma_start3A_265] : memref<2x128x16xf32, #tpu.memory_space<vmem>> -> memref<1x128x16xf32, #tpu.memory_space<vmem>>
        %dma_start3A_267 = tpu.memref_squeeze %dma_start3A_266 : memref<1x128x16xf32, #tpu.memory_space<vmem>> -> memref<128x16xf32, #tpu.memory_space<vmem>>
        %dma_start3A_268 = arith.constant 0 : i32
        %dma_start3A_269 = tpu.memref_slice %arg11[%run_scoped3A_247, %dma_start3A_268] : memref<80x128xi32, #tpu.memory_space<vmem>> -> memref<1x128xi32, #tpu.memory_space<vmem>>
        %dma_start3A_270 = tpu.memref_squeeze %dma_start3A_269 : memref<1x128xi32, #tpu.memory_space<vmem>> -> memref<128xi32, #tpu.memory_space<vmem>>
        %dma_start3A_271 = arith.constant 0 : i32
        %dma_start3A_272 = arith.constant 0 : i32
        %dma_start3A_273 = tpu.memref_slice %arg17[%dma_start3A_271, %dma_start3A_272] : memref<10240x16xf32, #tpu.memory_space<vmem_shared>> -> memref<10240x16xf32, #tpu.memory_space<vmem_shared>>
        tpu.enqueue_indirect_dma source(%dma_start3A_267 : memref<128x16xf32, #tpu.memory_space<vmem>>) target(%dma_start3A_273 : memref<10240x16xf32, #tpu.memory_space<vmem_shared>>) offsets(%dma_start3A_270 : memref<128xi32, #tpu.memory_space<vmem>>) semaphore(%run_scoped3A_263 : memref<!tpu.dma_semaphore, #tpu.memory_space<semaphore_mem>>) {add = true}
        %dma_wait3A_274 = arith.constant 0 : i32
        %dma_wait3A_275 = arith.constant 0 : i32
        %dma_wait3A_276 = tpu.memref_slice %arg15[%run_scoped3A, %dma_wait3A_274, %dma_wait3A_275] : memref<2x128x16xf32, #tpu.memory_space<vmem>> -> memref<1x128x16xf32, #tpu.memory_space<vmem>>
        %dma_wait3A_277 = tpu.memref_squeeze %dma_wait3A_276 : memref<1x128x16xf32, #tpu.memory_space<vmem>> -> memref<128x16xf32, #tpu.memory_space<vmem>>
        %dma_wait3A_278 = arith.constant 0 : i32
        %dma_wait3A_279 = tpu.memref_slice %arg11[%run_scoped3A_247, %dma_wait3A_278] : memref<80x128xi32, #tpu.memory_space<vmem>> -> memref<1x128xi32, #tpu.memory_space<vmem>>
        %dma_wait3A_280 = tpu.memref_squeeze %dma_wait3A_279 : memref<1x128xi32, #tpu.memory_space<vmem>> -> memref<128xi32, #tpu.memory_space<vmem>>
        %dma_wait3A_281 = arith.constant 0 : i32
        %dma_wait3A_282 = arith.constant 0 : i32
        %dma_wait3A_283 = tpu.memref_slice %arg17[%dma_wait3A_281, %dma_wait3A_282] : memref<10240x16xf32, #tpu.memory_space<vmem_shared>> -> memref<10240x16xf32, #tpu.memory_space<vmem_shared>>
        tpu.wait_indirect_dma semaphore(%run_scoped3A_263 : memref<!tpu.dma_semaphore, #tpu.memory_space<semaphore_mem>>) src(%dma_wait3A_277 : memref<128x16xf32, #tpu.memory_space<vmem>>) dst(%dma_wait3A_283 : memref<10240x16xf32, #tpu.memory_space<vmem_shared>>)
        tpu.yield
      }) : () -> ()
      %mul3A_248 = arith.constant 128 : i32
      %mul3A_249 = arith.muli %add3A_224, %mul3A_248 : i32
      %dma_start3A_250 = arith.constant 0 : i32
      %dma_start3A_251 = arith.constant 0 : i32
      %dma_start3A_252 = arith.constant 0 : i32
      %dma_start3A_253 = tpu.memref_slice %arg15[%dma_start3A_250, %dma_start3A_251, %dma_start3A_252] : memref<2x128x16xf32, #tpu.memory_space<vmem>> -> memref<1x128x16xf32, #tpu.memory_space<vmem>>
      %dma_start3A_254 = tpu.memref_squeeze %dma_start3A_253 : memref<1x128x16xf32, #tpu.memory_space<vmem>> -> memref<128x16xf32, #tpu.memory_space<vmem>>
      %dma_start3A_255 = arith.constant 0 : i32
      %dma_start3A_256 = tpu.memref_slice %arg7[%mul3A_249, %dma_start3A_255] : memref<320000x16xf32, #tpu.memory_space<hbm>> -> memref<128x16xf32, #tpu.memory_space<hbm>>
      %dma_start3A_257 = arith.constant 0 : i32
      %dma_start3A_258 = tpu.memref_slice %arg7[%mul3A_249, %dma_start3A_257] : memref<320000x16xf32, #tpu.memory_space<hbm>> -> memref<128x16xf32, #tpu.memory_space<hbm>>
      %dma_start3A_259 = arith.constant 0 : i32
      %dma_start3A_260 = arith.constant 0 : i32
      %dma_start3A_261 = tpu.memref_slice %arg15[%dma_start3A_250, %dma_start3A_259, %dma_start3A_260] : memref<2x128x16xf32, #tpu.memory_space<vmem>> -> memref<1x128x16xf32, #tpu.memory_space<vmem>>
      %dma_start3A_262 = tpu.memref_squeeze %dma_start3A_261 : memref<1x128x16xf32, #tpu.memory_space<vmem>> -> memref<128x16xf32, #tpu.memory_space<vmem>>
      tpu.enqueue_dma source(%dma_start3A_262 : memref<128x16xf32, #tpu.memory_space<vmem>>) target(%dma_start3A_258 : memref<128x16xf32, #tpu.memory_space<hbm>>) target_semaphore(%arg20 : memref<!tpu.dma_semaphore, #tpu.memory_space<semaphore_mem>>)
    } else {
    }
    %dma_wait3A_188 = arith.constant 0 : i32
    %dma_wait3A_189 = arith.constant 0 : i32
    %dma_wait3A_190 = arith.constant 0 : i32
    %dma_wait3A_191 = tpu.memref_slice %arg15[%dma_wait3A_188, %dma_wait3A_189, %dma_wait3A_190] : memref<2x128x16xf32, #tpu.memory_space<vmem>> -> memref<1x128x16xf32, #tpu.memory_space<vmem>>
    %dma_wait3A_192 = tpu.memref_squeeze %dma_wait3A_191 : memref<1x128x16xf32, #tpu.memory_space<vmem>> -> memref<128x16xf32, #tpu.memory_space<vmem>>
    %dma_wait3A_193 = arith.constant 0 : i32
    %dma_wait3A_194 = arith.constant 0 : i32
    %dma_wait3A_195 = tpu.memref_slice %arg7[%dma_wait3A_193, %dma_wait3A_194] : memref<320000x16xf32, #tpu.memory_space<hbm>> -> memref<128x16xf32, #tpu.memory_space<hbm>>
    %dma_wait3A_196 = arith.constant 0 : i32
    %dma_wait3A_197 = arith.constant 0 : i32
    %dma_wait3A_198 = tpu.memref_slice %arg15[%dma_wait3A_188, %dma_wait3A_196, %dma_wait3A_197] : memref<2x128x16xf32, #tpu.memory_space<vmem>> -> memref<1x128x16xf32, #tpu.memory_space<vmem>>
    %dma_wait3A_199 = tpu.memref_squeeze %dma_wait3A_198 : memref<1x128x16xf32, #tpu.memory_space<vmem>> -> memref<128x16xf32, #tpu.memory_space<vmem>>
    %dma_wait3A_200 = arith.constant 0 : i32
    %dma_wait3A_201 = arith.constant 0 : i32
    %dma_wait3A_202 = tpu.memref_slice %arg7[%dma_wait3A_200, %dma_wait3A_201] : memref<320000x16xf32, #tpu.memory_space<hbm>> -> memref<128x16xf32, #tpu.memory_space<hbm>>
    tpu.wait_dma2 semaphore(%arg20 : memref<!tpu.dma_semaphore, #tpu.memory_space<semaphore_mem>>) src(%dma_wait3A_202 : memref<128x16xf32, #tpu.memory_space<hbm>>) dst(%dma_wait3A_199 : memref<128x16xf32, #tpu.memory_space<vmem>>)
    %dma_wait3A_203 = arith.constant 1 : i32
    %dma_wait3A_204 = arith.constant 0 : i32
    %dma_wait3A_205 = arith.constant 0 : i32
    %dma_wait3A_206 = tpu.memref_slice %arg15[%dma_wait3A_203, %dma_wait3A_204, %dma_wait3A_205] : memref<2x128x16xf32, #tpu.memory_space<vmem>> -> memref<1x128x16xf32, #tpu.memory_space<vmem>>
    %dma_wait3A_207 = tpu.memref_squeeze %dma_wait3A_206 : memref<1x128x16xf32, #tpu.memory_space<vmem>> -> memref<128x16xf32, #tpu.memory_space<vmem>>
    %dma_wait3A_208 = arith.constant 0 : i32
    %dma_wait3A_209 = arith.constant 0 : i32
    %dma_wait3A_210 = tpu.memref_slice %arg7[%dma_wait3A_208, %dma_wait3A_209] : memref<320000x16xf32, #tpu.memory_space<hbm>> -> memref<128x16xf32, #tpu.memory_space<hbm>>
    %dma_wait3A_211 = arith.constant 0 : i32
    %dma_wait3A_212 = arith.constant 0 : i32
    %dma_wait3A_213 = tpu.memref_slice %arg15[%dma_wait3A_203, %dma_wait3A_211, %dma_wait3A_212] : memref<2x128x16xf32, #tpu.memory_space<vmem>> -> memref<1x128x16xf32, #tpu.memory_space<vmem>>
    %dma_wait3A_214 = tpu.memref_squeeze %dma_wait3A_213 : memref<1x128x16xf32, #tpu.memory_space<vmem>> -> memref<128x16xf32, #tpu.memory_space<vmem>>
    %dma_wait3A_215 = arith.constant 0 : i32
    %dma_wait3A_216 = arith.constant 0 : i32
    %dma_wait3A_217 = tpu.memref_slice %arg7[%dma_wait3A_215, %dma_wait3A_216] : memref<320000x16xf32, #tpu.memory_space<hbm>> -> memref<128x16xf32, #tpu.memory_space<hbm>>
    tpu.wait_dma2 semaphore(%arg21 : memref<!tpu.dma_semaphore, #tpu.memory_space<semaphore_mem>>) src(%dma_wait3A_217 : memref<128x16xf32, #tpu.memory_space<hbm>>) dst(%dma_wait3A_214 : memref<128x16xf32, #tpu.memory_space<vmem>>)
    %barrier3A_218 = arith.constant 0 : index
    tpu.barrier barrier_id(%barrier3A_218)
    %mul3A_219 = arith.constant 640 : i32
    %mul3A_220 = arith.muli %arg1, %mul3A_219 : i32
    %mul3A_221 = arith.constant 640 : i32
    %mul3A_222 = arith.muli %arg1, %mul3A_221 : i32
    "tpu.region"() ({
      %run_scoped3A = tpu.sem_alloc : memref<!tpu.dma_semaphore, #tpu.memory_space<semaphore_mem>>
      %dma_start3A_223 = arith.constant 0 : i32
      %dma_start3A_224 = tpu.memref_slice %arg8[%arg0, %mul3A_222, %dma_start3A_223] : memref<2x10240x16xf32, #tpu.memory_space<hbm>> -> memref<1x640x16xf32, #tpu.memory_space<hbm>>
      %dma_start3A_225 = tpu.memref_squeeze %dma_start3A_224 : memref<1x640x16xf32, #tpu.memory_space<hbm>> -> memref<640x16xf32, #tpu.memory_space<hbm>>
      %dma_start3A_226 = arith.constant 0 : i32
      %dma_start3A_227 = tpu.memref_slice %arg17[%mul3A_220, %dma_start3A_226] : memref<10240x16xf32, #tpu.memory_space<vmem_shared>> -> memref<640x16xf32, #tpu.memory_space<vmem_shared>>
      tpu.enqueue_dma source(%dma_start3A_227 : memref<640x16xf32, #tpu.memory_space<vmem_shared>>) target(%dma_start3A_225 : memref<640x16xf32, #tpu.memory_space<hbm>>) target_semaphore(%run_scoped3A : memref<!tpu.dma_semaphore, #tpu.memory_space<semaphore_mem>>)
      %dma_wait3A_228 = arith.constant 0 : i32
      %dma_wait3A_229 = tpu.memref_slice %arg8[%arg0, %mul3A_222, %dma_wait3A_228] : memref<2x10240x16xf32, #tpu.memory_space<hbm>> -> memref<1x640x16xf32, #tpu.memory_space<hbm>>
      %dma_wait3A_230 = tpu.memref_squeeze %dma_wait3A_229 : memref<1x640x16xf32, #tpu.memory_space<hbm>> -> memref<640x16xf32, #tpu.memory_space<hbm>>
      %dma_wait3A_231 = arith.constant 0 : i32
      %dma_wait3A_232 = tpu.memref_slice %arg17[%mul3A_220, %dma_wait3A_231] : memref<10240x16xf32, #tpu.memory_space<vmem_shared>> -> memref<640x16xf32, #tpu.memory_space<vmem_shared>>
      tpu.wait_dma2 semaphore(%run_scoped3A : memref<!tpu.dma_semaphore, #tpu.memory_space<semaphore_mem>>) src(%dma_wait3A_232 : memref<640x16xf32, #tpu.memory_space<vmem_shared>>) dst(%dma_wait3A_230 : memref<640x16xf32, #tpu.memory_space<hbm>>)
      tpu.yield
    }) : () -> ()
    return
  }
}

#map = affine_map<(d0, d1) -> (0, 0)>
#map1 = affine_map<(d0, d1) -> (0, 0, 0)>
module attributes {stable_mosaic.version = 14 : i64} {
  func.func @_sc_edge_body(%arg0: i32, %arg1: i32, %arg2: memref<10000x16xf32, #tpu.memory_space<hbm>>, %arg3: memref<10000x16xf32, #tpu.memory_space<hbm>>, %arg4: memref<40000x128xf32, #tpu.memory_space<hbm>>, %arg5: memref<2500x128xi32, #tpu.memory_space<hbm>>, %arg6: memref<2500x128xi32, #tpu.memory_space<hbm>>, %arg7: memref<320000x16xf32, #tpu.memory_space<hbm>>, %arg8: memref<2x10240x16xf32, #tpu.memory_space<hbm>>, %arg9: memref<80xi32, #tpu.memory_space<vmem>>, %arg10: memref<80x128xi32, #tpu.memory_space<vmem>>, %arg11: memref<80x128xi32, #tpu.memory_space<vmem>>, %arg12: memref<2x128x16xf32, #tpu.memory_space<vmem>>, %arg13: memref<2x128x16xf32, #tpu.memory_space<vmem>>, %arg14: memref<2x16x128xf32, #tpu.memory_space<vmem>>, %arg15: memref<2x128x16xf32, #tpu.memory_space<vmem>>, %arg16: memref<640x16xf32, #tpu.memory_space<vmem>>, %arg17: memref<10240x16xf32, #tpu.memory_space<vmem_shared>>, %arg18: memref<!tpu.dma_semaphore, #tpu.memory_space<semaphore_mem>>, %arg19: memref<!tpu.dma_semaphore, #tpu.memory_space<semaphore_mem>>, %arg20: memref<!tpu.dma_semaphore, #tpu.memory_space<semaphore_mem>>, %arg21: memref<!tpu.dma_semaphore, #tpu.memory_space<semaphore_mem>>) attributes {dimension_semantics = [#tpu.dimension_semantics<core_parallel>, #tpu.dimension_semantics<subcore_parallel>], iteration_bounds = array<i64: 2, 16>, scalar_prefetch = 0 : i64, scratch_operands = 13 : i64, tpu.core_type = #tpu.core_type<sc_vector_subcore>, window_params = [{transform_indices = #map}, {transform_indices = #map}, {transform_indices = #map}, {transform_indices = #map}, {transform_indices = #map}, {transform_indices = #map}, {transform_indices = #map1}]} {
    %mul3A = arith.constant 2 : i32
    %mul3A_0 = arith.muli %arg1, %mul3A : i32
    %add3A = arith.addi %mul3A_0, %arg0 : i32
    %scan3A = arith.constant 0 : i32
    %scan3A_1 = arith.constant 0 : i32
    %scan3A_2 = arith.constant 640 : i32
    %scan3A_3 = arith.addi %scan3A_1, %scan3A_2 : i32
    %scan3A_4 = arith.constant 1 : i32
    %scan3A_5 = scf.for %scan3A_223 = %scan3A_1 to %scan3A_3 step %scan3A_4 iter_args(%scan3A_224 = %scan3A) -> (i32)  : i32 {
      %broadcast_in_dim3A = arith.constant 0.000000e+00 : f32
      %broadcast_in_dim3A_225 = vector.broadcast %broadcast_in_dim3A : f32 to vector<16xf32>
      %swap3A_226 = arith.index_cast %scan3A_223 : i32 to index
      %swap3A_227 = arith.constant 0 : index
      %swap3A_228 = tpu.vector_load %arg16[%swap3A_226, %swap3A_227] {strides = array<i32>} : memref<640x16xf32, #tpu.memory_space<vmem>>, vector<1x16xf32>,
      %swap3A_229 = vector.shape_cast %swap3A_228 : vector<1x16xf32> to vector<16xf32>
      %swap3A_230 = vector.shape_cast %broadcast_in_dim3A_225 : vector<16xf32> to vector<1x16xf32>
      tpu.vector_store %arg16[%swap3A_226, %swap3A_227], %swap3A_230 {strides = array<i32>} : memref<640x16xf32, #tpu.memory_space<vmem>>, vector<1x16xf32>,
      %scan3A_231 = arith.constant 0 : i32
      scf.yield %scan3A_231 : i32
    }
    %scan3A_6 = arith.constant 640 : i32
    %mul3A_7 = arith.constant 640 : i32
    %mul3A_8 = arith.muli %arg1, %mul3A_7 : i32
    "tpu.region"() ({
      %run_scoped3A = tpu.sem_alloc : memref<!tpu.dma_semaphore, #tpu.memory_space<semaphore_mem>>
      %dma_start3A_223 = arith.constant 0 : i32
      %dma_start3A_224 = tpu.memref_slice %arg17[%mul3A_8, %dma_start3A_223] : memref<10240x16xf32, #tpu.memory_space<vmem_shared>> -> memref<640x16xf32, #tpu.memory_space<vmem_shared>>
      %dma_start3A_225 = arith.constant 0 : i32
      %dma_start3A_226 = tpu.memref_slice %arg17[%mul3A_8, %dma_start3A_225] : memref<10240x16xf32, #tpu.memory_space<vmem_shared>> -> memref<640x16xf32, #tpu.memory_space<vmem_shared>>
      tpu.enqueue_dma source(%arg16 : memref<640x16xf32, #tpu.memory_space<vmem>>) target(%dma_start3A_226 : memref<640x16xf32, #tpu.memory_space<vmem_shared>>) target_semaphore(%run_scoped3A : memref<!tpu.dma_semaphore, #tpu.memory_space<semaphore_mem>>)
      %dma_wait3A_227 = arith.constant 0 : i32
      %dma_wait3A_228 = tpu.memref_slice %arg17[%mul3A_8, %dma_wait3A_227] : memref<10240x16xf32, #tpu.memory_space<vmem_shared>> -> memref<640x16xf32, #tpu.memory_space<vmem_shared>>
      %dma_wait3A_229 = arith.constant 0 : i32
      %dma_wait3A_230 = tpu.memref_slice %arg17[%mul3A_8, %dma_wait3A_229] : memref<10240x16xf32, #tpu.memory_space<vmem_shared>> -> memref<640x16xf32, #tpu.memory_space<vmem_shared>>
      tpu.wait_dma2 semaphore(%run_scoped3A : memref<!tpu.dma_semaphore, #tpu.memory_space<semaphore_mem>>) src(%arg16 : memref<640x16xf32, #tpu.memory_space<vmem>>) dst(%dma_wait3A_230 : memref<640x16xf32, #tpu.memory_space<vmem_shared>>)
      tpu.yield
    }) : () -> ()
    %barrier3A = arith.constant 0 : index
    tpu.barrier barrier_id(%barrier3A)
    %iota3A = tpu.iota {dimensions = array<i32: 0>} : vector<16xi32>
    %mul3A_9 = arith.constant 32 : i32
    %mul3A_10 = vector.broadcast %mul3A_9 : i32 to vector<16xi32>
    %mul3A_11 = arith.muli %iota3A, %mul3A_10 : vector<16xi32>
    %add3A_12 = arith.constant 0 : i32
    %add3A_13 = vector.broadcast %add3A_12 : i32 to vector<16xi32>
    %add3A_14 = arith.addi %mul3A_11, %add3A_13 : vector<16xi32>
    %add3A_15 = vector.broadcast %add3A : i32 to vector<16xi32>
    %add3A_16 = arith.addi %add3A_14, %add3A_15 : vector<16xi32>
    %min3A = arith.constant 2499 : i32
    %min3A_17 = vector.broadcast %min3A : i32 to vector<16xi32>
    %min3A_18 = arith.minsi %add3A_16, %min3A_17 : vector<16xi32>
    %swap3A = arith.constant 0 : index
    %swap3A_19 = tpu.vector_load %arg9[%swap3A] {strides = array<i32>} : memref<80xi32, #tpu.memory_space<vmem>>, vector<16xi32>,
    %swap3A_20 = vector.shape_cast %swap3A_19 : vector<16xi32> to vector<16xi32>
    %swap3A_21 = vector.shape_cast %min3A_18 : vector<16xi32> to vector<16xi32>
    tpu.vector_store %arg9[%swap3A], %swap3A_21 {strides = array<i32>} : memref<80xi32, #tpu.memory_space<vmem>>, vector<16xi32>,
    %iota3A_22 = tpu.iota {dimensions = array<i32: 0>} : vector<16xi32>
    %mul3A_23 = arith.constant 32 : i32
    %mul3A_24 = vector.broadcast %mul3A_23 : i32 to vector<16xi32>
    %mul3A_25 = arith.muli %iota3A_22, %mul3A_24 : vector<16xi32>
    %add3A_26 = arith.constant 512 : i32
    %add3A_27 = vector.broadcast %add3A_26 : i32 to vector<16xi32>
    %add3A_28 = arith.addi %mul3A_25, %add3A_27 : vector<16xi32>
    %add3A_29 = vector.broadcast %add3A : i32 to vector<16xi32>
    %add3A_30 = arith.addi %add3A_28, %add3A_29 : vector<16xi32>
    %min3A_31 = arith.constant 2499 : i32
    %min3A_32 = vector.broadcast %min3A_31 : i32 to vector<16xi32>
    %min3A_33 = arith.minsi %add3A_30, %min3A_32 : vector<16xi32>
    %swap3A_34 = arith.constant 16 : index
    %swap3A_35 = tpu.vector_load %arg9[%swap3A_34] {strides = array<i32>} : memref<80xi32, #tpu.memory_space<vmem>>, vector<16xi32>,
    %swap3A_36 = vector.shape_cast %swap3A_35 : vector<16xi32> to vector<16xi32>
    %swap3A_37 = vector.shape_cast %min3A_33 : vector<16xi32> to vector<16xi32>
    tpu.vector_store %arg9[%swap3A_34], %swap3A_37 {strides = array<i32>} : memref<80xi32, #tpu.memory_space<vmem>>, vector<16xi32>,
    %iota3A_38 = tpu.iota {dimensions = array<i32: 0>} : vector<16xi32>
    %mul3A_39 = arith.constant 32 : i32
    %mul3A_40 = vector.broadcast %mul3A_39 : i32 to vector<16xi32>
    %mul3A_41 = arith.muli %iota3A_38, %mul3A_40 : vector<16xi32>
    %add3A_42 = arith.constant 1024 : i32
    %add3A_43 = vector.broadcast %add3A_42 : i32 to vector<16xi32>
    %add3A_44 = arith.addi %mul3A_41, %add3A_43 : vector<16xi32>
    %add3A_45 = vector.broadcast %add3A : i32 to vector<16xi32>
    %add3A_46 = arith.addi %add3A_44, %add3A_45 : vector<16xi32>
    %min3A_47 = arith.constant 2499 : i32
    %min3A_48 = vector.broadcast %min3A_47 : i32 to vector<16xi32>
    %min3A_49 = arith.minsi %add3A_46, %min3A_48 : vector<16xi32>
    %swap3A_50 = arith.constant 32 : index
    %swap3A_51 = tpu.vector_load %arg9[%swap3A_50] {strides = array<i32>} : memref<80xi32, #tpu.memory_space<vmem>>, vector<16xi32>,
    %swap3A_52 = vector.shape_cast %swap3A_51 : vector<16xi32> to vector<16xi32>
    %swap3A_53 = vector.shape_cast %min3A_49 : vector<16xi32> to vector<16xi32>
    tpu.vector_store %arg9[%swap3A_50], %swap3A_53 {strides = array<i32>} : memref<80xi32, #tpu.memory_space<vmem>>, vector<16xi32>,
    %iota3A_54 = tpu.iota {dimensions = array<i32: 0>} : vector<16xi32>
    %mul3A_55 = arith.constant 32 : i32
    %mul3A_56 = vector.broadcast %mul3A_55 : i32 to vector<16xi32>
    %mul3A_57 = arith.muli %iota3A_54, %mul3A_56 : vector<16xi32>
    %add3A_58 = arith.constant 1536 : i32
    %add3A_59 = vector.broadcast %add3A_58 : i32 to vector<16xi32>
    %add3A_60 = arith.addi %mul3A_57, %add3A_59 : vector<16xi32>
    %add3A_61 = vector.broadcast %add3A : i32 to vector<16xi32>
    %add3A_62 = arith.addi %add3A_60, %add3A_61 : vector<16xi32>
    %min3A_63 = arith.constant 2499 : i32
    %min3A_64 = vector.broadcast %min3A_63 : i32 to vector<16xi32>
    %min3A_65 = arith.minsi %add3A_62, %min3A_64 : vector<16xi32>
    %swap3A_66 = arith.constant 48 : index
    %swap3A_67 = tpu.vector_load %arg9[%swap3A_66] {strides = array<i32>} : memref<80xi32, #tpu.memory_space<vmem>>, vector<16xi32>,
    %swap3A_68 = vector.shape_cast %swap3A_67 : vector<16xi32> to vector<16xi32>
    %swap3A_69 = vector.shape_cast %min3A_65 : vector<16xi32> to vector<16xi32>
    tpu.vector_store %arg9[%swap3A_66], %swap3A_69 {strides = array<i32>} : memref<80xi32, #tpu.memory_space<vmem>>, vector<16xi32>,
    %iota3A_70 = tpu.iota {dimensions = array<i32: 0>} : vector<16xi32>
    %mul3A_71 = arith.constant 32 : i32
    %mul3A_72 = vector.broadcast %mul3A_71 : i32 to vector<16xi32>
    %mul3A_73 = arith.muli %iota3A_70, %mul3A_72 : vector<16xi32>
    %add3A_74 = arith.constant 2048 : i32
    %add3A_75 = vector.broadcast %add3A_74 : i32 to vector<16xi32>
    %add3A_76 = arith.addi %mul3A_73, %add3A_75 : vector<16xi32>
    %add3A_77 = vector.broadcast %add3A : i32 to vector<16xi32>
    %add3A_78 = arith.addi %add3A_76, %add3A_77 : vector<16xi32>
    %min3A_79 = arith.constant 2499 : i32
    %min3A_80 = vector.broadcast %min3A_79 : i32 to vector<16xi32>
    %min3A_81 = arith.minsi %add3A_78, %min3A_80 : vector<16xi32>
    %swap3A_82 = arith.constant 64 : index
    %swap3A_83 = tpu.vector_load %arg9[%swap3A_82] {strides = array<i32>} : memref<80xi32, #tpu.memory_space<vmem>>, vector<16xi32>,
    %swap3A_84 = vector.shape_cast %swap3A_83 : vector<16xi32> to vector<16xi32>
    %swap3A_85 = vector.shape_cast %min3A_81 : vector<16xi32> to vector<16xi32>
    tpu.vector_store %arg9[%swap3A_82], %swap3A_85 {strides = array<i32>} : memref<80xi32, #tpu.memory_space<vmem>>, vector<16xi32>,
    %dma_start3A = arith.constant 0 : i32
    %dma_start3A_86 = arith.constant 0 : i32
    %dma_start3A_87 = tpu.memref_slice %arg5[%dma_start3A, %dma_start3A_86] : memref<2500x128xi32, #tpu.memory_space<hbm>> -> memref<2500x128xi32, #tpu.memory_space<hbm>>
    tpu.enqueue_indirect_dma source(%dma_start3A_87 : memref<2500x128xi32, #tpu.memory_space<hbm>>) target(%arg10 : memref<80x128xi32, #tpu.memory_space<vmem>>) offsets(%arg9 : memref<80xi32, #tpu.memory_space<vmem>>) semaphore(%arg18 : memref<!tpu.dma_semaphore, #tpu.memory_space<semaphore_mem>>)
    %dma_start3A_88 = arith.constant 0 : i32
    %dma_start3A_89 = arith.constant 0 : i32
    %dma_start3A_90 = tpu.memref_slice %arg6[%dma_start3A_88, %dma_start3A_89] : memref<2500x128xi32, #tpu.memory_space<hbm>> -> memref<2500x128xi32, #tpu.memory_space<hbm>>
    tpu.enqueue_indirect_dma source(%dma_start3A_90 : memref<2500x128xi32, #tpu.memory_space<hbm>>) target(%arg11 : memref<80x128xi32, #tpu.memory_space<vmem>>) offsets(%arg9 : memref<80xi32, #tpu.memory_space<vmem>>) semaphore(%arg18 : memref<!tpu.dma_semaphore, #tpu.memory_space<semaphore_mem>>)
    %dma_wait3A = arith.constant 0 : i32
    %dma_wait3A_91 = arith.constant 0 : i32
    %dma_wait3A_92 = tpu.memref_slice %arg5[%dma_wait3A, %dma_wait3A_91] : memref<2500x128xi32, #tpu.memory_space<hbm>> -> memref<2500x128xi32, #tpu.memory_space<hbm>>
    tpu.wait_indirect_dma semaphore(%arg18 : memref<!tpu.dma_semaphore, #tpu.memory_space<semaphore_mem>>) src(%dma_wait3A_92 : memref<2500x128xi32, #tpu.memory_space<hbm>>) dst(%arg10 : memref<80x128xi32, #tpu.memory_space<vmem>>)
    %dma_wait3A_93 = arith.constant 0 : i32
    %dma_wait3A_94 = arith.constant 0 : i32
    %dma_wait3A_95 = tpu.memref_slice %arg6[%dma_wait3A_93, %dma_wait3A_94] : memref<2500x128xi32, #tpu.memory_space<hbm>> -> memref<2500x128xi32, #tpu.memory_space<hbm>>
    tpu.wait_indirect_dma semaphore(%arg18 : memref<!tpu.dma_semaphore, #tpu.memory_space<semaphore_mem>>) src(%dma_wait3A_95 : memref<2500x128xi32, #tpu.memory_space<hbm>>) dst(%arg11 : memref<80x128xi32, #tpu.memory_space<vmem>>)
    %add3A_96 = arith.constant 0 : i32
    %add3A_97 = arith.addi %add3A, %add3A_96 : i32
    %dma_start3A_98 = arith.constant 0 : i32
    %dma_start3A_99 = arith.constant 0 : i32
    %dma_start3A_100 = arith.constant 0 : i32
    %dma_start3A_101 = arith.constant 0 : i32
    %dma_start3A_102 = tpu.memref_slice %arg12[%dma_start3A_99, %dma_start3A_100, %dma_start3A_101] : memref<2x128x16xf32, #tpu.memory_space<vmem>> -> memref<1x128x16xf32, #tpu.memory_space<vmem>>
    %dma_start3A_103 = tpu.memref_squeeze %dma_start3A_102 : memref<1x128x16xf32, #tpu.memory_space<vmem>> -> memref<128x16xf32, #tpu.memory_space<vmem>>
    %dma_start3A_104 = arith.constant 0 : i32
    %dma_start3A_105 = tpu.memref_slice %arg10[%dma_start3A_98, %dma_start3A_104] : memref<80x128xi32, #tpu.memory_space<vmem>> -> memref<1x128xi32, #tpu.memory_space<vmem>>
    %dma_start3A_106 = tpu.memref_squeeze %dma_start3A_105 : memref<1x128xi32, #tpu.memory_space<vmem>> -> memref<128xi32, #tpu.memory_space<vmem>>
    %dma_start3A_107 = arith.constant 0 : i32
    %dma_start3A_108 = arith.constant 0 : i32
    %dma_start3A_109 = tpu.memref_slice %arg2[%dma_start3A_107, %dma_start3A_108] : memref<10000x16xf32, #tpu.memory_space<hbm>> -> memref<10000x16xf32, #tpu.memory_space<hbm>>
    tpu.enqueue_indirect_dma source(%dma_start3A_109 : memref<10000x16xf32, #tpu.memory_space<hbm>>) target(%dma_start3A_103 : memref<128x16xf32, #tpu.memory_space<vmem>>) offsets(%dma_start3A_106 : memref<128xi32, #tpu.memory_space<vmem>>) semaphore(%arg18 : memref<!tpu.dma_semaphore, #tpu.memory_space<semaphore_mem>>)
    %dma_start3A_110 = arith.constant 0 : i32
    %dma_start3A_111 = arith.constant 0 : i32
    %dma_start3A_112 = arith.constant 0 : i32
    %dma_start3A_113 = arith.constant 0 : i32
    %dma_start3A_114 = tpu.memref_slice %arg13[%dma_start3A_111, %dma_start3A_112, %dma_start3A_113] : memref<2x128x16xf32, #tpu.memory_space<vmem>> -> memref<1x128x16xf32, #tpu.memory_space<vmem>>
    %dma_start3A_115 = tpu.memref_squeeze %dma_start3A_114 : memref<1x128x16xf32, #tpu.memory_space<vmem>> -> memref<128x16xf32, #tpu.memory_space<vmem>>
    %dma_start3A_116 = arith.constant 0 : i32
    %dma_start3A_117 = tpu.memref_slice %arg11[%dma_start3A_110, %dma_start3A_116] : memref<80x128xi32, #tpu.memory_space<vmem>> -> memref<1x128xi32, #tpu.memory_space<vmem>>
    %dma_start3A_118 = tpu.memref_squeeze %dma_start3A_117 : memref<1x128xi32, #tpu.memory_space<vmem>> -> memref<128xi32, #tpu.memory_space<vmem>>
    %dma_start3A_119 = arith.constant 0 : i32
    %dma_start3A_120 = arith.constant 0 : i32
    %dma_start3A_121 = tpu.memref_slice %arg3[%dma_start3A_119, %dma_start3A_120] : memref<10000x16xf32, #tpu.memory_space<hbm>> -> memref<10000x16xf32, #tpu.memory_space<hbm>>
    tpu.enqueue_indirect_dma source(%dma_start3A_121 : memref<10000x16xf32, #tpu.memory_space<hbm>>) target(%dma_start3A_115 : memref<128x16xf32, #tpu.memory_space<vmem>>) offsets(%dma_start3A_118 : memref<128xi32, #tpu.memory_space<vmem>>) semaphore(%arg18 : memref<!tpu.dma_semaphore, #tpu.memory_space<semaphore_mem>>)
    %mul3A_122 = arith.constant 16 : i32
    %mul3A_123 = arith.muli %add3A_97, %mul3A_122 : i32
    %dma_start3A_124 = arith.constant 0 : i32
    %dma_start3A_125 = arith.constant 0 : i32
    %dma_start3A_126 = arith.constant 0 : i32
    %dma_start3A_127 = tpu.memref_slice %arg14[%dma_start3A_124, %dma_start3A_125, %dma_start3A_126] : memref<2x16x128xf32, #tpu.memory_space<vmem>> -> memref<1x16x128xf32, #tpu.memory_space<vmem>>
    %dma_start3A_128 = tpu.memref_squeeze %dma_start3A_127 : memref<1x16x128xf32, #tpu.memory_space<vmem>> -> memref<16x128xf32, #tpu.memory_space<vmem>>
    %dma_start3A_129 = arith.constant 0 : i32
    %dma_start3A_130 = tpu.memref_slice %arg4[%mul3A_123, %dma_start3A_129] : memref<40000x128xf32, #tpu.memory_space<hbm>> -> memref<16x128xf32, #tpu.memory_space<hbm>>
    %dma_start3A_131 = arith.constant 0 : i32
    %dma_start3A_132 = arith.constant 0 : i32
    %dma_start3A_133 = tpu.memref_slice %arg14[%dma_start3A_124, %dma_start3A_131, %dma_start3A_132] : memref<2x16x128xf32, #tpu.memory_space<vmem>> -> memref<1x16x128xf32, #tpu.memory_space<vmem>>
    %dma_start3A_134 = tpu.memref_squeeze %dma_start3A_133 : memref<1x16x128xf32, #tpu.memory_space<vmem>> -> memref<16x128xf32, #tpu.memory_space<vmem>>
    %dma_start3A_135 = arith.constant 0 : i32
    %dma_start3A_136 = tpu.memref_slice %arg4[%mul3A_123, %dma_start3A_135] : memref<40000x128xf32, #tpu.memory_space<hbm>> -> memref<16x128xf32, #tpu.memory_space<hbm>>
    tpu.enqueue_dma source(%dma_start3A_136 : memref<16x128xf32, #tpu.memory_space<hbm>>) target(%dma_start3A_134 : memref<16x128xf32, #tpu.memory_space<vmem>>) target_semaphore(%arg18 : memref<!tpu.dma_semaphore, #tpu.memory_space<semaphore_mem>>)
    %scan3A_137 = arith.constant 0 : i32
    %scan3A_138 = arith.constant 0 : i32
    %scan3A_139 = arith.constant 0 : i32
    %scan3A_140 = arith.constant 0 : i32
    %scan3A_141 = arith.constant 0 : i32
    %scan3A_142 = arith.constant 0 : i32
    %scan3A_143 = arith.constant 0 : i32
    %scan3A_144 = arith.constant 39 : i32
    %scan3A_145 = arith.addi %scan3A_143, %scan3A_144 : i32
    %scan3A_146 = arith.constant 1 : i32
    %scan3A_147 = scf.for %scan3A_223 = %scan3A_143 to %scan3A_145 step %scan3A_146 iter_args(%scan3A_224 = %scan3A_142) -> (i32)  : i32 {
      %mul3A_225 = arith.constant 2 : i32
      %mul3A_226 = arith.muli %mul3A_225, %scan3A_223 : i32
      %add3A_227 = arith.constant 1 : i32
      %add3A_228 = arith.addi %mul3A_226, %add3A_227 : i32
      %mul3A_229 = arith.constant 32 : i32
      %mul3A_230 = arith.muli %mul3A_229, %add3A_228 : i32
      %add3A_231 = arith.addi %add3A, %mul3A_230 : i32
      %dma_start3A_232 = arith.constant 1 : i32
      %dma_start3A_233 = arith.constant 0 : i32
      %dma_start3A_234 = arith.constant 0 : i32
      %dma_start3A_235 = tpu.memref_slice %arg12[%dma_start3A_232, %dma_start3A_233, %dma_start3A_234] : memref<2x128x16xf32, #tpu.memory_space<vmem>> -> memref<1x128x16xf32, #tpu.memory_space<vmem>>
      %dma_start3A_236 = tpu.memref_squeeze %dma_start3A_235 : memref<1x128x16xf32, #tpu.memory_space<vmem>> -> memref<128x16xf32, #tpu.memory_space<vmem>>
      %dma_start3A_237 = arith.constant 0 : i32
      %dma_start3A_238 = tpu.memref_slice %arg10[%add3A_228, %dma_start3A_237] : memref<80x128xi32, #tpu.memory_space<vmem>> -> memref<1x128xi32, #tpu.memory_space<vmem>>
      %dma_start3A_239 = tpu.memref_squeeze %dma_start3A_238 : memref<1x128xi32, #tpu.memory_space<vmem>> -> memref<128xi32, #tpu.memory_space<vmem>>
      %dma_start3A_240 = arith.constant 0 : i32
      %dma_start3A_241 = arith.constant 0 : i32
      %dma_start3A_242 = tpu.memref_slice %arg2[%dma_start3A_240, %dma_start3A_241] : memref<10000x16xf32, #tpu.memory_space<hbm>> -> memref<10000x16xf32, #tpu.memory_space<hbm>>
      tpu.enqueue_indirect_dma source(%dma_start3A_242 : memref<10000x16xf32, #tpu.memory_space<hbm>>) target(%dma_start3A_236 : memref<128x16xf32, #tpu.memory_space<vmem>>) offsets(%dma_start3A_239 : memref<128xi32, #tpu.memory_space<vmem>>) semaphore(%arg19 : memref<!tpu.dma_semaphore, #tpu.memory_space<semaphore_mem>>)
      %dma_start3A_243 = arith.constant 1 : i32
      %dma_start3A_244 = arith.constant 0 : i32
      %dma_start3A_245 = arith.constant 0 : i32
      %dma_start3A_246 = tpu.memref_slice %arg13[%dma_start3A_243, %dma_start3A_244, %dma_start3A_245] : memref<2x128x16xf32, #tpu.memory_space<vmem>> -> memref<1x128x16xf32, #tpu.memory_space<vmem>>
      %dma_start3A_247 = tpu.memref_squeeze %dma_start3A_246 : memref<1x128x16xf32, #tpu.memory_space<vmem>> -> memref<128x16xf32, #tpu.memory_space<vmem>>
      %dma_start3A_248 = arith.constant 0 : i32
      %dma_start3A_249 = tpu.memref_slice %arg11[%add3A_228, %dma_start3A_248] : memref<80x128xi32, #tpu.memory_space<vmem>> -> memref<1x128xi32, #tpu.memory_space<vmem>>
      %dma_start3A_250 = tpu.memref_squeeze %dma_start3A_249 : memref<1x128xi32, #tpu.memory_space<vmem>> -> memref<128xi32, #tpu.memory_space<vmem>>
      %dma_start3A_251 = arith.constant 0 : i32
      %dma_start3A_252 = arith.constant 0 : i32
      %dma_start3A_253 = tpu.memref_slice %arg3[%dma_start3A_251, %dma_start3A_252] : memref<10000x16xf32, #tpu.memory_space<hbm>> -> memref<10000x16xf32, #tpu.memory_space<hbm>>
      tpu.enqueue_indirect_dma source(%dma_start3A_253 : memref<10000x16xf32, #tpu.memory_space<hbm>>) target(%dma_start3A_247 : memref<128x16xf32, #tpu.memory_space<vmem>>) offsets(%dma_start3A_250 : memref<128xi32, #tpu.memory_space<vmem>>) semaphore(%arg19 : memref<!tpu.dma_semaphore, #tpu.memory_space<semaphore_mem>>)
      %mul3A_254 = arith.constant 16 : i32
      %mul3A_255 = arith.muli %add3A_231, %mul3A_254 : i32
      %dma_start3A_256 = arith.constant 1 : i32
      %dma_start3A_257 = arith.constant 0 : i32
      %dma_start3A_258 = arith.constant 0 : i32
      %dma_start3A_259 = tpu.memref_slice %arg14[%dma_start3A_256, %dma_start3A_257, %dma_start3A_258] : memref<2x16x128xf32, #tpu.memory_space<vmem>> -> memref<1x16x128xf32, #tpu.memory_space<vmem>>
      %dma_start3A_260 = tpu.memref_squeeze %dma_start3A_259 : memref<1x16x128xf32, #tpu.memory_space<vmem>> -> memref<16x128xf32, #tpu.memory_space<vmem>>
      %dma_start3A_261 = arith.constant 0 : i32
      %dma_start3A_262 = tpu.memref_slice %arg4[%mul3A_255, %dma_start3A_261] : memref<40000x128xf32, #tpu.memory_space<hbm>> -> memref<16x128xf32, #tpu.memory_space<hbm>>
      %dma_start3A_263 = arith.constant 0 : i32
      %dma_start3A_264 = arith.constant 0 : i32
      %dma_start3A_265 = tpu.memref_slice %arg14[%dma_start3A_256, %dma_start3A_263, %dma_start3A_264] : memref<2x16x128xf32, #tpu.memory_space<vmem>> -> memref<1x16x128xf32, #tpu.memory_space<vmem>>
      %dma_start3A_266 = tpu.memref_squeeze %dma_start3A_265 : memref<1x16x128xf32, #tpu.memory_space<vmem>> -> memref<16x128xf32, #tpu.memory_space<vmem>>
      %dma_start3A_267 = arith.constant 0 : i32
      %dma_start3A_268 = tpu.memref_slice %arg4[%mul3A_255, %dma_start3A_267] : memref<40000x128xf32, #tpu.memory_space<hbm>> -> memref<16x128xf32, #tpu.memory_space<hbm>>
      tpu.enqueue_dma source(%dma_start3A_268 : memref<16x128xf32, #tpu.memory_space<hbm>>) target(%dma_start3A_266 : memref<16x128xf32, #tpu.memory_space<vmem>>) target_semaphore(%arg19 : memref<!tpu.dma_semaphore, #tpu.memory_space<semaphore_mem>>)
      %mul3A_269 = arith.constant 32 : i32
      %mul3A_270 = arith.muli %mul3A_269, %mul3A_226 : i32
      %add3A_271 = arith.addi %add3A, %mul3A_270 : i32
      %dma_wait3A_272 = arith.constant 0 : i32
      %dma_wait3A_273 = arith.constant 0 : i32
      %dma_wait3A_274 = tpu.memref_slice %arg12[%scan3A_138, %dma_wait3A_272, %dma_wait3A_273] : memref<2x128x16xf32, #tpu.memory_space<vmem>> -> memref<1x128x16xf32, #tpu.memory_space<vmem>>
      %dma_wait3A_275 = tpu.memref_squeeze %dma_wait3A_274 : memref<1x128x16xf32, #tpu.memory_space<vmem>> -> memref<128x16xf32, #tpu.memory_space<vmem>>
      %dma_wait3A_276 = arith.constant 0 : i32
      %dma_wait3A_277 = tpu.memref_slice %arg10[%scan3A_137, %dma_wait3A_276] : memref<80x128xi32, #tpu.memory_space<vmem>> -> memref<1x128xi32, #tpu.memory_space<vmem>>
      %dma_wait3A_278 = tpu.memref_squeeze %dma_wait3A_277 : memref<1x128xi32, #tpu.memory_space<vmem>> -> memref<128xi32, #tpu.memory_space<vmem>>
      %dma_wait3A_279 = arith.constant 0 : i32
      %dma_wait3A_280 = arith.constant 0 : i32
      %dma_wait3A_281 = tpu.memref_slice %arg2[%dma_wait3A_279, %dma_wait3A_280] : memref<10000x16xf32, #tpu.memory_space<hbm>> -> memref<10000x16xf32, #tpu.memory_space<hbm>>
      tpu.wait_indirect_dma semaphore(%arg18 : memref<!tpu.dma_semaphore, #tpu.memory_space<semaphore_mem>>) src(%dma_wait3A_281 : memref<10000x16xf32, #tpu.memory_space<hbm>>) dst(%dma_wait3A_275 : memref<128x16xf32, #tpu.memory_space<vmem>>)
      %dma_wait3A_282 = arith.constant 0 : i32
      %dma_wait3A_283 = arith.constant 0 : i32
      %dma_wait3A_284 = tpu.memref_slice %arg13[%scan3A_140, %dma_wait3A_282, %dma_wait3A_283] : memref<2x128x16xf32, #tpu.memory_space<vmem>> -> memref<1x128x16xf32, #tpu.memory_space<vmem>>
      %dma_wait3A_285 = tpu.memref_squeeze %dma_wait3A_284 : memref<1x128x16xf32, #tpu.memory_space<vmem>> -> memref<128x16xf32, #tpu.memory_space<vmem>>
      %dma_wait3A_286 = arith.constant 0 : i32
      %dma_wait3A_287 = tpu.memref_slice %arg11[%scan3A_139, %dma_wait3A_286] : memref<80x128xi32, #tpu.memory_space<vmem>> -> memref<1x128xi32, #tpu.memory_space<vmem>>
      %dma_wait3A_288 = tpu.memref_squeeze %dma_wait3A_287 : memref<1x128xi32, #tpu.memory_space<vmem>> -> memref<128xi32, #tpu.memory_space<vmem>>
      %dma_wait3A_289 = arith.constant 0 : i32
      %dma_wait3A_290 = arith.constant 0 : i32
      %dma_wait3A_291 = tpu.memref_slice %arg3[%dma_wait3A_289, %dma_wait3A_290] : memref<10000x16xf32, #tpu.memory_space<hbm>> -> memref<10000x16xf32, #tpu.memory_space<hbm>>
      tpu.wait_indirect_dma semaphore(%arg18 : memref<!tpu.dma_semaphore, #tpu.memory_space<semaphore_mem>>) src(%dma_wait3A_291 : memref<10000x16xf32, #tpu.memory_space<hbm>>) dst(%dma_wait3A_285 : memref<128x16xf32, #tpu.memory_space<vmem>>)
      %dma_wait3A_292 = arith.constant 0 : i32
      %dma_wait3A_293 = arith.constant 0 : i32
      %dma_wait3A_294 = tpu.memref_slice %arg14[%scan3A_141, %dma_wait3A_292, %dma_wait3A_293] : memref<2x16x128xf32, #tpu.memory_space<vmem>> -> memref<1x16x128xf32, #tpu.memory_space<vmem>>
      %dma_wait3A_295 = tpu.memref_squeeze %dma_wait3A_294 : memref<1x16x128xf32, #tpu.memory_space<vmem>> -> memref<16x128xf32, #tpu.memory_space<vmem>>
      %dma_wait3A_296 = arith.constant 0 : i32
      %dma_wait3A_297 = tpu.memref_slice %arg4[%mul3A_123, %dma_wait3A_296] : memref<40000x128xf32, #tpu.memory_space<hbm>> -> memref<16x128xf32, #tpu.memory_space<hbm>>
      %dma_wait3A_298 = arith.constant 0 : i32
      %dma_wait3A_299 = arith.constant 0 : i32
      %dma_wait3A_300 = tpu.memref_slice %arg14[%scan3A_141, %dma_wait3A_298, %dma_wait3A_299] : memref<2x16x128xf32, #tpu.memory_space<vmem>> -> memref<1x16x128xf32, #tpu.memory_space<vmem>>
      %dma_wait3A_301 = tpu.memref_squeeze %dma_wait3A_300 : memref<1x16x128xf32, #tpu.memory_space<vmem>> -> memref<16x128xf32, #tpu.memory_space<vmem>>
      %dma_wait3A_302 = arith.constant 0 : i32
      %dma_wait3A_303 = tpu.memref_slice %arg4[%mul3A_123, %dma_wait3A_302] : memref<40000x128xf32, #tpu.memory_space<hbm>> -> memref<16x128xf32, #tpu.memory_space<hbm>>
      tpu.wait_dma2 semaphore(%arg18 : memref<!tpu.dma_semaphore, #tpu.memory_space<semaphore_mem>>) src(%dma_wait3A_303 : memref<16x128xf32, #tpu.memory_space<hbm>>) dst(%dma_wait3A_301 : memref<16x128xf32, #tpu.memory_space<vmem>>)
      %ge3A = arith.constant 2 : i32
      %ge3A_304 = arith.cmpi sge, %mul3A_226, %ge3A : i32
      %convert_element_type3A_305 = arith.extui %ge3A_304 : i1 to i32
      %cond3A_306 = arith.constant 0 : i32
      %cond3A_307 = arith.cmpi ne, %convert_element_type3A_305, %cond3A_306 : i32
      scf.if %cond3A_307 {
        %dma_wait3A_441 = arith.constant 0 : i32
        %dma_wait3A_442 = arith.constant 0 : i32
        %dma_wait3A_443 = arith.constant 0 : i32
        %dma_wait3A_444 = tpu.memref_slice %arg15[%dma_wait3A_441, %dma_wait3A_442, %dma_wait3A_443] : memref<2x128x16xf32, #tpu.memory_space<vmem>> -> memref<1x128x16xf32, #tpu.memory_space<vmem>>
        %dma_wait3A_445 = tpu.memref_squeeze %dma_wait3A_444 : memref<1x128x16xf32, #tpu.memory_space<vmem>> -> memref<128x16xf32, #tpu.memory_space<vmem>>
        %dma_wait3A_446 = arith.constant 0 : i32
        %dma_wait3A_447 = arith.constant 0 : i32
        %dma_wait3A_448 = tpu.memref_slice %arg7[%dma_wait3A_446, %dma_wait3A_447] : memref<320000x16xf32, #tpu.memory_space<hbm>> -> memref<128x16xf32, #tpu.memory_space<hbm>>
        %dma_wait3A_449 = arith.constant 0 : i32
        %dma_wait3A_450 = arith.constant 0 : i32
        %dma_wait3A_451 = tpu.memref_slice %arg15[%dma_wait3A_441, %dma_wait3A_449, %dma_wait3A_450] : memref<2x128x16xf32, #tpu.memory_space<vmem>> -> memref<1x128x16xf32, #tpu.memory_space<vmem>>
        %dma_wait3A_452 = tpu.memref_squeeze %dma_wait3A_451 : memref<1x128x16xf32, #tpu.memory_space<vmem>> -> memref<128x16xf32, #tpu.memory_space<vmem>>
        %dma_wait3A_453 = arith.constant 0 : i32
        %dma_wait3A_454 = arith.constant 0 : i32
        %dma_wait3A_455 = tpu.memref_slice %arg7[%dma_wait3A_453, %dma_wait3A_454] : memref<320000x16xf32, #tpu.memory_space<hbm>> -> memref<128x16xf32, #tpu.memory_space<hbm>>
        tpu.wait_dma2 semaphore(%arg20 : memref<!tpu.dma_semaphore, #tpu.memory_space<semaphore_mem>>) src(%dma_wait3A_455 : memref<128x16xf32, #tpu.memory_space<hbm>>) dst(%dma_wait3A_452 : memref<128x16xf32, #tpu.memory_space<vmem>>)
      } else {
      }
      %scan3A_308 = arith.constant 0 : i32
      %scan3A_309 = arith.constant 0 : i32
      %scan3A_310 = arith.constant 16 : i32
      %scan3A_311 = arith.addi %scan3A_309, %scan3A_310 : i32
      %scan3A_312 = arith.constant 1 : i32
      %scan3A_313 = scf.for %scan3A_441 = %scan3A_309 to %scan3A_311 step %scan3A_312 iter_args(%scan3A_442 = %scan3A_308) -> (i32)  : i32 {
        %mul3A_443 = arith.constant 8 : i32
        %mul3A_444 = arith.muli %scan3A_441, %mul3A_443 : i32
        %add3A_445 = arith.constant 0 : i32
        %add3A_446 = arith.addi %mul3A_444, %add3A_445 : i32
        %get3A = arith.constant 0 : i32
        %get3A_447 = arith.index_cast %get3A : i32 to index
        %get3A_448 = arith.index_cast %add3A_446 : i32 to index
        %get3A_449 = arith.constant 0 : index
        %get3A_450 = tpu.vector_load %arg12[%get3A_447, %get3A_448, %get3A_449] {strides = array<i32>} : memref<2x128x16xf32, #tpu.memory_space<vmem>>, vector<1x1x16xf32>,
        %get3A_451 = vector.shape_cast %get3A_450 : vector<1x1x16xf32> to vector<16xf32>
        %get3A_452 = arith.constant 0 : i32
        %get3A_453 = arith.index_cast %get3A_452 : i32 to index
        %get3A_454 = arith.index_cast %add3A_446 : i32 to index
        %get3A_455 = arith.constant 0 : index
        %get3A_456 = tpu.vector_load %arg13[%get3A_453, %get3A_454, %get3A_455] {strides = array<i32>} : memref<2x128x16xf32, #tpu.memory_space<vmem>>, vector<1x1x16xf32>,
        %get3A_457 = vector.shape_cast %get3A_456 : vector<1x1x16xf32> to vector<16xf32>
        %add3A_458 = arith.addf %get3A_451, %get3A_457 : vector<16xf32>
        %get3A_459 = arith.constant 0 : i32
        %get3A_460 = arith.index_cast %get3A_459 : i32 to index
        %get3A_461 = arith.index_cast %scan3A_441 : i32 to index
        %get3A_462 = arith.constant 0 : index
        %get3A_463 = tpu.vector_load %arg14[%get3A_460, %get3A_461, %get3A_462] {strides = array<i32>} : memref<2x16x128xf32, #tpu.memory_space<vmem>>, vector<1x1x16xf32>,
        %get3A_464 = vector.shape_cast %get3A_463 : vector<1x1x16xf32> to vector<16xf32>
        %add3A_465 = arith.addf %add3A_458, %get3A_464 : vector<16xf32>
        %max3A = arith.constant 0.000000e+00 : f32
        %max3A_466 = vector.broadcast %max3A : f32 to vector<16xf32>
        %max3A_467 = arith.maximumf %add3A_465, %max3A_466 : vector<16xf32>
        %swap3A_468 = arith.constant 0 : i32
        %swap3A_469 = arith.index_cast %swap3A_468 : i32 to index
        %swap3A_470 = arith.index_cast %add3A_446 : i32 to index
        %swap3A_471 = arith.constant 0 : index
        %swap3A_472 = tpu.vector_load %arg15[%swap3A_469, %swap3A_470, %swap3A_471] {strides = array<i32>} : memref<2x128x16xf32, #tpu.memory_space<vmem>>, vector<1x1x16xf32>,
        %swap3A_473 = vector.shape_cast %swap3A_472 : vector<1x1x16xf32> to vector<16xf32>
        %swap3A_474 = vector.shape_cast %max3A_467 : vector<16xf32> to vector<1x1x16xf32>
        tpu.vector_store %arg15[%swap3A_469, %swap3A_470, %swap3A_471], %swap3A_474 {strides = array<i32>} : memref<2x128x16xf32, #tpu.memory_space<vmem>>, vector<1x1x16xf32>,
        %mul3A_475 = arith.constant 8 : i32
        %mul3A_476 = arith.muli %scan3A_441, %mul3A_475 : i32
        %add3A_477 = arith.constant 1 : i32
        %add3A_478 = arith.addi %mul3A_476, %add3A_477 : i32
        %get3A_479 = arith.constant 0 : i32
        %get3A_480 = arith.index_cast %get3A_479 : i32 to index
        %get3A_481 = arith.index_cast %add3A_478 : i32 to index
        %get3A_482 = arith.constant 0 : index
        %get3A_483 = tpu.vector_load %arg12[%get3A_480, %get3A_481, %get3A_482] {strides = array<i32>} : memref<2x128x16xf32, #tpu.memory_space<vmem>>, vector<1x1x16xf32>,
        %get3A_484 = vector.shape_cast %get3A_483 : vector<1x1x16xf32> to vector<16xf32>
        %get3A_485 = arith.constant 0 : i32
        %get3A_486 = arith.index_cast %get3A_485 : i32 to index
        %get3A_487 = arith.index_cast %add3A_478 : i32 to index
        %get3A_488 = arith.constant 0 : index
        %get3A_489 = tpu.vector_load %arg13[%get3A_486, %get3A_487, %get3A_488] {strides = array<i32>} : memref<2x128x16xf32, #tpu.memory_space<vmem>>, vector<1x1x16xf32>,
        %get3A_490 = vector.shape_cast %get3A_489 : vector<1x1x16xf32> to vector<16xf32>
        %add3A_491 = arith.addf %get3A_484, %get3A_490 : vector<16xf32>
        %get3A_492 = arith.constant 0 : i32
        %get3A_493 = arith.index_cast %get3A_492 : i32 to index
        %get3A_494 = arith.index_cast %scan3A_441 : i32 to index
        %get3A_495 = arith.constant 16 : index
        %get3A_496 = tpu.vector_load %arg14[%get3A_493, %get3A_494, %get3A_495] {strides = array<i32>} : memref<2x16x128xf32, #tpu.memory_space<vmem>>, vector<1x1x16xf32>,
        %get3A_497 = vector.shape_cast %get3A_496 : vector<1x1x16xf32> to vector<16xf32>
        %add3A_498 = arith.addf %add3A_491, %get3A_497 : vector<16xf32>
        %max3A_499 = arith.constant 0.000000e+00 : f32
        %max3A_500 = vector.broadcast %max3A_499 : f32 to vector<16xf32>
        %max3A_501 = arith.maximumf %add3A_498, %max3A_500 : vector<16xf32>
        %swap3A_502 = arith.constant 0 : i32
        %swap3A_503 = arith.index_cast %swap3A_502 : i32 to index
        %swap3A_504 = arith.index_cast %add3A_478 : i32 to index
        %swap3A_505 = arith.constant 0 : index
        %swap3A_506 = tpu.vector_load %arg15[%swap3A_503, %swap3A_504, %swap3A_505] {strides = array<i32>} : memref<2x128x16xf32, #tpu.memory_space<vmem>>, vector<1x1x16xf32>,
        %swap3A_507 = vector.shape_cast %swap3A_506 : vector<1x1x16xf32> to vector<16xf32>
        %swap3A_508 = vector.shape_cast %max3A_501 : vector<16xf32> to vector<1x1x16xf32>
        tpu.vector_store %arg15[%swap3A_503, %swap3A_504, %swap3A_505], %swap3A_508 {strides = array<i32>} : memref<2x128x16xf32, #tpu.memory_space<vmem>>, vector<1x1x16xf32>,
        %mul3A_509 = arith.constant 8 : i32
        %mul3A_510 = arith.muli %scan3A_441, %mul3A_509 : i32
        %add3A_511 = arith.constant 2 : i32
        %add3A_512 = arith.addi %mul3A_510, %add3A_511 : i32
        %get3A_513 = arith.constant 0 : i32
        %get3A_514 = arith.index_cast %get3A_513 : i32 to index
        %get3A_515 = arith.index_cast %add3A_512 : i32 to index
        %get3A_516 = arith.constant 0 : index
        %get3A_517 = tpu.vector_load %arg12[%get3A_514, %get3A_515, %get3A_516] {strides = array<i32>} : memref<2x128x16xf32, #tpu.memory_space<vmem>>, vector<1x1x16xf32>,
        %get3A_518 = vector.shape_cast %get3A_517 : vector<1x1x16xf32> to vector<16xf32>
        %get3A_519 = arith.constant 0 : i32
        %get3A_520 = arith.index_cast %get3A_519 : i32 to index
        %get3A_521 = arith.index_cast %add3A_512 : i32 to index
        %get3A_522 = arith.constant 0 : index
        %get3A_523 = tpu.vector_load %arg13[%get3A_520, %get3A_521, %get3A_522] {strides = array<i32>} : memref<2x128x16xf32, #tpu.memory_space<vmem>>, vector<1x1x16xf32>,
        %get3A_524 = vector.shape_cast %get3A_523 : vector<1x1x16xf32> to vector<16xf32>
        %add3A_525 = arith.addf %get3A_518, %get3A_524 : vector<16xf32>
        %get3A_526 = arith.constant 0 : i32
        %get3A_527 = arith.index_cast %get3A_526 : i32 to index
        %get3A_528 = arith.index_cast %scan3A_441 : i32 to index
        %get3A_529 = arith.constant 32 : index
        %get3A_530 = tpu.vector_load %arg14[%get3A_527, %get3A_528, %get3A_529] {strides = array<i32>} : memref<2x16x128xf32, #tpu.memory_space<vmem>>, vector<1x1x16xf32>,
        %get3A_531 = vector.shape_cast %get3A_530 : vector<1x1x16xf32> to vector<16xf32>
        %add3A_532 = arith.addf %add3A_525, %get3A_531 : vector<16xf32>
        %max3A_533 = arith.constant 0.000000e+00 : f32
        %max3A_534 = vector.broadcast %max3A_533 : f32 to vector<16xf32>
        %max3A_535 = arith.maximumf %add3A_532, %max3A_534 : vector<16xf32>
        %swap3A_536 = arith.constant 0 : i32
        %swap3A_537 = arith.index_cast %swap3A_536 : i32 to index
        %swap3A_538 = arith.index_cast %add3A_512 : i32 to index
        %swap3A_539 = arith.constant 0 : index
        %swap3A_540 = tpu.vector_load %arg15[%swap3A_537, %swap3A_538, %swap3A_539] {strides = array<i32>} : memref<2x128x16xf32, #tpu.memory_space<vmem>>, vector<1x1x16xf32>,
        %swap3A_541 = vector.shape_cast %swap3A_540 : vector<1x1x16xf32> to vector<16xf32>
        %swap3A_542 = vector.shape_cast %max3A_535 : vector<16xf32> to vector<1x1x16xf32>
        tpu.vector_store %arg15[%swap3A_537, %swap3A_538, %swap3A_539], %swap3A_542 {strides = array<i32>} : memref<2x128x16xf32, #tpu.memory_space<vmem>>, vector<1x1x16xf32>,
        %mul3A_543 = arith.constant 8 : i32
        %mul3A_544 = arith.muli %scan3A_441, %mul3A_543 : i32
        %add3A_545 = arith.constant 3 : i32
        %add3A_546 = arith.addi %mul3A_544, %add3A_545 : i32
        %get3A_547 = arith.constant 0 : i32
        %get3A_548 = arith.index_cast %get3A_547 : i32 to index
        %get3A_549 = arith.index_cast %add3A_546 : i32 to index
        %get3A_550 = arith.constant 0 : index
        %get3A_551 = tpu.vector_load %arg12[%get3A_548, %get3A_549, %get3A_550] {strides = array<i32>} : memref<2x128x16xf32, #tpu.memory_space<vmem>>, vector<1x1x16xf32>,
        %get3A_552 = vector.shape_cast %get3A_551 : vector<1x1x16xf32> to vector<16xf32>
        %get3A_553 = arith.constant 0 : i32
        %get3A_554 = arith.index_cast %get3A_553 : i32 to index
        %get3A_555 = arith.index_cast %add3A_546 : i32 to index
        %get3A_556 = arith.constant 0 : index
        %get3A_557 = tpu.vector_load %arg13[%get3A_554, %get3A_555, %get3A_556] {strides = array<i32>} : memref<2x128x16xf32, #tpu.memory_space<vmem>>, vector<1x1x16xf32>,
        %get3A_558 = vector.shape_cast %get3A_557 : vector<1x1x16xf32> to vector<16xf32>
        %add3A_559 = arith.addf %get3A_552, %get3A_558 : vector<16xf32>
        %get3A_560 = arith.constant 0 : i32
        %get3A_561 = arith.index_cast %get3A_560 : i32 to index
        %get3A_562 = arith.index_cast %scan3A_441 : i32 to index
        %get3A_563 = arith.constant 48 : index
        %get3A_564 = tpu.vector_load %arg14[%get3A_561, %get3A_562, %get3A_563] {strides = array<i32>} : memref<2x16x128xf32, #tpu.memory_space<vmem>>, vector<1x1x16xf32>,
        %get3A_565 = vector.shape_cast %get3A_564 : vector<1x1x16xf32> to vector<16xf32>
        %add3A_566 = arith.addf %add3A_559, %get3A_565 : vector<16xf32>
        %max3A_567 = arith.constant 0.000000e+00 : f32
        %max3A_568 = vector.broadcast %max3A_567 : f32 to vector<16xf32>
        %max3A_569 = arith.maximumf %add3A_566, %max3A_568 : vector<16xf32>
        %swap3A_570 = arith.constant 0 : i32
        %swap3A_571 = arith.index_cast %swap3A_570 : i32 to index
        %swap3A_572 = arith.index_cast %add3A_546 : i32 to index
        %swap3A_573 = arith.constant 0 : index
        %swap3A_574 = tpu.vector_load %arg15[%swap3A_571, %swap3A_572, %swap3A_573] {strides = array<i32>} : memref<2x128x16xf32, #tpu.memory_space<vmem>>, vector<1x1x16xf32>,
        %swap3A_575 = vector.shape_cast %swap3A_574 : vector<1x1x16xf32> to vector<16xf32>
        %swap3A_576 = vector.shape_cast %max3A_569 : vector<16xf32> to vector<1x1x16xf32>
        tpu.vector_store %arg15[%swap3A_571, %swap3A_572, %swap3A_573], %swap3A_576 {strides = array<i32>} : memref<2x128x16xf32, #tpu.memory_space<vmem>>, vector<1x1x16xf32>,
        %mul3A_577 = arith.constant 8 : i32
        %mul3A_578 = arith.muli %scan3A_441, %mul3A_577 : i32
        %add3A_579 = arith.constant 4 : i32
        %add3A_580 = arith.addi %mul3A_578, %add3A_579 : i32
        %get3A_581 = arith.constant 0 : i32
        %get3A_582 = arith.index_cast %get3A_581 : i32 to index
        %get3A_583 = arith.index_cast %add3A_580 : i32 to index
        %get3A_584 = arith.constant 0 : index
        %get3A_585 = tpu.vector_load %arg12[%get3A_582, %get3A_583, %get3A_584] {strides = array<i32>} : memref<2x128x16xf32, #tpu.memory_space<vmem>>, vector<1x1x16xf32>,
        %get3A_586 = vector.shape_cast %get3A_585 : vector<1x1x16xf32> to vector<16xf32>
        %get3A_587 = arith.constant 0 : i32
        %get3A_588 = arith.index_cast %get3A_587 : i32 to index
        %get3A_589 = arith.index_cast %add3A_580 : i32 to index
        %get3A_590 = arith.constant 0 : index
        %get3A_591 = tpu.vector_load %arg13[%get3A_588, %get3A_589, %get3A_590] {strides = array<i32>} : memref<2x128x16xf32, #tpu.memory_space<vmem>>, vector<1x1x16xf32>,
        %get3A_592 = vector.shape_cast %get3A_591 : vector<1x1x16xf32> to vector<16xf32>
        %add3A_593 = arith.addf %get3A_586, %get3A_592 : vector<16xf32>
        %get3A_594 = arith.constant 0 : i32
        %get3A_595 = arith.index_cast %get3A_594 : i32 to index
        %get3A_596 = arith.index_cast %scan3A_441 : i32 to index
        %get3A_597 = arith.constant 64 : index
        %get3A_598 = tpu.vector_load %arg14[%get3A_595, %get3A_596, %get3A_597] {strides = array<i32>} : memref<2x16x128xf32, #tpu.memory_space<vmem>>, vector<1x1x16xf32>,
        %get3A_599 = vector.shape_cast %get3A_598 : vector<1x1x16xf32> to vector<16xf32>
        %add3A_600 = arith.addf %add3A_593, %get3A_599 : vector<16xf32>
        %max3A_601 = arith.constant 0.000000e+00 : f32
        %max3A_602 = vector.broadcast %max3A_601 : f32 to vector<16xf32>
        %max3A_603 = arith.maximumf %add3A_600, %max3A_602 : vector<16xf32>
        %swap3A_604 = arith.constant 0 : i32
        %swap3A_605 = arith.index_cast %swap3A_604 : i32 to index
        %swap3A_606 = arith.index_cast %add3A_580 : i32 to index
        %swap3A_607 = arith.constant 0 : index
        %swap3A_608 = tpu.vector_load %arg15[%swap3A_605, %swap3A_606, %swap3A_607] {strides = array<i32>} : memref<2x128x16xf32, #tpu.memory_space<vmem>>, vector<1x1x16xf32>,
        %swap3A_609 = vector.shape_cast %swap3A_608 : vector<1x1x16xf32> to vector<16xf32>
        %swap3A_610 = vector.shape_cast %max3A_603 : vector<16xf32> to vector<1x1x16xf32>
        tpu.vector_store %arg15[%swap3A_605, %swap3A_606, %swap3A_607], %swap3A_610 {strides = array<i32>} : memref<2x128x16xf32, #tpu.memory_space<vmem>>, vector<1x1x16xf32>,
        %mul3A_611 = arith.constant 8 : i32
        %mul3A_612 = arith.muli %scan3A_441, %mul3A_611 : i32
        %add3A_613 = arith.constant 5 : i32
        %add3A_614 = arith.addi %mul3A_612, %add3A_613 : i32
        %get3A_615 = arith.constant 0 : i32
        %get3A_616 = arith.index_cast %get3A_615 : i32 to index
        %get3A_617 = arith.index_cast %add3A_614 : i32 to index
        %get3A_618 = arith.constant 0 : index
        %get3A_619 = tpu.vector_load %arg12[%get3A_616, %get3A_617, %get3A_618] {strides = array<i32>} : memref<2x128x16xf32, #tpu.memory_space<vmem>>, vector<1x1x16xf32>,
        %get3A_620 = vector.shape_cast %get3A_619 : vector<1x1x16xf32> to vector<16xf32>
        %get3A_621 = arith.constant 0 : i32
        %get3A_622 = arith.index_cast %get3A_621 : i32 to index
        %get3A_623 = arith.index_cast %add3A_614 : i32 to index
        %get3A_624 = arith.constant 0 : index
        %get3A_625 = tpu.vector_load %arg13[%get3A_622, %get3A_623, %get3A_624] {strides = array<i32>} : memref<2x128x16xf32, #tpu.memory_space<vmem>>, vector<1x1x16xf32>,
        %get3A_626 = vector.shape_cast %get3A_625 : vector<1x1x16xf32> to vector<16xf32>
        %add3A_627 = arith.addf %get3A_620, %get3A_626 : vector<16xf32>
        %get3A_628 = arith.constant 0 : i32
        %get3A_629 = arith.index_cast %get3A_628 : i32 to index
        %get3A_630 = arith.index_cast %scan3A_441 : i32 to index
        %get3A_631 = arith.constant 80 : index
        %get3A_632 = tpu.vector_load %arg14[%get3A_629, %get3A_630, %get3A_631] {strides = array<i32>} : memref<2x16x128xf32, #tpu.memory_space<vmem>>, vector<1x1x16xf32>,
        %get3A_633 = vector.shape_cast %get3A_632 : vector<1x1x16xf32> to vector<16xf32>
        %add3A_634 = arith.addf %add3A_627, %get3A_633 : vector<16xf32>
        %max3A_635 = arith.constant 0.000000e+00 : f32
        %max3A_636 = vector.broadcast %max3A_635 : f32 to vector<16xf32>
        %max3A_637 = arith.maximumf %add3A_634, %max3A_636 : vector<16xf32>
        %swap3A_638 = arith.constant 0 : i32
        %swap3A_639 = arith.index_cast %swap3A_638 : i32 to index
        %swap3A_640 = arith.index_cast %add3A_614 : i32 to index
        %swap3A_641 = arith.constant 0 : index
        %swap3A_642 = tpu.vector_load %arg15[%swap3A_639, %swap3A_640, %swap3A_641] {strides = array<i32>} : memref<2x128x16xf32, #tpu.memory_space<vmem>>, vector<1x1x16xf32>,
        %swap3A_643 = vector.shape_cast %swap3A_642 : vector<1x1x16xf32> to vector<16xf32>
        %swap3A_644 = vector.shape_cast %max3A_637 : vector<16xf32> to vector<1x1x16xf32>
        tpu.vector_store %arg15[%swap3A_639, %swap3A_640, %swap3A_641], %swap3A_644 {strides = array<i32>} : memref<2x128x16xf32, #tpu.memory_space<vmem>>, vector<1x1x16xf32>,
        %mul3A_645 = arith.constant 8 : i32
        %mul3A_646 = arith.muli %scan3A_441, %mul3A_645 : i32
        %add3A_647 = arith.constant 6 : i32
        %add3A_648 = arith.addi %mul3A_646, %add3A_647 : i32
        %get3A_649 = arith.constant 0 : i32
        %get3A_650 = arith.index_cast %get3A_649 : i32 to index
        %get3A_651 = arith.index_cast %add3A_648 : i32 to index
        %get3A_652 = arith.constant 0 : index
        %get3A_653 = tpu.vector_load %arg12[%get3A_650, %get3A_651, %get3A_652] {strides = array<i32>} : memref<2x128x16xf32, #tpu.memory_space<vmem>>, vector<1x1x16xf32>,
        %get3A_654 = vector.shape_cast %get3A_653 : vector<1x1x16xf32> to vector<16xf32>
        %get3A_655 = arith.constant 0 : i32
        %get3A_656 = arith.index_cast %get3A_655 : i32 to index
        %get3A_657 = arith.index_cast %add3A_648 : i32 to index
        %get3A_658 = arith.constant 0 : index
        %get3A_659 = tpu.vector_load %arg13[%get3A_656, %get3A_657, %get3A_658] {strides = array<i32>} : memref<2x128x16xf32, #tpu.memory_space<vmem>>, vector<1x1x16xf32>,
        %get3A_660 = vector.shape_cast %get3A_659 : vector<1x1x16xf32> to vector<16xf32>
        %add3A_661 = arith.addf %get3A_654, %get3A_660 : vector<16xf32>
        %get3A_662 = arith.constant 0 : i32
        %get3A_663 = arith.index_cast %get3A_662 : i32 to index
        %get3A_664 = arith.index_cast %scan3A_441 : i32 to index
        %get3A_665 = arith.constant 96 : index
        %get3A_666 = tpu.vector_load %arg14[%get3A_663, %get3A_664, %get3A_665] {strides = array<i32>} : memref<2x16x128xf32, #tpu.memory_space<vmem>>, vector<1x1x16xf32>,
        %get3A_667 = vector.shape_cast %get3A_666 : vector<1x1x16xf32> to vector<16xf32>
        %add3A_668 = arith.addf %add3A_661, %get3A_667 : vector<16xf32>
        %max3A_669 = arith.constant 0.000000e+00 : f32
        %max3A_670 = vector.broadcast %max3A_669 : f32 to vector<16xf32>
        %max3A_671 = arith.maximumf %add3A_668, %max3A_670 : vector<16xf32>
        %swap3A_672 = arith.constant 0 : i32
        %swap3A_673 = arith.index_cast %swap3A_672 : i32 to index
        %swap3A_674 = arith.index_cast %add3A_648 : i32 to index
        %swap3A_675 = arith.constant 0 : index
        %swap3A_676 = tpu.vector_load %arg15[%swap3A_673, %swap3A_674, %swap3A_675] {strides = array<i32>} : memref<2x128x16xf32, #tpu.memory_space<vmem>>, vector<1x1x16xf32>,
        %swap3A_677 = vector.shape_cast %swap3A_676 : vector<1x1x16xf32> to vector<16xf32>
        %swap3A_678 = vector.shape_cast %max3A_671 : vector<16xf32> to vector<1x1x16xf32>
        tpu.vector_store %arg15[%swap3A_673, %swap3A_674, %swap3A_675], %swap3A_678 {strides = array<i32>} : memref<2x128x16xf32, #tpu.memory_space<vmem>>, vector<1x1x16xf32>,
        %mul3A_679 = arith.constant 8 : i32
        %mul3A_680 = arith.muli %scan3A_441, %mul3A_679 : i32
        %add3A_681 = arith.constant 7 : i32
        %add3A_682 = arith.addi %mul3A_680, %add3A_681 : i32
        %get3A_683 = arith.constant 0 : i32
        %get3A_684 = arith.index_cast %get3A_683 : i32 to index
        %get3A_685 = arith.index_cast %add3A_682 : i32 to index
        %get3A_686 = arith.constant 0 : index
        %get3A_687 = tpu.vector_load %arg12[%get3A_684, %get3A_685, %get3A_686] {strides = array<i32>} : memref<2x128x16xf32, #tpu.memory_space<vmem>>, vector<1x1x16xf32>,
        %get3A_688 = vector.shape_cast %get3A_687 : vector<1x1x16xf32> to vector<16xf32>
        %get3A_689 = arith.constant 0 : i32
        %get3A_690 = arith.index_cast %get3A_689 : i32 to index
        %get3A_691 = arith.index_cast %add3A_682 : i32 to index
        %get3A_692 = arith.constant 0 : index
        %get3A_693 = tpu.vector_load %arg13[%get3A_690, %get3A_691, %get3A_692] {strides = array<i32>} : memref<2x128x16xf32, #tpu.memory_space<vmem>>, vector<1x1x16xf32>,
        %get3A_694 = vector.shape_cast %get3A_693 : vector<1x1x16xf32> to vector<16xf32>
        %add3A_695 = arith.addf %get3A_688, %get3A_694 : vector<16xf32>
        %get3A_696 = arith.constant 0 : i32
        %get3A_697 = arith.index_cast %get3A_696 : i32 to index
        %get3A_698 = arith.index_cast %scan3A_441 : i32 to index
        %get3A_699 = arith.constant 112 : index
        %get3A_700 = tpu.vector_load %arg14[%get3A_697, %get3A_698, %get3A_699] {strides = array<i32>} : memref<2x16x128xf32, #tpu.memory_space<vmem>>, vector<1x1x16xf32>,
        %get3A_701 = vector.shape_cast %get3A_700 : vector<1x1x16xf32> to vector<16xf32>
        %add3A_702 = arith.addf %add3A_695, %get3A_701 : vector<16xf32>
        %max3A_703 = arith.constant 0.000000e+00 : f32
        %max3A_704 = vector.broadcast %max3A_703 : f32 to vector<16xf32>
        %max3A_705 = arith.maximumf %add3A_702, %max3A_704 : vector<16xf32>
        %swap3A_706 = arith.constant 0 : i32
        %swap3A_707 = arith.index_cast %swap3A_706 : i32 to index
        %swap3A_708 = arith.index_cast %add3A_682 : i32 to index
        %swap3A_709 = arith.constant 0 : index
        %swap3A_710 = tpu.vector_load %arg15[%swap3A_707, %swap3A_708, %swap3A_709] {strides = array<i32>} : memref<2x128x16xf32, #tpu.memory_space<vmem>>, vector<1x1x16xf32>,
        %swap3A_711 = vector.shape_cast %swap3A_710 : vector<1x1x16xf32> to vector<16xf32>
        %swap3A_712 = vector.shape_cast %max3A_705 : vector<16xf32> to vector<1x1x16xf32>
        tpu.vector_store %arg15[%swap3A_707, %swap3A_708, %swap3A_709], %swap3A_712 {strides = array<i32>} : memref<2x128x16xf32, #tpu.memory_space<vmem>>, vector<1x1x16xf32>,
        %scan3A_713 = arith.constant 0 : i32
        scf.yield %scan3A_713 : i32
      }
      %scan3A_314 = arith.constant 16 : i32
      %run_scoped3A = arith.constant 0 : i32
      "tpu.region"() ({
        %run_scoped3A_441 = tpu.sem_alloc : memref<!tpu.dma_semaphore, #tpu.memory_space<semaphore_mem>>
        %dma_start3A_442 = arith.constant 0 : i32
        %dma_start3A_443 = arith.constant 0 : i32
        %dma_start3A_444 = tpu.memref_slice %arg15[%run_scoped3A, %dma_start3A_442, %dma_start3A_443] : memref<2x128x16xf32, #tpu.memory_space<vmem>> -> memref<1x128x16xf32, #tpu.memory_space<vmem>>
        %dma_start3A_445 = tpu.memref_squeeze %dma_start3A_444 : memref<1x128x16xf32, #tpu.memory_space<vmem>> -> memref<128x16xf32, #tpu.memory_space<vmem>>
        %dma_start3A_446 = arith.constant 0 : i32
        %dma_start3A_447 = tpu.memref_slice %arg11[%mul3A_226, %dma_start3A_446] : memref<80x128xi32, #tpu.memory_space<vmem>> -> memref<1x128xi32, #tpu.memory_space<vmem>>
        %dma_start3A_448 = tpu.memref_squeeze %dma_start3A_447 : memref<1x128xi32, #tpu.memory_space<vmem>> -> memref<128xi32, #tpu.memory_space<vmem>>
        %dma_start3A_449 = arith.constant 0 : i32
        %dma_start3A_450 = arith.constant 0 : i32
        %dma_start3A_451 = tpu.memref_slice %arg17[%dma_start3A_449, %dma_start3A_450] : memref<10240x16xf32, #tpu.memory_space<vmem_shared>> -> memref<10240x16xf32, #tpu.memory_space<vmem_shared>>
        tpu.enqueue_indirect_dma source(%dma_start3A_445 : memref<128x16xf32, #tpu.memory_space<vmem>>) target(%dma_start3A_451 : memref<10240x16xf32, #tpu.memory_space<vmem_shared>>) offsets(%dma_start3A_448 : memref<128xi32, #tpu.memory_space<vmem>>) semaphore(%run_scoped3A_441 : memref<!tpu.dma_semaphore, #tpu.memory_space<semaphore_mem>>) {add = true}
        %dma_wait3A_452 = arith.constant 0 : i32
        %dma_wait3A_453 = arith.constant 0 : i32
        %dma_wait3A_454 = tpu.memref_slice %arg15[%run_scoped3A, %dma_wait3A_452, %dma_wait3A_453] : memref<2x128x16xf32, #tpu.memory_space<vmem>> -> memref<1x128x16xf32, #tpu.memory_space<vmem>>
        %dma_wait3A_455 = tpu.memref_squeeze %dma_wait3A_454 : memref<1x128x16xf32, #tpu.memory_space<vmem>> -> memref<128x16xf32, #tpu.memory_space<vmem>>
        %dma_wait3A_456 = arith.constant 0 : i32
        %dma_wait3A_457 = tpu.memref_slice %arg11[%mul3A_226, %dma_wait3A_456] : memref<80x128xi32, #tpu.memory_space<vmem>> -> memref<1x128xi32, #tpu.memory_space<vmem>>
        %dma_wait3A_458 = tpu.memref_squeeze %dma_wait3A_457 : memref<1x128xi32, #tpu.memory_space<vmem>> -> memref<128xi32, #tpu.memory_space<vmem>>
        %dma_wait3A_459 = arith.constant 0 : i32
        %dma_wait3A_460 = arith.constant 0 : i32
        %dma_wait3A_461 = tpu.memref_slice %arg17[%dma_wait3A_459, %dma_wait3A_460] : memref<10240x16xf32, #tpu.memory_space<vmem_shared>> -> memref<10240x16xf32, #tpu.memory_space<vmem_shared>>
        tpu.wait_indirect_dma semaphore(%run_scoped3A_441 : memref<!tpu.dma_semaphore, #tpu.memory_space<semaphore_mem>>) src(%dma_wait3A_455 : memref<128x16xf32, #tpu.memory_space<vmem>>) dst(%dma_wait3A_461 : memref<10240x16xf32, #tpu.memory_space<vmem_shared>>)
        tpu.yield
      }) : () -> ()
      %mul3A_315 = arith.constant 128 : i32
      %mul3A_316 = arith.muli %add3A_271, %mul3A_315 : i32
      %dma_start3A_317 = arith.constant 0 : i32
      %dma_start3A_318 = arith.constant 0 : i32
      %dma_start3A_319 = arith.constant 0 : i32
      %dma_start3A_320 = tpu.memref_slice %arg15[%dma_start3A_317, %dma_start3A_318, %dma_start3A_319] : memref<2x128x16xf32, #tpu.memory_space<vmem>> -> memref<1x128x16xf32, #tpu.memory_space<vmem>>
      %dma_start3A_321 = tpu.memref_squeeze %dma_start3A_320 : memref<1x128x16xf32, #tpu.memory_space<vmem>> -> memref<128x16xf32, #tpu.memory_space<vmem>>
      %dma_start3A_322 = arith.constant 0 : i32
      %dma_start3A_323 = tpu.memref_slice %arg7[%mul3A_316, %dma_start3A_322] : memref<320000x16xf32, #tpu.memory_space<hbm>> -> memref<128x16xf32, #tpu.memory_space<hbm>>
      %dma_start3A_324 = arith.constant 0 : i32
      %dma_start3A_325 = tpu.memref_slice %arg7[%mul3A_316, %dma_start3A_324] : memref<320000x16xf32, #tpu.memory_space<hbm>> -> memref<128x16xf32, #tpu.memory_space<hbm>>
      %dma_start3A_326 = arith.constant 0 : i32
      %dma_start3A_327 = arith.constant 0 : i32
      %dma_start3A_328 = tpu.memref_slice %arg15[%dma_start3A_317, %dma_start3A_326, %dma_start3A_327] : memref<2x128x16xf32, #tpu.memory_space<vmem>> -> memref<1x128x16xf32, #tpu.memory_space<vmem>>
      %dma_start3A_329 = tpu.memref_squeeze %dma_start3A_328 : memref<1x128x16xf32, #tpu.memory_space<vmem>> -> memref<128x16xf32, #tpu.memory_space<vmem>>
      tpu.enqueue_dma source(%dma_start3A_329 : memref<128x16xf32, #tpu.memory_space<vmem>>) target(%dma_start3A_325 : memref<128x16xf32, #tpu.memory_space<hbm>>) target_semaphore(%arg20 : memref<!tpu.dma_semaphore, #tpu.memory_space<semaphore_mem>>)
      %add3A_330 = arith.constant 2 : i32
      %add3A_331 = arith.addi %mul3A_226, %add3A_330 : i32
      %mul3A_332 = arith.constant 32 : i32
      %mul3A_333 = arith.muli %mul3A_332, %add3A_331 : i32
      %add3A_334 = arith.addi %add3A, %mul3A_333 : i32
      %dma_start3A_335 = arith.constant 0 : i32
      %dma_start3A_336 = arith.constant 0 : i32
      %dma_start3A_337 = arith.constant 0 : i32
      %dma_start3A_338 = tpu.memref_slice %arg12[%dma_start3A_335, %dma_start3A_336, %dma_start3A_337] : memref<2x128x16xf32, #tpu.memory_space<vmem>> -> memref<1x128x16xf32, #tpu.memory_space<vmem>>
      %dma_start3A_339 = tpu.memref_squeeze %dma_start3A_338 : memref<1x128x16xf32, #tpu.memory_space<vmem>> -> memref<128x16xf32, #tpu.memory_space<vmem>>
      %dma_start3A_340 = arith.constant 0 : i32
      %dma_start3A_341 = tpu.memref_slice %arg10[%add3A_331, %dma_start3A_340] : memref<80x128xi32, #tpu.memory_space<vmem>> -> memref<1x128xi32, #tpu.memory_space<vmem>>
      %dma_start3A_342 = tpu.memref_squeeze %dma_start3A_341 : memref<1x128xi32, #tpu.memory_space<vmem>> -> memref<128xi32, #tpu.memory_space<vmem>>
      %dma_start3A_343 = arith.constant 0 : i32
      %dma_start3A_344 = arith.constant 0 : i32
      %dma_start3A_345 = tpu.memref_slice %arg2[%dma_start3A_343, %dma_start3A_344] : memref<10000x16xf32, #tpu.memory_space<hbm>> -> memref<10000x16xf32, #tpu.memory_space<hbm>>
      tpu.enqueue_indirect_dma source(%dma_start3A_345 : memref<10000x16xf32, #tpu.memory_space<hbm>>) target(%dma_start3A_339 : memref<128x16xf32, #tpu.memory_space<vmem>>) offsets(%dma_start3A_342 : memref<128xi32, #tpu.memory_space<vmem>>) semaphore(%arg18 : memref<!tpu.dma_semaphore, #tpu.memory_space<semaphore_mem>>)
      %dma_start3A_346 = arith.constant 0 : i32
      %dma_start3A_347 = arith.constant 0 : i32
      %dma_start3A_348 = arith.constant 0 : i32
      %dma_start3A_349 = tpu.memref_slice %arg13[%dma_start3A_346, %dma_start3A_347, %dma_start3A_348] : memref<2x128x16xf32, #tpu.memory_space<vmem>> -> memref<1x128x16xf32, #tpu.memory_space<vmem>>
      %dma_start3A_350 = tpu.memref_squeeze %dma_start3A_349 : memref<1x128x16xf32, #tpu.memory_space<vmem>> -> memref<128x16xf32, #tpu.memory_space<vmem>>
      %dma_start3A_351 = arith.constant 0 : i32
      %dma_start3A_352 = tpu.memref_slice %arg11[%add3A_331, %dma_start3A_351] : memref<80x128xi32, #tpu.memory_space<vmem>> -> memref<1x128xi32, #tpu.memory_space<vmem>>
      %dma_start3A_353 = tpu.memref_squeeze %dma_start3A_352 : memref<1x128xi32, #tpu.memory_space<vmem>> -> memref<128xi32, #tpu.memory_space<vmem>>
      %dma_start3A_354 = arith.constant 0 : i32
      %dma_start3A_355 = arith.constant 0 : i32
      %dma_start3A_356 = tpu.memref_slice %arg3[%dma_start3A_354, %dma_start3A_355] : memref<10000x16xf32, #tpu.memory_space<hbm>> -> memref<10000x16xf32, #tpu.memory_space<hbm>>
      tpu.enqueue_indirect_dma source(%dma_start3A_356 : memref<10000x16xf32, #tpu.memory_space<hbm>>) target(%dma_start3A_350 : memref<128x16xf32, #tpu.memory_space<vmem>>) offsets(%dma_start3A_353 : memref<128xi32, #tpu.memory_space<vmem>>) semaphore(%arg18 : memref<!tpu.dma_semaphore, #tpu.memory_space<semaphore_mem>>)
      %mul3A_357 = arith.constant 16 : i32
      %mul3A_358 = arith.muli %add3A_334, %mul3A_357 : i32
      %dma_start3A_359 = arith.constant 0 : i32
      %dma_start3A_360 = arith.constant 0 : i32
      %dma_start3A_361 = arith.constant 0 : i32
      %dma_start3A_362 = tpu.memref_slice %arg14[%dma_start3A_359, %dma_start3A_360, %dma_start3A_361] : memref<2x16x128xf32, #tpu.memory_space<vmem>> -> memref<1x16x128xf32, #tpu.memory_space<vmem>>
      %dma_start3A_363 = tpu.memref_squeeze %dma_start3A_362 : memref<1x16x128xf32, #tpu.memory_space<vmem>> -> memref<16x128xf32, #tpu.memory_space<vmem>>
      %dma_start3A_364 = arith.constant 0 : i32
      %dma_start3A_365 = tpu.memref_slice %arg4[%mul3A_358, %dma_start3A_364] : memref<40000x128xf32, #tpu.memory_space<hbm>> -> memref<16x128xf32, #tpu.memory_space<hbm>>
      %dma_start3A_366 = arith.constant 0 : i32
      %dma_start3A_367 = arith.constant 0 : i32
      %dma_start3A_368 = tpu.memref_slice %arg14[%dma_start3A_359, %dma_start3A_366, %dma_start3A_367] : memref<2x16x128xf32, #tpu.memory_space<vmem>> -> memref<1x16x128xf32, #tpu.memory_space<vmem>>
      %dma_start3A_369 = tpu.memref_squeeze %dma_start3A_368 : memref<1x16x128xf32, #tpu.memory_space<vmem>> -> memref<16x128xf32, #tpu.memory_space<vmem>>
      %dma_start3A_370 = arith.constant 0 : i32
      %dma_start3A_371 = tpu.memref_slice %arg4[%mul3A_358, %dma_start3A_370] : memref<40000x128xf32, #tpu.memory_space<hbm>> -> memref<16x128xf32, #tpu.memory_space<hbm>>
      tpu.enqueue_dma source(%dma_start3A_371 : memref<16x128xf32, #tpu.memory_space<hbm>>) target(%dma_start3A_369 : memref<16x128xf32, #tpu.memory_space<vmem>>) target_semaphore(%arg18 : memref<!tpu.dma_semaphore, #tpu.memory_space<semaphore_mem>>)
      %add3A_372 = arith.constant 1 : i32
      %add3A_373 = arith.addi %mul3A_226, %add3A_372 : i32
      %mul3A_374 = arith.constant 32 : i32
      %mul3A_375 = arith.muli %mul3A_374, %add3A_373 : i32
      %add3A_376 = arith.addi %add3A, %mul3A_375 : i32
      %dma_wait3A_377 = arith.constant 1 : i32
      %dma_wait3A_378 = arith.constant 0 : i32
      %dma_wait3A_379 = arith.constant 0 : i32
      %dma_wait3A_380 = tpu.memref_slice %arg12[%dma_wait3A_377, %dma_wait3A_378, %dma_wait3A_379] : memref<2x128x16xf32, #tpu.memory_space<vmem>> -> memref<1x128x16xf32, #tpu.memory_space<vmem>>
      %dma_wait3A_381 = tpu.memref_squeeze %dma_wait3A_380 : memref<1x128x16xf32, #tpu.memory_space<vmem>> -> memref<128x16xf32, #tpu.memory_space<vmem>>
      %dma_wait3A_382 = arith.constant 0 : i32
      %dma_wait3A_383 = tpu.memref_slice %arg10[%add3A_228, %dma_wait3A_382] : memref<80x128xi32, #tpu.memory_space<vmem>> -> memref<1x128xi32, #tpu.memory_space<vmem>>
      %dma_wait3A_384 = tpu.memref_squeeze %dma_wait3A_383 : memref<1x128xi32, #tpu.memory_space<vmem>> -> memref<128xi32, #tpu.memory_space<vmem>>
      %dma_wait3A_385 = arith.constant 0 : i32
      %dma_wait3A_386 = arith.constant 0 : i32
      %dma_wait3A_387 = tpu.memref_slice %arg2[%dma_wait3A_385, %dma_wait3A_386] : memref<10000x16xf32, #tpu.memory_space<hbm>> -> memref<10000x16xf32, #tpu.memory_space<hbm>>
      tpu.wait_indirect_dma semaphore(%arg19 : memref<!tpu.dma_semaphore, #tpu.memory_space<semaphore_mem>>) src(%dma_wait3A_387 : memref<10000x16xf32, #tpu.memory_space<hbm>>) dst(%dma_wait3A_381 : memref<128x16xf32, #tpu.memory_space<vmem>>)
      %dma_wait3A_388 = arith.constant 1 : i32
      %dma_wait3A_389 = arith.constant 0 : i32
      %dma_wait3A_390 = arith.constant 0 : i32
      %dma_wait3A_391 = tpu.memref_slice %arg13[%dma_wait3A_388, %dma_wait3A_389, %dma_wait3A_390] : memref<2x128x16xf32, #tpu.memory_space<vmem>> -> memref<1x128x16xf32, #tpu.memory_space<vmem>>
      %dma_wait3A_392 = tpu.memref_squeeze %dma_wait3A_391 : memref<1x128x16xf32, #tpu.memory_space<vmem>> -> memref<128x16xf32, #tpu.memory_space<vmem>>
      %dma_wait3A_393 = arith.constant 0 : i32
      %dma_wait3A_394 = tpu.memref_slice %arg11[%add3A_228, %dma_wait3A_393] : memref<80x128xi32, #tpu.memory_space<vmem>> -> memref<1x128xi32, #tpu.memory_space<vmem>>
      %dma_wait3A_395 = tpu.memref_squeeze %dma_wait3A_394 : memref<1x128xi32, #tpu.memory_space<vmem>> -> memref<128xi32, #tpu.memory_space<vmem>>
      %dma_wait3A_396 = arith.constant 0 : i32
      %dma_wait3A_397 = arith.constant 0 : i32
      %dma_wait3A_398 = tpu.memref_slice %arg3[%dma_wait3A_396, %dma_wait3A_397] : memref<10000x16xf32, #tpu.memory_space<hbm>> -> memref<10000x16xf32, #tpu.memory_space<hbm>>
      tpu.wait_indirect_dma semaphore(%arg19 : memref<!tpu.dma_semaphore, #tpu.memory_space<semaphore_mem>>) src(%dma_wait3A_398 : memref<10000x16xf32, #tpu.memory_space<hbm>>) dst(%dma_wait3A_392 : memref<128x16xf32, #tpu.memory_space<vmem>>)
      %dma_wait3A_399 = arith.constant 1 : i32
      %dma_wait3A_400 = arith.constant 0 : i32
      %dma_wait3A_401 = arith.constant 0 : i32
      %dma_wait3A_402 = tpu.memref_slice %arg14[%dma_wait3A_399, %dma_wait3A_400, %dma_wait3A_401] : memref<2x16x128xf32, #tpu.memory_space<vmem>> -> memref<1x16x128xf32, #tpu.memory_space<vmem>>
      %dma_wait3A_403 = tpu.memref_squeeze %dma_wait3A_402 : memref<1x16x128xf32, #tpu.memory_space<vmem>> -> memref<16x128xf32, #tpu.memory_space<vmem>>
      %dma_wait3A_404 = arith.constant 0 : i32
      %dma_wait3A_405 = tpu.memref_slice %arg4[%mul3A_255, %dma_wait3A_404] : memref<40000x128xf32, #tpu.memory_space<hbm>> -> memref<16x128xf32, #tpu.memory_space<hbm>>
      %dma_wait3A_406 = arith.constant 0 : i32
      %dma_wait3A_407 = arith.constant 0 : i32
      %dma_wait3A_408 = tpu.memref_slice %arg14[%dma_wait3A_399, %dma_wait3A_406, %dma_wait3A_407] : memref<2x16x128xf32, #tpu.memory_space<vmem>> -> memref<1x16x128xf32, #tpu.memory_space<vmem>>
      %dma_wait3A_409 = tpu.memref_squeeze %dma_wait3A_408 : memref<1x16x128xf32, #tpu.memory_space<vmem>> -> memref<16x128xf32, #tpu.memory_space<vmem>>
      %dma_wait3A_410 = arith.constant 0 : i32
      %dma_wait3A_411 = tpu.memref_slice %arg4[%mul3A_255, %dma_wait3A_410] : memref<40000x128xf32, #tpu.memory_space<hbm>> -> memref<16x128xf32, #tpu.memory_space<hbm>>
      tpu.wait_dma2 semaphore(%arg19 : memref<!tpu.dma_semaphore, #tpu.memory_space<semaphore_mem>>) src(%dma_wait3A_411 : memref<16x128xf32, #tpu.memory_space<hbm>>) dst(%dma_wait3A_409 : memref<16x128xf32, #tpu.memory_space<vmem>>)
      %ge3A_412 = arith.constant 2 : i32
      %ge3A_413 = arith.cmpi sge, %add3A_373, %ge3A_412 : i32
      %convert_element_type3A_414 = arith.extui %ge3A_413 : i1 to i32
      %cond3A_415 = arith.constant 0 : i32
      %cond3A_416 = arith.cmpi ne, %convert_element_type3A_414, %cond3A_415 : i32
      scf.if %cond3A_416 {
        %dma_wait3A_441 = arith.constant 1 : i32
        %dma_wait3A_442 = arith.constant 0 : i32
        %dma_wait3A_443 = arith.constant 0 : i32
        %dma_wait3A_444 = tpu.memref_slice %arg15[%dma_wait3A_441, %dma_wait3A_442, %dma_wait3A_443] : memref<2x128x16xf32, #tpu.memory_space<vmem>> -> memref<1x128x16xf32, #tpu.memory_space<vmem>>
        %dma_wait3A_445 = tpu.memref_squeeze %dma_wait3A_444 : memref<1x128x16xf32, #tpu.memory_space<vmem>> -> memref<128x16xf32, #tpu.memory_space<vmem>>
        %dma_wait3A_446 = arith.constant 0 : i32
        %dma_wait3A_447 = arith.constant 0 : i32
        %dma_wait3A_448 = tpu.memref_slice %arg7[%dma_wait3A_446, %dma_wait3A_447] : memref<320000x16xf32, #tpu.memory_space<hbm>> -> memref<128x16xf32, #tpu.memory_space<hbm>>
        %dma_wait3A_449 = arith.constant 0 : i32
        %dma_wait3A_450 = arith.constant 0 : i32
        %dma_wait3A_451 = tpu.memref_slice %arg15[%dma_wait3A_441, %dma_wait3A_449, %dma_wait3A_450] : memref<2x128x16xf32, #tpu.memory_space<vmem>> -> memref<1x128x16xf32, #tpu.memory_space<vmem>>
        %dma_wait3A_452 = tpu.memref_squeeze %dma_wait3A_451 : memref<1x128x16xf32, #tpu.memory_space<vmem>> -> memref<128x16xf32, #tpu.memory_space<vmem>>
        %dma_wait3A_453 = arith.constant 0 : i32
        %dma_wait3A_454 = arith.constant 0 : i32
        %dma_wait3A_455 = tpu.memref_slice %arg7[%dma_wait3A_453, %dma_wait3A_454] : memref<320000x16xf32, #tpu.memory_space<hbm>> -> memref<128x16xf32, #tpu.memory_space<hbm>>
        tpu.wait_dma2 semaphore(%arg21 : memref<!tpu.dma_semaphore, #tpu.memory_space<semaphore_mem>>) src(%dma_wait3A_455 : memref<128x16xf32, #tpu.memory_space<hbm>>) dst(%dma_wait3A_452 : memref<128x16xf32, #tpu.memory_space<vmem>>)
      } else {
      }
      %scan3A_417 = arith.constant 0 : i32
      %scan3A_418 = arith.constant 0 : i32
      %scan3A_419 = arith.constant 16 : i32
      %scan3A_420 = arith.addi %scan3A_418, %scan3A_419 : i32
      %scan3A_421 = arith.constant 1 : i32
      %scan3A_422 = scf.for %scan3A_441 = %scan3A_418 to %scan3A_420 step %scan3A_421 iter_args(%scan3A_442 = %scan3A_417) -> (i32)  : i32 {
        %mul3A_443 = arith.constant 8 : i32
        %mul3A_444 = arith.muli %scan3A_441, %mul3A_443 : i32
        %add3A_445 = arith.constant 0 : i32
        %add3A_446 = arith.addi %mul3A_444, %add3A_445 : i32
        %get3A = arith.constant 1 : i32
        %get3A_447 = arith.index_cast %get3A : i32 to index
        %get3A_448 = arith.index_cast %add3A_446 : i32 to index
        %get3A_449 = arith.constant 0 : index
        %get3A_450 = tpu.vector_load %arg12[%get3A_447, %get3A_448, %get3A_449] {strides = array<i32>} : memref<2x128x16xf32, #tpu.memory_space<vmem>>, vector<1x1x16xf32>,
        %get3A_451 = vector.shape_cast %get3A_450 : vector<1x1x16xf32> to vector<16xf32>
        %get3A_452 = arith.constant 1 : i32
        %get3A_453 = arith.index_cast %get3A_452 : i32 to index
        %get3A_454 = arith.index_cast %add3A_446 : i32 to index
        %get3A_455 = arith.constant 0 : index
        %get3A_456 = tpu.vector_load %arg13[%get3A_453, %get3A_454, %get3A_455] {strides = array<i32>} : memref<2x128x16xf32, #tpu.memory_space<vmem>>, vector<1x1x16xf32>,
        %get3A_457 = vector.shape_cast %get3A_456 : vector<1x1x16xf32> to vector<16xf32>
        %add3A_458 = arith.addf %get3A_451, %get3A_457 : vector<16xf32>
        %get3A_459 = arith.constant 1 : i32
        %get3A_460 = arith.index_cast %get3A_459 : i32 to index
        %get3A_461 = arith.index_cast %scan3A_441 : i32 to index
        %get3A_462 = arith.constant 0 : index
        %get3A_463 = tpu.vector_load %arg14[%get3A_460, %get3A_461, %get3A_462] {strides = array<i32>} : memref<2x16x128xf32, #tpu.memory_space<vmem>>, vector<1x1x16xf32>,
        %get3A_464 = vector.shape_cast %get3A_463 : vector<1x1x16xf32> to vector<16xf32>
        %add3A_465 = arith.addf %add3A_458, %get3A_464 : vector<16xf32>
        %max3A = arith.constant 0.000000e+00 : f32
        %max3A_466 = vector.broadcast %max3A : f32 to vector<16xf32>
        %max3A_467 = arith.maximumf %add3A_465, %max3A_466 : vector<16xf32>
        %swap3A_468 = arith.constant 1 : i32
        %swap3A_469 = arith.index_cast %swap3A_468 : i32 to index
        %swap3A_470 = arith.index_cast %add3A_446 : i32 to index
        %swap3A_471 = arith.constant 0 : index
        %swap3A_472 = tpu.vector_load %arg15[%swap3A_469, %swap3A_470, %swap3A_471] {strides = array<i32>} : memref<2x128x16xf32, #tpu.memory_space<vmem>>, vector<1x1x16xf32>,
        %swap3A_473 = vector.shape_cast %swap3A_472 : vector<1x1x16xf32> to vector<16xf32>
        %swap3A_474 = vector.shape_cast %max3A_467 : vector<16xf32> to vector<1x1x16xf32>
        tpu.vector_store %arg15[%swap3A_469, %swap3A_470, %swap3A_471], %swap3A_474 {strides = array<i32>} : memref<2x128x16xf32, #tpu.memory_space<vmem>>, vector<1x1x16xf32>,
        %mul3A_475 = arith.constant 8 : i32
        %mul3A_476 = arith.muli %scan3A_441, %mul3A_475 : i32
        %add3A_477 = arith.constant 1 : i32
        %add3A_478 = arith.addi %mul3A_476, %add3A_477 : i32
        %get3A_479 = arith.constant 1 : i32
        %get3A_480 = arith.index_cast %get3A_479 : i32 to index
        %get3A_481 = arith.index_cast %add3A_478 : i32 to index
        %get3A_482 = arith.constant 0 : index
        %get3A_483 = tpu.vector_load %arg12[%get3A_480, %get3A_481, %get3A_482] {strides = array<i32>} : memref<2x128x16xf32, #tpu.memory_space<vmem>>, vector<1x1x16xf32>,
        %get3A_484 = vector.shape_cast %get3A_483 : vector<1x1x16xf32> to vector<16xf32>
        %get3A_485 = arith.constant 1 : i32
        %get3A_486 = arith.index_cast %get3A_485 : i32 to index
        %get3A_487 = arith.index_cast %add3A_478 : i32 to index
        %get3A_488 = arith.constant 0 : index
        %get3A_489 = tpu.vector_load %arg13[%get3A_486, %get3A_487, %get3A_488] {strides = array<i32>} : memref<2x128x16xf32, #tpu.memory_space<vmem>>, vector<1x1x16xf32>,
        %get3A_490 = vector.shape_cast %get3A_489 : vector<1x1x16xf32> to vector<16xf32>
        %add3A_491 = arith.addf %get3A_484, %get3A_490 : vector<16xf32>
        %get3A_492 = arith.constant 1 : i32
        %get3A_493 = arith.index_cast %get3A_492 : i32 to index
        %get3A_494 = arith.index_cast %scan3A_441 : i32 to index
        %get3A_495 = arith.constant 16 : index
        %get3A_496 = tpu.vector_load %arg14[%get3A_493, %get3A_494, %get3A_495] {strides = array<i32>} : memref<2x16x128xf32, #tpu.memory_space<vmem>>, vector<1x1x16xf32>,
        %get3A_497 = vector.shape_cast %get3A_496 : vector<1x1x16xf32> to vector<16xf32>
        %add3A_498 = arith.addf %add3A_491, %get3A_497 : vector<16xf32>
        %max3A_499 = arith.constant 0.000000e+00 : f32
        %max3A_500 = vector.broadcast %max3A_499 : f32 to vector<16xf32>
        %max3A_501 = arith.maximumf %add3A_498, %max3A_500 : vector<16xf32>
        %swap3A_502 = arith.constant 1 : i32
        %swap3A_503 = arith.index_cast %swap3A_502 : i32 to index
        %swap3A_504 = arith.index_cast %add3A_478 : i32 to index
        %swap3A_505 = arith.constant 0 : index
        %swap3A_506 = tpu.vector_load %arg15[%swap3A_503, %swap3A_504, %swap3A_505] {strides = array<i32>} : memref<2x128x16xf32, #tpu.memory_space<vmem>>, vector<1x1x16xf32>,
        %swap3A_507 = vector.shape_cast %swap3A_506 : vector<1x1x16xf32> to vector<16xf32>
        %swap3A_508 = vector.shape_cast %max3A_501 : vector<16xf32> to vector<1x1x16xf32>
        tpu.vector_store %arg15[%swap3A_503, %swap3A_504, %swap3A_505], %swap3A_508 {strides = array<i32>} : memref<2x128x16xf32, #tpu.memory_space<vmem>>, vector<1x1x16xf32>,
        %mul3A_509 = arith.constant 8 : i32
        %mul3A_510 = arith.muli %scan3A_441, %mul3A_509 : i32
        %add3A_511 = arith.constant 2 : i32
        %add3A_512 = arith.addi %mul3A_510, %add3A_511 : i32
        %get3A_513 = arith.constant 1 : i32
        %get3A_514 = arith.index_cast %get3A_513 : i32 to index
        %get3A_515 = arith.index_cast %add3A_512 : i32 to index
        %get3A_516 = arith.constant 0 : index
        %get3A_517 = tpu.vector_load %arg12[%get3A_514, %get3A_515, %get3A_516] {strides = array<i32>} : memref<2x128x16xf32, #tpu.memory_space<vmem>>, vector<1x1x16xf32>,
        %get3A_518 = vector.shape_cast %get3A_517 : vector<1x1x16xf32> to vector<16xf32>
        %get3A_519 = arith.constant 1 : i32
        %get3A_520 = arith.index_cast %get3A_519 : i32 to index
        %get3A_521 = arith.index_cast %add3A_512 : i32 to index
        %get3A_522 = arith.constant 0 : index
        %get3A_523 = tpu.vector_load %arg13[%get3A_520, %get3A_521, %get3A_522] {strides = array<i32>} : memref<2x128x16xf32, #tpu.memory_space<vmem>>, vector<1x1x16xf32>,
        %get3A_524 = vector.shape_cast %get3A_523 : vector<1x1x16xf32> to vector<16xf32>
        %add3A_525 = arith.addf %get3A_518, %get3A_524 : vector<16xf32>
        %get3A_526 = arith.constant 1 : i32
        %get3A_527 = arith.index_cast %get3A_526 : i32 to index
        %get3A_528 = arith.index_cast %scan3A_441 : i32 to index
        %get3A_529 = arith.constant 32 : index
        %get3A_530 = tpu.vector_load %arg14[%get3A_527, %get3A_528, %get3A_529] {strides = array<i32>} : memref<2x16x128xf32, #tpu.memory_space<vmem>>, vector<1x1x16xf32>,
        %get3A_531 = vector.shape_cast %get3A_530 : vector<1x1x16xf32> to vector<16xf32>
        %add3A_532 = arith.addf %add3A_525, %get3A_531 : vector<16xf32>
        %max3A_533 = arith.constant 0.000000e+00 : f32
        %max3A_534 = vector.broadcast %max3A_533 : f32 to vector<16xf32>
        %max3A_535 = arith.maximumf %add3A_532, %max3A_534 : vector<16xf32>
        %swap3A_536 = arith.constant 1 : i32
        %swap3A_537 = arith.index_cast %swap3A_536 : i32 to index
        %swap3A_538 = arith.index_cast %add3A_512 : i32 to index
        %swap3A_539 = arith.constant 0 : index
        %swap3A_540 = tpu.vector_load %arg15[%swap3A_537, %swap3A_538, %swap3A_539] {strides = array<i32>} : memref<2x128x16xf32, #tpu.memory_space<vmem>>, vector<1x1x16xf32>,
        %swap3A_541 = vector.shape_cast %swap3A_540 : vector<1x1x16xf32> to vector<16xf32>
        %swap3A_542 = vector.shape_cast %max3A_535 : vector<16xf32> to vector<1x1x16xf32>
        tpu.vector_store %arg15[%swap3A_537, %swap3A_538, %swap3A_539], %swap3A_542 {strides = array<i32>} : memref<2x128x16xf32, #tpu.memory_space<vmem>>, vector<1x1x16xf32>,
        %mul3A_543 = arith.constant 8 : i32
        %mul3A_544 = arith.muli %scan3A_441, %mul3A_543 : i32
        %add3A_545 = arith.constant 3 : i32
        %add3A_546 = arith.addi %mul3A_544, %add3A_545 : i32
        %get3A_547 = arith.constant 1 : i32
        %get3A_548 = arith.index_cast %get3A_547 : i32 to index
        %get3A_549 = arith.index_cast %add3A_546 : i32 to index
        %get3A_550 = arith.constant 0 : index
        %get3A_551 = tpu.vector_load %arg12[%get3A_548, %get3A_549, %get3A_550] {strides = array<i32>} : memref<2x128x16xf32, #tpu.memory_space<vmem>>, vector<1x1x16xf32>,
        %get3A_552 = vector.shape_cast %get3A_551 : vector<1x1x16xf32> to vector<16xf32>
        %get3A_553 = arith.constant 1 : i32
        %get3A_554 = arith.index_cast %get3A_553 : i32 to index
        %get3A_555 = arith.index_cast %add3A_546 : i32 to index
        %get3A_556 = arith.constant 0 : index
        %get3A_557 = tpu.vector_load %arg13[%get3A_554, %get3A_555, %get3A_556] {strides = array<i32>} : memref<2x128x16xf32, #tpu.memory_space<vmem>>, vector<1x1x16xf32>,
        %get3A_558 = vector.shape_cast %get3A_557 : vector<1x1x16xf32> to vector<16xf32>
        %add3A_559 = arith.addf %get3A_552, %get3A_558 : vector<16xf32>
        %get3A_560 = arith.constant 1 : i32
        %get3A_561 = arith.index_cast %get3A_560 : i32 to index
        %get3A_562 = arith.index_cast %scan3A_441 : i32 to index
        %get3A_563 = arith.constant 48 : index
        %get3A_564 = tpu.vector_load %arg14[%get3A_561, %get3A_562, %get3A_563] {strides = array<i32>} : memref<2x16x128xf32, #tpu.memory_space<vmem>>, vector<1x1x16xf32>,
        %get3A_565 = vector.shape_cast %get3A_564 : vector<1x1x16xf32> to vector<16xf32>
        %add3A_566 = arith.addf %add3A_559, %get3A_565 : vector<16xf32>
        %max3A_567 = arith.constant 0.000000e+00 : f32
        %max3A_568 = vector.broadcast %max3A_567 : f32 to vector<16xf32>
        %max3A_569 = arith.maximumf %add3A_566, %max3A_568 : vector<16xf32>
        %swap3A_570 = arith.constant 1 : i32
        %swap3A_571 = arith.index_cast %swap3A_570 : i32 to index
        %swap3A_572 = arith.index_cast %add3A_546 : i32 to index
        %swap3A_573 = arith.constant 0 : index
        %swap3A_574 = tpu.vector_load %arg15[%swap3A_571, %swap3A_572, %swap3A_573] {strides = array<i32>} : memref<2x128x16xf32, #tpu.memory_space<vmem>>, vector<1x1x16xf32>,
        %swap3A_575 = vector.shape_cast %swap3A_574 : vector<1x1x16xf32> to vector<16xf32>
        %swap3A_576 = vector.shape_cast %max3A_569 : vector<16xf32> to vector<1x1x16xf32>
        tpu.vector_store %arg15[%swap3A_571, %swap3A_572, %swap3A_573], %swap3A_576 {strides = array<i32>} : memref<2x128x16xf32, #tpu.memory_space<vmem>>, vector<1x1x16xf32>,
        %mul3A_577 = arith.constant 8 : i32
        %mul3A_578 = arith.muli %scan3A_441, %mul3A_577 : i32
        %add3A_579 = arith.constant 4 : i32
        %add3A_580 = arith.addi %mul3A_578, %add3A_579 : i32
        %get3A_581 = arith.constant 1 : i32
        %get3A_582 = arith.index_cast %get3A_581 : i32 to index
        %get3A_583 = arith.index_cast %add3A_580 : i32 to index
        %get3A_584 = arith.constant 0 : index
        %get3A_585 = tpu.vector_load %arg12[%get3A_582, %get3A_583, %get3A_584] {strides = array<i32>} : memref<2x128x16xf32, #tpu.memory_space<vmem>>, vector<1x1x16xf32>,
        %get3A_586 = vector.shape_cast %get3A_585 : vector<1x1x16xf32> to vector<16xf32>
        %get3A_587 = arith.constant 1 : i32
        %get3A_588 = arith.index_cast %get3A_587 : i32 to index
        %get3A_589 = arith.index_cast %add3A_580 : i32 to index
        %get3A_590 = arith.constant 0 : index
        %get3A_591 = tpu.vector_load %arg13[%get3A_588, %get3A_589, %get3A_590] {strides = array<i32>} : memref<2x128x16xf32, #tpu.memory_space<vmem>>, vector<1x1x16xf32>,
        %get3A_592 = vector.shape_cast %get3A_591 : vector<1x1x16xf32> to vector<16xf32>
        %add3A_593 = arith.addf %get3A_586, %get3A_592 : vector<16xf32>
        %get3A_594 = arith.constant 1 : i32
        %get3A_595 = arith.index_cast %get3A_594 : i32 to index
        %get3A_596 = arith.index_cast %scan3A_441 : i32 to index
        %get3A_597 = arith.constant 64 : index
        %get3A_598 = tpu.vector_load %arg14[%get3A_595, %get3A_596, %get3A_597] {strides = array<i32>} : memref<2x16x128xf32, #tpu.memory_space<vmem>>, vector<1x1x16xf32>,
        %get3A_599 = vector.shape_cast %get3A_598 : vector<1x1x16xf32> to vector<16xf32>
        %add3A_600 = arith.addf %add3A_593, %get3A_599 : vector<16xf32>
        %max3A_601 = arith.constant 0.000000e+00 : f32
        %max3A_602 = vector.broadcast %max3A_601 : f32 to vector<16xf32>
        %max3A_603 = arith.maximumf %add3A_600, %max3A_602 : vector<16xf32>
        %swap3A_604 = arith.constant 1 : i32
        %swap3A_605 = arith.index_cast %swap3A_604 : i32 to index
        %swap3A_606 = arith.index_cast %add3A_580 : i32 to index
        %swap3A_607 = arith.constant 0 : index
        %swap3A_608 = tpu.vector_load %arg15[%swap3A_605, %swap3A_606, %swap3A_607] {strides = array<i32>} : memref<2x128x16xf32, #tpu.memory_space<vmem>>, vector<1x1x16xf32>,
        %swap3A_609 = vector.shape_cast %swap3A_608 : vector<1x1x16xf32> to vector<16xf32>
        %swap3A_610 = vector.shape_cast %max3A_603 : vector<16xf32> to vector<1x1x16xf32>
        tpu.vector_store %arg15[%swap3A_605, %swap3A_606, %swap3A_607], %swap3A_610 {strides = array<i32>} : memref<2x128x16xf32, #tpu.memory_space<vmem>>, vector<1x1x16xf32>,
        %mul3A_611 = arith.constant 8 : i32
        %mul3A_612 = arith.muli %scan3A_441, %mul3A_611 : i32
        %add3A_613 = arith.constant 5 : i32
        %add3A_614 = arith.addi %mul3A_612, %add3A_613 : i32
        %get3A_615 = arith.constant 1 : i32
        %get3A_616 = arith.index_cast %get3A_615 : i32 to index
        %get3A_617 = arith.index_cast %add3A_614 : i32 to index
        %get3A_618 = arith.constant 0 : index
        %get3A_619 = tpu.vector_load %arg12[%get3A_616, %get3A_617, %get3A_618] {strides = array<i32>} : memref<2x128x16xf32, #tpu.memory_space<vmem>>, vector<1x1x16xf32>,
        %get3A_620 = vector.shape_cast %get3A_619 : vector<1x1x16xf32> to vector<16xf32>
        %get3A_621 = arith.constant 1 : i32
        %get3A_622 = arith.index_cast %get3A_621 : i32 to index
        %get3A_623 = arith.index_cast %add3A_614 : i32 to index
        %get3A_624 = arith.constant 0 : index
        %get3A_625 = tpu.vector_load %arg13[%get3A_622, %get3A_623, %get3A_624] {strides = array<i32>} : memref<2x128x16xf32, #tpu.memory_space<vmem>>, vector<1x1x16xf32>,
        %get3A_626 = vector.shape_cast %get3A_625 : vector<1x1x16xf32> to vector<16xf32>
        %add3A_627 = arith.addf %get3A_620, %get3A_626 : vector<16xf32>
        %get3A_628 = arith.constant 1 : i32
        %get3A_629 = arith.index_cast %get3A_628 : i32 to index
        %get3A_630 = arith.index_cast %scan3A_441 : i32 to index
        %get3A_631 = arith.constant 80 : index
        %get3A_632 = tpu.vector_load %arg14[%get3A_629, %get3A_630, %get3A_631] {strides = array<i32>} : memref<2x16x128xf32, #tpu.memory_space<vmem>>, vector<1x1x16xf32>,
        %get3A_633 = vector.shape_cast %get3A_632 : vector<1x1x16xf32> to vector<16xf32>
        %add3A_634 = arith.addf %add3A_627, %get3A_633 : vector<16xf32>
        %max3A_635 = arith.constant 0.000000e+00 : f32
        %max3A_636 = vector.broadcast %max3A_635 : f32 to vector<16xf32>
        %max3A_637 = arith.maximumf %add3A_634, %max3A_636 : vector<16xf32>
        %swap3A_638 = arith.constant 1 : i32
        %swap3A_639 = arith.index_cast %swap3A_638 : i32 to index
        %swap3A_640 = arith.index_cast %add3A_614 : i32 to index
        %swap3A_641 = arith.constant 0 : index
        %swap3A_642 = tpu.vector_load %arg15[%swap3A_639, %swap3A_640, %swap3A_641] {strides = array<i32>} : memref<2x128x16xf32, #tpu.memory_space<vmem>>, vector<1x1x16xf32>,
        %swap3A_643 = vector.shape_cast %swap3A_642 : vector<1x1x16xf32> to vector<16xf32>
        %swap3A_644 = vector.shape_cast %max3A_637 : vector<16xf32> to vector<1x1x16xf32>
        tpu.vector_store %arg15[%swap3A_639, %swap3A_640, %swap3A_641], %swap3A_644 {strides = array<i32>} : memref<2x128x16xf32, #tpu.memory_space<vmem>>, vector<1x1x16xf32>,
        %mul3A_645 = arith.constant 8 : i32
        %mul3A_646 = arith.muli %scan3A_441, %mul3A_645 : i32
        %add3A_647 = arith.constant 6 : i32
        %add3A_648 = arith.addi %mul3A_646, %add3A_647 : i32
        %get3A_649 = arith.constant 1 : i32
        %get3A_650 = arith.index_cast %get3A_649 : i32 to index
        %get3A_651 = arith.index_cast %add3A_648 : i32 to index
        %get3A_652 = arith.constant 0 : index
        %get3A_653 = tpu.vector_load %arg12[%get3A_650, %get3A_651, %get3A_652] {strides = array<i32>} : memref<2x128x16xf32, #tpu.memory_space<vmem>>, vector<1x1x16xf32>,
        %get3A_654 = vector.shape_cast %get3A_653 : vector<1x1x16xf32> to vector<16xf32>
        %get3A_655 = arith.constant 1 : i32
        %get3A_656 = arith.index_cast %get3A_655 : i32 to index
        %get3A_657 = arith.index_cast %add3A_648 : i32 to index
        %get3A_658 = arith.constant 0 : index
        %get3A_659 = tpu.vector_load %arg13[%get3A_656, %get3A_657, %get3A_658] {strides = array<i32>} : memref<2x128x16xf32, #tpu.memory_space<vmem>>, vector<1x1x16xf32>,
        %get3A_660 = vector.shape_cast %get3A_659 : vector<1x1x16xf32> to vector<16xf32>
        %add3A_661 = arith.addf %get3A_654, %get3A_660 : vector<16xf32>
        %get3A_662 = arith.constant 1 : i32
        %get3A_663 = arith.index_cast %get3A_662 : i32 to index
        %get3A_664 = arith.index_cast %scan3A_441 : i32 to index
        %get3A_665 = arith.constant 96 : index
        %get3A_666 = tpu.vector_load %arg14[%get3A_663, %get3A_664, %get3A_665] {strides = array<i32>} : memref<2x16x128xf32, #tpu.memory_space<vmem>>, vector<1x1x16xf32>,
        %get3A_667 = vector.shape_cast %get3A_666 : vector<1x1x16xf32> to vector<16xf32>
        %add3A_668 = arith.addf %add3A_661, %get3A_667 : vector<16xf32>
        %max3A_669 = arith.constant 0.000000e+00 : f32
        %max3A_670 = vector.broadcast %max3A_669 : f32 to vector<16xf32>
        %max3A_671 = arith.maximumf %add3A_668, %max3A_670 : vector<16xf32>
        %swap3A_672 = arith.constant 1 : i32
        %swap3A_673 = arith.index_cast %swap3A_672 : i32 to index
        %swap3A_674 = arith.index_cast %add3A_648 : i32 to index
        %swap3A_675 = arith.constant 0 : index
        %swap3A_676 = tpu.vector_load %arg15[%swap3A_673, %swap3A_674, %swap3A_675] {strides = array<i32>} : memref<2x128x16xf32, #tpu.memory_space<vmem>>, vector<1x1x16xf32>,
        %swap3A_677 = vector.shape_cast %swap3A_676 : vector<1x1x16xf32> to vector<16xf32>
        %swap3A_678 = vector.shape_cast %max3A_671 : vector<16xf32> to vector<1x1x16xf32>
        tpu.vector_store %arg15[%swap3A_673, %swap3A_674, %swap3A_675], %swap3A_678 {strides = array<i32>} : memref<2x128x16xf32, #tpu.memory_space<vmem>>, vector<1x1x16xf32>,
        %mul3A_679 = arith.constant 8 : i32
        %mul3A_680 = arith.muli %scan3A_441, %mul3A_679 : i32
        %add3A_681 = arith.constant 7 : i32
        %add3A_682 = arith.addi %mul3A_680, %add3A_681 : i32
        %get3A_683 = arith.constant 1 : i32
        %get3A_684 = arith.index_cast %get3A_683 : i32 to index
        %get3A_685 = arith.index_cast %add3A_682 : i32 to index
        %get3A_686 = arith.constant 0 : index
        %get3A_687 = tpu.vector_load %arg12[%get3A_684, %get3A_685, %get3A_686] {strides = array<i32>} : memref<2x128x16xf32, #tpu.memory_space<vmem>>, vector<1x1x16xf32>,
        %get3A_688 = vector.shape_cast %get3A_687 : vector<1x1x16xf32> to vector<16xf32>
        %get3A_689 = arith.constant 1 : i32
        %get3A_690 = arith.index_cast %get3A_689 : i32 to index
        %get3A_691 = arith.index_cast %add3A_682 : i32 to index
        %get3A_692 = arith.constant 0 : index
        %get3A_693 = tpu.vector_load %arg13[%get3A_690, %get3A_691, %get3A_692] {strides = array<i32>} : memref<2x128x16xf32, #tpu.memory_space<vmem>>, vector<1x1x16xf32>,
        %get3A_694 = vector.shape_cast %get3A_693 : vector<1x1x16xf32> to vector<16xf32>
        %add3A_695 = arith.addf %get3A_688, %get3A_694 : vector<16xf32>
        %get3A_696 = arith.constant 1 : i32
        %get3A_697 = arith.index_cast %get3A_696 : i32 to index
        %get3A_698 = arith.index_cast %scan3A_441 : i32 to index
        %get3A_699 = arith.constant 112 : index
        %get3A_700 = tpu.vector_load %arg14[%get3A_697, %get3A_698, %get3A_699] {strides = array<i32>} : memref<2x16x128xf32, #tpu.memory_space<vmem>>, vector<1x1x16xf32>,
        %get3A_701 = vector.shape_cast %get3A_700 : vector<1x1x16xf32> to vector<16xf32>
        %add3A_702 = arith.addf %add3A_695, %get3A_701 : vector<16xf32>
        %max3A_703 = arith.constant 0.000000e+00 : f32
        %max3A_704 = vector.broadcast %max3A_703 : f32 to vector<16xf32>
        %max3A_705 = arith.maximumf %add3A_702, %max3A_704 : vector<16xf32>
        %swap3A_706 = arith.constant 1 : i32
        %swap3A_707 = arith.index_cast %swap3A_706 : i32 to index
        %swap3A_708 = arith.index_cast %add3A_682 : i32 to index
        %swap3A_709 = arith.constant 0 : index
        %swap3A_710 = tpu.vector_load %arg15[%swap3A_707, %swap3A_708, %swap3A_709] {strides = array<i32>} : memref<2x128x16xf32, #tpu.memory_space<vmem>>, vector<1x1x16xf32>,
        %swap3A_711 = vector.shape_cast %swap3A_710 : vector<1x1x16xf32> to vector<16xf32>
        %swap3A_712 = vector.shape_cast %max3A_705 : vector<16xf32> to vector<1x1x16xf32>
        tpu.vector_store %arg15[%swap3A_707, %swap3A_708, %swap3A_709], %swap3A_712 {strides = array<i32>} : memref<2x128x16xf32, #tpu.memory_space<vmem>>, vector<1x1x16xf32>,
        %scan3A_713 = arith.constant 0 : i32
        scf.yield %scan3A_713 : i32
      }
      %scan3A_423 = arith.constant 16 : i32
      %run_scoped3A_424 = arith.constant 1 : i32
      "tpu.region"() ({
        %run_scoped3A_441 = tpu.sem_alloc : memref<!tpu.dma_semaphore, #tpu.memory_space<semaphore_mem>>
        %dma_start3A_442 = arith.constant 0 : i32
        %dma_start3A_443 = arith.constant 0 : i32
        %dma_start3A_444 = tpu.memref_slice %arg15[%run_scoped3A_424, %dma_start3A_442, %dma_start3A_443] : memref<2x128x16xf32, #tpu.memory_space<vmem>> -> memref<1x128x16xf32, #tpu.memory_space<vmem>>
        %dma_start3A_445 = tpu.memref_squeeze %dma_start3A_444 : memref<1x128x16xf32, #tpu.memory_space<vmem>> -> memref<128x16xf32, #tpu.memory_space<vmem>>
        %dma_start3A_446 = arith.constant 0 : i32
        %dma_start3A_447 = tpu.memref_slice %arg11[%add3A_373, %dma_start3A_446] : memref<80x128xi32, #tpu.memory_space<vmem>> -> memref<1x128xi32, #tpu.memory_space<vmem>>
        %dma_start3A_448 = tpu.memref_squeeze %dma_start3A_447 : memref<1x128xi32, #tpu.memory_space<vmem>> -> memref<128xi32, #tpu.memory_space<vmem>>
        %dma_start3A_449 = arith.constant 0 : i32
        %dma_start3A_450 = arith.constant 0 : i32
        %dma_start3A_451 = tpu.memref_slice %arg17[%dma_start3A_449, %dma_start3A_450] : memref<10240x16xf32, #tpu.memory_space<vmem_shared>> -> memref<10240x16xf32, #tpu.memory_space<vmem_shared>>
        tpu.enqueue_indirect_dma source(%dma_start3A_445 : memref<128x16xf32, #tpu.memory_space<vmem>>) target(%dma_start3A_451 : memref<10240x16xf32, #tpu.memory_space<vmem_shared>>) offsets(%dma_start3A_448 : memref<128xi32, #tpu.memory_space<vmem>>) semaphore(%run_scoped3A_441 : memref<!tpu.dma_semaphore, #tpu.memory_space<semaphore_mem>>) {add = true}
        %dma_wait3A_452 = arith.constant 0 : i32
        %dma_wait3A_453 = arith.constant 0 : i32
        %dma_wait3A_454 = tpu.memref_slice %arg15[%run_scoped3A_424, %dma_wait3A_452, %dma_wait3A_453] : memref<2x128x16xf32, #tpu.memory_space<vmem>> -> memref<1x128x16xf32, #tpu.memory_space<vmem>>
        %dma_wait3A_455 = tpu.memref_squeeze %dma_wait3A_454 : memref<1x128x16xf32, #tpu.memory_space<vmem>> -> memref<128x16xf32, #tpu.memory_space<vmem>>
        %dma_wait3A_456 = arith.constant 0 : i32
        %dma_wait3A_457 = tpu.memref_slice %arg11[%add3A_373, %dma_wait3A_456] : memref<80x128xi32, #tpu.memory_space<vmem>> -> memref<1x128xi32, #tpu.memory_space<vmem>>
        %dma_wait3A_458 = tpu.memref_squeeze %dma_wait3A_457 : memref<1x128xi32, #tpu.memory_space<vmem>> -> memref<128xi32, #tpu.memory_space<vmem>>
        %dma_wait3A_459 = arith.constant 0 : i32
        %dma_wait3A_460 = arith.constant 0 : i32
        %dma_wait3A_461 = tpu.memref_slice %arg17[%dma_wait3A_459, %dma_wait3A_460] : memref<10240x16xf32, #tpu.memory_space<vmem_shared>> -> memref<10240x16xf32, #tpu.memory_space<vmem_shared>>
        tpu.wait_indirect_dma semaphore(%run_scoped3A_441 : memref<!tpu.dma_semaphore, #tpu.memory_space<semaphore_mem>>) src(%dma_wait3A_455 : memref<128x16xf32, #tpu.memory_space<vmem>>) dst(%dma_wait3A_461 : memref<10240x16xf32, #tpu.memory_space<vmem_shared>>)
        tpu.yield
      }) : () -> ()
      %mul3A_425 = arith.constant 128 : i32
      %mul3A_426 = arith.muli %add3A_376, %mul3A_425 : i32
      %dma_start3A_427 = arith.constant 1 : i32
      %dma_start3A_428 = arith.constant 0 : i32
      %dma_start3A_429 = arith.constant 0 : i32
      %dma_start3A_430 = tpu.memref_slice %arg15[%dma_start3A_427, %dma_start3A_428, %dma_start3A_429] : memref<2x128x16xf32, #tpu.memory_space<vmem>> -> memref<1x128x16xf32, #tpu.memory_space<vmem>>
      %dma_start3A_431 = tpu.memref_squeeze %dma_start3A_430 : memref<1x128x16xf32, #tpu.memory_space<vmem>> -> memref<128x16xf32, #tpu.memory_space<vmem>>
      %dma_start3A_432 = arith.constant 0 : i32
      %dma_start3A_433 = tpu.memref_slice %arg7[%mul3A_426, %dma_start3A_432] : memref<320000x16xf32, #tpu.memory_space<hbm>> -> memref<128x16xf32, #tpu.memory_space<hbm>>
      %dma_start3A_434 = arith.constant 0 : i32
      %dma_start3A_435 = tpu.memref_slice %arg7[%mul3A_426, %dma_start3A_434] : memref<320000x16xf32, #tpu.memory_space<hbm>> -> memref<128x16xf32, #tpu.memory_space<hbm>>
      %dma_start3A_436 = arith.constant 0 : i32
      %dma_start3A_437 = arith.constant 0 : i32
      %dma_start3A_438 = tpu.memref_slice %arg15[%dma_start3A_427, %dma_start3A_436, %dma_start3A_437] : memref<2x128x16xf32, #tpu.memory_space<vmem>> -> memref<1x128x16xf32, #tpu.memory_space<vmem>>
      %dma_start3A_439 = tpu.memref_squeeze %dma_start3A_438 : memref<1x128x16xf32, #tpu.memory_space<vmem>> -> memref<128x16xf32, #tpu.memory_space<vmem>>
      tpu.enqueue_dma source(%dma_start3A_439 : memref<128x16xf32, #tpu.memory_space<vmem>>) target(%dma_start3A_435 : memref<128x16xf32, #tpu.memory_space<hbm>>) target_semaphore(%arg21 : memref<!tpu.dma_semaphore, #tpu.memory_space<semaphore_mem>>)
      %scan3A_440 = arith.constant 0 : i32
      scf.yield %scan3A_440 : i32
    }
    %scan3A_148 = arith.constant 39 : i32
    %dma_wait3A_149 = arith.constant 0 : i32
    %dma_wait3A_150 = arith.constant 0 : i32
    %dma_wait3A_151 = arith.constant 0 : i32
    %dma_wait3A_152 = arith.constant 0 : i32
    %dma_wait3A_153 = tpu.memref_slice %arg12[%dma_wait3A_150, %dma_wait3A_151, %dma_wait3A_152] : memref<2x128x16xf32, #tpu.memory_space<vmem>> -> memref<1x128x16xf32, #tpu.memory_space<vmem>>
    %dma_wait3A_154 = tpu.memref_squeeze %dma_wait3A_153 : memref<1x128x16xf32, #tpu.memory_space<vmem>> -> memref<128x16xf32, #tpu.memory_space<vmem>>
    %dma_wait3A_155 = arith.constant 0 : i32
    %dma_wait3A_156 = tpu.memref_slice %arg10[%dma_wait3A_149, %dma_wait3A_155] : memref<80x128xi32, #tpu.memory_space<vmem>> -> memref<1x128xi32, #tpu.memory_space<vmem>>
    %dma_wait3A_157 = tpu.memref_squeeze %dma_wait3A_156 : memref<1x128xi32, #tpu.memory_space<vmem>> -> memref<128xi32, #tpu.memory_space<vmem>>
    %dma_wait3A_158 = arith.constant 0 : i32
    %dma_wait3A_159 = arith.constant 0 : i32
    %dma_wait3A_160 = tpu.memref_slice %arg2[%dma_wait3A_158, %dma_wait3A_159] : memref<10000x16xf32, #tpu.memory_space<hbm>> -> memref<10000x16xf32, #tpu.memory_space<hbm>>
    tpu.wait_indirect_dma semaphore(%arg18 : memref<!tpu.dma_semaphore, #tpu.memory_space<semaphore_mem>>) src(%dma_wait3A_160 : memref<10000x16xf32, #tpu.memory_space<hbm>>) dst(%dma_wait3A_154 : memref<128x16xf32, #tpu.memory_space<vmem>>)
    %dma_wait3A_161 = arith.constant 0 : i32
    %dma_wait3A_162 = arith.constant 0 : i32
    %dma_wait3A_163 = arith.constant 0 : i32
    %dma_wait3A_164 = arith.constant 0 : i32
    %dma_wait3A_165 = tpu.memref_slice %arg13[%dma_wait3A_162, %dma_wait3A_163, %dma_wait3A_164] : memref<2x128x16xf32, #tpu.memory_space<vmem>> -> memref<1x128x16xf32, #tpu.memory_space<vmem>>
    %dma_wait3A_166 = tpu.memref_squeeze %dma_wait3A_165 : memref<1x128x16xf32, #tpu.memory_space<vmem>> -> memref<128x16xf32, #tpu.memory_space<vmem>>
    %dma_wait3A_167 = arith.constant 0 : i32
    %dma_wait3A_168 = tpu.memref_slice %arg11[%dma_wait3A_161, %dma_wait3A_167] : memref<80x128xi32, #tpu.memory_space<vmem>> -> memref<1x128xi32, #tpu.memory_space<vmem>>
    %dma_wait3A_169 = tpu.memref_squeeze %dma_wait3A_168 : memref<1x128xi32, #tpu.memory_space<vmem>> -> memref<128xi32, #tpu.memory_space<vmem>>
    %dma_wait3A_170 = arith.constant 0 : i32
    %dma_wait3A_171 = arith.constant 0 : i32
    %dma_wait3A_172 = tpu.memref_slice %arg3[%dma_wait3A_170, %dma_wait3A_171] : memref<10000x16xf32, #tpu.memory_space<hbm>> -> memref<10000x16xf32, #tpu.memory_space<hbm>>
    tpu.wait_indirect_dma semaphore(%arg18 : memref<!tpu.dma_semaphore, #tpu.memory_space<semaphore_mem>>) src(%dma_wait3A_172 : memref<10000x16xf32, #tpu.memory_space<hbm>>) dst(%dma_wait3A_166 : memref<128x16xf32, #tpu.memory_space<vmem>>)
    %dma_wait3A_173 = arith.constant 0 : i32
    %dma_wait3A_174 = arith.constant 0 : i32
    %dma_wait3A_175 = arith.constant 0 : i32
    %dma_wait3A_176 = tpu.memref_slice %arg14[%dma_wait3A_173, %dma_wait3A_174, %dma_wait3A_175] : memref<2x16x128xf32, #tpu.memory_space<vmem>> -> memref<1x16x128xf32, #tpu.memory_space<vmem>>
    %dma_wait3A_177 = tpu.memref_squeeze %dma_wait3A_176 : memref<1x16x128xf32, #tpu.memory_space<vmem>> -> memref<16x128xf32, #tpu.memory_space<vmem>>
    %dma_wait3A_178 = arith.constant 0 : i32
    %dma_wait3A_179 = tpu.memref_slice %arg4[%mul3A_123, %dma_wait3A_178] : memref<40000x128xf32, #tpu.memory_space<hbm>> -> memref<16x128xf32, #tpu.memory_space<hbm>>
    %dma_wait3A_180 = arith.constant 0 : i32
    %dma_wait3A_181 = arith.constant 0 : i32
    %dma_wait3A_182 = tpu.memref_slice %arg14[%dma_wait3A_173, %dma_wait3A_180, %dma_wait3A_181] : memref<2x16x128xf32, #tpu.memory_space<vmem>> -> memref<1x16x128xf32, #tpu.memory_space<vmem>>
    %dma_wait3A_183 = tpu.memref_squeeze %dma_wait3A_182 : memref<1x16x128xf32, #tpu.memory_space<vmem>> -> memref<16x128xf32, #tpu.memory_space<vmem>>
    %dma_wait3A_184 = arith.constant 0 : i32
    %dma_wait3A_185 = tpu.memref_slice %arg4[%mul3A_123, %dma_wait3A_184] : memref<40000x128xf32, #tpu.memory_space<hbm>> -> memref<16x128xf32, #tpu.memory_space<hbm>>
    tpu.wait_dma2 semaphore(%arg18 : memref<!tpu.dma_semaphore, #tpu.memory_space<semaphore_mem>>) src(%dma_wait3A_185 : memref<16x128xf32, #tpu.memory_space<hbm>>) dst(%dma_wait3A_183 : memref<16x128xf32, #tpu.memory_space<vmem>>)
    %lt3A = arith.constant 4 : i32
    %lt3A_186 = arith.cmpi slt, %add3A, %lt3A : i32
    %convert_element_type3A = arith.extui %lt3A_186 : i1 to i32
    %cond3A = arith.constant 0 : i32
    %cond3A_187 = arith.cmpi ne, %convert_element_type3A, %cond3A : i32
    scf.if %cond3A_187 {
      %add3A_223 = arith.constant 2496 : i32
      %add3A_224 = arith.addi %add3A, %add3A_223 : i32
      %dma_wait3A_225 = arith.constant 0 : i32
      %dma_wait3A_226 = arith.constant 0 : i32
      %dma_wait3A_227 = arith.constant 0 : i32
      %dma_wait3A_228 = tpu.memref_slice %arg15[%dma_wait3A_225, %dma_wait3A_226, %dma_wait3A_227] : memref<2x128x16xf32, #tpu.memory_space<vmem>> -> memref<1x128x16xf32, #tpu.memory_space<vmem>>
      %dma_wait3A_229 = tpu.memref_squeeze %dma_wait3A_228 : memref<1x128x16xf32, #tpu.memory_space<vmem>> -> memref<128x16xf32, #tpu.memory_space<vmem>>
      %dma_wait3A_230 = arith.constant 0 : i32
      %dma_wait3A_231 = arith.constant 0 : i32
      %dma_wait3A_232 = tpu.memref_slice %arg7[%dma_wait3A_230, %dma_wait3A_231] : memref<320000x16xf32, #tpu.memory_space<hbm>> -> memref<128x16xf32, #tpu.memory_space<hbm>>
      %dma_wait3A_233 = arith.constant 0 : i32
      %dma_wait3A_234 = arith.constant 0 : i32
      %dma_wait3A_235 = tpu.memref_slice %arg15[%dma_wait3A_225, %dma_wait3A_233, %dma_wait3A_234] : memref<2x128x16xf32, #tpu.memory_space<vmem>> -> memref<1x128x16xf32, #tpu.memory_space<vmem>>
      %dma_wait3A_236 = tpu.memref_squeeze %dma_wait3A_235 : memref<1x128x16xf32, #tpu.memory_space<vmem>> -> memref<128x16xf32, #tpu.memory_space<vmem>>
      %dma_wait3A_237 = arith.constant 0 : i32
      %dma_wait3A_238 = arith.constant 0 : i32
      %dma_wait3A_239 = tpu.memref_slice %arg7[%dma_wait3A_237, %dma_wait3A_238] : memref<320000x16xf32, #tpu.memory_space<hbm>> -> memref<128x16xf32, #tpu.memory_space<hbm>>
      tpu.wait_dma2 semaphore(%arg20 : memref<!tpu.dma_semaphore, #tpu.memory_space<semaphore_mem>>) src(%dma_wait3A_239 : memref<128x16xf32, #tpu.memory_space<hbm>>) dst(%dma_wait3A_236 : memref<128x16xf32, #tpu.memory_space<vmem>>)
      %scan3A_240 = arith.constant 0 : i32
      %scan3A_241 = arith.constant 0 : i32
      %scan3A_242 = arith.constant 16 : i32
      %scan3A_243 = arith.addi %scan3A_241, %scan3A_242 : i32
      %scan3A_244 = arith.constant 1 : i32
      %scan3A_245 = scf.for %scan3A_263 = %scan3A_241 to %scan3A_243 step %scan3A_244 iter_args(%scan3A_264 = %scan3A_240) -> (i32)  : i32 {
        %mul3A_265 = arith.constant 8 : i32
        %mul3A_266 = arith.muli %scan3A_263, %mul3A_265 : i32
        %add3A_267 = arith.constant 0 : i32
        %add3A_268 = arith.addi %mul3A_266, %add3A_267 : i32
        %get3A = arith.constant 0 : i32
        %get3A_269 = arith.index_cast %get3A : i32 to index
        %get3A_270 = arith.index_cast %add3A_268 : i32 to index
        %get3A_271 = arith.constant 0 : index
        %get3A_272 = tpu.vector_load %arg12[%get3A_269, %get3A_270, %get3A_271] {strides = array<i32>} : memref<2x128x16xf32, #tpu.memory_space<vmem>>, vector<1x1x16xf32>,
        %get3A_273 = vector.shape_cast %get3A_272 : vector<1x1x16xf32> to vector<16xf32>
        %get3A_274 = arith.constant 0 : i32
        %get3A_275 = arith.index_cast %get3A_274 : i32 to index
        %get3A_276 = arith.index_cast %add3A_268 : i32 to index
        %get3A_277 = arith.constant 0 : index
        %get3A_278 = tpu.vector_load %arg13[%get3A_275, %get3A_276, %get3A_277] {strides = array<i32>} : memref<2x128x16xf32, #tpu.memory_space<vmem>>, vector<1x1x16xf32>,
        %get3A_279 = vector.shape_cast %get3A_278 : vector<1x1x16xf32> to vector<16xf32>
        %add3A_280 = arith.addf %get3A_273, %get3A_279 : vector<16xf32>
        %get3A_281 = arith.constant 0 : i32
        %get3A_282 = arith.index_cast %get3A_281 : i32 to index
        %get3A_283 = arith.index_cast %scan3A_263 : i32 to index
        %get3A_284 = arith.constant 0 : index
        %get3A_285 = tpu.vector_load %arg14[%get3A_282, %get3A_283, %get3A_284] {strides = array<i32>} : memref<2x16x128xf32, #tpu.memory_space<vmem>>, vector<1x1x16xf32>,
        %get3A_286 = vector.shape_cast %get3A_285 : vector<1x1x16xf32> to vector<16xf32>
        %add3A_287 = arith.addf %add3A_280, %get3A_286 : vector<16xf32>
        %max3A = arith.constant 0.000000e+00 : f32
        %max3A_288 = vector.broadcast %max3A : f32 to vector<16xf32>
        %max3A_289 = arith.maximumf %add3A_287, %max3A_288 : vector<16xf32>
        %swap3A_290 = arith.constant 0 : i32
        %swap3A_291 = arith.index_cast %swap3A_290 : i32 to index
        %swap3A_292 = arith.index_cast %add3A_268 : i32 to index
        %swap3A_293 = arith.constant 0 : index
        %swap3A_294 = tpu.vector_load %arg15[%swap3A_291, %swap3A_292, %swap3A_293] {strides = array<i32>} : memref<2x128x16xf32, #tpu.memory_space<vmem>>, vector<1x1x16xf32>,
        %swap3A_295 = vector.shape_cast %swap3A_294 : vector<1x1x16xf32> to vector<16xf32>
        %swap3A_296 = vector.shape_cast %max3A_289 : vector<16xf32> to vector<1x1x16xf32>
        tpu.vector_store %arg15[%swap3A_291, %swap3A_292, %swap3A_293], %swap3A_296 {strides = array<i32>} : memref<2x128x16xf32, #tpu.memory_space<vmem>>, vector<1x1x16xf32>,
        %mul3A_297 = arith.constant 8 : i32
        %mul3A_298 = arith.muli %scan3A_263, %mul3A_297 : i32
        %add3A_299 = arith.constant 1 : i32
        %add3A_300 = arith.addi %mul3A_298, %add3A_299 : i32
        %get3A_301 = arith.constant 0 : i32
        %get3A_302 = arith.index_cast %get3A_301 : i32 to index
        %get3A_303 = arith.index_cast %add3A_300 : i32 to index
        %get3A_304 = arith.constant 0 : index
        %get3A_305 = tpu.vector_load %arg12[%get3A_302, %get3A_303, %get3A_304] {strides = array<i32>} : memref<2x128x16xf32, #tpu.memory_space<vmem>>, vector<1x1x16xf32>,
        %get3A_306 = vector.shape_cast %get3A_305 : vector<1x1x16xf32> to vector<16xf32>
        %get3A_307 = arith.constant 0 : i32
        %get3A_308 = arith.index_cast %get3A_307 : i32 to index
        %get3A_309 = arith.index_cast %add3A_300 : i32 to index
        %get3A_310 = arith.constant 0 : index
        %get3A_311 = tpu.vector_load %arg13[%get3A_308, %get3A_309, %get3A_310] {strides = array<i32>} : memref<2x128x16xf32, #tpu.memory_space<vmem>>, vector<1x1x16xf32>,
        %get3A_312 = vector.shape_cast %get3A_311 : vector<1x1x16xf32> to vector<16xf32>
        %add3A_313 = arith.addf %get3A_306, %get3A_312 : vector<16xf32>
        %get3A_314 = arith.constant 0 : i32
        %get3A_315 = arith.index_cast %get3A_314 : i32 to index
        %get3A_316 = arith.index_cast %scan3A_263 : i32 to index
        %get3A_317 = arith.constant 16 : index
        %get3A_318 = tpu.vector_load %arg14[%get3A_315, %get3A_316, %get3A_317] {strides = array<i32>} : memref<2x16x128xf32, #tpu.memory_space<vmem>>, vector<1x1x16xf32>,
        %get3A_319 = vector.shape_cast %get3A_318 : vector<1x1x16xf32> to vector<16xf32>
        %add3A_320 = arith.addf %add3A_313, %get3A_319 : vector<16xf32>
        %max3A_321 = arith.constant 0.000000e+00 : f32
        %max3A_322 = vector.broadcast %max3A_321 : f32 to vector<16xf32>
        %max3A_323 = arith.maximumf %add3A_320, %max3A_322 : vector<16xf32>
        %swap3A_324 = arith.constant 0 : i32
        %swap3A_325 = arith.index_cast %swap3A_324 : i32 to index
        %swap3A_326 = arith.index_cast %add3A_300 : i32 to index
        %swap3A_327 = arith.constant 0 : index
        %swap3A_328 = tpu.vector_load %arg15[%swap3A_325, %swap3A_326, %swap3A_327] {strides = array<i32>} : memref<2x128x16xf32, #tpu.memory_space<vmem>>, vector<1x1x16xf32>,
        %swap3A_329 = vector.shape_cast %swap3A_328 : vector<1x1x16xf32> to vector<16xf32>
        %swap3A_330 = vector.shape_cast %max3A_323 : vector<16xf32> to vector<1x1x16xf32>
        tpu.vector_store %arg15[%swap3A_325, %swap3A_326, %swap3A_327], %swap3A_330 {strides = array<i32>} : memref<2x128x16xf32, #tpu.memory_space<vmem>>, vector<1x1x16xf32>,
        %mul3A_331 = arith.constant 8 : i32
        %mul3A_332 = arith.muli %scan3A_263, %mul3A_331 : i32
        %add3A_333 = arith.constant 2 : i32
        %add3A_334 = arith.addi %mul3A_332, %add3A_333 : i32
        %get3A_335 = arith.constant 0 : i32
        %get3A_336 = arith.index_cast %get3A_335 : i32 to index
        %get3A_337 = arith.index_cast %add3A_334 : i32 to index
        %get3A_338 = arith.constant 0 : index
        %get3A_339 = tpu.vector_load %arg12[%get3A_336, %get3A_337, %get3A_338] {strides = array<i32>} : memref<2x128x16xf32, #tpu.memory_space<vmem>>, vector<1x1x16xf32>,
        %get3A_340 = vector.shape_cast %get3A_339 : vector<1x1x16xf32> to vector<16xf32>
        %get3A_341 = arith.constant 0 : i32
        %get3A_342 = arith.index_cast %get3A_341 : i32 to index
        %get3A_343 = arith.index_cast %add3A_334 : i32 to index
        %get3A_344 = arith.constant 0 : index
        %get3A_345 = tpu.vector_load %arg13[%get3A_342, %get3A_343, %get3A_344] {strides = array<i32>} : memref<2x128x16xf32, #tpu.memory_space<vmem>>, vector<1x1x16xf32>,
        %get3A_346 = vector.shape_cast %get3A_345 : vector<1x1x16xf32> to vector<16xf32>
        %add3A_347 = arith.addf %get3A_340, %get3A_346 : vector<16xf32>
        %get3A_348 = arith.constant 0 : i32
        %get3A_349 = arith.index_cast %get3A_348 : i32 to index
        %get3A_350 = arith.index_cast %scan3A_263 : i32 to index
        %get3A_351 = arith.constant 32 : index
        %get3A_352 = tpu.vector_load %arg14[%get3A_349, %get3A_350, %get3A_351] {strides = array<i32>} : memref<2x16x128xf32, #tpu.memory_space<vmem>>, vector<1x1x16xf32>,
        %get3A_353 = vector.shape_cast %get3A_352 : vector<1x1x16xf32> to vector<16xf32>
        %add3A_354 = arith.addf %add3A_347, %get3A_353 : vector<16xf32>
        %max3A_355 = arith.constant 0.000000e+00 : f32
        %max3A_356 = vector.broadcast %max3A_355 : f32 to vector<16xf32>
        %max3A_357 = arith.maximumf %add3A_354, %max3A_356 : vector<16xf32>
        %swap3A_358 = arith.constant 0 : i32
        %swap3A_359 = arith.index_cast %swap3A_358 : i32 to index
        %swap3A_360 = arith.index_cast %add3A_334 : i32 to index
        %swap3A_361 = arith.constant 0 : index
        %swap3A_362 = tpu.vector_load %arg15[%swap3A_359, %swap3A_360, %swap3A_361] {strides = array<i32>} : memref<2x128x16xf32, #tpu.memory_space<vmem>>, vector<1x1x16xf32>,
        %swap3A_363 = vector.shape_cast %swap3A_362 : vector<1x1x16xf32> to vector<16xf32>
        %swap3A_364 = vector.shape_cast %max3A_357 : vector<16xf32> to vector<1x1x16xf32>
        tpu.vector_store %arg15[%swap3A_359, %swap3A_360, %swap3A_361], %swap3A_364 {strides = array<i32>} : memref<2x128x16xf32, #tpu.memory_space<vmem>>, vector<1x1x16xf32>,
        %mul3A_365 = arith.constant 8 : i32
        %mul3A_366 = arith.muli %scan3A_263, %mul3A_365 : i32
        %add3A_367 = arith.constant 3 : i32
        %add3A_368 = arith.addi %mul3A_366, %add3A_367 : i32
        %get3A_369 = arith.constant 0 : i32
        %get3A_370 = arith.index_cast %get3A_369 : i32 to index
        %get3A_371 = arith.index_cast %add3A_368 : i32 to index
        %get3A_372 = arith.constant 0 : index
        %get3A_373 = tpu.vector_load %arg12[%get3A_370, %get3A_371, %get3A_372] {strides = array<i32>} : memref<2x128x16xf32, #tpu.memory_space<vmem>>, vector<1x1x16xf32>,
        %get3A_374 = vector.shape_cast %get3A_373 : vector<1x1x16xf32> to vector<16xf32>
        %get3A_375 = arith.constant 0 : i32
        %get3A_376 = arith.index_cast %get3A_375 : i32 to index
        %get3A_377 = arith.index_cast %add3A_368 : i32 to index
        %get3A_378 = arith.constant 0 : index
        %get3A_379 = tpu.vector_load %arg13[%get3A_376, %get3A_377, %get3A_378] {strides = array<i32>} : memref<2x128x16xf32, #tpu.memory_space<vmem>>, vector<1x1x16xf32>,
        %get3A_380 = vector.shape_cast %get3A_379 : vector<1x1x16xf32> to vector<16xf32>
        %add3A_381 = arith.addf %get3A_374, %get3A_380 : vector<16xf32>
        %get3A_382 = arith.constant 0 : i32
        %get3A_383 = arith.index_cast %get3A_382 : i32 to index
        %get3A_384 = arith.index_cast %scan3A_263 : i32 to index
        %get3A_385 = arith.constant 48 : index
        %get3A_386 = tpu.vector_load %arg14[%get3A_383, %get3A_384, %get3A_385] {strides = array<i32>} : memref<2x16x128xf32, #tpu.memory_space<vmem>>, vector<1x1x16xf32>,
        %get3A_387 = vector.shape_cast %get3A_386 : vector<1x1x16xf32> to vector<16xf32>
        %add3A_388 = arith.addf %add3A_381, %get3A_387 : vector<16xf32>
        %max3A_389 = arith.constant 0.000000e+00 : f32
        %max3A_390 = vector.broadcast %max3A_389 : f32 to vector<16xf32>
        %max3A_391 = arith.maximumf %add3A_388, %max3A_390 : vector<16xf32>
        %swap3A_392 = arith.constant 0 : i32
        %swap3A_393 = arith.index_cast %swap3A_392 : i32 to index
        %swap3A_394 = arith.index_cast %add3A_368 : i32 to index
        %swap3A_395 = arith.constant 0 : index
        %swap3A_396 = tpu.vector_load %arg15[%swap3A_393, %swap3A_394, %swap3A_395] {strides = array<i32>} : memref<2x128x16xf32, #tpu.memory_space<vmem>>, vector<1x1x16xf32>,
        %swap3A_397 = vector.shape_cast %swap3A_396 : vector<1x1x16xf32> to vector<16xf32>
        %swap3A_398 = vector.shape_cast %max3A_391 : vector<16xf32> to vector<1x1x16xf32>
        tpu.vector_store %arg15[%swap3A_393, %swap3A_394, %swap3A_395], %swap3A_398 {strides = array<i32>} : memref<2x128x16xf32, #tpu.memory_space<vmem>>, vector<1x1x16xf32>,
        %mul3A_399 = arith.constant 8 : i32
        %mul3A_400 = arith.muli %scan3A_263, %mul3A_399 : i32
        %add3A_401 = arith.constant 4 : i32
        %add3A_402 = arith.addi %mul3A_400, %add3A_401 : i32
        %get3A_403 = arith.constant 0 : i32
        %get3A_404 = arith.index_cast %get3A_403 : i32 to index
        %get3A_405 = arith.index_cast %add3A_402 : i32 to index
        %get3A_406 = arith.constant 0 : index
        %get3A_407 = tpu.vector_load %arg12[%get3A_404, %get3A_405, %get3A_406] {strides = array<i32>} : memref<2x128x16xf32, #tpu.memory_space<vmem>>, vector<1x1x16xf32>,
        %get3A_408 = vector.shape_cast %get3A_407 : vector<1x1x16xf32> to vector<16xf32>
        %get3A_409 = arith.constant 0 : i32
        %get3A_410 = arith.index_cast %get3A_409 : i32 to index
        %get3A_411 = arith.index_cast %add3A_402 : i32 to index
        %get3A_412 = arith.constant 0 : index
        %get3A_413 = tpu.vector_load %arg13[%get3A_410, %get3A_411, %get3A_412] {strides = array<i32>} : memref<2x128x16xf32, #tpu.memory_space<vmem>>, vector<1x1x16xf32>,
        %get3A_414 = vector.shape_cast %get3A_413 : vector<1x1x16xf32> to vector<16xf32>
        %add3A_415 = arith.addf %get3A_408, %get3A_414 : vector<16xf32>
        %get3A_416 = arith.constant 0 : i32
        %get3A_417 = arith.index_cast %get3A_416 : i32 to index
        %get3A_418 = arith.index_cast %scan3A_263 : i32 to index
        %get3A_419 = arith.constant 64 : index
        %get3A_420 = tpu.vector_load %arg14[%get3A_417, %get3A_418, %get3A_419] {strides = array<i32>} : memref<2x16x128xf32, #tpu.memory_space<vmem>>, vector<1x1x16xf32>,
        %get3A_421 = vector.shape_cast %get3A_420 : vector<1x1x16xf32> to vector<16xf32>
        %add3A_422 = arith.addf %add3A_415, %get3A_421 : vector<16xf32>
        %max3A_423 = arith.constant 0.000000e+00 : f32
        %max3A_424 = vector.broadcast %max3A_423 : f32 to vector<16xf32>
        %max3A_425 = arith.maximumf %add3A_422, %max3A_424 : vector<16xf32>
        %swap3A_426 = arith.constant 0 : i32
        %swap3A_427 = arith.index_cast %swap3A_426 : i32 to index
        %swap3A_428 = arith.index_cast %add3A_402 : i32 to index
        %swap3A_429 = arith.constant 0 : index
        %swap3A_430 = tpu.vector_load %arg15[%swap3A_427, %swap3A_428, %swap3A_429] {strides = array<i32>} : memref<2x128x16xf32, #tpu.memory_space<vmem>>, vector<1x1x16xf32>,
        %swap3A_431 = vector.shape_cast %swap3A_430 : vector<1x1x16xf32> to vector<16xf32>
        %swap3A_432 = vector.shape_cast %max3A_425 : vector<16xf32> to vector<1x1x16xf32>
        tpu.vector_store %arg15[%swap3A_427, %swap3A_428, %swap3A_429], %swap3A_432 {strides = array<i32>} : memref<2x128x16xf32, #tpu.memory_space<vmem>>, vector<1x1x16xf32>,
        %mul3A_433 = arith.constant 8 : i32
        %mul3A_434 = arith.muli %scan3A_263, %mul3A_433 : i32
        %add3A_435 = arith.constant 5 : i32
        %add3A_436 = arith.addi %mul3A_434, %add3A_435 : i32
        %get3A_437 = arith.constant 0 : i32
        %get3A_438 = arith.index_cast %get3A_437 : i32 to index
        %get3A_439 = arith.index_cast %add3A_436 : i32 to index
        %get3A_440 = arith.constant 0 : index
        %get3A_441 = tpu.vector_load %arg12[%get3A_438, %get3A_439, %get3A_440] {strides = array<i32>} : memref<2x128x16xf32, #tpu.memory_space<vmem>>, vector<1x1x16xf32>,
        %get3A_442 = vector.shape_cast %get3A_441 : vector<1x1x16xf32> to vector<16xf32>
        %get3A_443 = arith.constant 0 : i32
        %get3A_444 = arith.index_cast %get3A_443 : i32 to index
        %get3A_445 = arith.index_cast %add3A_436 : i32 to index
        %get3A_446 = arith.constant 0 : index
        %get3A_447 = tpu.vector_load %arg13[%get3A_444, %get3A_445, %get3A_446] {strides = array<i32>} : memref<2x128x16xf32, #tpu.memory_space<vmem>>, vector<1x1x16xf32>,
        %get3A_448 = vector.shape_cast %get3A_447 : vector<1x1x16xf32> to vector<16xf32>
        %add3A_449 = arith.addf %get3A_442, %get3A_448 : vector<16xf32>
        %get3A_450 = arith.constant 0 : i32
        %get3A_451 = arith.index_cast %get3A_450 : i32 to index
        %get3A_452 = arith.index_cast %scan3A_263 : i32 to index
        %get3A_453 = arith.constant 80 : index
        %get3A_454 = tpu.vector_load %arg14[%get3A_451, %get3A_452, %get3A_453] {strides = array<i32>} : memref<2x16x128xf32, #tpu.memory_space<vmem>>, vector<1x1x16xf32>,
        %get3A_455 = vector.shape_cast %get3A_454 : vector<1x1x16xf32> to vector<16xf32>
        %add3A_456 = arith.addf %add3A_449, %get3A_455 : vector<16xf32>
        %max3A_457 = arith.constant 0.000000e+00 : f32
        %max3A_458 = vector.broadcast %max3A_457 : f32 to vector<16xf32>
        %max3A_459 = arith.maximumf %add3A_456, %max3A_458 : vector<16xf32>
        %swap3A_460 = arith.constant 0 : i32
        %swap3A_461 = arith.index_cast %swap3A_460 : i32 to index
        %swap3A_462 = arith.index_cast %add3A_436 : i32 to index
        %swap3A_463 = arith.constant 0 : index
        %swap3A_464 = tpu.vector_load %arg15[%swap3A_461, %swap3A_462, %swap3A_463] {strides = array<i32>} : memref<2x128x16xf32, #tpu.memory_space<vmem>>, vector<1x1x16xf32>,
        %swap3A_465 = vector.shape_cast %swap3A_464 : vector<1x1x16xf32> to vector<16xf32>
        %swap3A_466 = vector.shape_cast %max3A_459 : vector<16xf32> to vector<1x1x16xf32>
        tpu.vector_store %arg15[%swap3A_461, %swap3A_462, %swap3A_463], %swap3A_466 {strides = array<i32>} : memref<2x128x16xf32, #tpu.memory_space<vmem>>, vector<1x1x16xf32>,
        %mul3A_467 = arith.constant 8 : i32
        %mul3A_468 = arith.muli %scan3A_263, %mul3A_467 : i32
        %add3A_469 = arith.constant 6 : i32
        %add3A_470 = arith.addi %mul3A_468, %add3A_469 : i32
        %get3A_471 = arith.constant 0 : i32
        %get3A_472 = arith.index_cast %get3A_471 : i32 to index
        %get3A_473 = arith.index_cast %add3A_470 : i32 to index
        %get3A_474 = arith.constant 0 : index
        %get3A_475 = tpu.vector_load %arg12[%get3A_472, %get3A_473, %get3A_474] {strides = array<i32>} : memref<2x128x16xf32, #tpu.memory_space<vmem>>, vector<1x1x16xf32>,
        %get3A_476 = vector.shape_cast %get3A_475 : vector<1x1x16xf32> to vector<16xf32>
        %get3A_477 = arith.constant 0 : i32
        %get3A_478 = arith.index_cast %get3A_477 : i32 to index
        %get3A_479 = arith.index_cast %add3A_470 : i32 to index
        %get3A_480 = arith.constant 0 : index
        %get3A_481 = tpu.vector_load %arg13[%get3A_478, %get3A_479, %get3A_480] {strides = array<i32>} : memref<2x128x16xf32, #tpu.memory_space<vmem>>, vector<1x1x16xf32>,
        %get3A_482 = vector.shape_cast %get3A_481 : vector<1x1x16xf32> to vector<16xf32>
        %add3A_483 = arith.addf %get3A_476, %get3A_482 : vector<16xf32>
        %get3A_484 = arith.constant 0 : i32
        %get3A_485 = arith.index_cast %get3A_484 : i32 to index
        %get3A_486 = arith.index_cast %scan3A_263 : i32 to index
        %get3A_487 = arith.constant 96 : index
        %get3A_488 = tpu.vector_load %arg14[%get3A_485, %get3A_486, %get3A_487] {strides = array<i32>} : memref<2x16x128xf32, #tpu.memory_space<vmem>>, vector<1x1x16xf32>,
        %get3A_489 = vector.shape_cast %get3A_488 : vector<1x1x16xf32> to vector<16xf32>
        %add3A_490 = arith.addf %add3A_483, %get3A_489 : vector<16xf32>
        %max3A_491 = arith.constant 0.000000e+00 : f32
        %max3A_492 = vector.broadcast %max3A_491 : f32 to vector<16xf32>
        %max3A_493 = arith.maximumf %add3A_490, %max3A_492 : vector<16xf32>
        %swap3A_494 = arith.constant 0 : i32
        %swap3A_495 = arith.index_cast %swap3A_494 : i32 to index
        %swap3A_496 = arith.index_cast %add3A_470 : i32 to index
        %swap3A_497 = arith.constant 0 : index
        %swap3A_498 = tpu.vector_load %arg15[%swap3A_495, %swap3A_496, %swap3A_497] {strides = array<i32>} : memref<2x128x16xf32, #tpu.memory_space<vmem>>, vector<1x1x16xf32>,
        %swap3A_499 = vector.shape_cast %swap3A_498 : vector<1x1x16xf32> to vector<16xf32>
        %swap3A_500 = vector.shape_cast %max3A_493 : vector<16xf32> to vector<1x1x16xf32>
        tpu.vector_store %arg15[%swap3A_495, %swap3A_496, %swap3A_497], %swap3A_500 {strides = array<i32>} : memref<2x128x16xf32, #tpu.memory_space<vmem>>, vector<1x1x16xf32>,
        %mul3A_501 = arith.constant 8 : i32
        %mul3A_502 = arith.muli %scan3A_263, %mul3A_501 : i32
        %add3A_503 = arith.constant 7 : i32
        %add3A_504 = arith.addi %mul3A_502, %add3A_503 : i32
        %get3A_505 = arith.constant 0 : i32
        %get3A_506 = arith.index_cast %get3A_505 : i32 to index
        %get3A_507 = arith.index_cast %add3A_504 : i32 to index
        %get3A_508 = arith.constant 0 : index
        %get3A_509 = tpu.vector_load %arg12[%get3A_506, %get3A_507, %get3A_508] {strides = array<i32>} : memref<2x128x16xf32, #tpu.memory_space<vmem>>, vector<1x1x16xf32>,
        %get3A_510 = vector.shape_cast %get3A_509 : vector<1x1x16xf32> to vector<16xf32>
        %get3A_511 = arith.constant 0 : i32
        %get3A_512 = arith.index_cast %get3A_511 : i32 to index
        %get3A_513 = arith.index_cast %add3A_504 : i32 to index
        %get3A_514 = arith.constant 0 : index
        %get3A_515 = tpu.vector_load %arg13[%get3A_512, %get3A_513, %get3A_514] {strides = array<i32>} : memref<2x128x16xf32, #tpu.memory_space<vmem>>, vector<1x1x16xf32>,
        %get3A_516 = vector.shape_cast %get3A_515 : vector<1x1x16xf32> to vector<16xf32>
        %add3A_517 = arith.addf %get3A_510, %get3A_516 : vector<16xf32>
        %get3A_518 = arith.constant 0 : i32
        %get3A_519 = arith.index_cast %get3A_518 : i32 to index
        %get3A_520 = arith.index_cast %scan3A_263 : i32 to index
        %get3A_521 = arith.constant 112 : index
        %get3A_522 = tpu.vector_load %arg14[%get3A_519, %get3A_520, %get3A_521] {strides = array<i32>} : memref<2x16x128xf32, #tpu.memory_space<vmem>>, vector<1x1x16xf32>,
        %get3A_523 = vector.shape_cast %get3A_522 : vector<1x1x16xf32> to vector<16xf32>
        %add3A_524 = arith.addf %add3A_517, %get3A_523 : vector<16xf32>
        %max3A_525 = arith.constant 0.000000e+00 : f32
        %max3A_526 = vector.broadcast %max3A_525 : f32 to vector<16xf32>
        %max3A_527 = arith.maximumf %add3A_524, %max3A_526 : vector<16xf32>
        %swap3A_528 = arith.constant 0 : i32
        %swap3A_529 = arith.index_cast %swap3A_528 : i32 to index
        %swap3A_530 = arith.index_cast %add3A_504 : i32 to index
        %swap3A_531 = arith.constant 0 : index
        %swap3A_532 = tpu.vector_load %arg15[%swap3A_529, %swap3A_530, %swap3A_531] {strides = array<i32>} : memref<2x128x16xf32, #tpu.memory_space<vmem>>, vector<1x1x16xf32>,
        %swap3A_533 = vector.shape_cast %swap3A_532 : vector<1x1x16xf32> to vector<16xf32>
        %swap3A_534 = vector.shape_cast %max3A_527 : vector<16xf32> to vector<1x1x16xf32>
        tpu.vector_store %arg15[%swap3A_529, %swap3A_530, %swap3A_531], %swap3A_534 {strides = array<i32>} : memref<2x128x16xf32, #tpu.memory_space<vmem>>, vector<1x1x16xf32>,
        %scan3A_535 = arith.constant 0 : i32
        scf.yield %scan3A_535 : i32
      }
      %scan3A_246 = arith.constant 16 : i32
      %run_scoped3A = arith.constant 0 : i32
      %run_scoped3A_247 = arith.constant 78 : i32
      "tpu.region"() ({
        %run_scoped3A_263 = tpu.sem_alloc : memref<!tpu.dma_semaphore, #tpu.memory_space<semaphore_mem>>
        %dma_start3A_264 = arith.constant 0 : i32
        %dma_start3A_265 = arith.constant 0 : i32
        %dma_start3A_266 = tpu.memref_slice %arg15[%run_scoped3A, %dma_start3A_264, %dma_start3A_265] : memref<2x128x16xf32, #tpu.memory_space<vmem>> -> memref<1x128x16xf32, #tpu.memory_space<vmem>>
        %dma_start3A_267 = tpu.memref_squeeze %dma_start3A_266 : memref<1x128x16xf32, #tpu.memory_space<vmem>> -> memref<128x16xf32, #tpu.memory_space<vmem>>
        %dma_start3A_268 = arith.constant 0 : i32
        %dma_start3A_269 = tpu.memref_slice %arg11[%run_scoped3A_247, %dma_start3A_268] : memref<80x128xi32, #tpu.memory_space<vmem>> -> memref<1x128xi32, #tpu.memory_space<vmem>>
        %dma_start3A_270 = tpu.memref_squeeze %dma_start3A_269 : memref<1x128xi32, #tpu.memory_space<vmem>> -> memref<128xi32, #tpu.memory_space<vmem>>
        %dma_start3A_271 = arith.constant 0 : i32
        %dma_start3A_272 = arith.constant 0 : i32
        %dma_start3A_273 = tpu.memref_slice %arg17[%dma_start3A_271, %dma_start3A_272] : memref<10240x16xf32, #tpu.memory_space<vmem_shared>> -> memref<10240x16xf32, #tpu.memory_space<vmem_shared>>
        tpu.enqueue_indirect_dma source(%dma_start3A_267 : memref<128x16xf32, #tpu.memory_space<vmem>>) target(%dma_start3A_273 : memref<10240x16xf32, #tpu.memory_space<vmem_shared>>) offsets(%dma_start3A_270 : memref<128xi32, #tpu.memory_space<vmem>>) semaphore(%run_scoped3A_263 : memref<!tpu.dma_semaphore, #tpu.memory_space<semaphore_mem>>) {add = true}
        %dma_wait3A_274 = arith.constant 0 : i32
        %dma_wait3A_275 = arith.constant 0 : i32
        %dma_wait3A_276 = tpu.memref_slice %arg15[%run_scoped3A, %dma_wait3A_274, %dma_wait3A_275] : memref<2x128x16xf32, #tpu.memory_space<vmem>> -> memref<1x128x16xf32, #tpu.memory_space<vmem>>
        %dma_wait3A_277 = tpu.memref_squeeze %dma_wait3A_276 : memref<1x128x16xf32, #tpu.memory_space<vmem>> -> memref<128x16xf32, #tpu.memory_space<vmem>>
        %dma_wait3A_278 = arith.constant 0 : i32
        %dma_wait3A_279 = tpu.memref_slice %arg11[%run_scoped3A_247, %dma_wait3A_278] : memref<80x128xi32, #tpu.memory_space<vmem>> -> memref<1x128xi32, #tpu.memory_space<vmem>>
        %dma_wait3A_280 = tpu.memref_squeeze %dma_wait3A_279 : memref<1x128xi32, #tpu.memory_space<vmem>> -> memref<128xi32, #tpu.memory_space<vmem>>
        %dma_wait3A_281 = arith.constant 0 : i32
        %dma_wait3A_282 = arith.constant 0 : i32
        %dma_wait3A_283 = tpu.memref_slice %arg17[%dma_wait3A_281, %dma_wait3A_282] : memref<10240x16xf32, #tpu.memory_space<vmem_shared>> -> memref<10240x16xf32, #tpu.memory_space<vmem_shared>>
        tpu.wait_indirect_dma semaphore(%run_scoped3A_263 : memref<!tpu.dma_semaphore, #tpu.memory_space<semaphore_mem>>) src(%dma_wait3A_277 : memref<128x16xf32, #tpu.memory_space<vmem>>) dst(%dma_wait3A_283 : memref<10240x16xf32, #tpu.memory_space<vmem_shared>>)
        tpu.yield
      }) : () -> ()
      %mul3A_248 = arith.constant 128 : i32
      %mul3A_249 = arith.muli %add3A_224, %mul3A_248 : i32
      %dma_start3A_250 = arith.constant 0 : i32
      %dma_start3A_251 = arith.constant 0 : i32
      %dma_start3A_252 = arith.constant 0 : i32
      %dma_start3A_253 = tpu.memref_slice %arg15[%dma_start3A_250, %dma_start3A_251, %dma_start3A_252] : memref<2x128x16xf32, #tpu.memory_space<vmem>> -> memref<1x128x16xf32, #tpu.memory_space<vmem>>
      %dma_start3A_254 = tpu.memref_squeeze %dma_start3A_253 : memref<1x128x16xf32, #tpu.memory_space<vmem>> -> memref<128x16xf32, #tpu.memory_space<vmem>>
      %dma_start3A_255 = arith.constant 0 : i32
      %dma_start3A_256 = tpu.memref_slice %arg7[%mul3A_249, %dma_start3A_255] : memref<320000x16xf32, #tpu.memory_space<hbm>> -> memref<128x16xf32, #tpu.memory_space<hbm>>
      %dma_start3A_257 = arith.constant 0 : i32
      %dma_start3A_258 = tpu.memref_slice %arg7[%mul3A_249, %dma_start3A_257] : memref<320000x16xf32, #tpu.memory_space<hbm>> -> memref<128x16xf32, #tpu.memory_space<hbm>>
      %dma_start3A_259 = arith.constant 0 : i32
      %dma_start3A_260 = arith.constant 0 : i32
      %dma_start3A_261 = tpu.memref_slice %arg15[%dma_start3A_250, %dma_start3A_259, %dma_start3A_260] : memref<2x128x16xf32, #tpu.memory_space<vmem>> -> memref<1x128x16xf32, #tpu.memory_space<vmem>>
      %dma_start3A_262 = tpu.memref_squeeze %dma_start3A_261 : memref<1x128x16xf32, #tpu.memory_space<vmem>> -> memref<128x16xf32, #tpu.memory_space<vmem>>
      tpu.enqueue_dma source(%dma_start3A_262 : memref<128x16xf32, #tpu.memory_space<vmem>>) target(%dma_start3A_258 : memref<128x16xf32, #tpu.memory_space<hbm>>) target_semaphore(%arg20 : memref<!tpu.dma_semaphore, #tpu.memory_space<semaphore_mem>>)
    } else {
    }
    %dma_wait3A_188 = arith.constant 0 : i32
    %dma_wait3A_189 = arith.constant 0 : i32
    %dma_wait3A_190 = arith.constant 0 : i32
    %dma_wait3A_191 = tpu.memref_slice %arg15[%dma_wait3A_188, %dma_wait3A_189, %dma_wait3A_190] : memref<2x128x16xf32, #tpu.memory_space<vmem>> -> memref<1x128x16xf32, #tpu.memory_space<vmem>>
    %dma_wait3A_192 = tpu.memref_squeeze %dma_wait3A_191 : memref<1x128x16xf32, #tpu.memory_space<vmem>> -> memref<128x16xf32, #tpu.memory_space<vmem>>
    %dma_wait3A_193 = arith.constant 0 : i32
    %dma_wait3A_194 = arith.constant 0 : i32
    %dma_wait3A_195 = tpu.memref_slice %arg7[%dma_wait3A_193, %dma_wait3A_194] : memref<320000x16xf32, #tpu.memory_space<hbm>> -> memref<128x16xf32, #tpu.memory_space<hbm>>
    %dma_wait3A_196 = arith.constant 0 : i32
    %dma_wait3A_197 = arith.constant 0 : i32
    %dma_wait3A_198 = tpu.memref_slice %arg15[%dma_wait3A_188, %dma_wait3A_196, %dma_wait3A_197] : memref<2x128x16xf32, #tpu.memory_space<vmem>> -> memref<1x128x16xf32, #tpu.memory_space<vmem>>
    %dma_wait3A_199 = tpu.memref_squeeze %dma_wait3A_198 : memref<1x128x16xf32, #tpu.memory_space<vmem>> -> memref<128x16xf32, #tpu.memory_space<vmem>>
    %dma_wait3A_200 = arith.constant 0 : i32
    %dma_wait3A_201 = arith.constant 0 : i32
    %dma_wait3A_202 = tpu.memref_slice %arg7[%dma_wait3A_200, %dma_wait3A_201] : memref<320000x16xf32, #tpu.memory_space<hbm>> -> memref<128x16xf32, #tpu.memory_space<hbm>>
    tpu.wait_dma2 semaphore(%arg20 : memref<!tpu.dma_semaphore, #tpu.memory_space<semaphore_mem>>) src(%dma_wait3A_202 : memref<128x16xf32, #tpu.memory_space<hbm>>) dst(%dma_wait3A_199 : memref<128x16xf32, #tpu.memory_space<vmem>>)
    %dma_wait3A_203 = arith.constant 1 : i32
    %dma_wait3A_204 = arith.constant 0 : i32
    %dma_wait3A_205 = arith.constant 0 : i32
    %dma_wait3A_206 = tpu.memref_slice %arg15[%dma_wait3A_203, %dma_wait3A_204, %dma_wait3A_205] : memref<2x128x16xf32, #tpu.memory_space<vmem>> -> memref<1x128x16xf32, #tpu.memory_space<vmem>>
    %dma_wait3A_207 = tpu.memref_squeeze %dma_wait3A_206 : memref<1x128x16xf32, #tpu.memory_space<vmem>> -> memref<128x16xf32, #tpu.memory_space<vmem>>
    %dma_wait3A_208 = arith.constant 0 : i32
    %dma_wait3A_209 = arith.constant 0 : i32
    %dma_wait3A_210 = tpu.memref_slice %arg7[%dma_wait3A_208, %dma_wait3A_209] : memref<320000x16xf32, #tpu.memory_space<hbm>> -> memref<128x16xf32, #tpu.memory_space<hbm>>
    %dma_wait3A_211 = arith.constant 0 : i32
    %dma_wait3A_212 = arith.constant 0 : i32
    %dma_wait3A_213 = tpu.memref_slice %arg15[%dma_wait3A_203, %dma_wait3A_211, %dma_wait3A_212] : memref<2x128x16xf32, #tpu.memory_space<vmem>> -> memref<1x128x16xf32, #tpu.memory_space<vmem>>
    %dma_wait3A_214 = tpu.memref_squeeze %dma_wait3A_213 : memref<1x128x16xf32, #tpu.memory_space<vmem>> -> memref<128x16xf32, #tpu.memory_space<vmem>>
    %dma_wait3A_215 = arith.constant 0 : i32
    %dma_wait3A_216 = arith.constant 0 : i32
    %dma_wait3A_217 = tpu.memref_slice %arg7[%dma_wait3A_215, %dma_wait3A_216] : memref<320000x16xf32, #tpu.memory_space<hbm>> -> memref<128x16xf32, #tpu.memory_space<hbm>>
    tpu.wait_dma2 semaphore(%arg21 : memref<!tpu.dma_semaphore, #tpu.memory_space<semaphore_mem>>) src(%dma_wait3A_217 : memref<128x16xf32, #tpu.memory_space<hbm>>) dst(%dma_wait3A_214 : memref<128x16xf32, #tpu.memory_space<vmem>>)
    %barrier3A_218 = arith.constant 0 : index
    tpu.barrier barrier_id(%barrier3A_218)
    %mul3A_219 = arith.constant 640 : i32
    %mul3A_220 = arith.muli %arg1, %mul3A_219 : i32
    %mul3A_221 = arith.constant 640 : i32
    %mul3A_222 = arith.muli %arg1, %mul3A_221 : i32
    "tpu.region"() ({
      %run_scoped3A = tpu.sem_alloc : memref<!tpu.dma_semaphore, #tpu.memory_space<semaphore_mem>>
      %dma_start3A_223 = arith.constant 0 : i32
      %dma_start3A_224 = tpu.memref_slice %arg8[%arg0, %mul3A_222, %dma_start3A_223] : memref<2x10240x16xf32, #tpu.memory_space<hbm>> -> memref<1x640x16xf32, #tpu.memory_space<hbm>>
      %dma_start3A_225 = tpu.memref_squeeze %dma_start3A_224 : memref<1x640x16xf32, #tpu.memory_space<hbm>> -> memref<640x16xf32, #tpu.memory_space<hbm>>
      %dma_start3A_226 = arith.constant 0 : i32
      %dma_start3A_227 = tpu.memref_slice %arg17[%mul3A_220, %dma_start3A_226] : memref<10240x16xf32, #tpu.memory_space<vmem_shared>> -> memref<640x16xf32, #tpu.memory_space<vmem_shared>>
      tpu.enqueue_dma source(%dma_start3A_227 : memref<640x16xf32, #tpu.memory_space<vmem_shared>>) target(%dma_start3A_225 : memref<640x16xf32, #tpu.memory_space<hbm>>) target_semaphore(%run_scoped3A : memref<!tpu.dma_semaphore, #tpu.memory_space<semaphore_mem>>)
      %dma_wait3A_228 = arith.constant 0 : i32
      %dma_wait3A_229 = tpu.memref_slice %arg8[%arg0, %mul3A_222, %dma_wait3A_228] : memref<2x10240x16xf32, #tpu.memory_space<hbm>> -> memref<1x640x16xf32, #tpu.memory_space<hbm>>
      %dma_wait3A_230 = tpu.memref_squeeze %dma_wait3A_229 : memref<1x640x16xf32, #tpu.memory_space<hbm>> -> memref<640x16xf32, #tpu.memory_space<hbm>>
      %dma_wait3A_231 = arith.constant 0 : i32
      %dma_wait3A_232 = tpu.memref_slice %arg17[%mul3A_220, %dma_wait3A_231] : memref<10240x16xf32, #tpu.memory_space<vmem_shared>> -> memref<640x16xf32, #tpu.memory_space<vmem_shared>>
      tpu.wait_dma2 semaphore(%run_scoped3A : memref<!tpu.dma_semaphore, #tpu.memory_space<semaphore_mem>>) src(%dma_wait3A_232 : memref<640x16xf32, #tpu.memory_space<vmem_shared>>) dst(%dma_wait3A_230 : memref<640x16xf32, #tpu.memory_space<hbm>>)
      tpu.yield
    }) : () -> ()
    return
  }
}

module attributes {stable_mosaic.version = 14 : i64} {
  func.func @_proj1_body(%arg0: i32, %arg1: memref<1600x128xf32, #tpu.memory_space<vmem>>, %arg2: memref<128x128xf32, #tpu.memory_space<vmem>>, %arg3: memref<1x128xf32, #tpu.memory_space<vmem>>, %arg4: memref<400x128xf32, #tpu.memory_space<vmem>>, %arg5: memref<128x32xf32, #tpu.memory_space<vmem>>, %arg6: memref<1600x128xf32, #tpu.memory_space<vmem>>, %arg7: memref<400x16xf32, #tpu.memory_space<vmem>>, %arg8: memref<400x16xf32, #tpu.memory_space<vmem>>) attributes {dimension_semantics = [#tpu.dimension_semantics<arbitrary>], iteration_bounds = array<i64: 25>, scalar_prefetch = 0 : i64, scratch_operands = 0 : i64, tpu.core_type = #tpu.core_type<tc>, window_params = [{transform_indices = @transform_0, window_bounds = array<i64: 1600, 128>}, {pipeline_mode = #tpu.pipeline_mode<synchronous>, transform_indices = @transform_1, window_bounds = array<i64: 128, 128>}, {pipeline_mode = #tpu.pipeline_mode<synchronous>, transform_indices = @transform_2, window_bounds = array<i64: 1, 128>}, {transform_indices = @transform_3, window_bounds = array<i64: 400, 128>}, {pipeline_mode = #tpu.pipeline_mode<synchronous>, transform_indices = @transform_4, window_bounds = array<i64: 128, 32>}, {transform_indices = @transform_5, window_bounds = array<i64: 1600, 128>}, {transform_indices = @transform_6, window_bounds = array<i64: 400, 16>}, {transform_indices = @transform_7, window_bounds = array<i64: 400, 16>}]} {
    %get3A = arith.constant 0 : index
    %get3A_0 = arith.constant 0 : index
    %get3A_1 = vector.load %arg1[%get3A, %get3A_0] : memref<1600x128xf32, #tpu.memory_space<vmem>>, vector<1600x128xf32>
    %get3A_2 = arith.constant 0 : index
    %get3A_3 = arith.constant 0 : index
    %get3A_4 = vector.load %arg2[%get3A_2, %get3A_3] : memref<128x128xf32, #tpu.memory_space<vmem>>, vector<128x128xf32>
    %dot_general3A = arith.constant dense<0.000000e+00> : vector<1600x128xf32>
    %dot_general3A_5 = tpu.matmul %get3A_1, %get3A_4, %dot_general3A {dimension_numbers = #tpu.dot_dimension_numbers<[1], [0], [0], [1], [0, 0, 1, 1], [], []>, precision = #tpu.contract_precision<fp32>, transpose_lhs_hint = false} : vector<1600x128xf32>, vector<128x128xf32>, vector<1600x128xf32> -> vector<1600x128xf32>
    %get3A_6 = arith.constant 0 : index
    %get3A_7 = arith.constant 0 : index
    %get3A_8 = vector.load %arg3[%get3A_6, %get3A_7] : memref<1x128xf32, #tpu.memory_space<vmem>>, vector<1x128xf32>
    %add3A = vector.broadcast %get3A_8 : vector<1x128xf32> to vector<1600x128xf32>
    %add3A_9 = arith.addf %dot_general3A_5, %add3A : vector<1600x128xf32>
    %swap3A = arith.constant 0 : index
    %swap3A_10 = arith.constant 0 : index
    %swap3A_11 = vector.load %arg6[%swap3A, %swap3A_10] : memref<1600x128xf32, #tpu.memory_space<vmem>>, vector<1600x128xf32>
    tpu.vector_store %arg6[%swap3A, %swap3A_10], %add3A_9 {strides = array<i32>} : memref<1600x128xf32, #tpu.memory_space<vmem>>, vector<1600x128xf32>,
    %get3A_12 = arith.constant 0 : index
    %get3A_13 = arith.constant 0 : index
    %get3A_14 = vector.load %arg4[%get3A_12, %get3A_13] : memref<400x128xf32, #tpu.memory_space<vmem>>, vector<400x128xf32>
    %get3A_15 = arith.constant 0 : index
    %get3A_16 = arith.constant 0 : index
    %get3A_17 = vector.load %arg5[%get3A_15, %get3A_16] : memref<128x32xf32, #tpu.memory_space<vmem>>, vector<128x32xf32>
    %dot_general3A_18 = arith.constant dense<0.000000e+00> : vector<400x32xf32>
    %dot_general3A_19 = tpu.matmul %get3A_14, %get3A_17, %dot_general3A_18 {dimension_numbers = #tpu.dot_dimension_numbers<[1], [0], [0], [1], [0, 0, 1, 1], [], []>, precision = #tpu.contract_precision<fp32>, transpose_lhs_hint = false} : vector<400x128xf32>, vector<128x32xf32>, vector<400x32xf32> -> vector<400x32xf32>
    %slice3A = vector.extract_strided_slice %dot_general3A_19 {offsets = [0, 0], sizes = [400, 16], strides = [1, 1]} : vector<400x32xf32> to vector<400x16xf32>
    %swap3A_20 = arith.constant 0 : index
    %swap3A_21 = arith.constant 0 : index
    %swap3A_22 = vector.load %arg7[%swap3A_20, %swap3A_21] : memref<400x16xf32, #tpu.memory_space<vmem>>, vector<400x16xf32>
    tpu.vector_store %arg7[%swap3A_20, %swap3A_21], %slice3A {strides = array<i32>} : memref<400x16xf32, #tpu.memory_space<vmem>>, vector<400x16xf32>,
    %slice3A_23 = vector.extract_strided_slice %dot_general3A_19 {offsets = [0, 16], sizes = [400, 16], strides = [1, 1]} : vector<400x32xf32> to vector<400x16xf32>
    %swap3A_24 = arith.constant 0 : index
    %swap3A_25 = arith.constant 0 : index
    %swap3A_26 = vector.load %arg8[%swap3A_24, %swap3A_25] : memref<400x16xf32, #tpu.memory_space<vmem>>, vector<400x16xf32>
    tpu.vector_store %arg8[%swap3A_24, %swap3A_25], %slice3A_23 {strides = array<i32>} : memref<400x16xf32, #tpu.memory_space<vmem>>, vector<400x16xf32>,
    return
  }
  func.func @transform_0(%arg0: i32) -> (i32, i32) {
    %c0_i32 = arith.constant 0 : i32
    %c0_i32_0 = arith.constant 0 : i32
    return %arg0, %c0_i32 : i32, i32
  }
  func.func @transform_1(%arg0: i32) -> (i32, i32) {
    %c0_i32 = arith.constant 0 : i32
    %c0_i32_0 = arith.constant 0 : i32
    %c0_i32_1 = arith.constant 0 : i32
    return %c0_i32, %c0_i32_0 : i32, i32
  }
  func.func @transform_2(%arg0: i32) -> (i32, i32) {
    %c0_i32 = arith.constant 0 : i32
    %c0_i32_0 = arith.constant 0 : i32
    %c0_i32_1 = arith.constant 0 : i32
    return %c0_i32, %c0_i32_0 : i32, i32
  }
  func.func @transform_3(%arg0: i32) -> (i32, i32) {
    %c0_i32 = arith.constant 0 : i32
    %c0_i32_0 = arith.constant 0 : i32
    return %arg0, %c0_i32 : i32, i32
  }
  func.func @transform_4(%arg0: i32) -> (i32, i32) {
    %c0_i32 = arith.constant 0 : i32
    %c0_i32_0 = arith.constant 0 : i32
    %c0_i32_1 = arith.constant 0 : i32
    return %c0_i32, %c0_i32_0 : i32, i32
  }
  func.func @transform_5(%arg0: i32) -> (i32, i32) {
    %c0_i32 = arith.constant 0 : i32
    %c0_i32_0 = arith.constant 0 : i32
    return %arg0, %c0_i32 : i32, i32
  }
  func.func @transform_6(%arg0: i32) -> (i32, i32) {
    %c0_i32 = arith.constant 0 : i32
    %c0_i32_0 = arith.constant 0 : i32
    return %arg0, %c0_i32 : i32, i32
  }
  func.func @transform_7(%arg0: i32) -> (i32, i32) {
    %c0_i32 = arith.constant 0 : i32
    %c0_i32_0 = arith.constant 0 : i32
    return %arg0, %c0_i32 : i32, i32
  }
}

module attributes {stable_mosaic.version = 14 : i64} {
  func.func @_upd2_body(%arg0: i32, %arg1: memref<1600x128xf32, #tpu.memory_space<vmem>>, %arg2: memref<128x128xf32, #tpu.memory_space<vmem>>, %arg3: memref<1x128xf32, #tpu.memory_space<vmem>>, %arg4: memref<400x128xf32, #tpu.memory_space<vmem>>, %arg5: memref<2x400x16xf32, #tpu.memory_space<vmem>>, %arg6: memref<128x128xf32, #tpu.memory_space<vmem>>, %arg7: memref<16x128xf32, #tpu.memory_space<vmem>>, %arg8: memref<1x128xf32, #tpu.memory_space<vmem>>, %arg9: memref<128x32xf32, #tpu.memory_space<vmem>>, %arg10: memref<1600x128xf32, #tpu.memory_space<vmem>>, %arg11: memref<400x128xf32, #tpu.memory_space<vmem>>, %arg12: memref<400x16xf32, #tpu.memory_space<vmem>>, %arg13: memref<400x16xf32, #tpu.memory_space<vmem>>) attributes {dimension_semantics = [#tpu.dimension_semantics<arbitrary>], iteration_bounds = array<i64: 25>, scalar_prefetch = 0 : i64, scratch_operands = 0 : i64, tpu.core_type = #tpu.core_type<tc>, window_params = [{transform_indices = @transform_0, window_bounds = array<i64: 1600, 128>}, {pipeline_mode = #tpu.pipeline_mode<synchronous>, transform_indices = @transform_1, window_bounds = array<i64: 128, 128>}, {pipeline_mode = #tpu.pipeline_mode<synchronous>, transform_indices = @transform_2, window_bounds = array<i64: 1, 128>}, {transform_indices = @transform_3, window_bounds = array<i64: 400, 128>}, {transform_indices = @transform_4, window_bounds = array<i64: 2, 400, 16>}, {pipeline_mode = #tpu.pipeline_mode<synchronous>, transform_indices = @transform_5, window_bounds = array<i64: 128, 128>}, {pipeline_mode = #tpu.pipeline_mode<synchronous>, transform_indices = @transform_6, window_bounds = array<i64: 16, 128>}, {pipeline_mode = #tpu.pipeline_mode<synchronous>, transform_indices = @transform_7, window_bounds = array<i64: 1, 128>}, {pipeline_mode = #tpu.pipeline_mode<synchronous>, transform_indices = @transform_8, window_bounds = array<i64: 128, 32>}, {transform_indices = @transform_9, window_bounds = array<i64: 1600, 128>}, {transform_indices = @transform_10, window_bounds = array<i64: 400, 128>}, {transform_indices = @transform_11, window_bounds = array<i64: 400, 16>}, {transform_indices = @transform_12, window_bounds = array<i64: 400, 16>}]} {
    %get3A = arith.constant 0 : index
    %get3A_0 = arith.constant 0 : index
    %get3A_1 = vector.load %arg1[%get3A, %get3A_0] : memref<1600x128xf32, #tpu.memory_space<vmem>>, vector<1600x128xf32>
    %get3A_2 = arith.constant 0 : index
    %get3A_3 = arith.constant 0 : index
    %get3A_4 = vector.load %arg2[%get3A_2, %get3A_3] : memref<128x128xf32, #tpu.memory_space<vmem>>, vector<128x128xf32>
    %dot_general3A = arith.constant dense<0.000000e+00> : vector<1600x128xf32>
    %dot_general3A_5 = tpu.matmul %get3A_1, %get3A_4, %dot_general3A {dimension_numbers = #tpu.dot_dimension_numbers<[1], [0], [0], [1], [0, 0, 1, 1], [], []>, precision = #tpu.contract_precision<fp32>, transpose_lhs_hint = false} : vector<1600x128xf32>, vector<128x128xf32>, vector<1600x128xf32> -> vector<1600x128xf32>
    %get3A_6 = arith.constant 0 : index
    %get3A_7 = arith.constant 0 : index
    %get3A_8 = vector.load %arg3[%get3A_6, %get3A_7] : memref<1x128xf32, #tpu.memory_space<vmem>>, vector<1x128xf32>
    %add3A = vector.broadcast %get3A_8 : vector<1x128xf32> to vector<1600x128xf32>
    %add3A_9 = arith.addf %dot_general3A_5, %add3A : vector<1600x128xf32>
    %swap3A = arith.constant 0 : index
    %swap3A_10 = arith.constant 0 : index
    %swap3A_11 = vector.load %arg10[%swap3A, %swap3A_10] : memref<1600x128xf32, #tpu.memory_space<vmem>>, vector<1600x128xf32>
    tpu.vector_store %arg10[%swap3A, %swap3A_10], %add3A_9 {strides = array<i32>} : memref<1600x128xf32, #tpu.memory_space<vmem>>, vector<1600x128xf32>,
    %get3A_12 = arith.constant 0 : index
    %get3A_13 = arith.constant 0 : index
    %get3A_14 = arith.constant 0 : index
    %get3A_15 = vector.load %arg5[%get3A_12, %get3A_13, %get3A_14] : memref<2x400x16xf32, #tpu.memory_space<vmem>>, vector<1x400x16xf32>
    %get3A_16 = vector.shape_cast %get3A_15 : vector<1x400x16xf32> to vector<400x16xf32>
    %get3A_17 = arith.constant 1 : index
    %get3A_18 = arith.constant 0 : index
    %get3A_19 = arith.constant 0 : index
    %get3A_20 = vector.load %arg5[%get3A_17, %get3A_18, %get3A_19] : memref<2x400x16xf32, #tpu.memory_space<vmem>>, vector<1x400x16xf32>
    %get3A_21 = vector.shape_cast %get3A_20 : vector<1x400x16xf32> to vector<400x16xf32>
    %add3A_22 = arith.addf %get3A_16, %get3A_21 : vector<400x16xf32>
    %get3A_23 = arith.constant 0 : index
    %get3A_24 = arith.constant 0 : index
    %get3A_25 = vector.load %arg4[%get3A_23, %get3A_24] : memref<400x128xf32, #tpu.memory_space<vmem>>, vector<400x128xf32>
    %get3A_26 = arith.constant 0 : index
    %get3A_27 = arith.constant 0 : index
    %get3A_28 = vector.load %arg6[%get3A_26, %get3A_27] : memref<128x128xf32, #tpu.memory_space<vmem>>, vector<128x128xf32>
    %dot_general3A_29 = arith.constant dense<0.000000e+00> : vector<400x128xf32>
    %dot_general3A_30 = tpu.matmul %get3A_25, %get3A_28, %dot_general3A_29 {dimension_numbers = #tpu.dot_dimension_numbers<[1], [0], [0], [1], [0, 0, 1, 1], [], []>, precision = #tpu.contract_precision<fp32>, transpose_lhs_hint = false} : vector<400x128xf32>, vector<128x128xf32>, vector<400x128xf32> -> vector<400x128xf32>
    %get3A_31 = arith.constant 0 : index
    %get3A_32 = arith.constant 0 : index
    %get3A_33 = vector.load %arg7[%get3A_31, %get3A_32] : memref<16x128xf32, #tpu.memory_space<vmem>>, vector<16x128xf32>
    %dot_general3A_34 = arith.constant dense<0.000000e+00> : vector<400x128xf32>
    %dot_general3A_35 = tpu.matmul %add3A_22, %get3A_33, %dot_general3A_34 {dimension_numbers = #tpu.dot_dimension_numbers<[1], [0], [0], [1], [0, 0, 1, 1], [], []>, precision = #tpu.contract_precision<fp32>, transpose_lhs_hint = false} : vector<400x16xf32>, vector<16x128xf32>, vector<400x128xf32> -> vector<400x128xf32>
    %add3A_36 = arith.addf %dot_general3A_30, %dot_general3A_35 : vector<400x128xf32>
    %get3A_37 = arith.constant 0 : index
    %get3A_38 = arith.constant 0 : index
    %get3A_39 = vector.load %arg8[%get3A_37, %get3A_38] : memref<1x128xf32, #tpu.memory_space<vmem>>, vector<1x128xf32>
    %add3A_40 = vector.broadcast %get3A_39 : vector<1x128xf32> to vector<400x128xf32>
    %add3A_41 = arith.addf %add3A_36, %add3A_40 : vector<400x128xf32>
    %get3A_42 = arith.constant 0 : index
    %get3A_43 = arith.constant 0 : index
    %get3A_44 = vector.load %arg4[%get3A_42, %get3A_43] : memref<400x128xf32, #tpu.memory_space<vmem>>, vector<400x128xf32>
    %mul3A = arith.constant 5.000000e-01 : f32
    %mul3A_45 = vector.broadcast %mul3A : f32 to vector<400x128xf32>
    %mul3A_46 = arith.mulf %mul3A_45, %get3A_44 : vector<400x128xf32>
    %max3A = arith.constant 0.000000e+00 : f32
    %max3A_47 = vector.broadcast %max3A : f32 to vector<400x128xf32>
    %max3A_48 = arith.maximumf %add3A_41, %max3A_47 : vector<400x128xf32>
    %mul3A_49 = arith.constant 5.000000e-01 : f32
    %mul3A_50 = vector.broadcast %mul3A_49 : f32 to vector<400x128xf32>
    %mul3A_51 = arith.mulf %mul3A_50, %max3A_48 : vector<400x128xf32>
    %add3A_52 = arith.addf %mul3A_46, %mul3A_51 : vector<400x128xf32>
    %swap3A_53 = arith.constant 0 : index
    %swap3A_54 = arith.constant 0 : index
    %swap3A_55 = vector.load %arg11[%swap3A_53, %swap3A_54] : memref<400x128xf32, #tpu.memory_space<vmem>>, vector<400x128xf32>
    tpu.vector_store %arg11[%swap3A_53, %swap3A_54], %add3A_52 {strides = array<i32>} : memref<400x128xf32, #tpu.memory_space<vmem>>, vector<400x128xf32>,
    %get3A_56 = arith.constant 0 : index
    %get3A_57 = arith.constant 0 : index
    %get3A_58 = vector.load %arg9[%get3A_56, %get3A_57] : memref<128x32xf32, #tpu.memory_space<vmem>>, vector<128x32xf32>
    %dot_general3A_59 = arith.constant dense<0.000000e+00> : vector<400x32xf32>
    %dot_general3A_60 = tpu.matmul %add3A_52, %get3A_58, %dot_general3A_59 {dimension_numbers = #tpu.dot_dimension_numbers<[1], [0], [0], [1], [0, 0, 1, 1], [], []>, precision = #tpu.contract_precision<fp32>, transpose_lhs_hint = false} : vector<400x128xf32>, vector<128x32xf32>, vector<400x32xf32> -> vector<400x32xf32>
    %slice3A = vector.extract_strided_slice %dot_general3A_60 {offsets = [0, 0], sizes = [400, 16], strides = [1, 1]} : vector<400x32xf32> to vector<400x16xf32>
    %swap3A_61 = arith.constant 0 : index
    %swap3A_62 = arith.constant 0 : index
    %swap3A_63 = vector.load %arg12[%swap3A_61, %swap3A_62] : memref<400x16xf32, #tpu.memory_space<vmem>>, vector<400x16xf32>
    tpu.vector_store %arg12[%swap3A_61, %swap3A_62], %slice3A {strides = array<i32>} : memref<400x16xf32, #tpu.memory_space<vmem>>, vector<400x16xf32>,
    %slice3A_64 = vector.extract_strided_slice %dot_general3A_60 {offsets = [0, 16], sizes = [400, 16], strides = [1, 1]} : vector<400x32xf32> to vector<400x16xf32>
    %swap3A_65 = arith.constant 0 : index
    %swap3A_66 = arith.constant 0 : index
    %swap3A_67 = vector.load %arg13[%swap3A_65, %swap3A_66] : memref<400x16xf32, #tpu.memory_space<vmem>>, vector<400x16xf32>
    tpu.vector_store %arg13[%swap3A_65, %swap3A_66], %slice3A_64 {strides = array<i32>} : memref<400x16xf32, #tpu.memory_space<vmem>>, vector<400x16xf32>,
    return
  }
  func.func @transform_0(%arg0: i32) -> (i32, i32) {
    %c0_i32 = arith.constant 0 : i32
    %c0_i32_0 = arith.constant 0 : i32
    return %arg0, %c0_i32 : i32, i32
  }
  func.func @transform_1(%arg0: i32) -> (i32, i32) {
    %c0_i32 = arith.constant 0 : i32
    %c0_i32_0 = arith.constant 0 : i32
    %c0_i32_1 = arith.constant 0 : i32
    return %c0_i32, %c0_i32_0 : i32, i32
  }
  func.func @transform_2(%arg0: i32) -> (i32, i32) {
    %c0_i32 = arith.constant 0 : i32
    %c0_i32_0 = arith.constant 0 : i32
    %c0_i32_1 = arith.constant 0 : i32
    return %c0_i32, %c0_i32_0 : i32, i32
  }
  func.func @transform_3(%arg0: i32) -> (i32, i32) {
    %c0_i32 = arith.constant 0 : i32
    %c0_i32_0 = arith.constant 0 : i32
    return %arg0, %c0_i32 : i32, i32
  }
  func.func @transform_4(%arg0: i32) -> (i32, i32, i32) {
    %c0_i32 = arith.constant 0 : i32
    %c0_i32_0 = arith.constant 0 : i32
    %c0_i32_1 = arith.constant 0 : i32
    return %c0_i32, %arg0, %c0_i32_0 : i32, i32, i32
  }
  func.func @transform_5(%arg0: i32) -> (i32, i32) {
    %c0_i32 = arith.constant 0 : i32
    %c0_i32_0 = arith.constant 0 : i32
    %c0_i32_1 = arith.constant 0 : i32
    return %c0_i32, %c0_i32_0 : i32, i32
  }
  func.func @transform_6(%arg0: i32) -> (i32, i32) {
    %c0_i32 = arith.constant 0 : i32
    %c0_i32_0 = arith.constant 0 : i32
    %c0_i32_1 = arith.constant 0 : i32
    return %c0_i32, %c0_i32_0 : i32, i32
  }
  func.func @transform_7(%arg0: i32) -> (i32, i32) {
    %c0_i32 = arith.constant 0 : i32
    %c0_i32_0 = arith.constant 0 : i32
    %c0_i32_1 = arith.constant 0 : i32
    return %c0_i32, %c0_i32_0 : i32, i32
  }
  func.func @transform_8(%arg0: i32) -> (i32, i32) {
    %c0_i32 = arith.constant 0 : i32
    %c0_i32_0 = arith.constant 0 : i32
    %c0_i32_1 = arith.constant 0 : i32
    return %c0_i32, %c0_i32_0 : i32, i32
  }
  func.func @transform_9(%arg0: i32) -> (i32, i32) {
    %c0_i32 = arith.constant 0 : i32
    %c0_i32_0 = arith.constant 0 : i32
    return %arg0, %c0_i32 : i32, i32
  }
  func.func @transform_10(%arg0: i32) -> (i32, i32) {
    %c0_i32 = arith.constant 0 : i32
    %c0_i32_0 = arith.constant 0 : i32
    return %arg0, %c0_i32 : i32, i32
  }
  func.func @transform_11(%arg0: i32) -> (i32, i32) {
    %c0_i32 = arith.constant 0 : i32
    %c0_i32_0 = arith.constant 0 : i32
    return %arg0, %c0_i32 : i32, i32
  }
  func.func @transform_12(%arg0: i32) -> (i32, i32) {
    %c0_i32 = arith.constant 0 : i32
    %c0_i32_0 = arith.constant 0 : i32
    return %arg0, %c0_i32 : i32, i32
  }
}

module attributes {stable_mosaic.version = 14 : i64} {
  func.func @_nodeupd_body(%arg0: i32, %arg1: memref<1000x128xf32, #tpu.memory_space<vmem>>, %arg2: memref<2x1000x16xf32, #tpu.memory_space<vmem>>, %arg3: memref<128x128xf32, #tpu.memory_space<vmem>>, %arg4: memref<16x128xf32, #tpu.memory_space<vmem>>, %arg5: memref<1x128xf32, #tpu.memory_space<vmem>>, %arg6: memref<1000x128xf32, #tpu.memory_space<vmem>>) attributes {dimension_semantics = [#tpu.dimension_semantics<arbitrary>], iteration_bounds = array<i64: 10>, scalar_prefetch = 0 : i64, scratch_operands = 0 : i64, tpu.core_type = #tpu.core_type<tc>, window_params = [{transform_indices = @transform_0, window_bounds = array<i64: 1000, 128>}, {transform_indices = @transform_1, window_bounds = array<i64: 2, 1000, 16>}, {pipeline_mode = #tpu.pipeline_mode<synchronous>, transform_indices = @transform_2, window_bounds = array<i64: 128, 128>}, {pipeline_mode = #tpu.pipeline_mode<synchronous>, transform_indices = @transform_3, window_bounds = array<i64: 16, 128>}, {pipeline_mode = #tpu.pipeline_mode<synchronous>, transform_indices = @transform_4, window_bounds = array<i64: 1, 128>}, {transform_indices = @transform_5, window_bounds = array<i64: 1000, 128>}]} {
    %get3A = arith.constant 0 : index
    %get3A_0 = arith.constant 0 : index
    %get3A_1 = arith.constant 0 : index
    %get3A_2 = vector.load %arg2[%get3A, %get3A_0, %get3A_1] : memref<2x1000x16xf32, #tpu.memory_space<vmem>>, vector<1x1000x16xf32>
    %get3A_3 = vector.shape_cast %get3A_2 : vector<1x1000x16xf32> to vector<1000x16xf32>
    %get3A_4 = arith.constant 1 : index
    %get3A_5 = arith.constant 0 : index
    %get3A_6 = arith.constant 0 : index
    %get3A_7 = vector.load %arg2[%get3A_4, %get3A_5, %get3A_6] : memref<2x1000x16xf32, #tpu.memory_space<vmem>>, vector<1x1000x16xf32>
    %get3A_8 = vector.shape_cast %get3A_7 : vector<1x1000x16xf32> to vector<1000x16xf32>
    %add3A = arith.addf %get3A_3, %get3A_8 : vector<1000x16xf32>
    %get3A_9 = arith.constant 0 : index
    %get3A_10 = arith.constant 0 : index
    %get3A_11 = vector.load %arg1[%get3A_9, %get3A_10] : memref<1000x128xf32, #tpu.memory_space<vmem>>, vector<1000x128xf32>
    %get3A_12 = arith.constant 0 : index
    %get3A_13 = arith.constant 0 : index
    %get3A_14 = vector.load %arg3[%get3A_12, %get3A_13] : memref<128x128xf32, #tpu.memory_space<vmem>>, vector<128x128xf32>
    %dot_general3A = arith.constant dense<0.000000e+00> : vector<1000x128xf32>
    %dot_general3A_15 = tpu.matmul %get3A_11, %get3A_14, %dot_general3A {dimension_numbers = #tpu.dot_dimension_numbers<[1], [0], [0], [1], [0, 0, 1, 1], [], []>, precision = #tpu.contract_precision<fp32>, transpose_lhs_hint = false} : vector<1000x128xf32>, vector<128x128xf32>, vector<1000x128xf32> -> vector<1000x128xf32>
    %get3A_16 = arith.constant 0 : index
    %get3A_17 = arith.constant 0 : index
    %get3A_18 = vector.load %arg4[%get3A_16, %get3A_17] : memref<16x128xf32, #tpu.memory_space<vmem>>, vector<16x128xf32>
    %dot_general3A_19 = arith.constant dense<0.000000e+00> : vector<1000x128xf32>
    %dot_general3A_20 = tpu.matmul %add3A, %get3A_18, %dot_general3A_19 {dimension_numbers = #tpu.dot_dimension_numbers<[1], [0], [0], [1], [0, 0, 1, 1], [], []>, precision = #tpu.contract_precision<fp32>, transpose_lhs_hint = false} : vector<1000x16xf32>, vector<16x128xf32>, vector<1000x128xf32> -> vector<1000x128xf32>
    %add3A_21 = arith.addf %dot_general3A_15, %dot_general3A_20 : vector<1000x128xf32>
    %get3A_22 = arith.constant 0 : index
    %get3A_23 = arith.constant 0 : index
    %get3A_24 = vector.load %arg5[%get3A_22, %get3A_23] : memref<1x128xf32, #tpu.memory_space<vmem>>, vector<1x128xf32>
    %add3A_25 = vector.broadcast %get3A_24 : vector<1x128xf32> to vector<1000x128xf32>
    %add3A_26 = arith.addf %add3A_21, %add3A_25 : vector<1000x128xf32>
    %get3A_27 = arith.constant 0 : index
    %get3A_28 = arith.constant 0 : index
    %get3A_29 = vector.load %arg1[%get3A_27, %get3A_28] : memref<1000x128xf32, #tpu.memory_space<vmem>>, vector<1000x128xf32>
    %mul3A = arith.constant 5.000000e-01 : f32
    %mul3A_30 = vector.broadcast %mul3A : f32 to vector<1000x128xf32>
    %mul3A_31 = arith.mulf %mul3A_30, %get3A_29 : vector<1000x128xf32>
    %max3A = arith.constant 0.000000e+00 : f32
    %max3A_32 = vector.broadcast %max3A : f32 to vector<1000x128xf32>
    %max3A_33 = arith.maximumf %add3A_26, %max3A_32 : vector<1000x128xf32>
    %mul3A_34 = arith.constant 5.000000e-01 : f32
    %mul3A_35 = vector.broadcast %mul3A_34 : f32 to vector<1000x128xf32>
    %mul3A_36 = arith.mulf %mul3A_35, %max3A_33 : vector<1000x128xf32>
    %add3A_37 = arith.addf %mul3A_31, %mul3A_36 : vector<1000x128xf32>
    %swap3A = arith.constant 0 : index
    %swap3A_38 = arith.constant 0 : index
    %swap3A_39 = vector.load %arg6[%swap3A, %swap3A_38] : memref<1000x128xf32, #tpu.memory_space<vmem>>, vector<1000x128xf32>
    tpu.vector_store %arg6[%swap3A, %swap3A_38], %add3A_37 {strides = array<i32>} : memref<1000x128xf32, #tpu.memory_space<vmem>>, vector<1000x128xf32>,
    return
  }
  func.func @transform_0(%arg0: i32) -> (i32, i32) {
    %c0_i32 = arith.constant 0 : i32
    %c0_i32_0 = arith.constant 0 : i32
    return %arg0, %c0_i32 : i32, i32
  }
  func.func @transform_1(%arg0: i32) -> (i32, i32, i32) {
    %c0_i32 = arith.constant 0 : i32
    %c0_i32_0 = arith.constant 0 : i32
    %c0_i32_1 = arith.constant 0 : i32
    return %c0_i32, %arg0, %c0_i32_0 : i32, i32, i32
  }
  func.func @transform_2(%arg0: i32) -> (i32, i32) {
    %c0_i32 = arith.constant 0 : i32
    %c0_i32_0 = arith.constant 0 : i32
    %c0_i32_1 = arith.constant 0 : i32
    return %c0_i32, %c0_i32_0 : i32, i32
  }
  func.func @transform_3(%arg0: i32) -> (i32, i32) {
    %c0_i32 = arith.constant 0 : i32
    %c0_i32_0 = arith.constant 0 : i32
    %c0_i32_1 = arith.constant 0 : i32
    return %c0_i32, %c0_i32_0 : i32, i32
  }
  func.func @transform_4(%arg0: i32) -> (i32, i32) {
    %c0_i32 = arith.constant 0 : i32
    %c0_i32_0 = arith.constant 0 : i32
    %c0_i32_1 = arith.constant 0 : i32
    return %c0_i32, %c0_i32_0 : i32, i32
  }
  func.func @transform_5(%arg0: i32) -> (i32, i32) {
    %c0_i32 = arith.constant 0 : i32
    %c0_i32_0 = arith.constant 0 : i32
    return %arg0, %c0_i32 : i32, i32
  }
}

</mosaic_0001>

<sc_bundles>
// kernel: kernel.10.cloned.1.call-start
scs
__scs_entry_jumppad:
0x0: {  	(pc) =	sbr.rel $0x88, $3  }
0x1: {  	(tag) =	ssettag $0x0;
	lr =	simm.s32 $0x1  }
0x2: {  	[smem:$0x3F96] =	sst lr;
	_ =	strace $0xD0000000  }
0x3: {  	_ = 	snop  }
0x4: {  	_ = 	snop  }
0x5: {  	_ = 	snop  }
0x6: {  	_ = 	snop  }
0x7: {  	_ = 	snop  }
__scs_overlays_trampoline_lowered:
0x8: {  	[smem:$0x3FA5] =	sst s0  }
0x9: {  	[smem:$0x3FA6] =	sst s1  }
0xa: {  	[smem:$0x3FA7] =	sst s2  }
0xb: {  	[smem:$0x3FA8] =	sst s3  }
0xc: {  	[smem:$0x3FA9] =	sst s4  }
0xd: {  	[smem:$0x3FAA] =	sst s5  }
0xe: {  	[smem:$0x3FAB] =	sst s6  }
0xf: {  	[smem:$0x3FAC] =	sst s7  }
0x10: {  	[smem:$0x3FAD] =	sst s8  }
0x11: {  	[smem:$0x3FAE] =	sst s9;
	s0 =	simm.s32 @!p0 $0x0  }
0x12: {  	s1 =	sld [smem:$0x3F94];
	s0 =	simm.s32 @p0 $0x1  }
0x13: {  	[smem:$0x3FAF] =	sst s0;
	s0 =	simm.s32 @!p1 $0x0  }
0x14: {  	s2 =	sld [smem:$0x3F93];
	s0 =	simm.s32 @p1 $0x1  }
0x15: {  	[smem:$0x3FB0] =	sst s0;
	s0 =	simm.s32 @!p2 $0x0  }
0x16: {  	s3 =	sld [smem:$0x3FDB];
	s0 =	simm.s32 @p2 $0x1  }
0x17: {  	s4 =	simm.s32 $0x1BF5;
	[smem:$0x3FB2] =	sst s0  }
0x18: {  	s0 =	sld [smem:$0x3F95];
	_ =	swait.ge [sflag:s4], $0x0  }
0x19: {  	s7 =	sld [smem:$0x3F96]  }
0x1a: {  	s8 =	sadd.s32 $0xFFFFE003, lr  }
0x1b: {  	s9 =	sadd.s32 $0xFFFFFEF7, lr;
	s5 =	simm.s32 $0xFFFFFFFF;
	p2 =	slt.u32 s8, $0xFFFFF086  }
0x1c: {  	p1 =	slt.u32 s9, $0xF7A;
	s5 =	simm.s32 @!p2 $0x0  }
0x1d: {  	s5 =	simm.s32 @p1 $0x1;
	p0 =	seq.s32 s7, s2  }
0x1e: {  	s7 =	smul.u32 @!p0 $0xF7A, s2;
	p2 =	seq.s32 @!p0 s5, $0x0  }
0x1f: {  	s9 =	smul.u32 $0xF7A, s1;
	s8 =	simm.s32 @!p0 $0x1BF5;
	p2 =	por !p2, p0  }
0x20: {  	[sflag:s8] =	ssyncset.s32 @!p0 $0xFFFFF086;
	s6 =	sadd.s32 @!p0 s3, s7;
	s7 =	simm.s32 @!p0 $0x108  }
0x21: {  	s3 =	sadd.s32 s3, s9;
	s6 =	sadd.s32 @!p0 $0x88, s6;
	s7 =	simm.s32 @p2 $0x1082  }
0x22: {  	[simem:s7], [sflag:s8] =	dma.local @!p0 [hbm:s6], $0xF7A  }
0x23: {  	s9 =	sor.u32 $0xD0000000, s2;
	s6 =	simm.s32 $0x108;
	_ =	swait.ge @!p0 [sflag:s8], $0x0  }
0x24: {  	s3 =	sadd.s32 $0x88, s3;
	s6 =	simm.s32 @!p1 $0x1082;
	[sflag:s4] =	ssyncset.s32 $0xFFFFF086  }
0x25: {  	[simem:s6], [sflag:s4] =	dma.local [hbm:s3], $0xF7A  }
0x26: {  	[smem:$0x3F96] =	sst s1;
	(tag) =	ssettag s2;
	_ =	strace s9  }
0x27: {  	s1 =	sld [smem:$0x3FA6]  }
0x28: {  	s2 =	sld [smem:$0x3FA7]  }
0x29: {  	s4 =	sld [smem:$0x3FA9]  }
0x2a: {  	p0 =	seq.s32 s5, $0x0;
	s5 =	sld [smem:$0x3FAA]  }
0x2b: {  	s6 =	sld [smem:$0x3FAB]  }
0x2c: {  	s7 =	sld [smem:$0x3FAC]  }
0x2d: {  	s3 =	simm.s32 $0x108;
	s8 =	sld [smem:$0x3FAD]  }
0x2e: {  	s3 =	simm.s32 @!p0 $0x1082;
	s9 =	sld [smem:$0x3FAE]  }
0x2f: {  	lr =	sadd.s32 s0, s3;
	s0 =	sld [smem:$0x3FA5]  }
0x30: {  	s3 =	sld [smem:$0x3FA8]  }
0x31: {  	[smem:$0x3FB1] =	sst s10  }
0x32: {  	s10 =	sld [smem:$0x3FAF];
	_ =	sdelay $0x3  }
0x33: {  	p0 =	seq.s32 s10, $0x1;
	s10 =	sld [smem:$0x3FB1];
	_ =	sdelay $0x3  }
0x34: {  	[smem:$0x3FB1] =	sst s10  }
0x35: {  	s10 =	sld [smem:$0x3FB0];
	_ =	sdelay $0x3  }
0x36: {  	p1 =	seq.s32 s10, $0x1;
	s10 =	sld [smem:$0x3FB1];
	_ =	sdelay $0x3  }
0x37: {  	[smem:$0x3FB1] =	sst s10  }
0x38: {  	s10 =	sld [smem:$0x3FB2]  }
0x39: {  	_ = 	snop;
	(pc) =	sbr.ind lr, $3  }
0x3a: {  	_ = 	snop  }
0x3b: {  	_ = 	snop  }
0x3c: {  	p2 =	seq.s32 s10, $0x1;
	s10 =	sld [smem:$0x3FB1]  }
0x3d: {  	_ =	shalt  }
0x3e: {  	_ =	shalt  }
0x3f: {  	_ =	shalt  }
0x40: {  	_ =	shalt  }
0x41: {  	_ =	shalt  }
0x42: {  	_ =	shalt  }
0x43: {  	_ =	shalt  }
0x44: {  	_ =	shalt  }
0x45: {  	_ =	shalt  }
0x46: {  	_ =	shalt  }
0x47: {  	_ =	shalt  }
0x48: {  	_ =	shalt  }
0x49: {  	_ =	shalt  }
0x4a: {  	_ =	shalt  }
0x4b: {  	_ =	shalt  }
0x4c: {  	_ =	shalt  }
0x4d: {  	_ =	shalt  }
0x4e: {  	_ =	shalt  }
0x4f: {  	_ =	shalt  }
0x50: {  	_ =	shalt  }
0x51: {  	_ =	shalt  }
0x52: {  	_ =	shalt  }
0x53: {  	_ =	shalt  }
0x54: {  	_ =	shalt  }
0x55: {  	_ =	shalt  }
0x56: {  	_ =	shalt  }
0x57: {  	_ =	shalt  }
0x58: {  	_ =	shalt  }
0x59: {  	_ =	shalt  }
0x5a: {  	_ =	shalt  }
0x5b: {  	_ =	shalt  }
0x5c: {  	_ =	shalt  }
0x5d: {  	_ =	shalt  }
0x5e: {  	_ =	shalt  }
0x5f: {  	_ =	shalt  }
0x60: {  	_ =	shalt  }
0x61: {  	_ =	shalt  }
0x62: {  	_ =	shalt  }
0x63: {  	_ =	shalt  }
0x64: {  	_ =	shalt  }
0x65: {  	_ =	shalt  }
0x66: {  	_ =	shalt  }
0x67: {  	_ =	shalt  }
0x68: {  	_ =	shalt  }
0x69: {  	_ =	shalt  }
0x6a: {  	_ =	shalt  }
0x6b: {  	_ =	shalt  }
0x6c: {  	_ =	shalt  }
0x6d: {  	_ =	shalt  }
0x6e: {  	_ =	shalt  }
0x6f: {  	_ =	shalt  }
0x70: {  	_ =	shalt  }
0x71: {  	_ =	shalt  }
0x72: {  	_ =	shalt  }
0x73: {  	_ =	shalt  }
0x74: {  	_ =	shalt  }
0x75: {  	_ =	shalt  }
0x76: {  	_ =	shalt  }
0x77: {  	_ =	shalt  }
0x78: {  	_ =	shalt  }
0x79: {  	_ =	shalt  }
0x7a: {  	_ =	shalt  }
0x7b: {  	_ =	shalt  }
0x7c: {  	_ =	shalt  }
0x7d: {  	_ =	shalt  }
0x7e: {  	_ =	shalt  }
0x7f: {  	_ =	shalt  }
0x80: {  	_ =	shalt  }
0x81: {  	_ =	shalt  }
0x82: {  	_ =	shalt  }
0x83: {  	_ =	shalt  }
0x84: {  	_ =	shalt  }
0x85: {  	_ =	shalt  }
0x86: {  	_ =	shalt  }
0x87: {  	_ =	shalt  }
.Lfunc_end0:
.L_simem_size_0:
called_computation.1_lowered:
.L_overlay_start_0:
0x88: {  	s2 =	sld [smem:$0x3FD9]  }
0x89: {  	s3 =	sld [smem:$0x3FFE];
	_ =	sdelay $0x1  }
0x8a: {  	s1 =	srdreg.scid  }
0x8b: {  	s0 =	sand.u32 $0x1, s1  }
0x8c: {  	s14 =	sshll.u32 s0, $0xA;
	s2 =	sadd.s32 s3, s2  }
0x8d: {  	s2 =	sadd.s32 s2, s14  }
0x8e: {  	[smem:$0x3FBD] =	sst s2  }
0x8f: {  	_ = 	snop  }
0x90: {  	s2 =	sld [smem:$0x3FD0];
	_ =	sdelay $0x2  }
0x91: {  	s15 =	simm.s32 $0xA;
	s4 =	simm.s32 $0x10  }
0x92: {  	[smem:s4], [sflag:s15] =	dma.local [hbm:s2], $0x1  }
0x93: {  	_ =	swait.eq [sflag:s15], $0x1  }
0x94: {  	[sflag:s15] =	ssyncset.done $0x0  }
0x95: {  	s16 =	sld [smem:$0x12];
	[sflag:s15] =	ssyncadd.s32 $0xFFFFFFFF  }
0x96: {  	s17 =	sld [smem:$0x14];
	(tm) =	ssettm $0x1  }
0x97: {  	s18 =	sld [smem:$0x3FFB];
	_ =	sdelay $0x3  }
0x98: {  	_ =	strace s18  }
0x99: {  	s4 =	sld [smem:$0x3FFC];
	_ =	sdelay $0x3  }
0x9a: {  	_ =	strace s4  }
0x9b: {  	s4 =	sld [smem:$0x3FFD];
	_ =	sdelay $0x3  }
0x9c: {  	_ =	strace s4  }
0x9d: {  	_ =	strace $0x8FFFFFFF  }
0x9e: {  	s19 =	sld [smem:$0x3FDB];
	_ =	sdelay $0x1  }
0x9f: {  	s5 =	simm.s32 $_scs_section_size  }
0xa0: {  	s6 =	simm.s32 $_size__tile_overlayer_lowered;
	s7 =	simm.s32 $_tile_overlayer_lowered  }
0xa1: {  	s22 =	simm.s32 $0x1BFF;
	s21 =	sshll.u32 s7, $0x1;
	s4 =	sadd.s32 s5, s19  }
0xa2: {  	s8 =	simm.s32 $0x0;
	s20 =	sshll.u32 s6, $0x1;
	s6 =	sadd.s32 s21, s4  }
0xa3: {  	[timem:s8], [sflag:s22] =	dma.local [hbm:s6], s20  }
0xa4: {  	_ =	swait.ge [sflag:s22], s20  }
0xa5: {  	s5 =	ssub.s32 $0x0, s20;
	[sflag:s22] =	ssyncset.done $0x0  }
0xa6: {  	[sflag:s22] =	ssyncadd.s32 s5;
	_ =	sdelay $0x1  }
0xa7: {  	s23 =	simm.s32 $0x1B8B  }
0xa8: {  	_ =	swait.ge [sflag:s23], $0x1  }
0xa9: {  	[sflag:s23] =	ssyncset.done $0x0  }
0xaa: {  	s25 =	simm.s32 $0x1B8E;
	s24 =	sld [smem:$0x3FFE];
	[sflag:s23] =	ssyncadd.s32 $0xFFFFFFFF  }
0xab: {  	s26 =	simm.s32 $execute0_lowered;
	[smem:$0x3FD2] =	sst s25  }
0xac: {  	s6 =	sshll.u32 s26, $0x1;
	_ =	strace $0x80000049;
	[dreg:$0x1] =	wrdreg $0xFFFFFFFF  }
0xad: {  	s28 =	simm.s32 $_size_execute0_lowered;
	s4 =	sadd.s32 s4, s6;
	[dreg:$0x0] =	wrdreg $0x0  }
0xae: {  	s6 =	sshll.u32 s28, $0x1;
	[dreg:$0x2] =	wrdreg s4  }
0xaf: {  	[dreg:$0x3] =	wrdreg s6  }
0xb0: {  	[dreg:$0x4] =	wrdreg $0xC0  }
0xb1: {  	_ =	task [dreg:s8], $0x5FFFF  }
0xb2: {  	[dreg:$0x1] =	wrdreg $0xFFFFFFFF  }
0xb3: {  	[dreg:$0x0] =	wrdreg $0x60  }
0xb4: {  	[dreg:$0x2] =	wrdreg s24  }
0xb5: {  	[dreg:$0x3] =	wrdreg s17  }
0xb6: {  	[dreg:$0x4] =	wrdreg s16  }
0xb7: {  	[dreg:$0x5] =	wrdreg $0xB8500  }
0xb8: {  	[dreg:$0x6] =	wrdreg $0x9  }
0xb9: {  	_ =	task.clear_ibuf [dreg:s8], $0x7FFFF;
	_ =	strace $0x90000049  }
0xba: {  	s29 =	simm.s32 $0x9;
	_ =	strace $0x8000004B  }
0xbb: {  	_ =	swait.ge [sflag:s29], $0x1  }
0xbc: {  	[sflag:s29] =	ssyncadd.s32 $0xFFFFFFFF  }
0xbd: {  	_ =	strace $0x9000004B  }
0xbe: {  	_ =	sfence  }
0xbf: {  	s30 =	sld [smem:$0x0];
	_ =	sdelay $0x2  }
0xc0: {  	s31 =	sshll.u32 s1, $0xD;
	s1 =	sshrl.u32 s1, $0x2  }
0xc1: {  	s3 =	sand.u32 $0x4000, s31;
	s1 =	sadd.s32 s1, s30  }
0xc2: {  	s0 =	sor.u32 s3, s0;
	s1 =	sshll.u32 s1, $0x11  }
0xc3: {  	s0 =	sor.u32 s1, s0  }
0xc4: {  	s0 =	sadd.s32 $0x8F2B, s0  }
0xc5: {  	[sflag:s0] =	ssyncadd.remote.s32 $0x1  }
0xc6: {  	_ =	sfence.sel $0xFFFF  }
0xc7: {  	[dreg:$0x0] =	wrdreg $0xFFFFFFFF;
	(pc) =	sbr.abs _section_cstart, $3  }
0xc8: {  	[dreg:$0x1] =	wrdreg $0xFFFFFFFF  }
0xc9: {  	_ =	task.clear_ibuf [dreg:s8], $0x2FFFF;
	_ =	strace $0x9FFFFFFF  }
0xca: {  	(tm) =	ssettm $0x7FFFFFFF  }
0xcb: {  	_ =	shalt  }
tec
execute0_lowered:
.L_overlay_start_1:
0x0: {  	(tag) =	ssettag $0x1  }
0x1: {  	s0 =	rddreg [dreg:$0x0]  }
0x2: {  	s1 =	rddreg [dreg:$0x1]  }
0x3: {  	s2 =	rddreg [dreg:$0x2]  }
0x4: {  	s4 =	rddreg [dreg:$0x3]  }
0x5: {  	s5 =	simm.s32 $0x0;
	s3 =	srdreg.scid;
	s14 =	stileid.u32  }
0x6: {  	s18 =	simm.s32 $0x5;
	s21 =	simm.s32 $0x1;
	s28 =	simm.s32 $0x6850  }
0x7: {  	s29 =	simm.s32 $0x7850;
	s30 =	simm.s32 $0x8050;
	s31 =	simm.s32 $0x2  }
0x8: {  	s17 =	simm.s32 $0x3;
	[smem:$0x7FF] =	sst s5;
	s3 =	sand.u32 $0x1, s3  }
0x9: {  	s8 =	smul.u32 $0x2800, s14;
	s6 =	sadd.s32 $0x1DC00, s0;
	s7 =	sadd.s32 $0x18C00, s0  }
0xa: {  	v0 =	vlaneseq.u32;
	s10 =	sadd.s32 $0xEE00, s0;
	s22 =	sadd.s32 $0x5000, s0;
	s23 =	sshll.u32 s14, $0x1  }
0xb: {  	v3 =	vmul.u32 $0x20, v0;
	p0 =	sgt.u32 s14, $0x1;
	_ =	strace $0x8000004A;
	s9 =	smul.u32 $0x28000, s3  }
0xc: {  	[dreg:$0x5] =	wrdreg s10;
	s11 =	ssub.s32 $0x2, s3;
	s3 =	sor.u32 s3, s23  }
0xd: {  	[dreg:$0x6] =	wrdreg s22;
	s22 =	simm.s32 $0x80;
	s23 =	simm.s32 $0x5050;
	v0 =	vor.u32 s3, v3;
	v1 =	vor.u32 $0x200, v3;
	v2 =	vor.u32 $0x400, v3  }
0xe: {  	s24 =	sshrl.u32 s11, $0x1;
	s10 =	sshll.u32 s3, $0x8;
	v4 =	vor.u32 $0x800, v3;
	v3 =	vor.u32 $0x600, v3;
	s9 =	sadd.s32 s8, s9;
	v1 =	vor.u32 s3, v1  }
0xf: {  	s12 =	sadd.s32 s2, s10;
	s13 =	sadd.s32 s1, s10;
	v2 =	vor.u32 s3, v2;
	v4 =	vor.u32 s3, v4;
	v3 =	vor.u32 s3, v3;
	s3 =	simm.s32 $0x0  }
.Ltmp0:
0x10: {  	s9 =	sshrl.u32 s9, $0x3;
	s25 =	sadd.s32 $0x9C000, s12;
	(pc) =	sbr.rel .LBB2_1-.Ltmp0, $4  }
0x11: {  	s0 =	sadd.s32 s9, s0;
	s9 =	ssub.s32 s11, s24;
	s11 =	sadd.s32 s8, s4  }
0x12: {  	[dreg:$0x7] =	wrdreg s25;
	s24 =	simm.s32 $0x6050;
	s0 =	sadd.s32 $0x22C00, s0  }
0x13: {  	s25 =	simm.s32 $0x7050;
	s26 =	smax.u32 s9, $0x1;
	[dreg:$0x8] =	wrdreg s0  }
0x14: {  	v5 =	vimm.f32 $0.0e+00;
	v4 =	vmin.u32 v4, $0x9C3;
	[dreg:$0x9] =	wrdreg s26;
	s26 =	simm.s32 $0x5850;
	s0 =	simm.s32 $0x8850  }
.LBB2_13:
0x15: {  	_ =	swait.ge [sflag:s17], $0x800  }
0x16: {  	[sflag:s17] =	ssyncset.done $0x0  }
0x17: {  	s8 =	simm.s32 $0x4;
	[sflag:s17] =	ssyncadd.s32 $0xFFFFF800  }
0x18: {  	_ =	swait.ge [sflag:s8], $0x800  }
0x19: {  	[sflag:s8] =	ssyncset.done $0x0  }
0x1a: {  	s19 =	stileid.u32;
	[sflag:s8] =	ssyncadd.s32 $0xFFFFF800  }
0x1b: {  	s8 =	sshll.u32 s19, $0x6;
	[bflag:$0x0] =	sbarrier.arrive $0xFFFF  }
0x1c: {  	s9 =	sshrl.u32 s11, $0x3;
	s8 =	sor.u32 $0x1C05, s8;
	s14 =	rddreg [dreg:$0x8]  }
0x1d: {  	[hbm:s14], [sflag:s8] =	dma.local [spmem:s9], $0x500  }
0x1e: {  	_ =	swait.ge [sflag:s18], $0x500  }
0x1f: {  	s3 =	sadd.s32 $0x1, s3;
	s20 =	rddreg [dreg:$0x9]  }
0x20: {  	p1 =	sne.s32 s3, s20  }
.Ltmp1:
0x21: {  	_ = 	snop;
	(pc) =	sbr.rel @!p1 .LBB2_14-.Ltmp1, $3  }
0x22: {  	_ =	sdelay $0x1  }
0x23: {  	[sflag:s18] =	ssyncset.done $0x0  }
0x24: {  	[sflag:s18] =	ssyncadd.s32 $0xFFFFFB00  }
.LBB2_1:
0x25: {  	s8 =	simm.s32 $0x40;
	s9 =	simm.s32 $0x0  }
.LBB2_2:
0x26: {  	p1 =	sne.s32 s8, $0x9FC0;
	[tilespmem:s9+$0x9050] =	vst v5;
	s9 =	smov.u32 s8;
	s8 =	sadd.s32 $0x40, s8  }
.Ltmp2:
0x27: {  	(pc) =	sbr.rel @p1 .LBB2_2-.Ltmp2, $2  }
0x28: {  	_ =	sdelay $0x2  }
0x29: {  	s9 =	sshra.s32 s9, $0x2  }
0x2a: {  	[tilespmem:s9+$0x9050] =	vst v5;
	s8 =	simm.s32 $0x9050  }
0x2b: {  	[spmem:s11] =	stream.linear.scatter [tilespmem:s8], [sflag:$0x5], $0x2800, $0x38;
	[tilespmem:$0xE050] =	vst v63  }
0x2c: {  	_ =	swait.ge [sflag:s18], $0x2800  }
0x2d: {  	[sflag:s18] =	ssyncset.done $0x0  }
0x2e: {  	[sflag:s18] =	ssyncadd.s32 $0xFFFFD800  }
0x2f: {  	[bflag:$0x0] =	sbarrier.arrive $0xFFFF  }
0x30: {  	[tilespmem:$0x0] =	vst v0  }
0x31: {  	[tilespmem:$0x10] =	vst v1  }
0x32: {  	[tilespmem:$0x20] =	vst v2  }
0x33: {  	[tilespmem:$0x30] =	vst v3  }
0x34: {  	s14 =	simm.s32 $0x50;
	s8 =	simm.s32 $0x0;
	[tilespmem:$0x40] =	vst v4;
	s19 =	rddreg [dreg:$0x5]  }
0x35: {  	[tilespmem:s14], [sflag:$0x1] =	stream.indirect.gather [hbm4b:s19+s14], $0x80, s8, s14, $0xb8;
	[tilespmem:$0xE050] =	vst v63  }
0x36: {  	s15 =	simm.s32 $0x2850;
	s20 =	rddreg [dreg:$0x6]  }
0x37: {  	[tilespmem:s15], [sflag:$0x1] =	stream.indirect.gather [hbm4b:s20+s14], $0x80, s8, s14, $0xb8;
	[tilespmem:$0xE050] =	vst v63  }
0x38: {  	_ =	swait.ge [sflag:s21], $0x2800  }
0x39: {  	[sflag:s21] =	ssyncset.done $0x0  }
0x3a: {  	[sflag:s21] =	ssyncadd.s32 $0xFFFFD800  }
0x3b: {  	_ =	swait.ge [sflag:s21], $0x2800  }
0x3c: {  	[sflag:s21] =	ssyncset.done $0x0  }
0x3d: {  	[sflag:s21] =	ssyncadd.s32 $0xFFFFD800  }
0x3e: {  	[tilespmem:s23], [sflag:$0x1] =	stream.indirect.gather [hbm4b:s6+s22], $0x10, s14, s22, $0xb8;
	[tilespmem:$0xE050] =	vst v63  }
0x3f: {  	_ = 	snop  }
0x40: {  	[tilespmem:s24], [sflag:$0x1] =	stream.indirect.gather [hbm4b:s7+s22], $0x10, s15, s22, $0xb8;
	[tilespmem:$0xE050] =	vst v63  }
0x41: {  	_ = 	snop  }
0x42: {  	[tilespmem:s25], [sflag:$0x1] =	stream.linear.gather [hbm4b:s13+s8], $0x800, $0x38;
	[tilespmem:$0xE050] =	vst v63  }
.LBB2_4:
0x43: {  	s9 =	sshllo.u32 s8, $0x1  }
0x44: {  	s14 =	sshll.u32 s9, $0x7  }
0x45: {  	s9 =	sshll.u32 s9, $0xD;
	s15 =	sor.u32 $0x50, s14  }
0x46: {  	[tilespmem:s26], [sflag:$0x2] =	stream.indirect.gather [hbm4b:s6+s22], $0x10, s15, s22, $0xb8;
	[tilespmem:$0xE050] =	vst v63  }
0x47: {  	s20 =	sadd.s32 $0x2850, s14;
	s9 =	sor.u32 s10, s9  }
0x48: {  	[tilespmem:s28], [sflag:$0x2] =	stream.indirect.gather [hbm4b:s7+s22], $0x10, s20, s22, $0xb8;
	[tilespmem:$0xE050] =	vst v63  }
0x49: {  	s19 =	sadd.s32 s1, s9  }
0x4a: {  	[tilespmem:s29], [sflag:$0x2] =	stream.linear.gather [hbm4b:s19+s5], $0x800, $0x38;
	[tilespmem:$0xE050] =	vst v63  }
0x4b: {  	_ =	swait.ge [sflag:s21], $0x800  }
0x4c: {  	[sflag:s21] =	ssyncset.done $0x0  }
0x4d: {  	[sflag:s21] =	ssyncadd.s32 $0xFFFFF800  }
0x4e: {  	_ =	swait.ge [sflag:s21], $0x800  }
0x4f: {  	[sflag:s21] =	ssyncset.done $0x0  }
0x50: {  	[sflag:s21] =	ssyncadd.s32 $0xFFFFF800  }
0x51: {  	_ =	swait.ge [sflag:s21], $0x800  }
0x52: {  	p1 =	seq.s32 s8, $0x0;
	[sflag:s21] =	ssyncset.done $0x0  }
0x53: {  	s14 =	simm.s32 @!p1 $0x3;
	[sflag:s21] =	ssyncadd.s32 $0xFFFFF800  }
0x54: {  	_ =	swait.ge @!p1 [sflag:s14], $0x800  }
0x55: {  	[sflag:s14] =	ssyncset.done @!p1 $0x0  }
0x56: {  	s16 =	simm.s32 $0x0;
	[sflag:s14] =	ssyncadd.s32 @!p1 $0xFFFFF800  }
0x57: {  	v6 =	vld [tilespmem:s16+$0x50C0]  }
0x58: {  	v7 =	vld [tilespmem:s16+$0x60C0]  }
0x59: {  	v8 =	vld [tilespmem:s16+$0x5050]  }
0x5a: {  	v9 =	vld [tilespmem:s16+$0x70C0]  }
0x5b: {  	v10 =	vld [tilespmem:s16+$0x6050]  }
0x5c: {  	v11 =	vld [tilespmem:s16+$0x5060]  }
0x5d: {  	v12 =	vld [tilespmem:s16+$0x6060]  }
0x5e: {  	v13 =	vld [tilespmem:s16+$0x6070]  }
0x5f: {  	v15 =	vld [tilespmem:s16+$0x6080]  }
0x60: {  	v16 =	vld [tilespmem:s16+$0x5090]  }
0x61: {  	v17 =	vld [tilespmem:s16+$0x50A0]  }
0x62: {  	v18 =	vld [tilespmem:s16+$0x60A0]  }
0x63: {  	v19 =	vld [tilespmem:s16+$0x50B0];
	v6 =	vadd.f32 v7, v6  }
0x64: {  	v20 =	vld [tilespmem:s16+$0x60B0]  }
0x65: {  	v21 =	vld [tilespmem:s16+$0x7050];
	v6 =	vadd.f32 v9, v6  }
0x66: {  	v7 =	vld [tilespmem:s16+$0x5070]  }
0x67: {  	v9 =	vld [tilespmem:s16+$0x5080];
	v6 =	vmax.f32 v6, $0.0e+00  }
0x68: {  	[tilespmem:s16+$0x80C0] =	vst v6;
	v6 =	vld [tilespmem:s16+$0x6090]  }
0x69: {  	v22 =	vld [tilespmem:s16+$0x7060]  }
0x6a: {  	v23 =	vld [tilespmem:s16+$0x7070]  }
0x6b: {  	v14 =	vld [tilespmem:s16+$0x7080];
	v8 =	vadd.f32 v10, v8;
	v24 =	vadd.f32 v12, v11  }
0x6c: {  	v25 =	vadd.f32 v13, v7;
	v13 =	vld [tilespmem:s16+$0x7090];
	v10 =	vadd.f32 v15, v9  }
0x6d: {  	v12 =	vld [tilespmem:s16+$0x70A0];
	v9 =	vadd.f32 v6, v16;
	v16 =	vadd.f32 v21, v8  }
0x6e: {  	s19 =	simm.s32 $0x80;
	v11 =	vld [tilespmem:s16+$0x70B0];
	v15 =	vadd.f32 v22, v24;
	v8 =	vadd.f32 v18, v17  }
0x6f: {  	s15 =	sshll.u32 s8, $0x1;
	s14 =	simm.s32 $0x400;
	v7 =	vld [tilespmem:s19+$0x50C0];
	v6 =	vadd.f32 v20, v19;
	v17 =	vmax.f32 v16, $0.0e+00;
	v16 =	vadd.f32 v23, v25  }
.LBB2_5:
0x70: {  	p2 =	sne.s32 s14, $0x1E00;
	v18 =	vld [tilespmem:s19+$0x60C0];
	[tilespmem:s16+$0x8050] =	vst v17;
	v15 =	vmax.f32 v15, $0.0e+00;
	v10 =	vadd.f32 v14, v10  }
0x71: {  	v14 =	vld [tilespmem:s19+$0x5050];
	[tilespmem:s16+$0x8060] =	vst v15;
	v15 =	vmax.f32 v16, $0.0e+00;
	v9 =	vadd.f32 v13, v9  }
0x72: {  	v13 =	vld [tilespmem:s19+$0x70C0];
	[tilespmem:s16+$0x8070] =	vst v15;
	v10 =	vmax.f32 v10, $0.0e+00;
	v8 =	vadd.f32 v12, v8  }
0x73: {  	v12 =	vld [tilespmem:s19+$0x6050];
	[tilespmem:s16+$0x8080] =	vst v10;
	v9 =	vmax.f32 v9, $0.0e+00;
	v6 =	vadd.f32 v11, v6  }
0x74: {  	v10 =	vld [tilespmem:s19+$0x5060];
	[tilespmem:s16+$0x8090] =	vst v9;
	v8 =	vmax.f32 v8, $0.0e+00  }
0x75: {  	v9 =	vld [tilespmem:s19+$0x6060];
	v7 =	vadd.f32 v18, v7;
	[tilespmem:s16+$0x80A0] =	vst v8;
	v6 =	vmax.f32 v6, $0.0e+00  }
0x76: {  	v8 =	vld [tilespmem:s19+$0x5070];
	[tilespmem:s16+$0x80B0] =	vst v6;
	s16 =	smov.u32 s19  }
0x77: {  	v6 =	vld [tilespmem:s16+$0x6070];
	v7 =	vadd.f32 v13, v7  }
0x78: {  	v11 =	vadd.f32 v12, v14;
	v12 =	vld [tilespmem:s16+$0x5080]  }
0x79: {  	v13 =	vld [tilespmem:s16+$0x6080];
	v7 =	vmax.f32 v7, $0.0e+00  }
0x7a: {  	v15 =	vadd.f32 v9, v10;
	v9 =	vld [tilespmem:s16+$0x5090];
	[tilespmem:s16+$0x80C0] =	vst v7  }
0x7b: {  	v7 =	vld [tilespmem:s16+$0x6090]  }
0x7c: {  	v16 =	vadd.f32 v6, v8;
	v6 =	vld [tilespmem:s16+$0x50A0]  }
0x7d: {  	v8 =	vld [tilespmem:s16+$0x60A0]  }
0x7e: {  	v10 =	vadd.f32 v13, v12;
	v12 =	vld [tilespmem:s16+$0x50B0]  }
0x7f: {  	v17 =	vld [tilespmem:s16+$0x60B0]  }
0x80: {  	v18 =	vld [tilespmem:s16+$0x7050];
	v9 =	vadd.f32 v7, v9  }
0x81: {  	v7 =	vld [tilespmem:s16+$0x7060]  }
0x82: {  	v19 =	vld [tilespmem:s16+$0x7070];
	v8 =	vadd.f32 v8, v6  }
.Ltmp3:
0x83: {  	v14 =	vld [tilespmem:s16+$0x7080];
	(pc) =	sbr.rel @p2 .LBB2_5-.Ltmp3, $4  }
0x84: {  	v13 =	vld [tilespmem:s16+$0x7090];
	v6 =	vadd.f32 v17, v12  }
0x85: {  	v17 =	vadd.f32 v18, v11;
	v12 =	vld [tilespmem:s16+$0x70A0]  }
0x86: {  	s19 =	sshra.s32 s14, $0x2;
	v15 =	vadd.f32 v7, v15;
	v11 =	vld [tilespmem:s16+$0x70B0]  }
0x87: {  	s14 =	sadd.s32 $0x200, s14;
	v7 =	vld [tilespmem:s19+$0x50C0];
	v17 =	vmax.f32 v17, $0.0e+00;
	v16 =	vadd.f32 v19, v16  }
0x88: {  	v18 =	vld [tilespmem:s19+$0x60C0];
	[tilespmem:s16+$0x8050] =	vst v17;
	v15 =	vmax.f32 v15, $0.0e+00;
	v10 =	vadd.f32 v14, v10  }
0x89: {  	v17 =	vld [tilespmem:s19+$0x5050];
	[tilespmem:s16+$0x8060] =	vst v15;
	v14 =	vmax.f32 v16, $0.0e+00;
	v9 =	vadd.f32 v13, v9  }
0x8a: {  	v15 =	vld [tilespmem:s19+$0x70C0];
	[tilespmem:s16+$0x8070] =	vst v14;
	v10 =	vmax.f32 v10, $0.0e+00;
	v8 =	vadd.f32 v12, v8  }
0x8b: {  	v13 =	vld [tilespmem:s19+$0x6050];
	[tilespmem:s16+$0x8080] =	vst v10;
	v9 =	vmax.f32 v9, $0.0e+00;
	v6 =	vadd.f32 v11, v6  }
0x8c: {  	v10 =	vld [tilespmem:s19+$0x5060];
	[tilespmem:s16+$0x8090] =	vst v9;
	v8 =	vmax.f32 v8, $0.0e+00  }
0x8d: {  	v9 =	vld [tilespmem:s19+$0x6060];
	[tilespmem:s16+$0x80A0] =	vst v8;
	v6 =	vmax.f32 v6, $0.0e+00  }
0x8e: {  	v8 =	vld [tilespmem:s19+$0x5070];
	[tilespmem:s16+$0x80B0] =	vst v6  }
0x8f: {  	v6 =	vld [tilespmem:s19+$0x6070]  }
0x90: {  	v11 =	vld [tilespmem:s19+$0x5080]  }
0x91: {  	v7 =	vadd.f32 v18, v7;
	v12 =	vld [tilespmem:s19+$0x6080]  }
0x92: {  	v14 =	vld [tilespmem:s19+$0x5090]  }
0x93: {  	v7 =	vadd.f32 v15, v7;
	v15 =	vld [tilespmem:s19+$0x50A0]  }
0x94: {  	v16 =	vld [tilespmem:s19+$0x60A0]  }
0x95: {  	v18 =	vld [tilespmem:s19+$0x50B0]  }
0x96: {  	v19 =	vld [tilespmem:s19+$0x60B0]  }
0x97: {  	v20 =	vld [tilespmem:s19+$0x7050]  }
0x98: {  	v21 =	vld [tilespmem:s19+$0x7060]  }
0x99: {  	v22 =	vld [tilespmem:s19+$0x7070];
	v7 =	vmax.f32 v7, $0.0e+00  }
0x9a: {  	[tilespmem:s19+$0x80C0] =	vst v7;
	v7 =	vld [tilespmem:s19+$0x6090]  }
0x9b: {  	v13 =	vadd.f32 v13, v17;
	v17 =	vld [tilespmem:s19+$0x7080]  }
0x9c: {  	v9 =	vadd.f32 v9, v10;
	v10 =	vld [tilespmem:s19+$0x7090]  }
0x9d: {  	v6 =	vadd.f32 v6, v8;
	v8 =	vadd.f32 v20, v13;
	v13 =	vld [tilespmem:s19+$0x70A0]  }
0x9e: {  	v11 =	vadd.f32 v12, v11;
	v9 =	vadd.f32 v21, v9;
	v12 =	vld [tilespmem:s19+$0x70B0]  }
0x9f: {  	v8 =	vmax.f32 v8, $0.0e+00;
	v6 =	vadd.f32 v22, v6;
	v7 =	vadd.f32 v7, v14  }
0xa0: {  	v14 =	vadd.f32 v16, v15;
	[tilespmem:s19+$0x8050] =	vst v8;
	v8 =	vmax.f32 v9, $0.0e+00;
	v9 =	vadd.f32 v17, v11  }
0xa1: {  	v11 =	vadd.f32 v19, v18;
	[tilespmem:s19+$0x8060] =	vst v8;
	v6 =	vmax.f32 v6, $0.0e+00;
	v7 =	vadd.f32 v10, v7  }
0xa2: {  	[tilespmem:s19+$0x8070] =	vst v6;
	v6 =	vmax.f32 v9, $0.0e+00;
	v8 =	vadd.f32 v13, v14  }
0xa3: {  	[tilespmem:s19+$0x8080] =	vst v6;
	v6 =	vmax.f32 v7, $0.0e+00;
	v7 =	vadd.f32 v12, v11  }
0xa4: {  	s14 =	sshll.u32 s8, $0x8;
	[tilespmem:s19+$0x8090] =	vst v6;
	v6 =	vmax.f32 v8, $0.0e+00  }
0xa5: {  	s14 =	sand.u32 $0x3FFFFF00, s14;
	[tilespmem:s19+$0x80A0] =	vst v6;
	v6 =	vmax.f32 v7, $0.0e+00  }
0xa6: {  	s14 =	sadd.s32 $0x2850, s14;
	[tilespmem:s19+$0x80B0] =	vst v6  }
0xa7: {  	[spmem:s4] =	stream.indirect.scatter.add.f32 [tilespmem:s30], [sflag:$0x5], $0x10, s14, s22, $0xb8;
	[tilespmem:$0xE050] =	vst v63  }
0xa8: {  	_ =	swait.ge [sflag:s18], $0x800  }
0xa9: {  	s16 =	sshll.u32 s8, $0xE;
	[sflag:s18] =	ssyncset.done $0x0  }
0xaa: {  	s14 =	sadd.s32 s16, s12;
	[sflag:s18] =	ssyncadd.s32 $0xFFFFF800  }
0xab: {  	[hbm4b:s14+s5] =	stream.linear.scatter [tilespmem:s30], [sflag:$0x3], $0x800, $0x38;
	[tilespmem:$0xE050] =	vst v63  }
0xac: {  	s14 =	sadd.s32 $0x2, s15  }
0xad: {  	s15 =	sshll.u32 s14, $0x7  }
0xae: {  	s19 =	sor.u32 $0x50, s15  }
0xaf: {  	[tilespmem:s23], [sflag:$0x1] =	stream.indirect.gather [hbm4b:s6+s22], $0x10, s19, s22, $0xb8;
	[tilespmem:$0xE050] =	vst v63  }
0xb0: {  	s14 =	sshll.u32 s14, $0xD;
	s15 =	sadd.s32 $0x2850, s15  }
0xb1: {  	[tilespmem:s24], [sflag:$0x1] =	stream.indirect.gather [hbm4b:s7+s22], $0x10, s15, s22, $0xb8;
	[tilespmem:$0xE050] =	vst v63  }
0xb2: {  	s14 =	sadd.s32 s14, s13  }
0xb3: {  	[tilespmem:s25], [sflag:$0x1] =	stream.linear.gather [hbm4b:s14+s5], $0x800, $0x38;
	[tilespmem:$0xE050] =	vst v63  }
0xb4: {  	_ =	swait.ge [sflag:s31], $0x800  }
0xb5: {  	[sflag:s31] =	ssyncset.done $0x0  }
0xb6: {  	[sflag:s31] =	ssyncadd.s32 $0xFFFFF800  }
0xb7: {  	_ =	swait.ge [sflag:s31], $0x800  }
0xb8: {  	[sflag:s31] =	ssyncset.done $0x0  }
0xb9: {  	[sflag:s31] =	ssyncadd.s32 $0xFFFFF800  }
0xba: {  	_ =	swait.ge [sflag:s31], $0x800  }
0xbb: {  	[sflag:s31] =	ssyncset.done $0x0  }
0xbc: {  	s14 =	simm.s32 @!p1 $0x4;
	[sflag:s31] =	ssyncadd.s32 $0xFFFFF800  }
0xbd: {  	_ =	swait.ge @!p1 [sflag:s14], $0x800  }
0xbe: {  	[sflag:s14] =	ssyncset.done @!p1 $0x0  }
0xbf: {  	s15 =	simm.s32 $0x0;
	[sflag:s14] =	ssyncadd.s32 @!p1 $0xFFFFF800  }
0xc0: {  	v6 =	vld [tilespmem:s15+$0x58C0]  }
0xc1: {  	v7 =	vld [tilespmem:s15+$0x68C0]  }
0xc2: {  	v8 =	vld [tilespmem:s15+$0x5850]  }
0xc3: {  	v9 =	vld [tilespmem:s15+$0x78C0]  }
0xc4: {  	v10 =	vld [tilespmem:s15+$0x6850]  }
0xc5: {  	v11 =	vld [tilespmem:s15+$0x5860]  }
0xc6: {  	v12 =	vld [tilespmem:s15+$0x6860]  }
0xc7: {  	v13 =	vld [tilespmem:s15+$0x6870]  }
0xc8: {  	v15 =	vld [tilespmem:s15+$0x6880]  }
0xc9: {  	v16 =	vld [tilespmem:s15+$0x5890]  }
0xca: {  	v17 =	vld [tilespmem:s15+$0x58A0]  }
0xcb: {  	v18 =	vld [tilespmem:s15+$0x68A0]  }
0xcc: {  	v19 =	vld [tilespmem:s15+$0x58B0];
	v6 =	vadd.f32 v7, v6  }
0xcd: {  	v61 =	vld [tilespmem:s15+$0x68B0]  }
0xce: {  	v62 =	vld [tilespmem:s15+$0x7850];
	v6 =	vadd.f32 v9, v6  }
0xcf: {  	v7 =	vld [tilespmem:s15+$0x5870]  }
0xd0: {  	v9 =	vld [tilespmem:s15+$0x5880];
	v6 =	vmax.f32 v6, $0.0e+00  }
0xd1: {  	[tilespmem:s15+$0x88C0] =	vst v6;
	v6 =	vld [tilespmem:s15+$0x6890]  }
0xd2: {  	v63 =	vld [tilespmem:s15+$0x7860]  }
0xd3: {  	v23 =	vld [tilespmem:s15+$0x7870]  }
0xd4: {  	v14 =	vld [tilespmem:s15+$0x7880];
	v8 =	vadd.f32 v10, v8;
	v24 =	vadd.f32 v12, v11  }
0xd5: {  	v25 =	vadd.f32 v13, v7;
	v13 =	vld [tilespmem:s15+$0x7890];
	v10 =	vadd.f32 v15, v9  }
0xd6: {  	v12 =	vld [tilespmem:s15+$0x78A0];
	v9 =	vadd.f32 v6, v16;
	v16 =	vadd.f32 v62, v8  }
0xd7: {  	s16 =	simm.s32 $0x80;
	v11 =	vld [tilespmem:s15+$0x78B0];
	v15 =	vadd.f32 v63, v24;
	v8 =	vadd.f32 v18, v17  }
0xd8: {  	s14 =	simm.s32 $0x400;
	v7 =	vld [tilespmem:s16+$0x58C0];
	v6 =	vadd.f32 v61, v19;
	v17 =	vmax.f32 v16, $0.0e+00;
	v16 =	vadd.f32 v23, v25  }
.LBB2_7:
0xd9: {  	p1 =	sne.s32 s14, $0x1E00;
	v18 =	vld [tilespmem:s16+$0x68C0];
	[tilespmem:s15+$0x8850] =	vst v17;
	v15 =	vmax.f32 v15, $0.0e+00;
	v10 =	vadd.f32 v14, v10  }
0xda: {  	v14 =	vld [tilespmem:s16+$0x5850];
	[tilespmem:s15+$0x8860] =	vst v15;
	v15 =	vmax.f32 v16, $0.0e+00;
	v9 =	vadd.f32 v13, v9  }
0xdb: {  	v13 =	vld [tilespmem:s16+$0x78C0];
	[tilespmem:s15+$0x8870] =	vst v15;
	v10 =	vmax.f32 v10, $0.0e+00;
	v8 =	vadd.f32 v12, v8  }
0xdc: {  	v12 =	vld [tilespmem:s16+$0x6850];
	[tilespmem:s15+$0x8880] =	vst v10;
	v9 =	vmax.f32 v9, $0.0e+00;
	v6 =	vadd.f32 v11, v6  }
0xdd: {  	v10 =	vld [tilespmem:s16+$0x5860];
	[tilespmem:s15+$0x8890] =	vst v9;
	v8 =	vmax.f32 v8, $0.0e+00  }
0xde: {  	v9 =	vld [tilespmem:s16+$0x6860];
	v7 =	vadd.f32 v18, v7;
	[tilespmem:s15+$0x88A0] =	vst v8;
	v6 =	vmax.f32 v6, $0.0e+00  }
0xdf: {  	v8 =	vld [tilespmem:s16+$0x5870];
	[tilespmem:s15+$0x88B0] =	vst v6;
	s15 =	smov.u32 s16  }
0xe0: {  	v6 =	vld [tilespmem:s15+$0x6870];
	v7 =	vadd.f32 v13, v7  }
0xe1: {  	v11 =	vadd.f32 v12, v14;
	v12 =	vld [tilespmem:s15+$0x5880]  }
0xe2: {  	v13 =	vld [tilespmem:s15+$0x6880];
	v7 =	vmax.f32 v7, $0.0e+00  }
0xe3: {  	v15 =	vadd.f32 v9, v10;
	v9 =	vld [tilespmem:s15+$0x5890];
	[tilespmem:s15+$0x88C0] =	vst v7  }
0xe4: {  	v7 =	vld [tilespmem:s15+$0x6890]  }
0xe5: {  	v16 =	vadd.f32 v6, v8;
	v6 =	vld [tilespmem:s15+$0x58A0]  }
0xe6: {  	v8 =	vld [tilespmem:s15+$0x68A0]  }
0xe7: {  	v10 =	vadd.f32 v13, v12;
	v12 =	vld [tilespmem:s15+$0x58B0]  }
0xe8: {  	v17 =	vld [tilespmem:s15+$0x68B0]  }
0xe9: {  	v18 =	vld [tilespmem:s15+$0x7850];
	v9 =	vadd.f32 v7, v9  }
0xea: {  	v7 =	vld [tilespmem:s15+$0x7860]  }
0xeb: {  	v19 =	vld [tilespmem:s15+$0x7870];
	v8 =	vadd.f32 v8, v6  }
.Ltmp4:
0xec: {  	v14 =	vld [tilespmem:s15+$0x7880];
	(pc) =	sbr.rel @p1 .LBB2_7-.Ltmp4, $4  }
0xed: {  	v13 =	vld [tilespmem:s15+$0x7890];
	v6 =	vadd.f32 v17, v12  }
0xee: {  	v17 =	vadd.f32 v18, v11;
	v12 =	vld [tilespmem:s15+$0x78A0]  }
0xef: {  	s16 =	sshra.s32 s14, $0x2;
	v15 =	vadd.f32 v7, v15;
	v11 =	vld [tilespmem:s15+$0x78B0]  }
0xf0: {  	s14 =	sadd.s32 $0x200, s14;
	v7 =	vld [tilespmem:s16+$0x58C0];
	v17 =	vmax.f32 v17, $0.0e+00;
	v16 =	vadd.f32 v19, v16  }
0xf1: {  	v18 =	vld [tilespmem:s16+$0x68C0];
	[tilespmem:s15+$0x8850] =	vst v17;
	v15 =	vmax.f32 v15, $0.0e+00;
	v10 =	vadd.f32 v14, v10  }
0xf2: {  	v17 =	vld [tilespmem:s16+$0x5850];
	[tilespmem:s15+$0x8860] =	vst v15;
	v47 =	vmax.f32 v16, $0.0e+00;
	v9 =	vadd.f32 v13, v9  }
0xf3: {  	v15 =	vld [tilespmem:s16+$0x78C0];
	[tilespmem:s15+$0x8870] =	vst v47;
	v10 =	vmax.f32 v10, $0.0e+00;
	v8 =	vadd.f32 v12, v8  }
0xf4: {  	v48 =	vld [tilespmem:s16+$0x6850];
	[tilespmem:s15+$0x8880] =	vst v10;
	v9 =	vmax.f32 v9, $0.0e+00;
	v6 =	vadd.f32 v11, v6  }
0xf5: {  	v10 =	vld [tilespmem:s16+$0x5860];
	[tilespmem:s15+$0x8890] =	vst v9;
	v8 =	vmax.f32 v8, $0.0e+00  }
0xf6: {  	v9 =	vld [tilespmem:s16+$0x6860];
	[tilespmem:s15+$0x88A0] =	vst v8;
	v6 =	vmax.f32 v6, $0.0e+00  }
0xf7: {  	v8 =	vld [tilespmem:s16+$0x5870];
	[tilespmem:s15+$0x88B0] =	vst v6  }
0xf8: {  	v6 =	vld [tilespmem:s16+$0x6870]  }
0xf9: {  	v49 =	vld [tilespmem:s16+$0x5880]  }
0xfa: {  	v50 =	vld [tilespmem:s16+$0x6880]  }
0xfb: {  	v14 =	vld [tilespmem:s16+$0x5890]  }
0xfc: {  	v51 =	vld [tilespmem:s16+$0x58A0]  }
0xfd: {  	v52 =	vld [tilespmem:s16+$0x68A0]  }
0xfe: {  	v7 =	vadd.f32 v18, v7;
	v53 =	vld [tilespmem:s16+$0x58B0]  }
0xff: {  	v19 =	vld [tilespmem:s16+$0x68B0]  }
0x100: {  	v7 =	vadd.f32 v15, v7;
	v20 =	vld [tilespmem:s16+$0x7850]  }
0x101: {  	v21 =	vld [tilespmem:s16+$0x7860]  }
0x102: {  	v22 =	vld [tilespmem:s16+$0x7870];
	v7 =	vmax.f32 v7, $0.0e+00  }
0x103: {  	[tilespmem:s16+$0x88C0] =	vst v7;
	v7 =	vld [tilespmem:s16+$0x6890]  }
0x104: {  	v54 =	vld [tilespmem:s16+$0x7880];
	v13 =	vadd.f32 v48, v17  }
0x105: {  	v55 =	vld [tilespmem:s16+$0x7890];
	v9 =	vadd.f32 v9, v10  }
0x106: {  	v57 =	vld [tilespmem:s16+$0x78A0];
	v6 =	vadd.f32 v6, v8;
	v56 =	vadd.f32 v20, v13  }
0x107: {  	v58 =	vld [tilespmem:s16+$0x78B0];
	v11 =	vadd.f32 v50, v49;
	v9 =	vadd.f32 v21, v9  }
0x108: {  	v6 =	vadd.f32 v22, v6;
	v8 =	vmax.f32 v56, $0.0e+00;
	v7 =	vadd.f32 v7, v14  }
0x109: {  	v59 =	vadd.f32 v52, v51;
	v60 =	vmax.f32 v9, $0.0e+00;
	v61 =	vadd.f32 v54, v11;
	[tilespmem:s16+$0x8850] =	vst v8  }
0x10a: {  	v62 =	vadd.f32 v19, v53;
	[tilespmem:s16+$0x8860] =	vst v60;
	v6 =	vmax.f32 v6, $0.0e+00;
	v7 =	vadd.f32 v55, v7  }
0x10b: {  	v63 =	vadd.f32 v57, v59;
	[tilespmem:s16+$0x8870] =	vst v6;
	v6 =	vmax.f32 v61, $0.0e+00  }
0x10c: {  	[tilespmem:s16+$0x8880] =	vst v6;
	v6 =	vmax.f32 v7, $0.0e+00;
	v7 =	vadd.f32 v58, v62  }
0x10d: {  	[tilespmem:s16+$0x8890] =	vst v6;
	v6 =	vmax.f32 v63, $0.0e+00  }
0x10e: {  	s8 =	sadd.s32 $0x1, s8;
	[tilespmem:s16+$0x88A0] =	vst v6;
	v6 =	vmax.f32 v7, $0.0e+00  }
0x10f: {  	p1 =	sne.s32 s8, $0x27;
	[tilespmem:s16+$0x88B0] =	vst v6  }
0x110: {  	[spmem:s4] =	stream.indirect.scatter.add.f32 [tilespmem:s0], [sflag:$0x5], $0x10, s20, s22, $0xb8;
	[tilespmem:$0xE050] =	vst v63  }
.Ltmp5:
0x111: {  	_ = 	snop;
	(pc) =	sbr.rel @p1 .LBB2_4-.Ltmp5, $4  }
0x112: {  	_ =	swait.ge [sflag:s18], $0x800  }
0x113: {  	[sflag:s18] =	ssyncset.done $0x0  }
0x114: {  	s9 =	sadd.s32 s2, s9;
	[sflag:s18] =	ssyncadd.s32 $0xFFFFF800  }
0x115: {  	[hbm4b:s9+s5] =	stream.linear.scatter [tilespmem:s0], [sflag:$0x4], $0x800, $0x38;
	[tilespmem:$0xE050] =	vst v63  }
0x116: {  	_ =	swait.ge [sflag:s21], $0x800  }
0x117: {  	[sflag:s21] =	ssyncset.done $0x0  }
0x118: {  	[sflag:s21] =	ssyncadd.s32 $0xFFFFF800  }
0x119: {  	_ =	swait.ge [sflag:s21], $0x800  }
.Ltmp6:
0x11a: {  	[sflag:s21] =	ssyncset.done $0x0;
	(pc) =	sbr.rel @p0 .LBB2_13-.Ltmp6, $4  }
0x11b: {  	[sflag:s21] =	ssyncadd.s32 $0xFFFFF800  }
0x11c: {  	_ =	swait.ge [sflag:s21], $0x800  }
0x11d: {  	[sflag:s21] =	ssyncset.done $0x0  }
0x11e: {  	[sflag:s21] =	ssyncadd.s32 $0xFFFFF800  }
0x11f: {  	_ =	swait.ge [sflag:s17], $0x800  }
0x120: {  	[sflag:s17] =	ssyncset.done $0x0  }
0x121: {  	s8 =	simm.s32 $0x0;
	[sflag:s17] =	ssyncadd.s32 $0xFFFFF800  }
0x122: {  	v6 =	vld [tilespmem:s8+$0x50C0]  }
0x123: {  	v7 =	vld [tilespmem:s8+$0x60C0]  }
0x124: {  	v8 =	vld [tilespmem:s8+$0x5050]  }
0x125: {  	v9 =	vld [tilespmem:s8+$0x70C0]  }
0x126: {  	v10 =	vld [tilespmem:s8+$0x6050]  }
0x127: {  	v11 =	vld [tilespmem:s8+$0x5060]  }
0x128: {  	v12 =	vld [tilespmem:s8+$0x6060]  }
0x129: {  	v13 =	vld [tilespmem:s8+$0x6070]  }
0x12a: {  	v15 =	vld [tilespmem:s8+$0x6080]  }
0x12b: {  	v16 =	vld [tilespmem:s8+$0x5090]  }
0x12c: {  	v17 =	vld [tilespmem:s8+$0x50A0]  }
0x12d: {  	v18 =	vld [tilespmem:s8+$0x60A0]  }
0x12e: {  	v19 =	vld [tilespmem:s8+$0x50B0];
	v6 =	vadd.f32 v7, v6  }
0x12f: {  	v20 =	vld [tilespmem:s8+$0x60B0]  }
0x130: {  	v21 =	vld [tilespmem:s8+$0x7050];
	v6 =	vadd.f32 v9, v6  }
0x131: {  	v7 =	vld [tilespmem:s8+$0x5070]  }
0x132: {  	v9 =	vld [tilespmem:s8+$0x5080];
	v6 =	vmax.f32 v6, $0.0e+00  }
0x133: {  	[tilespmem:s8+$0x80C0] =	vst v6;
	v6 =	vld [tilespmem:s8+$0x6090]  }
0x134: {  	v22 =	vld [tilespmem:s8+$0x7060]  }
0x135: {  	v23 =	vld [tilespmem:s8+$0x7070]  }
0x136: {  	v14 =	vld [tilespmem:s8+$0x7080];
	v8 =	vadd.f32 v10, v8;
	v24 =	vadd.f32 v12, v11  }
0x137: {  	v25 =	vadd.f32 v13, v7;
	v13 =	vld [tilespmem:s8+$0x7090];
	v10 =	vadd.f32 v15, v9  }
0x138: {  	v12 =	vld [tilespmem:s8+$0x70A0];
	v9 =	vadd.f32 v6, v16;
	v16 =	vadd.f32 v21, v8  }
0x139: {  	s9 =	simm.s32 $0x80;
	v11 =	vld [tilespmem:s8+$0x70B0];
	v15 =	vadd.f32 v22, v24;
	v8 =	vadd.f32 v18, v17  }
0x13a: {  	s14 =	simm.s32 $0x400;
	v7 =	vld [tilespmem:s9+$0x50C0];
	v6 =	vadd.f32 v20, v19;
	v17 =	vmax.f32 v16, $0.0e+00;
	v16 =	vadd.f32 v23, v25  }
.LBB2_11:
0x13b: {  	p1 =	sne.s32 s14, $0x1E00;
	v18 =	vld [tilespmem:s9+$0x60C0];
	[tilespmem:s8+$0x8050] =	vst v17;
	v15 =	vmax.f32 v15, $0.0e+00;
	v10 =	vadd.f32 v14, v10  }
0x13c: {  	v14 =	vld [tilespmem:s9+$0x5050];
	[tilespmem:s8+$0x8060] =	vst v15;
	v15 =	vmax.f32 v16, $0.0e+00;
	v9 =	vadd.f32 v13, v9  }
0x13d: {  	v13 =	vld [tilespmem:s9+$0x70C0];
	[tilespmem:s8+$0x8070] =	vst v15;
	v10 =	vmax.f32 v10, $0.0e+00;
	v8 =	vadd.f32 v12, v8  }
0x13e: {  	v12 =	vld [tilespmem:s9+$0x6050];
	[tilespmem:s8+$0x8080] =	vst v10;
	v9 =	vmax.f32 v9, $0.0e+00;
	v6 =	vadd.f32 v11, v6  }
0x13f: {  	v10 =	vld [tilespmem:s9+$0x5060];
	[tilespmem:s8+$0x8090] =	vst v9;
	v8 =	vmax.f32 v8, $0.0e+00  }
0x140: {  	v9 =	vld [tilespmem:s9+$0x6060];
	v7 =	vadd.f32 v18, v7;
	[tilespmem:s8+$0x80A0] =	vst v8;
	v6 =	vmax.f32 v6, $0.0e+00  }
0x141: {  	v8 =	vld [tilespmem:s9+$0x5070];
	[tilespmem:s8+$0x80B0] =	vst v6;
	s8 =	smov.u32 s9  }
0x142: {  	v6 =	vld [tilespmem:s8+$0x6070];
	v7 =	vadd.f32 v13, v7  }
0x143: {  	v11 =	vadd.f32 v12, v14;
	v12 =	vld [tilespmem:s8+$0x5080]  }
0x144: {  	v13 =	vld [tilespmem:s8+$0x6080];
	v7 =	vmax.f32 v7, $0.0e+00  }
0x145: {  	v15 =	vadd.f32 v9, v10;
	v9 =	vld [tilespmem:s8+$0x5090];
	[tilespmem:s8+$0x80C0] =	vst v7  }
0x146: {  	v7 =	vld [tilespmem:s8+$0x6090]  }
0x147: {  	v16 =	vadd.f32 v6, v8;
	v6 =	vld [tilespmem:s8+$0x50A0]  }
0x148: {  	v8 =	vld [tilespmem:s8+$0x60A0]  }
0x149: {  	v10 =	vadd.f32 v13, v12;
	v12 =	vld [tilespmem:s8+$0x50B0]  }
0x14a: {  	v17 =	vld [tilespmem:s8+$0x60B0]  }
0x14b: {  	v18 =	vld [tilespmem:s8+$0x7050];
	v9 =	vadd.f32 v7, v9  }
0x14c: {  	v7 =	vld [tilespmem:s8+$0x7060]  }
0x14d: {  	v19 =	vld [tilespmem:s8+$0x7070];
	v8 =	vadd.f32 v8, v6  }
.Ltmp7:
0x14e: {  	v14 =	vld [tilespmem:s8+$0x7080];
	(pc) =	sbr.rel @p1 .LBB2_11-.Ltmp7, $4  }
0x14f: {  	v13 =	vld [tilespmem:s8+$0x7090];
	v6 =	vadd.f32 v17, v12  }
0x150: {  	v17 =	vadd.f32 v18, v11;
	v12 =	vld [tilespmem:s8+$0x70A0]  }
0x151: {  	s9 =	sshra.s32 s14, $0x2;
	v15 =	vadd.f32 v7, v15;
	v11 =	vld [tilespmem:s8+$0x70B0]  }
0x152: {  	s14 =	sadd.s32 $0x200, s14;
	v7 =	vld [tilespmem:s9+$0x50C0];
	v17 =	vmax.f32 v17, $0.0e+00;
	v16 =	vadd.f32 v19, v16  }
0x153: {  	v18 =	vld [tilespmem:s9+$0x60C0];
	[tilespmem:s8+$0x8050] =	vst v17;
	v15 =	vmax.f32 v15, $0.0e+00;
	v10 =	vadd.f32 v14, v10  }
0x154: {  	v17 =	vld [tilespmem:s9+$0x5050];
	[tilespmem:s8+$0x8060] =	vst v15;
	v47 =	vmax.f32 v16, $0.0e+00;
	v9 =	vadd.f32 v13, v9  }
0x155: {  	v15 =	vld [tilespmem:s9+$0x70C0];
	[tilespmem:s8+$0x8070] =	vst v47;
	v10 =	vmax.f32 v10, $0.0e+00;
	v8 =	vadd.f32 v12, v8  }
0x156: {  	v48 =	vld [tilespmem:s9+$0x6050];
	[tilespmem:s8+$0x8080] =	vst v10;
	v9 =	vmax.f32 v9, $0.0e+00;
	v6 =	vadd.f32 v11, v6  }
0x157: {  	v10 =	vld [tilespmem:s9+$0x5060];
	[tilespmem:s8+$0x8090] =	vst v9;
	v8 =	vmax.f32 v8, $0.0e+00  }
0x158: {  	v9 =	vld [tilespmem:s9+$0x6060];
	[tilespmem:s8+$0x80A0] =	vst v8;
	v6 =	vmax.f32 v6, $0.0e+00  }
0x159: {  	v8 =	vld [tilespmem:s9+$0x5070];
	[tilespmem:s8+$0x80B0] =	vst v6  }
0x15a: {  	v6 =	vld [tilespmem:s9+$0x6070]  }
0x15b: {  	v49 =	vld [tilespmem:s9+$0x5080]  }
0x15c: {  	v50 =	vld [tilespmem:s9+$0x6080]  }
0x15d: {  	v14 =	vld [tilespmem:s9+$0x5090]  }
0x15e: {  	v51 =	vld [tilespmem:s9+$0x50A0]  }
0x15f: {  	v52 =	vld [tilespmem:s9+$0x60A0]  }
0x160: {  	v7 =	vadd.f32 v18, v7;
	v53 =	vld [tilespmem:s9+$0x50B0]  }
0x161: {  	v19 =	vld [tilespmem:s9+$0x60B0]  }
0x162: {  	v7 =	vadd.f32 v15, v7;
	v20 =	vld [tilespmem:s9+$0x7050]  }
0x163: {  	v21 =	vld [tilespmem:s9+$0x7060]  }
0x164: {  	v22 =	vld [tilespmem:s9+$0x7070];
	v7 =	vmax.f32 v7, $0.0e+00  }
0x165: {  	[tilespmem:s9+$0x80C0] =	vst v7;
	v7 =	vld [tilespmem:s9+$0x6090]  }
0x166: {  	v54 =	vld [tilespmem:s9+$0x7080];
	v13 =	vadd.f32 v48, v17  }
0x167: {  	v55 =	vld [tilespmem:s9+$0x7090];
	v9 =	vadd.f32 v9, v10  }
0x168: {  	v57 =	vld [tilespmem:s9+$0x70A0];
	v6 =	vadd.f32 v6, v8;
	v56 =	vadd.f32 v20, v13  }
0x169: {  	v58 =	vld [tilespmem:s9+$0x70B0];
	v11 =	vadd.f32 v50, v49;
	v9 =	vadd.f32 v21, v9  }
0x16a: {  	v6 =	vadd.f32 v22, v6;
	v8 =	vmax.f32 v56, $0.0e+00;
	v7 =	vadd.f32 v7, v14  }
0x16b: {  	v59 =	vadd.f32 v52, v51;
	v60 =	vmax.f32 v9, $0.0e+00;
	v61 =	vadd.f32 v54, v11;
	[tilespmem:s9+$0x8050] =	vst v8  }
0x16c: {  	v62 =	vadd.f32 v19, v53;
	[tilespmem:s9+$0x8060] =	vst v60;
	v6 =	vmax.f32 v6, $0.0e+00;
	v7 =	vadd.f32 v55, v7  }
0x16d: {  	v63 =	vadd.f32 v57, v59;
	[tilespmem:s9+$0x8070] =	vst v6;
	v6 =	vmax.f32 v61, $0.0e+00  }
0x16e: {  	[tilespmem:s9+$0x8080] =	vst v6;
	v6 =	vmax.f32 v7, $0.0e+00;
	v7 =	vadd.f32 v58, v62  }
0x16f: {  	[tilespmem:s9+$0x8090] =	vst v6;
	v6 =	vmax.f32 v63, $0.0e+00  }
0x170: {  	[tilespmem:s9+$0x80A0] =	vst v6;
	v6 =	vmax.f32 v7, $0.0e+00  }
0x171: {  	s19 =	simm.s32 $0x4F50;
	[tilespmem:s9+$0x80B0] =	vst v6  }
0x172: {  	[spmem:s4] =	stream.indirect.scatter.add.f32 [tilespmem:s30], [sflag:$0x5], $0x10, s19, s22, $0xb8;
	[tilespmem:$0xE050] =	vst v63  }
.Ltmp8:
0x173: {  	_ = 	snop;
	(pc) =	sbr.rel .LBB2_13-.Ltmp8, $4  }
0x174: {  	_ =	swait.ge [sflag:s18], $0x800  }
0x175: {  	[sflag:s18] =	ssyncset.done $0x0  }
0x176: {  	s20 =	rddreg [dreg:$0x7];
	[sflag:s18] =	ssyncadd.s32 $0xFFFFF800  }
0x177: {  	[hbm4b:s20+s5] =	stream.linear.scatter [tilespmem:s30], [sflag:$0x3], $0x800, $0x38;
	[tilespmem:$0xE050] =	vst v63  }
.LBB2_14:
0x178: {  	_ =	sfence.sel $0x180000  }
0x179: {  	[bflag:$0x0] =	sbarrier.arrive $0xFFFF  }
0x17a: {  	_ =	strace $0x9000004A  }
0x17b: {  	s0 =	stileid.u32;
	[bflag:$0x2] =	sbarrier.arrive $0xFFFF  }
0x17c: {  	p0 =	sne.s32 s0, $0x0;
	s0 =	rddreg [dreg:$0x4]  }
0x17d: {  	s0 =	sadd.s32 @!p0 $0x100000, s0  }
0x17e: {  	[sflag:s0] =	ssyncadd.tile.s32 @!p0 $0x1;
	_ =	shalt  }
.Lfunc_end2:
_tile_overlayer_lowered:
.L_overlay_start_2:
0x17f: {  	(tag) =	ssettag $0x2  }
0x180: {  	s0 =	rddreg [dreg:$0x0];
	s2 =	stileid.u32  }
0x181: {  	s1 =	rddreg [dreg:$0x1];
	p0 =	sne.s32 s2, $0x0  }
0x182: {  	s3 =	rddreg [dreg:$0x2];
	[bflag:$0x3] =	sbarrier.arrive $0xFFFF;
	s2 =	simm.s32 @!p0 $0x1C05  }
0x183: {  	[timem:s3], [sflag:s2] =	dma.local @!p0 [hbm:s0], s1  }
0x184: {  	s0 =	simm.s32 @!p0 $0x5  }
0x185: {  	_ =	swait.ge @!p0 [sflag:s0], s1  }
0x186: {  	s1 =	ssub.s32 @!p0 $0x0, s1;
	[sflag:s0] =	ssyncset.done @!p0 $0x0  }
0x187: {  	[sflag:s0] =	ssyncadd.s32 @!p0 s1  }
0x188: {  	[bflag:$0x3] =	sbarrier.arrive $0xFFFF  }
0x189: {  	_ =	shalt  }

// kernel: kernel.7.cloned.1.call-start
scs
__scs_entry_jumppad:
0x0: {  	(pc) =	sbr.rel $0x88, $3  }
0x1: {  	(tag) =	ssettag $0x0;
	lr =	simm.s32 $0x1  }
0x2: {  	[smem:$0x3F96] =	sst lr;
	_ =	strace $0xD0000000  }
0x3: {  	_ = 	snop  }
0x4: {  	_ = 	snop  }
0x5: {  	_ = 	snop  }
0x6: {  	_ = 	snop  }
0x7: {  	_ = 	snop  }
__scs_overlays_trampoline_lowered:
0x8: {  	[smem:$0x3FA5] =	sst s0  }
0x9: {  	[smem:$0x3FA6] =	sst s1  }
0xa: {  	[smem:$0x3FA7] =	sst s2  }
0xb: {  	[smem:$0x3FA8] =	sst s3  }
0xc: {  	[smem:$0x3FA9] =	sst s4  }
0xd: {  	[smem:$0x3FAA] =	sst s5  }
0xe: {  	[smem:$0x3FAB] =	sst s6  }
0xf: {  	[smem:$0x3FAC] =	sst s7  }
0x10: {  	[smem:$0x3FAD] =	sst s8  }
0x11: {  	[smem:$0x3FAE] =	sst s9;
	s0 =	simm.s32 @!p0 $0x0  }
0x12: {  	s1 =	sld [smem:$0x3F94];
	s0 =	simm.s32 @p0 $0x1  }
0x13: {  	[smem:$0x3FAF] =	sst s0;
	s0 =	simm.s32 @!p1 $0x0  }
0x14: {  	s2 =	sld [smem:$0x3F93];
	s0 =	simm.s32 @p1 $0x1  }
0x15: {  	[smem:$0x3FB0] =	sst s0;
	s0 =	simm.s32 @!p2 $0x0  }
0x16: {  	s3 =	sld [smem:$0x3FDB];
	s0 =	simm.s32 @p2 $0x1  }
0x17: {  	s4 =	simm.s32 $0x1BF5;
	[smem:$0x3FB2] =	sst s0  }
0x18: {  	s0 =	sld [smem:$0x3F95];
	_ =	swait.ge [sflag:s4], $0x0  }
0x19: {  	s7 =	sld [smem:$0x3F96]  }
0x1a: {  	s8 =	sadd.s32 $0xFFFFE003, lr  }
0x1b: {  	s9 =	sadd.s32 $0xFFFFFEF7, lr;
	s5 =	simm.s32 $0xFFFFFFFF;
	p2 =	slt.u32 s8, $0xFFFFF086  }
0x1c: {  	p1 =	slt.u32 s9, $0xF7A;
	s5 =	simm.s32 @!p2 $0x0  }
0x1d: {  	s5 =	simm.s32 @p1 $0x1;
	p0 =	seq.s32 s7, s2  }
0x1e: {  	s7 =	smul.u32 @!p0 $0xF7A, s2;
	p2 =	seq.s32 @!p0 s5, $0x0  }
0x1f: {  	s9 =	smul.u32 $0xF7A, s1;
	s8 =	simm.s32 @!p0 $0x1BF5;
	p2 =	por !p2, p0  }
0x20: {  	[sflag:s8] =	ssyncset.s32 @!p0 $0xFFFFF086;
	s6 =	sadd.s32 @!p0 s3, s7;
	s7 =	simm.s32 @!p0 $0x108  }
0x21: {  	s3 =	sadd.s32 s3, s9;
	s6 =	sadd.s32 @!p0 $0x88, s6;
	s7 =	simm.s32 @p2 $0x1082  }
0x22: {  	[simem:s7], [sflag:s8] =	dma.local @!p0 [hbm:s6], $0xF7A  }
0x23: {  	s9 =	sor.u32 $0xD0000000, s2;
	s6 =	simm.s32 $0x108;
	_ =	swait.ge @!p0 [sflag:s8], $0x0  }
0x24: {  	s3 =	sadd.s32 $0x88, s3;
	s6 =	simm.s32 @!p1 $0x1082;
	[sflag:s4] =	ssyncset.s32 $0xFFFFF086  }
0x25: {  	[simem:s6], [sflag:s4] =	dma.local [hbm:s3], $0xF7A  }
0x26: {  	[smem:$0x3F96] =	sst s1;
	(tag) =	ssettag s2;
	_ =	strace s9  }
0x27: {  	s1 =	sld [smem:$0x3FA6]  }
0x28: {  	s2 =	sld [smem:$0x3FA7]  }
0x29: {  	s4 =	sld [smem:$0x3FA9]  }
0x2a: {  	p0 =	seq.s32 s5, $0x0;
	s5 =	sld [smem:$0x3FAA]  }
0x2b: {  	s6 =	sld [smem:$0x3FAB]  }
0x2c: {  	s7 =	sld [smem:$0x3FAC]  }
0x2d: {  	s3 =	simm.s32 $0x108;
	s8 =	sld [smem:$0x3FAD]  }
0x2e: {  	s3 =	simm.s32 @!p0 $0x1082;
	s9 =	sld [smem:$0x3FAE]  }
0x2f: {  	lr =	sadd.s32 s0, s3;
	s0 =	sld [smem:$0x3FA5]  }
0x30: {  	s3 =	sld [smem:$0x3FA8]  }
0x31: {  	[smem:$0x3FB1] =	sst s10  }
0x32: {  	s10 =	sld [smem:$0x3FAF];
	_ =	sdelay $0x3  }
0x33: {  	p0 =	seq.s32 s10, $0x1;
	s10 =	sld [smem:$0x3FB1];
	_ =	sdelay $0x3  }
0x34: {  	[smem:$0x3FB1] =	sst s10  }
0x35: {  	s10 =	sld [smem:$0x3FB0];
	_ =	sdelay $0x3  }
0x36: {  	p1 =	seq.s32 s10, $0x1;
	s10 =	sld [smem:$0x3FB1];
	_ =	sdelay $0x3  }
0x37: {  	[smem:$0x3FB1] =	sst s10  }
0x38: {  	s10 =	sld [smem:$0x3FB2]  }
0x39: {  	_ = 	snop;
	(pc) =	sbr.ind lr, $3  }
0x3a: {  	_ = 	snop  }
0x3b: {  	_ = 	snop  }
0x3c: {  	p2 =	seq.s32 s10, $0x1;
	s10 =	sld [smem:$0x3FB1]  }
0x3d: {  	_ =	shalt  }
0x3e: {  	_ =	shalt  }
0x3f: {  	_ =	shalt  }
0x40: {  	_ =	shalt  }
0x41: {  	_ =	shalt  }
0x42: {  	_ =	shalt  }
0x43: {  	_ =	shalt  }
0x44: {  	_ =	shalt  }
0x45: {  	_ =	shalt  }
0x46: {  	_ =	shalt  }
0x47: {  	_ =	shalt  }
0x48: {  	_ =	shalt  }
0x49: {  	_ =	shalt  }
0x4a: {  	_ =	shalt  }
0x4b: {  	_ =	shalt  }
0x4c: {  	_ =	shalt  }
0x4d: {  	_ =	shalt  }
0x4e: {  	_ =	shalt  }
0x4f: {  	_ =	shalt  }
0x50: {  	_ =	shalt  }
0x51: {  	_ =	shalt  }
0x52: {  	_ =	shalt  }
0x53: {  	_ =	shalt  }
0x54: {  	_ =	shalt  }
0x55: {  	_ =	shalt  }
0x56: {  	_ =	shalt  }
0x57: {  	_ =	shalt  }
0x58: {  	_ =	shalt  }
0x59: {  	_ =	shalt  }
0x5a: {  	_ =	shalt  }
0x5b: {  	_ =	shalt  }
0x5c: {  	_ =	shalt  }
0x5d: {  	_ =	shalt  }
0x5e: {  	_ =	shalt  }
0x5f: {  	_ =	shalt  }
0x60: {  	_ =	shalt  }
0x61: {  	_ =	shalt  }
0x62: {  	_ =	shalt  }
0x63: {  	_ =	shalt  }
0x64: {  	_ =	shalt  }
0x65: {  	_ =	shalt  }
0x66: {  	_ =	shalt  }
0x67: {  	_ =	shalt  }
0x68: {  	_ =	shalt  }
0x69: {  	_ =	shalt  }
0x6a: {  	_ =	shalt  }
0x6b: {  	_ =	shalt  }
0x6c: {  	_ =	shalt  }
0x6d: {  	_ =	shalt  }
0x6e: {  	_ =	shalt  }
0x6f: {  	_ =	shalt  }
0x70: {  	_ =	shalt  }
0x71: {  	_ =	shalt  }
0x72: {  	_ =	shalt  }
0x73: {  	_ =	shalt  }
0x74: {  	_ =	shalt  }
0x75: {  	_ =	shalt  }
0x76: {  	_ =	shalt  }
0x77: {  	_ =	shalt  }
0x78: {  	_ =	shalt  }
0x79: {  	_ =	shalt  }
0x7a: {  	_ =	shalt  }
0x7b: {  	_ =	shalt  }
0x7c: {  	_ =	shalt  }
0x7d: {  	_ =	shalt  }
0x7e: {  	_ =	shalt  }
0x7f: {  	_ =	shalt  }
0x80: {  	_ =	shalt  }
0x81: {  	_ =	shalt  }
0x82: {  	_ =	shalt  }
0x83: {  	_ =	shalt  }
0x84: {  	_ =	shalt  }
0x85: {  	_ =	shalt  }
0x86: {  	_ =	shalt  }
0x87: {  	_ =	shalt  }
.Lfunc_end0:
.L_simem_size_0:
called_computation_lowered:
.L_overlay_start_0:
0x88: {  	s2 =	sld [smem:$0x3FD9]  }
0x89: {  	s3 =	sld [smem:$0x3FFE];
	_ =	sdelay $0x1  }
0x8a: {  	s1 =	srdreg.scid  }
0x8b: {  	s0 =	sand.u32 $0x1, s1  }
0x8c: {  	s14 =	sshll.u32 s0, $0xA;
	s2 =	sadd.s32 s3, s2  }
0x8d: {  	s2 =	sadd.s32 s2, s14  }
0x8e: {  	[smem:$0x3FBD] =	sst s2  }
0x8f: {  	_ = 	snop  }
0x90: {  	s2 =	sld [smem:$0x3FD0];
	_ =	sdelay $0x2  }
0x91: {  	s15 =	simm.s32 $0xA;
	s4 =	simm.s32 $0x10  }
0x92: {  	[smem:s4], [sflag:s15] =	dma.local [hbm:s2], $0x1  }
0x93: {  	_ =	swait.eq [sflag:s15], $0x1  }
0x94: {  	s16 =	sld [smem:$0x10]  }
0x95: {  	s17 =	sld [smem:$0x11]  }
0x96: {  	s5 =	sld [smem:$0x12];
	[sflag:s15] =	ssyncset.done $0x0  }
0x97: {  	s6 =	sld [smem:$0x13];
	[sflag:s15] =	ssyncadd.s32 $0xFFFFFFFF  }
0x98: {  	s18 =	sld [smem:$0x14];
	(tm) =	ssettm $0x1  }
0x99: {  	s7 =	sld [smem:$0x3FFB];
	_ =	sdelay $0x3  }
0x9a: {  	_ =	strace s7  }
0x9b: {  	s7 =	sld [smem:$0x3FFC];
	_ =	sdelay $0x3  }
0x9c: {  	_ =	strace s7  }
0x9d: {  	s7 =	sld [smem:$0x3FFD];
	_ =	sdelay $0x3  }
0x9e: {  	_ =	strace s7  }
0x9f: {  	_ =	strace $0x8FFFFFFF  }
0xa0: {  	s19 =	sld [smem:$0x3FDB];
	_ =	sdelay $0x1  }
0xa1: {  	s8 =	simm.s32 $_scs_section_size  }
0xa2: {  	s9 =	simm.s32 $_size__tile_overlayer_lowered;
	s10 =	simm.s32 $_tile_overlayer_lowered  }
0xa3: {  	s22 =	simm.s32 $0x1BFF;
	s21 =	sshll.u32 s10, $0x1;
	s7 =	sadd.s32 s8, s19  }
0xa4: {  	s11 =	simm.s32 $0x0;
	s20 =	sshll.u32 s9, $0x1;
	s9 =	sadd.s32 s21, s7  }
0xa5: {  	[timem:s11], [sflag:s22] =	dma.local [hbm:s9], s20  }
0xa6: {  	_ =	swait.ge [sflag:s22], s20  }
0xa7: {  	s8 =	ssub.s32 $0x0, s20;
	[sflag:s22] =	ssyncset.done $0x0  }
0xa8: {  	[sflag:s22] =	ssyncadd.s32 s8;
	_ =	sdelay $0x1  }
0xa9: {  	s23 =	simm.s32 $0x1B8B  }
0xaa: {  	_ =	swait.ge [sflag:s23], $0x1  }
0xab: {  	[sflag:s23] =	ssyncset.done $0x0  }
0xac: {  	s25 =	simm.s32 $0x1B8E;
	s24 =	sld [smem:$0x3FFE];
	[sflag:s23] =	ssyncadd.s32 $0xFFFFFFFF  }
0xad: {  	s26 =	simm.s32 $execute0_lowered;
	[smem:$0x3FD2] =	sst s25  }
0xae: {  	s9 =	sshll.u32 s26, $0x1;
	_ =	strace $0x80000046;
	[dreg:$0x1] =	wrdreg $0xFFFFFFFF  }
0xaf: {  	s28 =	simm.s32 $_size_execute0_lowered;
	s7 =	sadd.s32 s7, s9;
	[dreg:$0x0] =	wrdreg $0x0  }
0xb0: {  	s9 =	sshll.u32 s28, $0x1;
	[dreg:$0x2] =	wrdreg s7  }
0xb1: {  	[dreg:$0x3] =	wrdreg s9  }
0xb2: {  	[dreg:$0x4] =	wrdreg $0xC0  }
0xb3: {  	_ =	task [dreg:s11], $0x5FFFF  }
0xb4: {  	[dreg:$0x1] =	wrdreg $0xFFFFFFFF  }
0xb5: {  	[dreg:$0x0] =	wrdreg $0x60  }
0xb6: {  	[dreg:$0x2] =	wrdreg s18  }
0xb7: {  	[dreg:$0x3] =	wrdreg s5  }
0xb8: {  	[dreg:$0x4] =	wrdreg s6  }
0xb9: {  	[dreg:$0x5] =	wrdreg s24  }
0xba: {  	[dreg:$0x6] =	wrdreg s17  }
0xbb: {  	[dreg:$0x7] =	wrdreg s16  }
0xbc: {  	[dreg:$0x8] =	wrdreg $0xB8500  }
0xbd: {  	[dreg:$0x9] =	wrdreg $0x9  }
0xbe: {  	_ =	task.clear_ibuf [dreg:s11], $0xAFFFF;
	_ =	strace $0x90000046  }
0xbf: {  	s29 =	simm.s32 $0x9;
	_ =	strace $0x80000048  }
0xc0: {  	_ =	swait.ge [sflag:s29], $0x1  }
0xc1: {  	[sflag:s29] =	ssyncadd.s32 $0xFFFFFFFF  }
0xc2: {  	_ =	strace $0x90000048  }
0xc3: {  	_ =	sfence  }
0xc4: {  	s30 =	sld [smem:$0x0];
	_ =	sdelay $0x2  }
0xc5: {  	s31 =	sshll.u32 s1, $0xD;
	s1 =	sshrl.u32 s1, $0x2  }
0xc6: {  	s3 =	sand.u32 $0x4000, s31;
	s1 =	sadd.s32 s1, s30  }
0xc7: {  	s0 =	sor.u32 s3, s0;
	s1 =	sshll.u32 s1, $0x11  }
0xc8: {  	s0 =	sor.u32 s1, s0  }
0xc9: {  	s0 =	sadd.s32 $0x8F2B, s0  }
0xca: {  	[sflag:s0] =	ssyncadd.remote.s32 $0x1  }
0xcb: {  	_ =	sfence.sel $0xFFFF  }
0xcc: {  	[dreg:$0x0] =	wrdreg $0xFFFFFFFF;
	(pc) =	sbr.abs _section_cstart, $3  }
0xcd: {  	[dreg:$0x1] =	wrdreg $0xFFFFFFFF  }
0xce: {  	_ =	task.clear_ibuf [dreg:s11], $0x2FFFF;
	_ =	strace $0x9FFFFFFF  }
0xcf: {  	(tm) =	ssettm $0x7FFFFFFF  }
tec
execute0_lowered:
.L_overlay_start_1:
0x0: {  	(tag) =	ssettag $0x1  }
0x1: {  	s0 =	rddreg [dreg:$0x0]  }
0x2: {  	s2 =	rddreg [dreg:$0x1]  }
0x3: {  	s3 =	rddreg [dreg:$0x2]  }
0x4: {  	s1 =	rddreg [dreg:$0x3]  }
0x5: {  	s4 =	rddreg [dreg:$0x4]  }
0x6: {  	s6 =	rddreg [dreg:$0x5]  }
0x7: {  	s5 =	rddreg [dreg:$0x6]  }
0x8: {  	s7 =	simm.s32 $0x0;
	s8 =	srdreg.scid;
	s14 =	stileid.u32  }
0x9: {  	s18 =	simm.s32 $0x5;
	s21 =	simm.s32 $0x1;
	s22 =	simm.s32 $0x80  }
0xa: {  	s23 =	simm.s32 $0x5050;
	s28 =	simm.s32 $0x6850;
	s29 =	simm.s32 $0x7850  }
0xb: {  	s30 =	simm.s32 $0x8050;
	s31 =	simm.s32 $0x2;
	s17 =	simm.s32 $0x3  }
0xc: {  	[smem:$0x7FF] =	sst s7;
	s9 =	sadd.s32 $0xEE00, s1;
	s8 =	sand.u32 $0x1, s8  }
0xd: {  	s24 =	smul.u32 $0x2800, s14;
	s11 =	sshll.u32 s14, $0x1;
	s1 =	sadd.s32 $0x5000, s1  }
0xe: {  	p0 =	sgt.u32 s14, $0x1;
	_ =	strace $0x80000047;
	[dreg:$0x8] =	wrdreg s9  }
0xf: {  	s10 =	ssub.s32 $0x2, s8;
	s12 =	smul.u32 $0x28000, s8;
	[dreg:$0x9] =	wrdreg s1  }
0x10: {  	v0 =	vlaneseq.u32;
	s8 =	sor.u32 s8, s11;
	s25 =	sshrl.u32 s10, $0x1;
	s11 =	sadd.s32 s24, s5  }
0x11: {  	v3 =	vmul.u32 $0x20, v0;
	s1 =	ssub.s32 s10, s25;
	s10 =	sshll.u32 s8, $0x8;
	s13 =	sadd.s32 s24, s12  }
.Ltmp0:
0x12: {  	s24 =	simm.s32 $0x6050;
	s25 =	simm.s32 $0x7050;
	(pc) =	sbr.rel .LBB2_1-.Ltmp0, $4  }
0x13: {  	v5 =	vimm.f32 $0.0e+00;
	v0 =	vor.u32 s8, v3;
	s12 =	sadd.s32 s4, s10;
	s26 =	sshrl.u32 s13, $0x3;
	s1 =	smax.u32 s1, $0x1  }
0x14: {  	v1 =	vor.u32 $0x200, v3;
	v2 =	vor.u32 $0x400, v3;
	v4 =	vor.u32 $0x800, v3;
	s13 =	sadd.s32 s3, s10;
	s15 =	sadd.s32 $0x9C000, s12;
	[dreg:$0xc] =	wrdreg s1  }
0x15: {  	v3 =	vor.u32 $0x600, v3;
	v1 =	vor.u32 s8, v1;
	v4 =	vor.u32 s8, v4;
	s6 =	sadd.s32 s6, s26;
	s26 =	simm.s32 $0x5850;
	[dreg:$0xa] =	wrdreg s15  }
0x16: {  	v2 =	vor.u32 s8, v2;
	v3 =	vor.u32 s8, v3;
	v4 =	vmin.u32 v4, $0x9C3;
	s1 =	simm.s32 $0x8850;
	[dreg:$0xb] =	wrdreg s6;
	s6 =	simm.s32 $0x0  }
.LBB2_13:
0x17: {  	_ =	swait.ge [sflag:s17], $0x800  }
0x18: {  	[sflag:s17] =	ssyncset.done $0x0  }
0x19: {  	s8 =	simm.s32 $0x4;
	[sflag:s17] =	ssyncadd.s32 $0xFFFFF800  }
0x1a: {  	_ =	swait.ge [sflag:s8], $0x800  }
0x1b: {  	[sflag:s8] =	ssyncset.done $0x0  }
0x1c: {  	s19 =	stileid.u32;
	[sflag:s8] =	ssyncadd.s32 $0xFFFFF800  }
0x1d: {  	s8 =	sshll.u32 s19, $0x6;
	[bflag:$0x0] =	sbarrier.arrive $0xFFFF  }
0x1e: {  	s9 =	sshrl.u32 s11, $0x3;
	s8 =	sor.u32 $0x1C05, s8;
	s14 =	rddreg [dreg:$0xb]  }
0x1f: {  	[hbm:s14], [sflag:s8] =	dma.local [spmem:s9], $0x500  }
0x20: {  	_ =	swait.ge [sflag:s18], $0x500  }
0x21: {  	s6 =	sadd.s32 $0x1, s6;
	s20 =	rddreg [dreg:$0xc]  }
0x22: {  	p1 =	sne.s32 s6, s20  }
.Ltmp1:
0x23: {  	_ = 	snop;
	(pc) =	sbr.rel @!p1 .LBB2_14-.Ltmp1, $3  }
0x24: {  	_ =	sdelay $0x1  }
0x25: {  	[sflag:s18] =	ssyncset.done $0x0  }
0x26: {  	[sflag:s18] =	ssyncadd.s32 $0xFFFFFB00  }
.LBB2_1:
0x27: {  	s8 =	simm.s32 $0x40;
	s9 =	simm.s32 $0x0  }
.LBB2_2:
0x28: {  	p1 =	sne.s32 s8, $0x9FC0;
	[tilespmem:s9+$0x9050] =	vst v5;
	s9 =	smov.u32 s8;
	s8 =	sadd.s32 $0x40, s8  }
.Ltmp2:
0x29: {  	(pc) =	sbr.rel @p1 .LBB2_2-.Ltmp2, $2  }
0x2a: {  	_ =	sdelay $0x2  }
0x2b: {  	s9 =	sshra.s32 s9, $0x2  }
0x2c: {  	[tilespmem:s9+$0x9050] =	vst v5;
	s8 =	simm.s32 $0x9050  }
0x2d: {  	[spmem:s11] =	stream.linear.scatter [tilespmem:s8], [sflag:$0x5], $0x2800, $0x38;
	[tilespmem:$0xE050] =	vst v63  }
0x2e: {  	_ =	swait.ge [sflag:s18], $0x2800  }
0x2f: {  	[sflag:s18] =	ssyncset.done $0x0  }
0x30: {  	[sflag:s18] =	ssyncadd.s32 $0xFFFFD800  }
0x31: {  	[bflag:$0x0] =	sbarrier.arrive $0xFFFF  }
0x32: {  	[tilespmem:$0x0] =	vst v0  }
0x33: {  	[tilespmem:$0x10] =	vst v1  }
0x34: {  	[tilespmem:$0x20] =	vst v2  }
0x35: {  	[tilespmem:$0x30] =	vst v3  }
0x36: {  	s14 =	simm.s32 $0x50;
	s8 =	simm.s32 $0x0;
	[tilespmem:$0x40] =	vst v4;
	s19 =	rddreg [dreg:$0x8]  }
0x37: {  	[tilespmem:s14], [sflag:$0x1] =	stream.indirect.gather [hbm4b:s19+s14], $0x80, s8, s14, $0xb8;
	[tilespmem:$0xE050] =	vst v63  }
0x38: {  	s15 =	simm.s32 $0x2850;
	s20 =	rddreg [dreg:$0x9]  }
0x39: {  	[tilespmem:s15], [sflag:$0x1] =	stream.indirect.gather [hbm4b:s20+s14], $0x80, s8, s14, $0xb8;
	[tilespmem:$0xE050] =	vst v63  }
0x3a: {  	_ =	swait.ge [sflag:s21], $0x2800  }
0x3b: {  	[sflag:s21] =	ssyncset.done $0x0  }
0x3c: {  	[sflag:s21] =	ssyncadd.s32 $0xFFFFD800  }
0x3d: {  	_ =	swait.ge [sflag:s21], $0x2800  }
0x3e: {  	[sflag:s21] =	ssyncset.done $0x0  }
0x3f: {  	[sflag:s21] =	ssyncadd.s32 $0xFFFFD800  }
0x40: {  	[tilespmem:s23], [sflag:$0x1] =	stream.indirect.gather [hbm4b:s0+s22], $0x10, s14, s22, $0xb8;
	[tilespmem:$0xE050] =	vst v63  }
0x41: {  	_ = 	snop  }
0x42: {  	[tilespmem:s24], [sflag:$0x1] =	stream.indirect.gather [hbm4b:s2+s22], $0x10, s15, s22, $0xb8;
	[tilespmem:$0xE050] =	vst v63  }
0x43: {  	_ = 	snop  }
0x44: {  	[tilespmem:s25], [sflag:$0x1] =	stream.linear.gather [hbm4b:s13+s8], $0x800, $0x38;
	[tilespmem:$0xE050] =	vst v63  }
.LBB2_4:
0x45: {  	s9 =	sshllo.u32 s8, $0x1  }
0x46: {  	s14 =	sshll.u32 s9, $0x7  }
0x47: {  	s9 =	sshll.u32 s9, $0xD;
	s15 =	sor.u32 $0x50, s14  }
0x48: {  	[tilespmem:s26], [sflag:$0x2] =	stream.indirect.gather [hbm4b:s0+s22], $0x10, s15, s22, $0xb8;
	[tilespmem:$0xE050] =	vst v63  }
0x49: {  	s20 =	sadd.s32 $0x2850, s14;
	s9 =	sor.u32 s10, s9  }
0x4a: {  	[tilespmem:s28], [sflag:$0x2] =	stream.indirect.gather [hbm4b:s2+s22], $0x10, s20, s22, $0xb8;
	[tilespmem:$0xE050] =	vst v63  }
0x4b: {  	s19 =	sadd.s32 s3, s9  }
0x4c: {  	[tilespmem:s29], [sflag:$0x2] =	stream.linear.gather [hbm4b:s19+s7], $0x800, $0x38;
	[tilespmem:$0xE050] =	vst v63  }
0x4d: {  	_ =	swait.ge [sflag:s21], $0x800  }
0x4e: {  	[sflag:s21] =	ssyncset.done $0x0  }
0x4f: {  	[sflag:s21] =	ssyncadd.s32 $0xFFFFF800  }
0x50: {  	_ =	swait.ge [sflag:s21], $0x800  }
0x51: {  	[sflag:s21] =	ssyncset.done $0x0  }
0x52: {  	[sflag:s21] =	ssyncadd.s32 $0xFFFFF800  }
0x53: {  	_ =	swait.ge [sflag:s21], $0x800  }
0x54: {  	p1 =	seq.s32 s8, $0x0;
	[sflag:s21] =	ssyncset.done $0x0  }
0x55: {  	s14 =	simm.s32 @!p1 $0x3;
	[sflag:s21] =	ssyncadd.s32 $0xFFFFF800  }
0x56: {  	_ =	swait.ge @!p1 [sflag:s14], $0x800  }
0x57: {  	[sflag:s14] =	ssyncset.done @!p1 $0x0  }
0x58: {  	s16 =	simm.s32 $0x0;
	[sflag:s14] =	ssyncadd.s32 @!p1 $0xFFFFF800  }
0x59: {  	v6 =	vld [tilespmem:s16+$0x50C0]  }
0x5a: {  	v7 =	vld [tilespmem:s16+$0x60C0]  }
0x5b: {  	v8 =	vld [tilespmem:s16+$0x5050]  }
0x5c: {  	v9 =	vld [tilespmem:s16+$0x70C0]  }
0x5d: {  	v10 =	vld [tilespmem:s16+$0x6050]  }
0x5e: {  	v11 =	vld [tilespmem:s16+$0x5060]  }
0x5f: {  	v12 =	vld [tilespmem:s16+$0x6060]  }
0x60: {  	v13 =	vld [tilespmem:s16+$0x6070]  }
0x61: {  	v15 =	vld [tilespmem:s16+$0x6080]  }
0x62: {  	v16 =	vld [tilespmem:s16+$0x5090]  }
0x63: {  	v17 =	vld [tilespmem:s16+$0x50A0]  }
0x64: {  	v18 =	vld [tilespmem:s16+$0x60A0]  }
0x65: {  	v19 =	vld [tilespmem:s16+$0x50B0];
	v6 =	vadd.f32 v7, v6  }
0x66: {  	v20 =	vld [tilespmem:s16+$0x60B0]  }
0x67: {  	v21 =	vld [tilespmem:s16+$0x7050];
	v6 =	vadd.f32 v9, v6  }
0x68: {  	v7 =	vld [tilespmem:s16+$0x5070]  }
0x69: {  	v9 =	vld [tilespmem:s16+$0x5080];
	v6 =	vmax.f32 v6, $0.0e+00  }
0x6a: {  	[tilespmem:s16+$0x80C0] =	vst v6;
	v6 =	vld [tilespmem:s16+$0x6090]  }
0x6b: {  	v22 =	vld [tilespmem:s16+$0x7060]  }
0x6c: {  	v23 =	vld [tilespmem:s16+$0x7070]  }
0x6d: {  	v14 =	vld [tilespmem:s16+$0x7080];
	v8 =	vadd.f32 v10, v8;
	v24 =	vadd.f32 v12, v11  }
0x6e: {  	v25 =	vadd.f32 v13, v7;
	v13 =	vld [tilespmem:s16+$0x7090];
	v10 =	vadd.f32 v15, v9  }
0x6f: {  	v12 =	vld [tilespmem:s16+$0x70A0];
	v9 =	vadd.f32 v6, v16;
	v16 =	vadd.f32 v21, v8  }
0x70: {  	s19 =	simm.s32 $0x80;
	v11 =	vld [tilespmem:s16+$0x70B0];
	v15 =	vadd.f32 v22, v24;
	v8 =	vadd.f32 v18, v17  }
0x71: {  	s15 =	sshll.u32 s8, $0x1;
	s14 =	simm.s32 $0x400;
	v7 =	vld [tilespmem:s19+$0x50C0];
	v6 =	vadd.f32 v20, v19;
	v17 =	vmax.f32 v16, $0.0e+00;
	v16 =	vadd.f32 v23, v25  }
.LBB2_5:
0x72: {  	p2 =	sne.s32 s14, $0x1E00;
	v18 =	vld [tilespmem:s19+$0x60C0];
	[tilespmem:s16+$0x8050] =	vst v17;
	v15 =	vmax.f32 v15, $0.0e+00;
	v10 =	vadd.f32 v14, v10  }
0x73: {  	v14 =	vld [tilespmem:s19+$0x5050];
	[tilespmem:s16+$0x8060] =	vst v15;
	v15 =	vmax.f32 v16, $0.0e+00;
	v9 =	vadd.f32 v13, v9  }
0x74: {  	v13 =	vld [tilespmem:s19+$0x70C0];
	[tilespmem:s16+$0x8070] =	vst v15;
	v10 =	vmax.f32 v10, $0.0e+00;
	v8 =	vadd.f32 v12, v8  }
0x75: {  	v12 =	vld [tilespmem:s19+$0x6050];
	[tilespmem:s16+$0x8080] =	vst v10;
	v9 =	vmax.f32 v9, $0.0e+00;
	v6 =	vadd.f32 v11, v6  }
0x76: {  	v10 =	vld [tilespmem:s19+$0x5060];
	[tilespmem:s16+$0x8090] =	vst v9;
	v8 =	vmax.f32 v8, $0.0e+00  }
0x77: {  	v9 =	vld [tilespmem:s19+$0x6060];
	v7 =	vadd.f32 v18, v7;
	[tilespmem:s16+$0x80A0] =	vst v8;
	v6 =	vmax.f32 v6, $0.0e+00  }
0x78: {  	v8 =	vld [tilespmem:s19+$0x5070];
	[tilespmem:s16+$0x80B0] =	vst v6;
	s16 =	smov.u32 s19  }
0x79: {  	v6 =	vld [tilespmem:s16+$0x6070];
	v7 =	vadd.f32 v13, v7  }
0x7a: {  	v11 =	vadd.f32 v12, v14;
	v12 =	vld [tilespmem:s16+$0x5080]  }
0x7b: {  	v13 =	vld [tilespmem:s16+$0x6080];
	v7 =	vmax.f32 v7, $0.0e+00  }
0x7c: {  	v15 =	vadd.f32 v9, v10;
	v9 =	vld [tilespmem:s16+$0x5090];
	[tilespmem:s16+$0x80C0] =	vst v7  }
0x7d: {  	v7 =	vld [tilespmem:s16+$0x6090]  }
0x7e: {  	v16 =	vadd.f32 v6, v8;
	v6 =	vld [tilespmem:s16+$0x50A0]  }
0x7f: {  	v8 =	vld [tilespmem:s16+$0x60A0]  }
0x80: {  	v10 =	vadd.f32 v13, v12;
	v12 =	vld [tilespmem:s16+$0x50B0]  }
0x81: {  	v17 =	vld [tilespmem:s16+$0x60B0]  }
0x82: {  	v18 =	vld [tilespmem:s16+$0x7050];
	v9 =	vadd.f32 v7, v9  }
0x83: {  	v7 =	vld [tilespmem:s16+$0x7060]  }
0x84: {  	v19 =	vld [tilespmem:s16+$0x7070];
	v8 =	vadd.f32 v8, v6  }
.Ltmp3:
0x85: {  	v14 =	vld [tilespmem:s16+$0x7080];
	(pc) =	sbr.rel @p2 .LBB2_5-.Ltmp3, $4  }
0x86: {  	v13 =	vld [tilespmem:s16+$0x7090];
	v6 =	vadd.f32 v17, v12  }
0x87: {  	v17 =	vadd.f32 v18, v11;
	v12 =	vld [tilespmem:s16+$0x70A0]  }
0x88: {  	s19 =	sshra.s32 s14, $0x2;
	v15 =	vadd.f32 v7, v15;
	v11 =	vld [tilespmem:s16+$0x70B0]  }
0x89: {  	s14 =	sadd.s32 $0x200, s14;
	v7 =	vld [tilespmem:s19+$0x50C0];
	v17 =	vmax.f32 v17, $0.0e+00;
	v16 =	vadd.f32 v19, v16  }
0x8a: {  	v18 =	vld [tilespmem:s19+$0x60C0];
	[tilespmem:s16+$0x8050] =	vst v17;
	v15 =	vmax.f32 v15, $0.0e+00;
	v10 =	vadd.f32 v14, v10  }
0x8b: {  	v17 =	vld [tilespmem:s19+$0x5050];
	[tilespmem:s16+$0x8060] =	vst v15;
	v14 =	vmax.f32 v16, $0.0e+00;
	v9 =	vadd.f32 v13, v9  }
0x8c: {  	v15 =	vld [tilespmem:s19+$0x70C0];
	[tilespmem:s16+$0x8070] =	vst v14;
	v10 =	vmax.f32 v10, $0.0e+00;
	v8 =	vadd.f32 v12, v8  }
0x8d: {  	v13 =	vld [tilespmem:s19+$0x6050];
	[tilespmem:s16+$0x8080] =	vst v10;
	v9 =	vmax.f32 v9, $0.0e+00;
	v6 =	vadd.f32 v11, v6  }
0x8e: {  	v10 =	vld [tilespmem:s19+$0x5060];
	[tilespmem:s16+$0x8090] =	vst v9;
	v8 =	vmax.f32 v8, $0.0e+00  }
0x8f: {  	v9 =	vld [tilespmem:s19+$0x6060];
	[tilespmem:s16+$0x80A0] =	vst v8;
	v6 =	vmax.f32 v6, $0.0e+00  }
0x90: {  	v8 =	vld [tilespmem:s19+$0x5070];
	[tilespmem:s16+$0x80B0] =	vst v6  }
0x91: {  	v6 =	vld [tilespmem:s19+$0x6070]  }
0x92: {  	v11 =	vld [tilespmem:s19+$0x5080]  }
0x93: {  	v7 =	vadd.f32 v18, v7;
	v12 =	vld [tilespmem:s19+$0x6080]  }
0x94: {  	v14 =	vld [tilespmem:s19+$0x5090]  }
0x95: {  	v7 =	vadd.f32 v15, v7;
	v15 =	vld [tilespmem:s19+$0x50A0]  }
0x96: {  	v16 =	vld [tilespmem:s19+$0x60A0]  }
0x97: {  	v18 =	vld [tilespmem:s19+$0x50B0]  }
0x98: {  	v19 =	vld [tilespmem:s19+$0x60B0]  }
0x99: {  	v20 =	vld [tilespmem:s19+$0x7050]  }
0x9a: {  	v21 =	vld [tilespmem:s19+$0x7060]  }
0x9b: {  	v22 =	vld [tilespmem:s19+$0x7070];
	v7 =	vmax.f32 v7, $0.0e+00  }
0x9c: {  	[tilespmem:s19+$0x80C0] =	vst v7;
	v7 =	vld [tilespmem:s19+$0x6090]  }
0x9d: {  	v13 =	vadd.f32 v13, v17;
	v17 =	vld [tilespmem:s19+$0x7080]  }
0x9e: {  	v9 =	vadd.f32 v9, v10;
	v10 =	vld [tilespmem:s19+$0x7090]  }
0x9f: {  	v6 =	vadd.f32 v6, v8;
	v8 =	vadd.f32 v20, v13;
	v13 =	vld [tilespmem:s19+$0x70A0]  }
0xa0: {  	v11 =	vadd.f32 v12, v11;
	v9 =	vadd.f32 v21, v9;
	v12 =	vld [tilespmem:s19+$0x70B0]  }
0xa1: {  	v8 =	vmax.f32 v8, $0.0e+00;
	v6 =	vadd.f32 v22, v6;
	v7 =	vadd.f32 v7, v14  }
0xa2: {  	v14 =	vadd.f32 v16, v15;
	[tilespmem:s19+$0x8050] =	vst v8;
	v8 =	vmax.f32 v9, $0.0e+00;
	v9 =	vadd.f32 v17, v11  }
0xa3: {  	v11 =	vadd.f32 v19, v18;
	[tilespmem:s19+$0x8060] =	vst v8;
	v6 =	vmax.f32 v6, $0.0e+00;
	v7 =	vadd.f32 v10, v7  }
0xa4: {  	[tilespmem:s19+$0x8070] =	vst v6;
	v6 =	vmax.f32 v9, $0.0e+00;
	v8 =	vadd.f32 v13, v14  }
0xa5: {  	[tilespmem:s19+$0x8080] =	vst v6;
	v6 =	vmax.f32 v7, $0.0e+00;
	v7 =	vadd.f32 v12, v11  }
0xa6: {  	s14 =	sshll.u32 s8, $0x8;
	[tilespmem:s19+$0x8090] =	vst v6;
	v6 =	vmax.f32 v8, $0.0e+00  }
0xa7: {  	s14 =	sand.u32 $0x3FFFFF00, s14;
	[tilespmem:s19+$0x80A0] =	vst v6;
	v6 =	vmax.f32 v7, $0.0e+00  }
0xa8: {  	s14 =	sadd.s32 $0x2850, s14;
	[tilespmem:s19+$0x80B0] =	vst v6  }
0xa9: {  	[spmem:s5] =	stream.indirect.scatter.add.f32 [tilespmem:s30], [sflag:$0x5], $0x10, s14, s22, $0xb8;
	[tilespmem:$0xE050] =	vst v63  }
0xaa: {  	_ =	swait.ge [sflag:s18], $0x800  }
0xab: {  	s16 =	sshll.u32 s8, $0xE;
	[sflag:s18] =	ssyncset.done $0x0  }
0xac: {  	s14 =	sadd.s32 s16, s12;
	[sflag:s18] =	ssyncadd.s32 $0xFFFFF800  }
0xad: {  	[hbm4b:s14+s7] =	stream.linear.scatter [tilespmem:s30], [sflag:$0x3], $0x800, $0x38;
	[tilespmem:$0xE050] =	vst v63  }
0xae: {  	s14 =	sadd.s32 $0x2, s15  }
0xaf: {  	s15 =	sshll.u32 s14, $0x7  }
0xb0: {  	s19 =	sor.u32 $0x50, s15  }
0xb1: {  	[tilespmem:s23], [sflag:$0x1] =	stream.indirect.gather [hbm4b:s0+s22], $0x10, s19, s22, $0xb8;
	[tilespmem:$0xE050] =	vst v63  }
0xb2: {  	s14 =	sshll.u32 s14, $0xD;
	s15 =	sadd.s32 $0x2850, s15  }
0xb3: {  	[tilespmem:s24], [sflag:$0x1] =	stream.indirect.gather [hbm4b:s2+s22], $0x10, s15, s22, $0xb8;
	[tilespmem:$0xE050] =	vst v63  }
0xb4: {  	s14 =	sadd.s32 s14, s13  }
0xb5: {  	[tilespmem:s25], [sflag:$0x1] =	stream.linear.gather [hbm4b:s14+s7], $0x800, $0x38;
	[tilespmem:$0xE050] =	vst v63  }
0xb6: {  	_ =	swait.ge [sflag:s31], $0x800  }
0xb7: {  	[sflag:s31] =	ssyncset.done $0x0  }
0xb8: {  	[sflag:s31] =	ssyncadd.s32 $0xFFFFF800  }
0xb9: {  	_ =	swait.ge [sflag:s31], $0x800  }
0xba: {  	[sflag:s31] =	ssyncset.done $0x0  }
0xbb: {  	[sflag:s31] =	ssyncadd.s32 $0xFFFFF800  }
0xbc: {  	_ =	swait.ge [sflag:s31], $0x800  }
0xbd: {  	[sflag:s31] =	ssyncset.done $0x0  }
0xbe: {  	s14 =	simm.s32 @!p1 $0x4;
	[sflag:s31] =	ssyncadd.s32 $0xFFFFF800  }
0xbf: {  	_ =	swait.ge @!p1 [sflag:s14], $0x800  }
0xc0: {  	[sflag:s14] =	ssyncset.done @!p1 $0x0  }
0xc1: {  	s15 =	simm.s32 $0x0;
	[sflag:s14] =	ssyncadd.s32 @!p1 $0xFFFFF800  }
0xc2: {  	v6 =	vld [tilespmem:s15+$0x58C0]  }
0xc3: {  	v7 =	vld [tilespmem:s15+$0x68C0]  }
0xc4: {  	v8 =	vld [tilespmem:s15+$0x5850]  }
0xc5: {  	v9 =	vld [tilespmem:s15+$0x78C0]  }
0xc6: {  	v10 =	vld [tilespmem:s15+$0x6850]  }
0xc7: {  	v11 =	vld [tilespmem:s15+$0x5860]  }
0xc8: {  	v12 =	vld [tilespmem:s15+$0x6860]  }
0xc9: {  	v13 =	vld [tilespmem:s15+$0x6870]  }
0xca: {  	v15 =	vld [tilespmem:s15+$0x6880]  }
0xcb: {  	v16 =	vld [tilespmem:s15+$0x5890]  }
0xcc: {  	v17 =	vld [tilespmem:s15+$0x58A0]  }
0xcd: {  	v18 =	vld [tilespmem:s15+$0x68A0]  }
0xce: {  	v19 =	vld [tilespmem:s15+$0x58B0];
	v6 =	vadd.f32 v7, v6  }
0xcf: {  	v61 =	vld [tilespmem:s15+$0x68B0]  }
0xd0: {  	v62 =	vld [tilespmem:s15+$0x7850];
	v6 =	vadd.f32 v9, v6  }
0xd1: {  	v7 =	vld [tilespmem:s15+$0x5870]  }
0xd2: {  	v9 =	vld [tilespmem:s15+$0x5880];
	v6 =	vmax.f32 v6, $0.0e+00  }
0xd3: {  	[tilespmem:s15+$0x88C0] =	vst v6;
	v6 =	vld [tilespmem:s15+$0x6890]  }
0xd4: {  	v63 =	vld [tilespmem:s15+$0x7860]  }
0xd5: {  	v23 =	vld [tilespmem:s15+$0x7870]  }
0xd6: {  	v14 =	vld [tilespmem:s15+$0x7880];
	v8 =	vadd.f32 v10, v8;
	v24 =	vadd.f32 v12, v11  }
0xd7: {  	v25 =	vadd.f32 v13, v7;
	v13 =	vld [tilespmem:s15+$0x7890];
	v10 =	vadd.f32 v15, v9  }
0xd8: {  	v12 =	vld [tilespmem:s15+$0x78A0];
	v9 =	vadd.f32 v6, v16;
	v16 =	vadd.f32 v62, v8  }
0xd9: {  	s16 =	simm.s32 $0x80;
	v11 =	vld [tilespmem:s15+$0x78B0];
	v15 =	vadd.f32 v63, v24;
	v8 =	vadd.f32 v18, v17  }
0xda: {  	s14 =	simm.s32 $0x400;
	v7 =	vld [tilespmem:s16+$0x58C0];
	v6 =	vadd.f32 v61, v19;
	v17 =	vmax.f32 v16, $0.0e+00;
	v16 =	vadd.f32 v23, v25  }
.LBB2_7:
0xdb: {  	p1 =	sne.s32 s14, $0x1E00;
	v18 =	vld [tilespmem:s16+$0x68C0];
	[tilespmem:s15+$0x8850] =	vst v17;
	v15 =	vmax.f32 v15, $0.0e+00;
	v10 =	vadd.f32 v14, v10  }
0xdc: {  	v14 =	vld [tilespmem:s16+$0x5850];
	[tilespmem:s15+$0x8860] =	vst v15;
	v15 =	vmax.f32 v16, $0.0e+00;
	v9 =	vadd.f32 v13, v9  }
0xdd: {  	v13 =	vld [tilespmem:s16+$0x78C0];
	[tilespmem:s15+$0x8870] =	vst v15;
	v10 =	vmax.f32 v10, $0.0e+00;
	v8 =	vadd.f32 v12, v8  }
0xde: {  	v12 =	vld [tilespmem:s16+$0x6850];
	[tilespmem:s15+$0x8880] =	vst v10;
	v9 =	vmax.f32 v9, $0.0e+00;
	v6 =	vadd.f32 v11, v6  }
0xdf: {  	v10 =	vld [tilespmem:s16+$0x5860];
	[tilespmem:s15+$0x8890] =	vst v9;
	v8 =	vmax.f32 v8, $0.0e+00  }
0xe0: {  	v9 =	vld [tilespmem:s16+$0x6860];
	v7 =	vadd.f32 v18, v7;
	[tilespmem:s15+$0x88A0] =	vst v8;
	v6 =	vmax.f32 v6, $0.0e+00  }
0xe1: {  	v8 =	vld [tilespmem:s16+$0x5870];
	[tilespmem:s15+$0x88B0] =	vst v6;
	s15 =	smov.u32 s16  }
0xe2: {  	v6 =	vld [tilespmem:s15+$0x6870];
	v7 =	vadd.f32 v13, v7  }
0xe3: {  	v11 =	vadd.f32 v12, v14;
	v12 =	vld [tilespmem:s15+$0x5880]  }
0xe4: {  	v13 =	vld [tilespmem:s15+$0x6880];
	v7 =	vmax.f32 v7, $0.0e+00  }
0xe5: {  	v15 =	vadd.f32 v9, v10;
	v9 =	vld [tilespmem:s15+$0x5890];
	[tilespmem:s15+$0x88C0] =	vst v7  }
0xe6: {  	v7 =	vld [tilespmem:s15+$0x6890]  }
0xe7: {  	v16 =	vadd.f32 v6, v8;
	v6 =	vld [tilespmem:s15+$0x58A0]  }
0xe8: {  	v8 =	vld [tilespmem:s15+$0x68A0]  }
0xe9: {  	v10 =	vadd.f32 v13, v12;
	v12 =	vld [tilespmem:s15+$0x58B0]  }
0xea: {  	v17 =	vld [tilespmem:s15+$0x68B0]  }
0xeb: {  	v18 =	vld [tilespmem:s15+$0x7850];
	v9 =	vadd.f32 v7, v9  }
0xec: {  	v7 =	vld [tilespmem:s15+$0x7860]  }
0xed: {  	v19 =	vld [tilespmem:s15+$0x7870];
	v8 =	vadd.f32 v8, v6  }
.Ltmp4:
0xee: {  	v14 =	vld [tilespmem:s15+$0x7880];
	(pc) =	sbr.rel @p1 .LBB2_7-.Ltmp4, $4  }
0xef: {  	v13 =	vld [tilespmem:s15+$0x7890];
	v6 =	vadd.f32 v17, v12  }
0xf0: {  	v17 =	vadd.f32 v18, v11;
	v12 =	vld [tilespmem:s15+$0x78A0]  }
0xf1: {  	s16 =	sshra.s32 s14, $0x2;
	v15 =	vadd.f32 v7, v15;
	v11 =	vld [tilespmem:s15+$0x78B0]  }
0xf2: {  	s14 =	sadd.s32 $0x200, s14;
	v7 =	vld [tilespmem:s16+$0x58C0];
	v17 =	vmax.f32 v17, $0.0e+00;
	v16 =	vadd.f32 v19, v16  }
0xf3: {  	v18 =	vld [tilespmem:s16+$0x68C0];
	[tilespmem:s15+$0x8850] =	vst v17;
	v15 =	vmax.f32 v15, $0.0e+00;
	v10 =	vadd.f32 v14, v10  }
0xf4: {  	v17 =	vld [tilespmem:s16+$0x5850];
	[tilespmem:s15+$0x8860] =	vst v15;
	v47 =	vmax.f32 v16, $0.0e+00;
	v9 =	vadd.f32 v13, v9  }
0xf5: {  	v15 =	vld [tilespmem:s16+$0x78C0];
	[tilespmem:s15+$0x8870] =	vst v47;
	v10 =	vmax.f32 v10, $0.0e+00;
	v8 =	vadd.f32 v12, v8  }
0xf6: {  	v48 =	vld [tilespmem:s16+$0x6850];
	[tilespmem:s15+$0x8880] =	vst v10;
	v9 =	vmax.f32 v9, $0.0e+00;
	v6 =	vadd.f32 v11, v6  }
0xf7: {  	v10 =	vld [tilespmem:s16+$0x5860];
	[tilespmem:s15+$0x8890] =	vst v9;
	v8 =	vmax.f32 v8, $0.0e+00  }
0xf8: {  	v9 =	vld [tilespmem:s16+$0x6860];
	[tilespmem:s15+$0x88A0] =	vst v8;
	v6 =	vmax.f32 v6, $0.0e+00  }
0xf9: {  	v8 =	vld [tilespmem:s16+$0x5870];
	[tilespmem:s15+$0x88B0] =	vst v6  }
0xfa: {  	v6 =	vld [tilespmem:s16+$0x6870]  }
0xfb: {  	v49 =	vld [tilespmem:s16+$0x5880]  }
0xfc: {  	v50 =	vld [tilespmem:s16+$0x6880]  }
0xfd: {  	v14 =	vld [tilespmem:s16+$0x5890]  }
0xfe: {  	v51 =	vld [tilespmem:s16+$0x58A0]  }
0xff: {  	v52 =	vld [tilespmem:s16+$0x68A0]  }
0x100: {  	v7 =	vadd.f32 v18, v7;
	v53 =	vld [tilespmem:s16+$0x58B0]  }
0x101: {  	v19 =	vld [tilespmem:s16+$0x68B0]  }
0x102: {  	v7 =	vadd.f32 v15, v7;
	v20 =	vld [tilespmem:s16+$0x7850]  }
0x103: {  	v21 =	vld [tilespmem:s16+$0x7860]  }
0x104: {  	v22 =	vld [tilespmem:s16+$0x7870];
	v7 =	vmax.f32 v7, $0.0e+00  }
0x105: {  	[tilespmem:s16+$0x88C0] =	vst v7;
	v7 =	vld [tilespmem:s16+$0x6890]  }
0x106: {  	v54 =	vld [tilespmem:s16+$0x7880];
	v13 =	vadd.f32 v48, v17  }
0x107: {  	v55 =	vld [tilespmem:s16+$0x7890];
	v9 =	vadd.f32 v9, v10  }
0x108: {  	v57 =	vld [tilespmem:s16+$0x78A0];
	v6 =	vadd.f32 v6, v8;
	v56 =	vadd.f32 v20, v13  }
0x109: {  	v58 =	vld [tilespmem:s16+$0x78B0];
	v11 =	vadd.f32 v50, v49;
	v9 =	vadd.f32 v21, v9  }
0x10a: {  	v6 =	vadd.f32 v22, v6;
	v8 =	vmax.f32 v56, $0.0e+00;
	v7 =	vadd.f32 v7, v14  }
0x10b: {  	v59 =	vadd.f32 v52, v51;
	v60 =	vmax.f32 v9, $0.0e+00;
	v61 =	vadd.f32 v54, v11;
	[tilespmem:s16+$0x8850] =	vst v8  }
0x10c: {  	v62 =	vadd.f32 v19, v53;
	[tilespmem:s16+$0x8860] =	vst v60;
	v6 =	vmax.f32 v6, $0.0e+00;
	v7 =	vadd.f32 v55, v7  }
0x10d: {  	v63 =	vadd.f32 v57, v59;
	[tilespmem:s16+$0x8870] =	vst v6;
	v6 =	vmax.f32 v61, $0.0e+00  }
0x10e: {  	[tilespmem:s16+$0x8880] =	vst v6;
	v6 =	vmax.f32 v7, $0.0e+00;
	v7 =	vadd.f32 v58, v62  }
0x10f: {  	[tilespmem:s16+$0x8890] =	vst v6;
	v6 =	vmax.f32 v63, $0.0e+00  }
0x110: {  	s8 =	sadd.s32 $0x1, s8;
	[tilespmem:s16+$0x88A0] =	vst v6;
	v6 =	vmax.f32 v7, $0.0e+00  }
0x111: {  	p1 =	sne.s32 s8, $0x27;
	[tilespmem:s16+$0x88B0] =	vst v6  }
0x112: {  	[spmem:s5] =	stream.indirect.scatter.add.f32 [tilespmem:s1], [sflag:$0x5], $0x10, s20, s22, $0xb8;
	[tilespmem:$0xE050] =	vst v63  }
.Ltmp5:
0x113: {  	_ = 	snop;
	(pc) =	sbr.rel @p1 .LBB2_4-.Ltmp5, $4  }
0x114: {  	_ =	swait.ge [sflag:s18], $0x800  }
0x115: {  	[sflag:s18] =	ssyncset.done $0x0  }
0x116: {  	s9 =	sadd.s32 s4, s9;
	[sflag:s18] =	ssyncadd.s32 $0xFFFFF800  }
0x117: {  	[hbm4b:s9+s7] =	stream.linear.scatter [tilespmem:s1], [sflag:$0x4], $0x800, $0x38;
	[tilespmem:$0xE050] =	vst v63  }
0x118: {  	_ =	swait.ge [sflag:s21], $0x800  }
0x119: {  	[sflag:s21] =	ssyncset.done $0x0  }
0x11a: {  	[sflag:s21] =	ssyncadd.s32 $0xFFFFF800  }
0x11b: {  	_ =	swait.ge [sflag:s21], $0x800  }
.Ltmp6:
0x11c: {  	[sflag:s21] =	ssyncset.done $0x0;
	(pc) =	sbr.rel @p0 .LBB2_13-.Ltmp6, $4  }
0x11d: {  	[sflag:s21] =	ssyncadd.s32 $0xFFFFF800  }
0x11e: {  	_ =	swait.ge [sflag:s21], $0x800  }
0x11f: {  	[sflag:s21] =	ssyncset.done $0x0  }
0x120: {  	[sflag:s21] =	ssyncadd.s32 $0xFFFFF800  }
0x121: {  	_ =	swait.ge [sflag:s17], $0x800  }
0x122: {  	[sflag:s17] =	ssyncset.done $0x0  }
0x123: {  	s8 =	simm.s32 $0x0;
	[sflag:s17] =	ssyncadd.s32 $0xFFFFF800  }
0x124: {  	v6 =	vld [tilespmem:s8+$0x50C0]  }
0x125: {  	v7 =	vld [tilespmem:s8+$0x60C0]  }
0x126: {  	v8 =	vld [tilespmem:s8+$0x5050]  }
0x127: {  	v9 =	vld [tilespmem:s8+$0x70C0]  }
0x128: {  	v10 =	vld [tilespmem:s8+$0x6050]  }
0x129: {  	v11 =	vld [tilespmem:s8+$0x5060]  }
0x12a: {  	v12 =	vld [tilespmem:s8+$0x6060]  }
0x12b: {  	v13 =	vld [tilespmem:s8+$0x6070]  }
0x12c: {  	v15 =	vld [tilespmem:s8+$0x6080]  }
0x12d: {  	v16 =	vld [tilespmem:s8+$0x5090]  }
0x12e: {  	v17 =	vld [tilespmem:s8+$0x50A0]  }
0x12f: {  	v18 =	vld [tilespmem:s8+$0x60A0]  }
0x130: {  	v19 =	vld [tilespmem:s8+$0x50B0];
	v6 =	vadd.f32 v7, v6  }
0x131: {  	v20 =	vld [tilespmem:s8+$0x60B0]  }
0x132: {  	v21 =	vld [tilespmem:s8+$0x7050];
	v6 =	vadd.f32 v9, v6  }
0x133: {  	v7 =	vld [tilespmem:s8+$0x5070]  }
0x134: {  	v9 =	vld [tilespmem:s8+$0x5080];
	v6 =	vmax.f32 v6, $0.0e+00  }
0x135: {  	[tilespmem:s8+$0x80C0] =	vst v6;
	v6 =	vld [tilespmem:s8+$0x6090]  }
0x136: {  	v22 =	vld [tilespmem:s8+$0x7060]  }
0x137: {  	v23 =	vld [tilespmem:s8+$0x7070]  }
0x138: {  	v14 =	vld [tilespmem:s8+$0x7080];
	v8 =	vadd.f32 v10, v8;
	v24 =	vadd.f32 v12, v11  }
0x139: {  	v25 =	vadd.f32 v13, v7;
	v13 =	vld [tilespmem:s8+$0x7090];
	v10 =	vadd.f32 v15, v9  }
0x13a: {  	v12 =	vld [tilespmem:s8+$0x70A0];
	v9 =	vadd.f32 v6, v16;
	v16 =	vadd.f32 v21, v8  }
0x13b: {  	s9 =	simm.s32 $0x80;
	v11 =	vld [tilespmem:s8+$0x70B0];
	v15 =	vadd.f32 v22, v24;
	v8 =	vadd.f32 v18, v17  }
0x13c: {  	s14 =	simm.s32 $0x400;
	v7 =	vld [tilespmem:s9+$0x50C0];
	v6 =	vadd.f32 v20, v19;
	v17 =	vmax.f32 v16, $0.0e+00;
	v16 =	vadd.f32 v23, v25  }
.LBB2_11:
0x13d: {  	p1 =	sne.s32 s14, $0x1E00;
	v18 =	vld [tilespmem:s9+$0x60C0];
	[tilespmem:s8+$0x8050] =	vst v17;
	v15 =	vmax.f32 v15, $0.0e+00;
	v10 =	vadd.f32 v14, v10  }
0x13e: {  	v14 =	vld [tilespmem:s9+$0x5050];
	[tilespmem:s8+$0x8060] =	vst v15;
	v15 =	vmax.f32 v16, $0.0e+00;
	v9 =	vadd.f32 v13, v9  }
0x13f: {  	v13 =	vld [tilespmem:s9+$0x70C0];
	[tilespmem:s8+$0x8070] =	vst v15;
	v10 =	vmax.f32 v10, $0.0e+00;
	v8 =	vadd.f32 v12, v8  }
0x140: {  	v12 =	vld [tilespmem:s9+$0x6050];
	[tilespmem:s8+$0x8080] =	vst v10;
	v9 =	vmax.f32 v9, $0.0e+00;
	v6 =	vadd.f32 v11, v6  }
0x141: {  	v10 =	vld [tilespmem:s9+$0x5060];
	[tilespmem:s8+$0x8090] =	vst v9;
	v8 =	vmax.f32 v8, $0.0e+00  }
0x142: {  	v9 =	vld [tilespmem:s9+$0x6060];
	v7 =	vadd.f32 v18, v7;
	[tilespmem:s8+$0x80A0] =	vst v8;
	v6 =	vmax.f32 v6, $0.0e+00  }
0x143: {  	v8 =	vld [tilespmem:s9+$0x5070];
	[tilespmem:s8+$0x80B0] =	vst v6;
	s8 =	smov.u32 s9  }
0x144: {  	v6 =	vld [tilespmem:s8+$0x6070];
	v7 =	vadd.f32 v13, v7  }
0x145: {  	v11 =	vadd.f32 v12, v14;
	v12 =	vld [tilespmem:s8+$0x5080]  }
0x146: {  	v13 =	vld [tilespmem:s8+$0x6080];
	v7 =	vmax.f32 v7, $0.0e+00  }
0x147: {  	v15 =	vadd.f32 v9, v10;
	v9 =	vld [tilespmem:s8+$0x5090];
	[tilespmem:s8+$0x80C0] =	vst v7  }
0x148: {  	v7 =	vld [tilespmem:s8+$0x6090]  }
0x149: {  	v16 =	vadd.f32 v6, v8;
	v6 =	vld [tilespmem:s8+$0x50A0]  }
0x14a: {  	v8 =	vld [tilespmem:s8+$0x60A0]  }
0x14b: {  	v10 =	vadd.f32 v13, v12;
	v12 =	vld [tilespmem:s8+$0x50B0]  }
0x14c: {  	v17 =	vld [tilespmem:s8+$0x60B0]  }
0x14d: {  	v18 =	vld [tilespmem:s8+$0x7050];
	v9 =	vadd.f32 v7, v9  }
0x14e: {  	v7 =	vld [tilespmem:s8+$0x7060]  }
0x14f: {  	v19 =	vld [tilespmem:s8+$0x7070];
	v8 =	vadd.f32 v8, v6  }
.Ltmp7:
0x150: {  	v14 =	vld [tilespmem:s8+$0x7080];
	(pc) =	sbr.rel @p1 .LBB2_11-.Ltmp7, $4  }
0x151: {  	v13 =	vld [tilespmem:s8+$0x7090];
	v6 =	vadd.f32 v17, v12  }
0x152: {  	v17 =	vadd.f32 v18, v11;
	v12 =	vld [tilespmem:s8+$0x70A0]  }
0x153: {  	s9 =	sshra.s32 s14, $0x2;
	v15 =	vadd.f32 v7, v15;
	v11 =	vld [tilespmem:s8+$0x70B0]  }
0x154: {  	s14 =	sadd.s32 $0x200, s14;
	v7 =	vld [tilespmem:s9+$0x50C0];
	v17 =	vmax.f32 v17, $0.0e+00;
	v16 =	vadd.f32 v19, v16  }
0x155: {  	v18 =	vld [tilespmem:s9+$0x60C0];
	[tilespmem:s8+$0x8050] =	vst v17;
	v15 =	vmax.f32 v15, $0.0e+00;
	v10 =	vadd.f32 v14, v10  }
0x156: {  	v17 =	vld [tilespmem:s9+$0x5050];
	[tilespmem:s8+$0x8060] =	vst v15;
	v47 =	vmax.f32 v16, $0.0e+00;
	v9 =	vadd.f32 v13, v9  }
0x157: {  	v15 =	vld [tilespmem:s9+$0x70C0];
	[tilespmem:s8+$0x8070] =	vst v47;
	v10 =	vmax.f32 v10, $0.0e+00;
	v8 =	vadd.f32 v12, v8  }
0x158: {  	v48 =	vld [tilespmem:s9+$0x6050];
	[tilespmem:s8+$0x8080] =	vst v10;
	v9 =	vmax.f32 v9, $0.0e+00;
	v6 =	vadd.f32 v11, v6  }
0x159: {  	v10 =	vld [tilespmem:s9+$0x5060];
	[tilespmem:s8+$0x8090] =	vst v9;
	v8 =	vmax.f32 v8, $0.0e+00  }
0x15a: {  	v9 =	vld [tilespmem:s9+$0x6060];
	[tilespmem:s8+$0x80A0] =	vst v8;
	v6 =	vmax.f32 v6, $0.0e+00  }
0x15b: {  	v8 =	vld [tilespmem:s9+$0x5070];
	[tilespmem:s8+$0x80B0] =	vst v6  }
0x15c: {  	v6 =	vld [tilespmem:s9+$0x6070]  }
0x15d: {  	v49 =	vld [tilespmem:s9+$0x5080]  }
0x15e: {  	v50 =	vld [tilespmem:s9+$0x6080]  }
0x15f: {  	v14 =	vld [tilespmem:s9+$0x5090]  }
0x160: {  	v51 =	vld [tilespmem:s9+$0x50A0]  }
0x161: {  	v52 =	vld [tilespmem:s9+$0x60A0]  }
0x162: {  	v7 =	vadd.f32 v18, v7;
	v53 =	vld [tilespmem:s9+$0x50B0]  }
0x163: {  	v19 =	vld [tilespmem:s9+$0x60B0]  }
0x164: {  	v7 =	vadd.f32 v15, v7;
	v20 =	vld [tilespmem:s9+$0x7050]  }
0x165: {  	v21 =	vld [tilespmem:s9+$0x7060]  }
0x166: {  	v22 =	vld [tilespmem:s9+$0x7070];
	v7 =	vmax.f32 v7, $0.0e+00  }
0x167: {  	[tilespmem:s9+$0x80C0] =	vst v7;
	v7 =	vld [tilespmem:s9+$0x6090]  }
0x168: {  	v54 =	vld [tilespmem:s9+$0x7080];
	v13 =	vadd.f32 v48, v17  }
0x169: {  	v55 =	vld [tilespmem:s9+$0x7090];
	v9 =	vadd.f32 v9, v10  }
0x16a: {  	v57 =	vld [tilespmem:s9+$0x70A0];
	v6 =	vadd.f32 v6, v8;
	v56 =	vadd.f32 v20, v13  }
0x16b: {  	v58 =	vld [tilespmem:s9+$0x70B0];
	v11 =	vadd.f32 v50, v49;
	v9 =	vadd.f32 v21, v9  }
0x16c: {  	v6 =	vadd.f32 v22, v6;
	v8 =	vmax.f32 v56, $0.0e+00;
	v7 =	vadd.f32 v7, v14  }
0x16d: {  	v59 =	vadd.f32 v52, v51;
	v60 =	vmax.f32 v9, $0.0e+00;
	v61 =	vadd.f32 v54, v11;
	[tilespmem:s9+$0x8050] =	vst v8  }
0x16e: {  	v62 =	vadd.f32 v19, v53;
	[tilespmem:s9+$0x8060] =	vst v60;
	v6 =	vmax.f32 v6, $0.0e+00;
	v7 =	vadd.f32 v55, v7  }
0x16f: {  	v63 =	vadd.f32 v57, v59;
	[tilespmem:s9+$0x8070] =	vst v6;
	v6 =	vmax.f32 v61, $0.0e+00  }
0x170: {  	[tilespmem:s9+$0x8080] =	vst v6;
	v6 =	vmax.f32 v7, $0.0e+00;
	v7 =	vadd.f32 v58, v62  }
0x171: {  	[tilespmem:s9+$0x8090] =	vst v6;
	v6 =	vmax.f32 v63, $0.0e+00  }
0x172: {  	[tilespmem:s9+$0x80A0] =	vst v6;
	v6 =	vmax.f32 v7, $0.0e+00  }
0x173: {  	s19 =	simm.s32 $0x4F50;
	[tilespmem:s9+$0x80B0] =	vst v6  }
0x174: {  	[spmem:s5] =	stream.indirect.scatter.add.f32 [tilespmem:s30], [sflag:$0x5], $0x10, s19, s22, $0xb8;
	[tilespmem:$0xE050] =	vst v63  }
.Ltmp8:
0x175: {  	_ = 	snop;
	(pc) =	sbr.rel .LBB2_13-.Ltmp8, $4  }
0x176: {  	_ =	swait.ge [sflag:s18], $0x800  }
0x177: {  	[sflag:s18] =	ssyncset.done $0x0  }
0x178: {  	s20 =	rddreg [dreg:$0xa];
	[sflag:s18] =	ssyncadd.s32 $0xFFFFF800  }
0x179: {  	[hbm4b:s20+s7] =	stream.linear.scatter [tilespmem:s30], [sflag:$0x3], $0x800, $0x38;
	[tilespmem:$0xE050] =	vst v63  }
.LBB2_14:
0x17a: {  	_ =	sfence.sel $0x180000  }
0x17b: {  	[bflag:$0x0] =	sbarrier.arrive $0xFFFF  }
0x17c: {  	_ =	strace $0x90000047  }
0x17d: {  	s0 =	stileid.u32;
	[bflag:$0x2] =	sbarrier.arrive $0xFFFF  }
0x17e: {  	p0 =	sne.s32 s0, $0x0;
	s0 =	rddreg [dreg:$0x7]  }
0x17f: {  	s0 =	sadd.s32 @!p0 $0x100000, s0  }
0x180: {  	[sflag:s0] =	ssyncadd.tile.s32 @!p0 $0x1;
	_ =	shalt  }
.Lfunc_end2:
_tile_overlayer_lowered:
.L_overlay_start_2:
0x181: {  	(tag) =	ssettag $0x2  }
0x182: {  	s0 =	rddreg [dreg:$0x0];
	s2 =	stileid.u32  }
0x183: {  	s1 =	rddreg [dreg:$0x1];
	p0 =	sne.s32 s2, $0x0  }
0x184: {  	s3 =	rddreg [dreg:$0x2];
	[bflag:$0x3] =	sbarrier.arrive $0xFFFF;
	s2 =	simm.s32 @!p0 $0x1C05  }
0x185: {  	[timem:s3], [sflag:s2] =	dma.local @!p0 [hbm:s0], s1  }
0x186: {  	s0 =	simm.s32 @!p0 $0x5  }
0x187: {  	_ =	swait.ge @!p0 [sflag:s0], s1  }
0x188: {  	s1 =	ssub.s32 @!p0 $0x0, s1;
	[sflag:s0] =	ssyncset.done @!p0 $0x0  }
0x189: {  	[sflag:s0] =	ssyncadd.s32 @!p0 s1  }
0x18a: {  	[bflag:$0x3] =	sbarrier.arrive $0xFFFF  }
0x18b: {  	_ =	shalt  }

</sc_bundles>
